<compile_context>
chip_gen: v7x
topology: tpu7x:2x2x1
jax: 0.10.2.dev20260603
libtpu: 0.0.44.dev20260713+nightly
codegen_flags: <defaults>
</compile_context>

<pallas_src>
import functools

import jax
import jax.numpy as jnp
from jax import lax
from jax.experimental import pallas as pl
from jax.experimental.pallas import tpu as pltpu
from jax.experimental.pallas import tpu_sc as plsc

N = 10000
E = 160000
D = 256
H = 512
PE = 64
G = 16

BLK = 1000
NCH = 4
CW = 128
NT = 16
EC = 80
ECH = E // NT // EC
RPT = 624
RTAIL = N - NT * RPT


def _enc_body(pe_ref, x_ref, w_ref, be_ref, o_ref):
    lhs = jnp.concatenate([pe_ref[...], x_ref[...]], axis=1)
    o_ref[...] = (jnp.dot(lhs, w_ref[...], preferred_element_type=jnp.float32)
                  + be_ref[...])


def _encoder(pe, x, w, be):
    return pl.pallas_call(
        _enc_body,
        grid=(N // BLK,),
        in_specs=[
            pl.BlockSpec((BLK, PE), lambda i: (i, 0)),
            pl.BlockSpec((BLK, D), lambda i: (i, 0)),
            pl.BlockSpec((PE + D, H), lambda i: (0, 0)),
            pl.BlockSpec((1, H), lambda i: (0, 0)),
        ],
        out_specs=pl.BlockSpec((BLK, H), lambda i: (i, 0)),
        out_shape=jax.ShapeDtypeStruct((N, H), jnp.float32),
    )(pe, x, w, be)


def _mm0_body(h_ref, w_ref, deg_ref, o0, o1, o2, o3):
    dinv = 1.0 / jnp.sqrt(deg_ref[...] + 1.0)
    res = jnp.dot(h_ref[...], w_ref[...],
                  preferred_element_type=jnp.float32) * dinv
    for k, o in enumerate((o0, o1, o2, o3)):
        o[...] = res[:, k * CW:(k + 1) * CW]


def _layer_mm0(h, w, deg):
    return pl.pallas_call(
        _mm0_body,
        grid=(N // BLK,),
        in_specs=[
            pl.BlockSpec((BLK, H), lambda i: (i, 0)),
            pl.BlockSpec((H, H), lambda i: (0, 0)),
            pl.BlockSpec((BLK, 1), lambda i: (i, 0)),
        ],
        out_specs=[pl.BlockSpec((BLK, CW), lambda i: (i, 0))] * NCH,
        out_shape=[jax.ShapeDtypeStruct((N, CW), jnp.float32)] * NCH,
    )(h, w, deg)


def _mm_body(a0, a1, a2, a3, w_ref, deg_ref, bp_ref, o0, o1, o2, o3):
    dinv = 1.0 / jnp.sqrt(deg_ref[...] + 1.0)
    agg = jnp.concatenate([a0[...], a1[...], a2[...], a3[...]], axis=1)
    x = jnp.maximum(agg * dinv + bp_ref[...], 0.0)
    res = jnp.dot(x, w_ref[...], preferred_element_type=jnp.float32) * dinv
    for k, o in enumerate((o0, o1, o2, o3)):
        o[...] = res[:, k * CW:(k + 1) * CW]


def _layer_mm(aggs, w, deg, b_prev):
    return pl.pallas_call(
        _mm_body,
        grid=(N // BLK,),
        in_specs=[pl.BlockSpec((BLK, CW), lambda i: (i, 0))] * NCH + [
            pl.BlockSpec((H, H), lambda i: (0, 0)),
            pl.BlockSpec((BLK, 1), lambda i: (i, 0)),
            pl.BlockSpec((1, H), lambda i: (0, 0)),
        ],
        out_specs=[pl.BlockSpec((BLK, CW), lambda i: (i, 0))] * NCH,
        out_shape=[jax.ShapeDtypeStruct((N, CW), jnp.float32)] * NCH,
    )(*aggs, w, deg, b_prev)


def _sc_pass(ms_hbm, out_hbm, acc, srcl, dstl, buf, sem, s):
    pltpu.sync_copy(ms_hbm.at[pl.ds(s * RPT, RPT)], acc.at[pl.ds(s * RPT, RPT)])

    @pl.when(s == 0)
    def _():
        pltpu.sync_copy(ms_hbm.at[pl.ds(NT * RPT, RTAIL)],
                        acc.at[pl.ds(NT * RPT, RTAIL)])

    plsc.subcore_barrier()

    def chunk(j, carry):
        pltpu.async_copy(ms_hbm.at[srcl.at[j]], buf, sem).wait()
        pltpu.sync_copy(buf, acc.at[dstl.at[j]], add=True)
        return carry

    lax.fori_loop(0, ECH, chunk, 0)
    plsc.subcore_barrier()
    pltpu.sync_copy(acc.at[pl.ds(s * RPT, RPT)], out_hbm.at[pl.ds(s * RPT, RPT)])

    @pl.when(s == 0)
    def _():
        pltpu.sync_copy(acc.at[pl.ds(NT * RPT, RTAIL)],
                        out_hbm.at[pl.ds(NT * RPT, RTAIL)])

    plsc.subcore_barrier()


def _scatter_body(ms0, ms1, ms2, ms3, src_hbm, dst_hbm,
                  out0, out1, out2, out3, acc, srcl, dstl, buf, sem):
    c = lax.axis_index("c")
    s = lax.axis_index("s")
    pltpu.sync_copy(src_hbm.at[s], srcl)
    pltpu.sync_copy(dst_hbm.at[s], dstl)
    mss = (ms0, ms1, ms2, ms3)
    outs = (out0, out1, out2, out3)
    for half in range(2):
        @pl.when(c == 0)
        def _():
            _sc_pass(mss[half], outs[half], acc, srcl, dstl, buf, sem, s)

        @pl.when(c == 1)
        def _():
            _sc_pass(mss[2 + half], outs[2 + half], acc, srcl, dstl,
                     buf, sem, s)


def _make_scatter():
    mesh = plsc.VectorSubcoreMesh(core_axis_name="c", subcore_axis_name="s")
    return pl.kernel(
        _scatter_body,
        out_type=[jax.ShapeDtypeStruct((N, CW), jnp.float32)] * NCH,
        mesh=mesh,
        scratch_types=[
            pltpu.VMEM_SHARED((N, CW), jnp.float32),
            pltpu.VMEM((ECH, EC), jnp.int32),
            pltpu.VMEM((ECH, EC), jnp.int32),
            pltpu.VMEM((EC, CW), jnp.float32),
            pltpu.SemaphoreType.DMA,
        ],
    )


def _h1_body(a0, a1, a2, a3, deg_ref, bg2_ref, wa1_ref, ba1_ref,
             wa2_ref, ba2_ref, bt_ref, adv_ref, sh_ref, sa_ref,
             sh_acc, sa_acc):
    i = pl.program_id(0)
    dinv = 1.0 / jnp.sqrt(deg_ref[...] + 1.0)
    agg = jnp.concatenate([a0[...], a1[...], a2[...], a3[...]], axis=1)
    h = jnp.maximum(agg * dinv + bg2_ref[...], 0.0)
    z1 = jnp.maximum(jnp.dot(h, wa1_ref[...],
                             preferred_element_type=jnp.float32)
                     + ba1_ref[...], 0.0)
    adv = jnp.dot(z1, wa2_ref[...],
                  preferred_element_type=jnp.float32) + ba2_ref[...]
    adv_ref[...] = adv
    ob = (bt_ref[...] == lax.broadcasted_iota(jnp.int32, (BLK, G), 1)
          ).astype(jnp.float32)

    @pl.when(i == 0)
    def _():
        sh_acc[...] = jnp.zeros_like(sh_acc)
        sa_acc[...] = jnp.zeros_like(sa_acc)

    sh_acc[...] += lax.dot_general(ob, h, (((0,), (0,)), ((), ())),
                                   preferred_element_type=jnp.float32)
    adv_cnt = jnp.concatenate(
        [adv, jnp.ones((BLK, 1), jnp.float32)], axis=1)
    sa_acc[...] += lax.dot_general(ob, adv_cnt, (((0,), (0,)), ((), ())),
                                   preferred_element_type=jnp.float32)

    @pl.when(i == pl.num_programs(0) - 1)
    def _():
        sh_ref[...] = sh_acc[...]
        sa_ref[...] = sa_acc[...]


def _heads1(aggs, deg, b_g2, W_a1, b_a1, W_a2, b_a2, bt):
    return pl.pallas_call(
        _h1_body,
        grid=(N // BLK,),
        in_specs=[pl.BlockSpec((BLK, CW), lambda i: (i, 0))] * NCH + [
            pl.BlockSpec((BLK, 1), lambda i: (i, 0)),
            pl.BlockSpec((1, H), lambda i: (0, 0)),
            pl.BlockSpec((H, H), lambda i: (0, 0)),
            pl.BlockSpec((1, H), lambda i: (0, 0)),
            pl.BlockSpec((H, 1), lambda i: (0, 0)),
            pl.BlockSpec((1, 1), lambda i: (0, 0)),
            pl.BlockSpec((BLK, 1), lambda i: (i, 0)),
        ],
        out_specs=[
            pl.BlockSpec((BLK, 1), lambda i: (i, 0)),
            pl.BlockSpec((G, H), lambda i: (0, 0)),
            pl.BlockSpec((G, 2), lambda i: (0, 0)),
        ],
        out_shape=[
            jax.ShapeDtypeStruct((N, 1), jnp.float32),
            jax.ShapeDtypeStruct((G, H), jnp.float32),
            jax.ShapeDtypeStruct((G, 2), jnp.float32),
        ],
        scratch_shapes=[pltpu.VMEM((G, H), jnp.float32),
                        pltpu.VMEM((G, 2), jnp.float32)],
    )(*aggs, deg, b_g2, W_a1, b_a1, W_a2, b_a2, bt)


def _h2_body(sh_ref, sa_ref, wv1_ref, bv1_ref, wv2_ref, bv2_ref,
             adv_ref, bt_ref, q_ref):
    cnt = jnp.maximum(sa_ref[:, 1:2], 1.0)
    vx = sh_ref[...] / cnt
    z1 = jnp.maximum(jnp.dot(vx, wv1_ref[...],
                             preferred_element_type=jnp.float32)
                     + bv1_ref[...], 0.0)
    value = jnp.dot(z1, wv2_ref[...],
                    preferred_element_type=jnp.float32) + bv2_ref[...]
    corr = value - sa_ref[:, 0:1] / cnt
    ob = (bt_ref[...] == lax.broadcasted_iota(jnp.int32, (BLK, G), 1)
          ).astype(jnp.float32)
    q_ref[...] = adv_ref[...] + jnp.dot(ob, corr,
                                        preferred_element_type=jnp.float32)


def _heads2(sh, sa, W_v1, b_v1, W_v2, b_v2, adv, bt):
    return pl.pallas_call(
        _h2_body,
        grid=(N // BLK,),
        in_specs=[
            pl.BlockSpec((G, H), lambda i: (0, 0)),
            pl.BlockSpec((G, 2), lambda i: (0, 0)),
            pl.BlockSpec((H, H), lambda i: (0, 0)),
            pl.BlockSpec((1, H), lambda i: (0, 0)),
            pl.BlockSpec((H, 1), lambda i: (0, 0)),
            pl.BlockSpec((1, 1), lambda i: (0, 0)),
            pl.BlockSpec((BLK, 1), lambda i: (i, 0)),
            pl.BlockSpec((BLK, 1), lambda i: (i, 0)),
        ],
        out_specs=pl.BlockSpec((BLK, 1), lambda i: (i, 0)),
        out_shape=jax.ShapeDtypeStruct((N, 1), jnp.float32),
    )(sh, sa, W_v1, b_v1, W_v2, b_v2, adv, bt)


def kernel(x, edge_index, batch, part_ids, embeddings, W_enc, b_enc,
           W_g0, b_g0, W_g1, b_g1, W_g2, b_g2,
           W_a1, b_a1, W_a2, b_a2, W_v1, b_v1, W_v2, b_v2):
    src0, dst0 = edge_index[0], edge_index[1]
    src_r = src0.reshape(NT, ECH, EC)
    dst_r = dst0.reshape(NT, ECH, EC)

    deg = jax.ops.segment_sum(jnp.ones_like(src0, dtype=jnp.float32), dst0,
                              num_segments=N)[:, None]
    pe = jnp.take(embeddings, part_ids, axis=0)

    h = _encoder(pe, x, W_enc, b_enc[None, :])

    scat = _make_scatter()
    ms = _layer_mm0(h, W_g0, deg)
    aggs = scat(*ms, src_r, dst_r)
    for W, b_prev in ((W_g1, b_g0), (W_g2, b_g1)):
        ms = _layer_mm(aggs, W, deg, b_prev[None, :])
        aggs = scat(*ms, src_r, dst_r)

    bt = batch.astype(jnp.int32)[:, None]
    adv, sh, sa = _heads1(aggs, deg, b_g2[None, :], W_a1, b_a1[None, :],
                          W_a2, b_a2[None, :], bt)
    return _heads2(sh, sa, W_v1, b_v1[None, :], W_v2, b_v2[None, :], adv, bt)

# --- scband reference (transcript-rebuilt; emitter-appended) ---
"""Pipeline reference for scband-qnet-12154757448295 (READ-ONLY COPY).

The authoritative reference and input builder live on the scoring server;
editing this copy changes nothing except your own understanding.
"""

import jax, jax.numpy as jnp
import numpy as np

N = 10000
E = 160000
D = 256
H = 512
P = 64
PE = 64
G = 16

def setup_inputs(seed: int = 0) -> dict:
    key = jax.random.key(seed)
    ks = jax.random.split(key, 24)
    s = 0.05
    inp = {}
    inp["x"] = jax.random.normal(ks[0], (N, D), dtype=jnp.float32)
    inp["edge_index"] = jax.random.randint(ks[1], (2, E), 0, N)
    inp["batch"] = jnp.sort(jax.random.randint(ks[2], (N,), 0, G))
    inp["part_ids"] = jax.random.randint(ks[3], (N,), 0, P)
    inp["embeddings"] = jax.random.uniform(ks[4], (P, PE), dtype=jnp.float32)
    inp["W_enc"] = jax.random.normal(ks[5], (PE + D, H), dtype=jnp.float32) * s
    inp["b_enc"] = jnp.zeros((H,), dtype=jnp.float32)
    inp["W_g0"] = jax.random.normal(ks[6], (H, H), dtype=jnp.float32) * s
    inp["b_g0"] = jnp.zeros((H,), dtype=jnp.float32)
    inp["W_g1"] = jax.random.normal(ks[7], (H, H), dtype=jnp.float32) * s
    inp["b_g1"] = jnp.zeros((H,), dtype=jnp.float32)
    inp["W_g2"] = jax.random.normal(ks[8], (H, H), dtype=jnp.float32) * s
    inp["b_g2"] = jnp.zeros((H,), dtype=jnp.float32)
    inp["W_a1"] = jax.random.normal(ks[9], (H, H), dtype=jnp.float32) * s
    inp["b_a1"] = jnp.zeros((H,), dtype=jnp.float32)
    inp["W_a2"] = jax.random.normal(ks[10], (H, 1), dtype=jnp.float32) * s
    inp["b_a2"] = jnp.zeros((1,), dtype=jnp.float32)
    inp["W_v1"] = jax.random.normal(ks[11], (H, H), dtype=jnp.float32) * s
    inp["b_v1"] = jnp.zeros((H,), dtype=jnp.float32)
    inp["W_v2"] = jax.random.normal(ks[12], (H, 1), dtype=jnp.float32) * s
    inp["b_v2"] = jnp.zeros((1,), dtype=jnp.float32)
    return inp


def reference(x, edge_index, batch, part_ids, embeddings, W_enc, b_enc,
              W_g0, b_g0, W_g1, b_g1, W_g2, b_g2,
              W_a1, b_a1, W_a2, b_a2, W_v1, b_v1, W_v2, b_v2):
    n = x.shape[0]
    loops = jnp.arange(n, dtype=edge_index.dtype)
    ei = jnp.concatenate([edge_index, jnp.stack([loops, loops])], axis=1)
    src, dst = ei[0], ei[1]
    part_embs = jnp.take(embeddings, part_ids, axis=0)
    h = jnp.concatenate([part_embs, x], axis=1) @ W_enc + b_enc
    deg = jax.ops.segment_sum(jnp.ones_like(src, dtype=h.dtype), dst, num_segments=n)
    dinv = jnp.where(deg > 0, 1.0 / jnp.sqrt(deg), 0.0)
    norm = dinv[src] * dinv[dst]
    for W, b in ((W_g0, b_g0), (W_g1, b_g1), (W_g2, b_g2)):
        msg = (h @ W)[src] * norm[:, None]
        h = jax.nn.relu(jax.ops.segment_sum(msg, dst, num_segments=n) + b)
    adv = jax.nn.relu(h @ W_a1 + b_a1) @ W_a2 + b_a2
    cnt = jnp.maximum(jax.ops.segment_sum(jnp.ones((n,), h.dtype), batch, num_segments=G), 1.0)
    adv_mean = (jax.ops.segment_sum(adv, batch, num_segments=G) / cnt[:, None])[batch]
    value_x = jax.ops.segment_sum(h, batch, num_segments=G) / cnt[:, None]
    value = (jax.nn.relu(value_x @ W_v1 + b_v1) @ W_v2 + b_v2)[batch]
    q_val = value + adv - adv_mean
    return q_val

if __name__ == "__main__":
    import jax
    _d = setup_inputs()
    print(jax.jit(kernel)(*tuple(_d.values())))

</pallas_src>

<mosaic_0001>
#map = affine_map<(d0, d1) -> (0, 0)>
#map1 = affine_map<(d0, d1) -> (0, 0, 0)>
module attributes {stable_mosaic.version = 14 : i64} {
  func.func @_scatter_body(%arg0: i32, %arg1: i32, %arg2: memref<10000x128xf32, #tpu.memory_space<hbm>>, %arg3: memref<10000x128xf32, #tpu.memory_space<hbm>>, %arg4: memref<10000x128xf32, #tpu.memory_space<hbm>>, %arg5: memref<10000x128xf32, #tpu.memory_space<hbm>>, %arg6: memref<16x125x80xi32, #tpu.memory_space<hbm>>, %arg7: memref<16x125x80xi32, #tpu.memory_space<hbm>>, %arg8: memref<10000x128xf32, #tpu.memory_space<hbm>>, %arg9: memref<10000x128xf32, #tpu.memory_space<hbm>>, %arg10: memref<10000x128xf32, #tpu.memory_space<hbm>>, %arg11: memref<10000x128xf32, #tpu.memory_space<hbm>>, %arg12: memref<10000x128xf32, #tpu.memory_space<vmem_shared>>, %arg13: memref<125x80xi32, #tpu.memory_space<vmem>>, %arg14: memref<125x80xi32, #tpu.memory_space<vmem>>, %arg15: memref<80x128xf32, #tpu.memory_space<vmem>>, %arg16: memref<!tpu.dma_semaphore, #tpu.memory_space<semaphore_mem>>) attributes {dimension_semantics = [#tpu.dimension_semantics<core_parallel>, #tpu.dimension_semantics<subcore_parallel>], iteration_bounds = array<i64: 2, 16>, scalar_prefetch = 0 : i64, scratch_operands = 5 : i64, tpu.core_type = #tpu.core_type<sc_vector_subcore>, window_params = [{transform_indices = #map}, {transform_indices = #map}, {transform_indices = #map}, {transform_indices = #map}, {transform_indices = #map1}, {transform_indices = #map1}, {transform_indices = #map}, {transform_indices = #map}, {transform_indices = #map}, {transform_indices = #map}]} {
    "tpu.region"() ({
      %run_scoped3A = tpu.sem_alloc : memref<!tpu.dma_semaphore, #tpu.memory_space<semaphore_mem>>
      %dma_start3A = arith.constant 0 : i32
      %dma_start3A_17 = arith.constant 0 : i32
      %dma_start3A_18 = tpu.memref_slice %arg6[%arg1, %dma_start3A, %dma_start3A_17] : memref<16x125x80xi32, #tpu.memory_space<hbm>> -> memref<1x125x80xi32, #tpu.memory_space<hbm>>
      %dma_start3A_19 = tpu.memref_squeeze %dma_start3A_18 : memref<1x125x80xi32, #tpu.memory_space<hbm>> -> memref<125x80xi32, #tpu.memory_space<hbm>>
      %dma_start3A_20 = arith.constant 0 : i32
      %dma_start3A_21 = arith.constant 0 : i32
      %dma_start3A_22 = tpu.memref_slice %arg6[%arg1, %dma_start3A_20, %dma_start3A_21] : memref<16x125x80xi32, #tpu.memory_space<hbm>> -> memref<1x125x80xi32, #tpu.memory_space<hbm>>
      %dma_start3A_23 = tpu.memref_squeeze %dma_start3A_22 : memref<1x125x80xi32, #tpu.memory_space<hbm>> -> memref<125x80xi32, #tpu.memory_space<hbm>>
      tpu.enqueue_dma source(%dma_start3A_23 : memref<125x80xi32, #tpu.memory_space<hbm>>) target(%arg13 : memref<125x80xi32, #tpu.memory_space<vmem>>) target_semaphore(%run_scoped3A : memref<!tpu.dma_semaphore, #tpu.memory_space<semaphore_mem>>)
      %dma_wait3A = arith.constant 0 : i32
      %dma_wait3A_24 = arith.constant 0 : i32
      %dma_wait3A_25 = tpu.memref_slice %arg6[%arg1, %dma_wait3A, %dma_wait3A_24] : memref<16x125x80xi32, #tpu.memory_space<hbm>> -> memref<1x125x80xi32, #tpu.memory_space<hbm>>
      %dma_wait3A_26 = tpu.memref_squeeze %dma_wait3A_25 : memref<1x125x80xi32, #tpu.memory_space<hbm>> -> memref<125x80xi32, #tpu.memory_space<hbm>>
      %dma_wait3A_27 = arith.constant 0 : i32
      %dma_wait3A_28 = arith.constant 0 : i32
      %dma_wait3A_29 = tpu.memref_slice %arg6[%arg1, %dma_wait3A_27, %dma_wait3A_28] : memref<16x125x80xi32, #tpu.memory_space<hbm>> -> memref<1x125x80xi32, #tpu.memory_space<hbm>>
      %dma_wait3A_30 = tpu.memref_squeeze %dma_wait3A_29 : memref<1x125x80xi32, #tpu.memory_space<hbm>> -> memref<125x80xi32, #tpu.memory_space<hbm>>
      tpu.wait_dma2 semaphore(%run_scoped3A : memref<!tpu.dma_semaphore, #tpu.memory_space<semaphore_mem>>) src(%dma_wait3A_30 : memref<125x80xi32, #tpu.memory_space<hbm>>) dst(%arg13 : memref<125x80xi32, #tpu.memory_space<vmem>>)
      tpu.yield
    }) : () -> ()
    "tpu.region"() ({
      %run_scoped3A = tpu.sem_alloc : memref<!tpu.dma_semaphore, #tpu.memory_space<semaphore_mem>>
      %dma_start3A = arith.constant 0 : i32
      %dma_start3A_17 = arith.constant 0 : i32
      %dma_start3A_18 = tpu.memref_slice %arg7[%arg1, %dma_start3A, %dma_start3A_17] : memref<16x125x80xi32, #tpu.memory_space<hbm>> -> memref<1x125x80xi32, #tpu.memory_space<hbm>>
      %dma_start3A_19 = tpu.memref_squeeze %dma_start3A_18 : memref<1x125x80xi32, #tpu.memory_space<hbm>> -> memref<125x80xi32, #tpu.memory_space<hbm>>
      %dma_start3A_20 = arith.constant 0 : i32
      %dma_start3A_21 = arith.constant 0 : i32
      %dma_start3A_22 = tpu.memref_slice %arg7[%arg1, %dma_start3A_20, %dma_start3A_21] : memref<16x125x80xi32, #tpu.memory_space<hbm>> -> memref<1x125x80xi32, #tpu.memory_space<hbm>>
      %dma_start3A_23 = tpu.memref_squeeze %dma_start3A_22 : memref<1x125x80xi32, #tpu.memory_space<hbm>> -> memref<125x80xi32, #tpu.memory_space<hbm>>
      tpu.enqueue_dma source(%dma_start3A_23 : memref<125x80xi32, #tpu.memory_space<hbm>>) target(%arg14 : memref<125x80xi32, #tpu.memory_space<vmem>>) target_semaphore(%run_scoped3A : memref<!tpu.dma_semaphore, #tpu.memory_space<semaphore_mem>>)
      %dma_wait3A = arith.constant 0 : i32
      %dma_wait3A_24 = arith.constant 0 : i32
      %dma_wait3A_25 = tpu.memref_slice %arg7[%arg1, %dma_wait3A, %dma_wait3A_24] : memref<16x125x80xi32, #tpu.memory_space<hbm>> -> memref<1x125x80xi32, #tpu.memory_space<hbm>>
      %dma_wait3A_26 = tpu.memref_squeeze %dma_wait3A_25 : memref<1x125x80xi32, #tpu.memory_space<hbm>> -> memref<125x80xi32, #tpu.memory_space<hbm>>
      %dma_wait3A_27 = arith.constant 0 : i32
      %dma_wait3A_28 = arith.constant 0 : i32
      %dma_wait3A_29 = tpu.memref_slice %arg7[%arg1, %dma_wait3A_27, %dma_wait3A_28] : memref<16x125x80xi32, #tpu.memory_space<hbm>> -> memref<1x125x80xi32, #tpu.memory_space<hbm>>
      %dma_wait3A_30 = tpu.memref_squeeze %dma_wait3A_29 : memref<1x125x80xi32, #tpu.memory_space<hbm>> -> memref<125x80xi32, #tpu.memory_space<hbm>>
      tpu.wait_dma2 semaphore(%run_scoped3A : memref<!tpu.dma_semaphore, #tpu.memory_space<semaphore_mem>>) src(%dma_wait3A_30 : memref<125x80xi32, #tpu.memory_space<hbm>>) dst(%arg14 : memref<125x80xi32, #tpu.memory_space<vmem>>)
      tpu.yield
    }) : () -> ()
    %eq3A = arith.constant 0 : i32
    %eq3A_0 = arith.cmpi eq, %arg0, %eq3A : i32
    %convert_element_type3A = arith.extui %eq3A_0 : i1 to i32
    %cond3A = arith.constant 0 : i32
    %cond3A_1 = arith.cmpi ne, %convert_element_type3A, %cond3A : i32
    scf.if %cond3A_1 {
      %mul3A = arith.constant 624 : i32
      %mul3A_17 = arith.muli %arg1, %mul3A : i32
      %mul3A_18 = arith.constant 624 : i32
      %mul3A_19 = arith.muli %arg1, %mul3A_18 : i32
      "tpu.region"() ({
        %run_scoped3A = tpu.sem_alloc : memref<!tpu.dma_semaphore, #tpu.memory_space<semaphore_mem>>
        %dma_start3A = arith.constant 0 : i32
        %dma_start3A_41 = tpu.memref_slice %arg12[%mul3A_19, %dma_start3A] : memref<10000x128xf32, #tpu.memory_space<vmem_shared>> -> memref<624x128xf32, #tpu.memory_space<vmem_shared>>
        %dma_start3A_42 = arith.constant 0 : i32
        %dma_start3A_43 = tpu.memref_slice %arg2[%mul3A_17, %dma_start3A_42] : memref<10000x128xf32, #tpu.memory_space<hbm>> -> memref<624x128xf32, #tpu.memory_space<hbm>>
        tpu.enqueue_dma source(%dma_start3A_43 : memref<624x128xf32, #tpu.memory_space<hbm>>) target(%dma_start3A_41 : memref<624x128xf32, #tpu.memory_space<vmem_shared>>) target_semaphore(%run_scoped3A : memref<!tpu.dma_semaphore, #tpu.memory_space<semaphore_mem>>)
        %dma_wait3A = arith.constant 0 : i32
        %dma_wait3A_44 = tpu.memref_slice %arg12[%mul3A_19, %dma_wait3A] : memref<10000x128xf32, #tpu.memory_space<vmem_shared>> -> memref<624x128xf32, #tpu.memory_space<vmem_shared>>
        %dma_wait3A_45 = arith.constant 0 : i32
        %dma_wait3A_46 = tpu.memref_slice %arg2[%mul3A_17, %dma_wait3A_45] : memref<10000x128xf32, #tpu.memory_space<hbm>> -> memref<624x128xf32, #tpu.memory_space<hbm>>
        tpu.wait_dma2 semaphore(%run_scoped3A : memref<!tpu.dma_semaphore, #tpu.memory_space<semaphore_mem>>) src(%dma_wait3A_46 : memref<624x128xf32, #tpu.memory_space<hbm>>) dst(%dma_wait3A_44 : memref<624x128xf32, #tpu.memory_space<vmem_shared>>)
        tpu.yield
      }) : () -> ()
      %eq3A_20 = arith.constant 0 : i32
      %eq3A_21 = arith.cmpi eq, %arg1, %eq3A_20 : i32
      %convert_element_type3A_22 = arith.extui %eq3A_21 : i1 to i32
      %cond3A_23 = arith.constant 0 : i32
      %cond3A_24 = arith.cmpi ne, %convert_element_type3A_22, %cond3A_23 : i32
      scf.if %cond3A_24 {
        "tpu.region"() ({
          %run_scoped3A = tpu.sem_alloc : memref<!tpu.dma_semaphore, #tpu.memory_space<semaphore_mem>>
          %dma_start3A = arith.constant 9984 : i32
          %dma_start3A_41 = arith.constant 0 : i32
          %dma_start3A_42 = tpu.memref_slice %arg12[%dma_start3A, %dma_start3A_41] : memref<10000x128xf32, #tpu.memory_space<vmem_shared>> -> memref<16x128xf32, #tpu.memory_space<vmem_shared>>
          %dma_start3A_43 = arith.constant 9984 : i32
          %dma_start3A_44 = arith.constant 0 : i32
          %dma_start3A_45 = tpu.memref_slice %arg2[%dma_start3A_43, %dma_start3A_44] : memref<10000x128xf32, #tpu.memory_space<hbm>> -> memref<16x128xf32, #tpu.memory_space<hbm>>
          tpu.enqueue_dma source(%dma_start3A_45 : memref<16x128xf32, #tpu.memory_space<hbm>>) target(%dma_start3A_42 : memref<16x128xf32, #tpu.memory_space<vmem_shared>>) target_semaphore(%run_scoped3A : memref<!tpu.dma_semaphore, #tpu.memory_space<semaphore_mem>>)
          %dma_wait3A = arith.constant 9984 : i32
          %dma_wait3A_46 = arith.constant 0 : i32
          %dma_wait3A_47 = tpu.memref_slice %arg12[%dma_wait3A, %dma_wait3A_46] : memref<10000x128xf32, #tpu.memory_space<vmem_shared>> -> memref<16x128xf32, #tpu.memory_space<vmem_shared>>
          %dma_wait3A_48 = arith.constant 9984 : i32
          %dma_wait3A_49 = arith.constant 0 : i32
          %dma_wait3A_50 = tpu.memref_slice %arg2[%dma_wait3A_48, %dma_wait3A_49] : memref<10000x128xf32, #tpu.memory_space<hbm>> -> memref<16x128xf32, #tpu.memory_space<hbm>>
          tpu.wait_dma2 semaphore(%run_scoped3A : memref<!tpu.dma_semaphore, #tpu.memory_space<semaphore_mem>>) src(%dma_wait3A_50 : memref<16x128xf32, #tpu.memory_space<hbm>>) dst(%dma_wait3A_47 : memref<16x128xf32, #tpu.memory_space<vmem_shared>>)
          tpu.yield
        }) : () -> ()
      } else {
      }
      %barrier3A = arith.constant 0 : index
      tpu.barrier barrier_id(%barrier3A)
      %scan3A = arith.constant 0 : i32
      %scan3A_25 = arith.constant 0 : i32
      %scan3A_26 = arith.constant 125 : i32
      %scan3A_27 = arith.addi %scan3A_25, %scan3A_26 : i32
      %scan3A_28 = arith.constant 1 : i32
      scf.for %scan3A_41 = %scan3A_25 to %scan3A_27 step %scan3A_28  : i32 {
        %dma_start3A = arith.constant 0 : i32
        %dma_start3A_42 = tpu.memref_slice %arg13[%scan3A_41, %dma_start3A] : memref<125x80xi32, #tpu.memory_space<vmem>> -> memref<1x80xi32, #tpu.memory_space<vmem>>
        %dma_start3A_43 = tpu.memref_squeeze %dma_start3A_42 : memref<1x80xi32, #tpu.memory_space<vmem>> -> memref<80xi32, #tpu.memory_space<vmem>>
        %dma_start3A_44 = arith.constant 0 : i32
        %dma_start3A_45 = arith.constant 0 : i32
        %dma_start3A_46 = tpu.memref_slice %arg2[%dma_start3A_44, %dma_start3A_45] : memref<10000x128xf32, #tpu.memory_space<hbm>> -> memref<10000x128xf32, #tpu.memory_space<hbm>>
        tpu.enqueue_indirect_dma source(%dma_start3A_46 : memref<10000x128xf32, #tpu.memory_space<hbm>>) target(%arg15 : memref<80x128xf32, #tpu.memory_space<vmem>>) offsets(%dma_start3A_43 : memref<80xi32, #tpu.memory_space<vmem>>) semaphore(%arg16 : memref<!tpu.dma_semaphore, #tpu.memory_space<semaphore_mem>>)
        %dma_wait3A = arith.constant 0 : i32
        %dma_wait3A_47 = tpu.memref_slice %arg13[%scan3A_41, %dma_wait3A] : memref<125x80xi32, #tpu.memory_space<vmem>> -> memref<1x80xi32, #tpu.memory_space<vmem>>
        %dma_wait3A_48 = tpu.memref_squeeze %dma_wait3A_47 : memref<1x80xi32, #tpu.memory_space<vmem>> -> memref<80xi32, #tpu.memory_space<vmem>>
        %dma_wait3A_49 = arith.constant 0 : i32
        %dma_wait3A_50 = arith.constant 0 : i32
        %dma_wait3A_51 = tpu.memref_slice %arg2[%dma_wait3A_49, %dma_wait3A_50] : memref<10000x128xf32, #tpu.memory_space<hbm>> -> memref<10000x128xf32, #tpu.memory_space<hbm>>
        tpu.wait_indirect_dma semaphore(%arg16 : memref<!tpu.dma_semaphore, #tpu.memory_space<semaphore_mem>>) src(%dma_wait3A_51 : memref<10000x128xf32, #tpu.memory_space<hbm>>) dst(%arg15 : memref<80x128xf32, #tpu.memory_space<vmem>>)
        "tpu.region"() ({
          %run_scoped3A = tpu.sem_alloc : memref<!tpu.dma_semaphore, #tpu.memory_space<semaphore_mem>>
          %dma_start3A_52 = arith.constant 0 : i32
          %dma_start3A_53 = tpu.memref_slice %arg14[%scan3A_41, %dma_start3A_52] : memref<125x80xi32, #tpu.memory_space<vmem>> -> memref<1x80xi32, #tpu.memory_space<vmem>>
          %dma_start3A_54 = tpu.memref_squeeze %dma_start3A_53 : memref<1x80xi32, #tpu.memory_space<vmem>> -> memref<80xi32, #tpu.memory_space<vmem>>
          %dma_start3A_55 = arith.constant 0 : i32
          %dma_start3A_56 = arith.constant 0 : i32
          %dma_start3A_57 = tpu.memref_slice %arg12[%dma_start3A_55, %dma_start3A_56] : memref<10000x128xf32, #tpu.memory_space<vmem_shared>> -> memref<10000x128xf32, #tpu.memory_space<vmem_shared>>
          tpu.enqueue_indirect_dma source(%arg15 : memref<80x128xf32, #tpu.memory_space<vmem>>) target(%dma_start3A_57 : memref<10000x128xf32, #tpu.memory_space<vmem_shared>>) offsets(%dma_start3A_54 : memref<80xi32, #tpu.memory_space<vmem>>) semaphore(%run_scoped3A : memref<!tpu.dma_semaphore, #tpu.memory_space<semaphore_mem>>) {add = true}
          %dma_wait3A_58 = arith.constant 0 : i32
          %dma_wait3A_59 = tpu.memref_slice %arg14[%scan3A_41, %dma_wait3A_58] : memref<125x80xi32, #tpu.memory_space<vmem>> -> memref<1x80xi32, #tpu.memory_space<vmem>>
          %dma_wait3A_60 = tpu.memref_squeeze %dma_wait3A_59 : memref<1x80xi32, #tpu.memory_space<vmem>> -> memref<80xi32, #tpu.memory_space<vmem>>
          %dma_wait3A_61 = arith.constant 0 : i32
          %dma_wait3A_62 = arith.constant 0 : i32
          %dma_wait3A_63 = tpu.memref_slice %arg12[%dma_wait3A_61, %dma_wait3A_62] : memref<10000x128xf32, #tpu.memory_space<vmem_shared>> -> memref<10000x128xf32, #tpu.memory_space<vmem_shared>>
          tpu.wait_indirect_dma semaphore(%run_scoped3A : memref<!tpu.dma_semaphore, #tpu.memory_space<semaphore_mem>>) src(%arg15 : memref<80x128xf32, #tpu.memory_space<vmem>>) dst(%dma_wait3A_63 : memref<10000x128xf32, #tpu.memory_space<vmem_shared>>)
          tpu.yield
        }) : () -> ()
      }
      %scan3A_29 = arith.constant 125 : i32
      %barrier3A_30 = arith.constant 0 : index
      tpu.barrier barrier_id(%barrier3A_30)
      %mul3A_31 = arith.constant 624 : i32
      %mul3A_32 = arith.muli %arg1, %mul3A_31 : i32
      %mul3A_33 = arith.constant 624 : i32
      %mul3A_34 = arith.muli %arg1, %mul3A_33 : i32
      "tpu.region"() ({
        %run_scoped3A = tpu.sem_alloc : memref<!tpu.dma_semaphore, #tpu.memory_space<semaphore_mem>>
        %dma_start3A = arith.constant 0 : i32
        %dma_start3A_41 = tpu.memref_slice %arg8[%mul3A_34, %dma_start3A] : memref<10000x128xf32, #tpu.memory_space<hbm>> -> memref<624x128xf32, #tpu.memory_space<hbm>>
        %dma_start3A_42 = arith.constant 0 : i32
        %dma_start3A_43 = tpu.memref_slice %arg12[%mul3A_32, %dma_start3A_42] : memref<10000x128xf32, #tpu.memory_space<vmem_shared>> -> memref<624x128xf32, #tpu.memory_space<vmem_shared>>
        tpu.enqueue_dma source(%dma_start3A_43 : memref<624x128xf32, #tpu.memory_space<vmem_shared>>) target(%dma_start3A_41 : memref<624x128xf32, #tpu.memory_space<hbm>>) target_semaphore(%run_scoped3A : memref<!tpu.dma_semaphore, #tpu.memory_space<semaphore_mem>>)
        %dma_wait3A = arith.constant 0 : i32
        %dma_wait3A_44 = tpu.memref_slice %arg8[%mul3A_34, %dma_wait3A] : memref<10000x128xf32, #tpu.memory_space<hbm>> -> memref<624x128xf32, #tpu.memory_space<hbm>>
        %dma_wait3A_45 = arith.constant 0 : i32
        %dma_wait3A_46 = tpu.memref_slice %arg12[%mul3A_32, %dma_wait3A_45] : memref<10000x128xf32, #tpu.memory_space<vmem_shared>> -> memref<624x128xf32, #tpu.memory_space<vmem_shared>>
        tpu.wait_dma2 semaphore(%run_scoped3A : memref<!tpu.dma_semaphore, #tpu.memory_space<semaphore_mem>>) src(%dma_wait3A_46 : memref<624x128xf32, #tpu.memory_space<vmem_shared>>) dst(%dma_wait3A_44 : memref<624x128xf32, #tpu.memory_space<hbm>>)
        tpu.yield
      }) : () -> ()
      %eq3A_35 = arith.constant 0 : i32
      %eq3A_36 = arith.cmpi eq, %arg1, %eq3A_35 : i32
      %convert_element_type3A_37 = arith.extui %eq3A_36 : i1 to i32
      %cond3A_38 = arith.constant 0 : i32
      %cond3A_39 = arith.cmpi ne, %convert_element_type3A_37, %cond3A_38 : i32
      scf.if %cond3A_39 {
        "tpu.region"() ({
          %run_scoped3A = tpu.sem_alloc : memref<!tpu.dma_semaphore, #tpu.memory_space<semaphore_mem>>
          %dma_start3A = arith.constant 9984 : i32
          %dma_start3A_41 = arith.constant 0 : i32
          %dma_start3A_42 = tpu.memref_slice %arg8[%dma_start3A, %dma_start3A_41] : memref<10000x128xf32, #tpu.memory_space<hbm>> -> memref<16x128xf32, #tpu.memory_space<hbm>>
          %dma_start3A_43 = arith.constant 9984 : i32
          %dma_start3A_44 = arith.constant 0 : i32
          %dma_start3A_45 = tpu.memref_slice %arg12[%dma_start3A_43, %dma_start3A_44] : memref<10000x128xf32, #tpu.memory_space<vmem_shared>> -> memref<16x128xf32, #tpu.memory_space<vmem_shared>>
          tpu.enqueue_dma source(%dma_start3A_45 : memref<16x128xf32, #tpu.memory_space<vmem_shared>>) target(%dma_start3A_42 : memref<16x128xf32, #tpu.memory_space<hbm>>) target_semaphore(%run_scoped3A : memref<!tpu.dma_semaphore, #tpu.memory_space<semaphore_mem>>)
          %dma_wait3A = arith.constant 9984 : i32
          %dma_wait3A_46 = arith.constant 0 : i32
          %dma_wait3A_47 = tpu.memref_slice %arg8[%dma_wait3A, %dma_wait3A_46] : memref<10000x128xf32, #tpu.memory_space<hbm>> -> memref<16x128xf32, #tpu.memory_space<hbm>>
          %dma_wait3A_48 = arith.constant 9984 : i32
          %dma_wait3A_49 = arith.constant 0 : i32
          %dma_wait3A_50 = tpu.memref_slice %arg12[%dma_wait3A_48, %dma_wait3A_49] : memref<10000x128xf32, #tpu.memory_space<vmem_shared>> -> memref<16x128xf32, #tpu.memory_space<vmem_shared>>
          tpu.wait_dma2 semaphore(%run_scoped3A : memref<!tpu.dma_semaphore, #tpu.memory_space<semaphore_mem>>) src(%dma_wait3A_50 : memref<16x128xf32, #tpu.memory_space<vmem_shared>>) dst(%dma_wait3A_47 : memref<16x128xf32, #tpu.memory_space<hbm>>)
          tpu.yield
        }) : () -> ()
      } else {
      }
      %barrier3A_40 = arith.constant 0 : index
      tpu.barrier barrier_id(%barrier3A_40)
    } else {
    }
    %eq3A_2 = arith.constant 1 : i32
    %eq3A_3 = arith.cmpi eq, %arg0, %eq3A_2 : i32
    %convert_element_type3A_4 = arith.extui %eq3A_3 : i1 to i32
    %cond3A_5 = arith.constant 0 : i32
    %cond3A_6 = arith.cmpi ne, %convert_element_type3A_4, %cond3A_5 : i32
    scf.if %cond3A_6 {
      %mul3A = arith.constant 624 : i32
      %mul3A_17 = arith.muli %arg1, %mul3A : i32
      %mul3A_18 = arith.constant 624 : i32
      %mul3A_19 = arith.muli %arg1, %mul3A_18 : i32
      "tpu.region"() ({
        %run_scoped3A = tpu.sem_alloc : memref<!tpu.dma_semaphore, #tpu.memory_space<semaphore_mem>>
        %dma_start3A = arith.constant 0 : i32
        %dma_start3A_41 = tpu.memref_slice %arg12[%mul3A_19, %dma_start3A] : memref<10000x128xf32, #tpu.memory_space<vmem_shared>> -> memref<624x128xf32, #tpu.memory_space<vmem_shared>>
        %dma_start3A_42 = arith.constant 0 : i32
        %dma_start3A_43 = tpu.memref_slice %arg4[%mul3A_17, %dma_start3A_42] : memref<10000x128xf32, #tpu.memory_space<hbm>> -> memref<624x128xf32, #tpu.memory_space<hbm>>
        tpu.enqueue_dma source(%dma_start3A_43 : memref<624x128xf32, #tpu.memory_space<hbm>>) target(%dma_start3A_41 : memref<624x128xf32, #tpu.memory_space<vmem_shared>>) target_semaphore(%run_scoped3A : memref<!tpu.dma_semaphore, #tpu.memory_space<semaphore_mem>>)
        %dma_wait3A = arith.constant 0 : i32
        %dma_wait3A_44 = tpu.memref_slice %arg12[%mul3A_19, %dma_wait3A] : memref<10000x128xf32, #tpu.memory_space<vmem_shared>> -> memref<624x128xf32, #tpu.memory_space<vmem_shared>>
        %dma_wait3A_45 = arith.constant 0 : i32
        %dma_wait3A_46 = tpu.memref_slice %arg4[%mul3A_17, %dma_wait3A_45] : memref<10000x128xf32, #tpu.memory_space<hbm>> -> memref<624x128xf32, #tpu.memory_space<hbm>>
        tpu.wait_dma2 semaphore(%run_scoped3A : memref<!tpu.dma_semaphore, #tpu.memory_space<semaphore_mem>>) src(%dma_wait3A_46 : memref<624x128xf32, #tpu.memory_space<hbm>>) dst(%dma_wait3A_44 : memref<624x128xf32, #tpu.memory_space<vmem_shared>>)
        tpu.yield
      }) : () -> ()
      %eq3A_20 = arith.constant 0 : i32
      %eq3A_21 = arith.cmpi eq, %arg1, %eq3A_20 : i32
      %convert_element_type3A_22 = arith.extui %eq3A_21 : i1 to i32
      %cond3A_23 = arith.constant 0 : i32
      %cond3A_24 = arith.cmpi ne, %convert_element_type3A_22, %cond3A_23 : i32
      scf.if %cond3A_24 {
        "tpu.region"() ({
          %run_scoped3A = tpu.sem_alloc : memref<!tpu.dma_semaphore, #tpu.memory_space<semaphore_mem>>
          %dma_start3A = arith.constant 9984 : i32
          %dma_start3A_41 = arith.constant 0 : i32
          %dma_start3A_42 = tpu.memref_slice %arg12[%dma_start3A, %dma_start3A_41] : memref<10000x128xf32, #tpu.memory_space<vmem_shared>> -> memref<16x128xf32, #tpu.memory_space<vmem_shared>>
          %dma_start3A_43 = arith.constant 9984 : i32
          %dma_start3A_44 = arith.constant 0 : i32
          %dma_start3A_45 = tpu.memref_slice %arg4[%dma_start3A_43, %dma_start3A_44] : memref<10000x128xf32, #tpu.memory_space<hbm>> -> memref<16x128xf32, #tpu.memory_space<hbm>>
          tpu.enqueue_dma source(%dma_start3A_45 : memref<16x128xf32, #tpu.memory_space<hbm>>) target(%dma_start3A_42 : memref<16x128xf32, #tpu.memory_space<vmem_shared>>) target_semaphore(%run_scoped3A : memref<!tpu.dma_semaphore, #tpu.memory_space<semaphore_mem>>)
          %dma_wait3A = arith.constant 9984 : i32
          %dma_wait3A_46 = arith.constant 0 : i32
          %dma_wait3A_47 = tpu.memref_slice %arg12[%dma_wait3A, %dma_wait3A_46] : memref<10000x128xf32, #tpu.memory_space<vmem_shared>> -> memref<16x128xf32, #tpu.memory_space<vmem_shared>>
          %dma_wait3A_48 = arith.constant 9984 : i32
          %dma_wait3A_49 = arith.constant 0 : i32
          %dma_wait3A_50 = tpu.memref_slice %arg4[%dma_wait3A_48, %dma_wait3A_49] : memref<10000x128xf32, #tpu.memory_space<hbm>> -> memref<16x128xf32, #tpu.memory_space<hbm>>
          tpu.wait_dma2 semaphore(%run_scoped3A : memref<!tpu.dma_semaphore, #tpu.memory_space<semaphore_mem>>) src(%dma_wait3A_50 : memref<16x128xf32, #tpu.memory_space<hbm>>) dst(%dma_wait3A_47 : memref<16x128xf32, #tpu.memory_space<vmem_shared>>)
          tpu.yield
        }) : () -> ()
      } else {
      }
      %barrier3A = arith.constant 0 : index
      tpu.barrier barrier_id(%barrier3A)
      %scan3A = arith.constant 0 : i32
      %scan3A_25 = arith.constant 0 : i32
      %scan3A_26 = arith.constant 125 : i32
      %scan3A_27 = arith.addi %scan3A_25, %scan3A_26 : i32
      %scan3A_28 = arith.constant 1 : i32
      scf.for %scan3A_41 = %scan3A_25 to %scan3A_27 step %scan3A_28  : i32 {
        %dma_start3A = arith.constant 0 : i32
        %dma_start3A_42 = tpu.memref_slice %arg13[%scan3A_41, %dma_start3A] : memref<125x80xi32, #tpu.memory_space<vmem>> -> memref<1x80xi32, #tpu.memory_space<vmem>>
        %dma_start3A_43 = tpu.memref_squeeze %dma_start3A_42 : memref<1x80xi32, #tpu.memory_space<vmem>> -> memref<80xi32, #tpu.memory_space<vmem>>
        %dma_start3A_44 = arith.constant 0 : i32
        %dma_start3A_45 = arith.constant 0 : i32
        %dma_start3A_46 = tpu.memref_slice %arg4[%dma_start3A_44, %dma_start3A_45] : memref<10000x128xf32, #tpu.memory_space<hbm>> -> memref<10000x128xf32, #tpu.memory_space<hbm>>
        tpu.enqueue_indirect_dma source(%dma_start3A_46 : memref<10000x128xf32, #tpu.memory_space<hbm>>) target(%arg15 : memref<80x128xf32, #tpu.memory_space<vmem>>) offsets(%dma_start3A_43 : memref<80xi32, #tpu.memory_space<vmem>>) semaphore(%arg16 : memref<!tpu.dma_semaphore, #tpu.memory_space<semaphore_mem>>)
        %dma_wait3A = arith.constant 0 : i32
        %dma_wait3A_47 = tpu.memref_slice %arg13[%scan3A_41, %dma_wait3A] : memref<125x80xi32, #tpu.memory_space<vmem>> -> memref<1x80xi32, #tpu.memory_space<vmem>>
        %dma_wait3A_48 = tpu.memref_squeeze %dma_wait3A_47 : memref<1x80xi32, #tpu.memory_space<vmem>> -> memref<80xi32, #tpu.memory_space<vmem>>
        %dma_wait3A_49 = arith.constant 0 : i32
        %dma_wait3A_50 = arith.constant 0 : i32
        %dma_wait3A_51 = tpu.memref_slice %arg4[%dma_wait3A_49, %dma_wait3A_50] : memref<10000x128xf32, #tpu.memory_space<hbm>> -> memref<10000x128xf32, #tpu.memory_space<hbm>>
        tpu.wait_indirect_dma semaphore(%arg16 : memref<!tpu.dma_semaphore, #tpu.memory_space<semaphore_mem>>) src(%dma_wait3A_51 : memref<10000x128xf32, #tpu.memory_space<hbm>>) dst(%arg15 : memref<80x128xf32, #tpu.memory_space<vmem>>)
        "tpu.region"() ({
          %run_scoped3A = tpu.sem_alloc : memref<!tpu.dma_semaphore, #tpu.memory_space<semaphore_mem>>
          %dma_start3A_52 = arith.constant 0 : i32
          %dma_start3A_53 = tpu.memref_slice %arg14[%scan3A_41, %dma_start3A_52] : memref<125x80xi32, #tpu.memory_space<vmem>> -> memref<1x80xi32, #tpu.memory_space<vmem>>
          %dma_start3A_54 = tpu.memref_squeeze %dma_start3A_53 : memref<1x80xi32, #tpu.memory_space<vmem>> -> memref<80xi32, #tpu.memory_space<vmem>>
          %dma_start3A_55 = arith.constant 0 : i32
          %dma_start3A_56 = arith.constant 0 : i32
          %dma_start3A_57 = tpu.memref_slice %arg12[%dma_start3A_55, %dma_start3A_56] : memref<10000x128xf32, #tpu.memory_space<vmem_shared>> -> memref<10000x128xf32, #tpu.memory_space<vmem_shared>>
          tpu.enqueue_indirect_dma source(%arg15 : memref<80x128xf32, #tpu.memory_space<vmem>>) target(%dma_start3A_57 : memref<10000x128xf32, #tpu.memory_space<vmem_shared>>) offsets(%dma_start3A_54 : memref<80xi32, #tpu.memory_space<vmem>>) semaphore(%run_scoped3A : memref<!tpu.dma_semaphore, #tpu.memory_space<semaphore_mem>>) {add = true}
          %dma_wait3A_58 = arith.constant 0 : i32
          %dma_wait3A_59 = tpu.memref_slice %arg14[%scan3A_41, %dma_wait3A_58] : memref<125x80xi32, #tpu.memory_space<vmem>> -> memref<1x80xi32, #tpu.memory_space<vmem>>
          %dma_wait3A_60 = tpu.memref_squeeze %dma_wait3A_59 : memref<1x80xi32, #tpu.memory_space<vmem>> -> memref<80xi32, #tpu.memory_space<vmem>>
          %dma_wait3A_61 = arith.constant 0 : i32
          %dma_wait3A_62 = arith.constant 0 : i32
          %dma_wait3A_63 = tpu.memref_slice %arg12[%dma_wait3A_61, %dma_wait3A_62] : memref<10000x128xf32, #tpu.memory_space<vmem_shared>> -> memref<10000x128xf32, #tpu.memory_space<vmem_shared>>
          tpu.wait_indirect_dma semaphore(%run_scoped3A : memref<!tpu.dma_semaphore, #tpu.memory_space<semaphore_mem>>) src(%arg15 : memref<80x128xf32, #tpu.memory_space<vmem>>) dst(%dma_wait3A_63 : memref<10000x128xf32, #tpu.memory_space<vmem_shared>>)
          tpu.yield
        }) : () -> ()
      }
      %scan3A_29 = arith.constant 125 : i32
      %barrier3A_30 = arith.constant 0 : index
      tpu.barrier barrier_id(%barrier3A_30)
      %mul3A_31 = arith.constant 624 : i32
      %mul3A_32 = arith.muli %arg1, %mul3A_31 : i32
      %mul3A_33 = arith.constant 624 : i32
      %mul3A_34 = arith.muli %arg1, %mul3A_33 : i32
      "tpu.region"() ({
        %run_scoped3A = tpu.sem_alloc : memref<!tpu.dma_semaphore, #tpu.memory_space<semaphore_mem>>
        %dma_start3A = arith.constant 0 : i32
        %dma_start3A_41 = tpu.memref_slice %arg10[%mul3A_34, %dma_start3A] : memref<10000x128xf32, #tpu.memory_space<hbm>> -> memref<624x128xf32, #tpu.memory_space<hbm>>
        %dma_start3A_42 = arith.constant 0 : i32
        %dma_start3A_43 = tpu.memref_slice %arg12[%mul3A_32, %dma_start3A_42] : memref<10000x128xf32, #tpu.memory_space<vmem_shared>> -> memref<624x128xf32, #tpu.memory_space<vmem_shared>>
        tpu.enqueue_dma source(%dma_start3A_43 : memref<624x128xf32, #tpu.memory_space<vmem_shared>>) target(%dma_start3A_41 : memref<624x128xf32, #tpu.memory_space<hbm>>) target_semaphore(%run_scoped3A : memref<!tpu.dma_semaphore, #tpu.memory_space<semaphore_mem>>)
        %dma_wait3A = arith.constant 0 : i32
        %dma_wait3A_44 = tpu.memref_slice %arg10[%mul3A_34, %dma_wait3A] : memref<10000x128xf32, #tpu.memory_space<hbm>> -> memref<624x128xf32, #tpu.memory_space<hbm>>
        %dma_wait3A_45 = arith.constant 0 : i32
        %dma_wait3A_46 = tpu.memref_slice %arg12[%mul3A_32, %dma_wait3A_45] : memref<10000x128xf32, #tpu.memory_space<vmem_shared>> -> memref<624x128xf32, #tpu.memory_space<vmem_shared>>
        tpu.wait_dma2 semaphore(%run_scoped3A : memref<!tpu.dma_semaphore, #tpu.memory_space<semaphore_mem>>) src(%dma_wait3A_46 : memref<624x128xf32, #tpu.memory_space<vmem_shared>>) dst(%dma_wait3A_44 : memref<624x128xf32, #tpu.memory_space<hbm>>)
        tpu.yield
      }) : () -> ()
      %eq3A_35 = arith.constant 0 : i32
      %eq3A_36 = arith.cmpi eq, %arg1, %eq3A_35 : i32
      %convert_element_type3A_37 = arith.extui %eq3A_36 : i1 to i32
      %cond3A_38 = arith.constant 0 : i32
      %cond3A_39 = arith.cmpi ne, %convert_element_type3A_37, %cond3A_38 : i32
      scf.if %cond3A_39 {
        "tpu.region"() ({
          %run_scoped3A = tpu.sem_alloc : memref<!tpu.dma_semaphore, #tpu.memory_space<semaphore_mem>>
          %dma_start3A = arith.constant 9984 : i32
          %dma_start3A_41 = arith.constant 0 : i32
          %dma_start3A_42 = tpu.memref_slice %arg10[%dma_start3A, %dma_start3A_41] : memref<10000x128xf32, #tpu.memory_space<hbm>> -> memref<16x128xf32, #tpu.memory_space<hbm>>
          %dma_start3A_43 = arith.constant 9984 : i32
          %dma_start3A_44 = arith.constant 0 : i32
          %dma_start3A_45 = tpu.memref_slice %arg12[%dma_start3A_43, %dma_start3A_44] : memref<10000x128xf32, #tpu.memory_space<vmem_shared>> -> memref<16x128xf32, #tpu.memory_space<vmem_shared>>
          tpu.enqueue_dma source(%dma_start3A_45 : memref<16x128xf32, #tpu.memory_space<vmem_shared>>) target(%dma_start3A_42 : memref<16x128xf32, #tpu.memory_space<hbm>>) target_semaphore(%run_scoped3A : memref<!tpu.dma_semaphore, #tpu.memory_space<semaphore_mem>>)
          %dma_wait3A = arith.constant 9984 : i32
          %dma_wait3A_46 = arith.constant 0 : i32
          %dma_wait3A_47 = tpu.memref_slice %arg10[%dma_wait3A, %dma_wait3A_46] : memref<10000x128xf32, #tpu.memory_space<hbm>> -> memref<16x128xf32, #tpu.memory_space<hbm>>
          %dma_wait3A_48 = arith.constant 9984 : i32
          %dma_wait3A_49 = arith.constant 0 : i32
          %dma_wait3A_50 = tpu.memref_slice %arg12[%dma_wait3A_48, %dma_wait3A_49] : memref<10000x128xf32, #tpu.memory_space<vmem_shared>> -> memref<16x128xf32, #tpu.memory_space<vmem_shared>>
          tpu.wait_dma2 semaphore(%run_scoped3A : memref<!tpu.dma_semaphore, #tpu.memory_space<semaphore_mem>>) src(%dma_wait3A_50 : memref<16x128xf32, #tpu.memory_space<vmem_shared>>) dst(%dma_wait3A_47 : memref<16x128xf32, #tpu.memory_space<hbm>>)
          tpu.yield
        }) : () -> ()
      } else {
      }
      %barrier3A_40 = arith.constant 0 : index
      tpu.barrier barrier_id(%barrier3A_40)
    } else {
    }
    %eq3A_7 = arith.constant 0 : i32
    %eq3A_8 = arith.cmpi eq, %arg0, %eq3A_7 : i32
    %convert_element_type3A_9 = arith.extui %eq3A_8 : i1 to i32
    %cond3A_10 = arith.constant 0 : i32
    %cond3A_11 = arith.cmpi ne, %convert_element_type3A_9, %cond3A_10 : i32
    scf.if %cond3A_11 {
      %mul3A = arith.constant 624 : i32
      %mul3A_17 = arith.muli %arg1, %mul3A : i32
      %mul3A_18 = arith.constant 624 : i32
      %mul3A_19 = arith.muli %arg1, %mul3A_18 : i32
      "tpu.region"() ({
        %run_scoped3A = tpu.sem_alloc : memref<!tpu.dma_semaphore, #tpu.memory_space<semaphore_mem>>
        %dma_start3A = arith.constant 0 : i32
        %dma_start3A_41 = tpu.memref_slice %arg12[%mul3A_19, %dma_start3A] : memref<10000x128xf32, #tpu.memory_space<vmem_shared>> -> memref<624x128xf32, #tpu.memory_space<vmem_shared>>
        %dma_start3A_42 = arith.constant 0 : i32
        %dma_start3A_43 = tpu.memref_slice %arg3[%mul3A_17, %dma_start3A_42] : memref<10000x128xf32, #tpu.memory_space<hbm>> -> memref<624x128xf32, #tpu.memory_space<hbm>>
        tpu.enqueue_dma source(%dma_start3A_43 : memref<624x128xf32, #tpu.memory_space<hbm>>) target(%dma_start3A_41 : memref<624x128xf32, #tpu.memory_space<vmem_shared>>) target_semaphore(%run_scoped3A : memref<!tpu.dma_semaphore, #tpu.memory_space<semaphore_mem>>)
        %dma_wait3A = arith.constant 0 : i32
        %dma_wait3A_44 = tpu.memref_slice %arg12[%mul3A_19, %dma_wait3A] : memref<10000x128xf32, #tpu.memory_space<vmem_shared>> -> memref<624x128xf32, #tpu.memory_space<vmem_shared>>
        %dma_wait3A_45 = arith.constant 0 : i32
        %dma_wait3A_46 = tpu.memref_slice %arg3[%mul3A_17, %dma_wait3A_45] : memref<10000x128xf32, #tpu.memory_space<hbm>> -> memref<624x128xf32, #tpu.memory_space<hbm>>
        tpu.wait_dma2 semaphore(%run_scoped3A : memref<!tpu.dma_semaphore, #tpu.memory_space<semaphore_mem>>) src(%dma_wait3A_46 : memref<624x128xf32, #tpu.memory_space<hbm>>) dst(%dma_wait3A_44 : memref<624x128xf32, #tpu.memory_space<vmem_shared>>)
        tpu.yield
      }) : () -> ()
      %eq3A_20 = arith.constant 0 : i32
      %eq3A_21 = arith.cmpi eq, %arg1, %eq3A_20 : i32
      %convert_element_type3A_22 = arith.extui %eq3A_21 : i1 to i32
      %cond3A_23 = arith.constant 0 : i32
      %cond3A_24 = arith.cmpi ne, %convert_element_type3A_22, %cond3A_23 : i32
      scf.if %cond3A_24 {
        "tpu.region"() ({
          %run_scoped3A = tpu.sem_alloc : memref<!tpu.dma_semaphore, #tpu.memory_space<semaphore_mem>>
          %dma_start3A = arith.constant 9984 : i32
          %dma_start3A_41 = arith.constant 0 : i32
          %dma_start3A_42 = tpu.memref_slice %arg12[%dma_start3A, %dma_start3A_41] : memref<10000x128xf32, #tpu.memory_space<vmem_shared>> -> memref<16x128xf32, #tpu.memory_space<vmem_shared>>
          %dma_start3A_43 = arith.constant 9984 : i32
          %dma_start3A_44 = arith.constant 0 : i32
          %dma_start3A_45 = tpu.memref_slice %arg3[%dma_start3A_43, %dma_start3A_44] : memref<10000x128xf32, #tpu.memory_space<hbm>> -> memref<16x128xf32, #tpu.memory_space<hbm>>
          tpu.enqueue_dma source(%dma_start3A_45 : memref<16x128xf32, #tpu.memory_space<hbm>>) target(%dma_start3A_42 : memref<16x128xf32, #tpu.memory_space<vmem_shared>>) target_semaphore(%run_scoped3A : memref<!tpu.dma_semaphore, #tpu.memory_space<semaphore_mem>>)
          %dma_wait3A = arith.constant 9984 : i32
          %dma_wait3A_46 = arith.constant 0 : i32
          %dma_wait3A_47 = tpu.memref_slice %arg12[%dma_wait3A, %dma_wait3A_46] : memref<10000x128xf32, #tpu.memory_space<vmem_shared>> -> memref<16x128xf32, #tpu.memory_space<vmem_shared>>
          %dma_wait3A_48 = arith.constant 9984 : i32
          %dma_wait3A_49 = arith.constant 0 : i32
          %dma_wait3A_50 = tpu.memref_slice %arg3[%dma_wait3A_48, %dma_wait3A_49] : memref<10000x128xf32, #tpu.memory_space<hbm>> -> memref<16x128xf32, #tpu.memory_space<hbm>>
          tpu.wait_dma2 semaphore(%run_scoped3A : memref<!tpu.dma_semaphore, #tpu.memory_space<semaphore_mem>>) src(%dma_wait3A_50 : memref<16x128xf32, #tpu.memory_space<hbm>>) dst(%dma_wait3A_47 : memref<16x128xf32, #tpu.memory_space<vmem_shared>>)
          tpu.yield
        }) : () -> ()
      } else {
      }
      %barrier3A = arith.constant 0 : index
      tpu.barrier barrier_id(%barrier3A)
      %scan3A = arith.constant 0 : i32
      %scan3A_25 = arith.constant 0 : i32
      %scan3A_26 = arith.constant 125 : i32
      %scan3A_27 = arith.addi %scan3A_25, %scan3A_26 : i32
      %scan3A_28 = arith.constant 1 : i32
      scf.for %scan3A_41 = %scan3A_25 to %scan3A_27 step %scan3A_28  : i32 {
        %dma_start3A = arith.constant 0 : i32
        %dma_start3A_42 = tpu.memref_slice %arg13[%scan3A_41, %dma_start3A] : memref<125x80xi32, #tpu.memory_space<vmem>> -> memref<1x80xi32, #tpu.memory_space<vmem>>
        %dma_start3A_43 = tpu.memref_squeeze %dma_start3A_42 : memref<1x80xi32, #tpu.memory_space<vmem>> -> memref<80xi32, #tpu.memory_space<vmem>>
        %dma_start3A_44 = arith.constant 0 : i32
        %dma_start3A_45 = arith.constant 0 : i32
        %dma_start3A_46 = tpu.memref_slice %arg3[%dma_start3A_44, %dma_start3A_45] : memref<10000x128xf32, #tpu.memory_space<hbm>> -> memref<10000x128xf32, #tpu.memory_space<hbm>>
        tpu.enqueue_indirect_dma source(%dma_start3A_46 : memref<10000x128xf32, #tpu.memory_space<hbm>>) target(%arg15 : memref<80x128xf32, #tpu.memory_space<vmem>>) offsets(%dma_start3A_43 : memref<80xi32, #tpu.memory_space<vmem>>) semaphore(%arg16 : memref<!tpu.dma_semaphore, #tpu.memory_space<semaphore_mem>>)
        %dma_wait3A = arith.constant 0 : i32
        %dma_wait3A_47 = tpu.memref_slice %arg13[%scan3A_41, %dma_wait3A] : memref<125x80xi32, #tpu.memory_space<vmem>> -> memref<1x80xi32, #tpu.memory_space<vmem>>
        %dma_wait3A_48 = tpu.memref_squeeze %dma_wait3A_47 : memref<1x80xi32, #tpu.memory_space<vmem>> -> memref<80xi32, #tpu.memory_space<vmem>>
        %dma_wait3A_49 = arith.constant 0 : i32
        %dma_wait3A_50 = arith.constant 0 : i32
        %dma_wait3A_51 = tpu.memref_slice %arg3[%dma_wait3A_49, %dma_wait3A_50] : memref<10000x128xf32, #tpu.memory_space<hbm>> -> memref<10000x128xf32, #tpu.memory_space<hbm>>
        tpu.wait_indirect_dma semaphore(%arg16 : memref<!tpu.dma_semaphore, #tpu.memory_space<semaphore_mem>>) src(%dma_wait3A_51 : memref<10000x128xf32, #tpu.memory_space<hbm>>) dst(%arg15 : memref<80x128xf32, #tpu.memory_space<vmem>>)
        "tpu.region"() ({
          %run_scoped3A = tpu.sem_alloc : memref<!tpu.dma_semaphore, #tpu.memory_space<semaphore_mem>>
          %dma_start3A_52 = arith.constant 0 : i32
          %dma_start3A_53 = tpu.memref_slice %arg14[%scan3A_41, %dma_start3A_52] : memref<125x80xi32, #tpu.memory_space<vmem>> -> memref<1x80xi32, #tpu.memory_space<vmem>>
          %dma_start3A_54 = tpu.memref_squeeze %dma_start3A_53 : memref<1x80xi32, #tpu.memory_space<vmem>> -> memref<80xi32, #tpu.memory_space<vmem>>
          %dma_start3A_55 = arith.constant 0 : i32
          %dma_start3A_56 = arith.constant 0 : i32
          %dma_start3A_57 = tpu.memref_slice %arg12[%dma_start3A_55, %dma_start3A_56] : memref<10000x128xf32, #tpu.memory_space<vmem_shared>> -> memref<10000x128xf32, #tpu.memory_space<vmem_shared>>
          tpu.enqueue_indirect_dma source(%arg15 : memref<80x128xf32, #tpu.memory_space<vmem>>) target(%dma_start3A_57 : memref<10000x128xf32, #tpu.memory_space<vmem_shared>>) offsets(%dma_start3A_54 : memref<80xi32, #tpu.memory_space<vmem>>) semaphore(%run_scoped3A : memref<!tpu.dma_semaphore, #tpu.memory_space<semaphore_mem>>) {add = true}
          %dma_wait3A_58 = arith.constant 0 : i32
          %dma_wait3A_59 = tpu.memref_slice %arg14[%scan3A_41, %dma_wait3A_58] : memref<125x80xi32, #tpu.memory_space<vmem>> -> memref<1x80xi32, #tpu.memory_space<vmem>>
          %dma_wait3A_60 = tpu.memref_squeeze %dma_wait3A_59 : memref<1x80xi32, #tpu.memory_space<vmem>> -> memref<80xi32, #tpu.memory_space<vmem>>
          %dma_wait3A_61 = arith.constant 0 : i32
          %dma_wait3A_62 = arith.constant 0 : i32
          %dma_wait3A_63 = tpu.memref_slice %arg12[%dma_wait3A_61, %dma_wait3A_62] : memref<10000x128xf32, #tpu.memory_space<vmem_shared>> -> memref<10000x128xf32, #tpu.memory_space<vmem_shared>>
          tpu.wait_indirect_dma semaphore(%run_scoped3A : memref<!tpu.dma_semaphore, #tpu.memory_space<semaphore_mem>>) src(%arg15 : memref<80x128xf32, #tpu.memory_space<vmem>>) dst(%dma_wait3A_63 : memref<10000x128xf32, #tpu.memory_space<vmem_shared>>)
          tpu.yield
        }) : () -> ()
      }
      %scan3A_29 = arith.constant 125 : i32
      %barrier3A_30 = arith.constant 0 : index
      tpu.barrier barrier_id(%barrier3A_30)
      %mul3A_31 = arith.constant 624 : i32
      %mul3A_32 = arith.muli %arg1, %mul3A_31 : i32
      %mul3A_33 = arith.constant 624 : i32
      %mul3A_34 = arith.muli %arg1, %mul3A_33 : i32
      "tpu.region"() ({
        %run_scoped3A = tpu.sem_alloc : memref<!tpu.dma_semaphore, #tpu.memory_space<semaphore_mem>>
        %dma_start3A = arith.constant 0 : i32
        %dma_start3A_41 = tpu.memref_slice %arg9[%mul3A_34, %dma_start3A] : memref<10000x128xf32, #tpu.memory_space<hbm>> -> memref<624x128xf32, #tpu.memory_space<hbm>>
        %dma_start3A_42 = arith.constant 0 : i32
        %dma_start3A_43 = tpu.memref_slice %arg12[%mul3A_32, %dma_start3A_42] : memref<10000x128xf32, #tpu.memory_space<vmem_shared>> -> memref<624x128xf32, #tpu.memory_space<vmem_shared>>
        tpu.enqueue_dma source(%dma_start3A_43 : memref<624x128xf32, #tpu.memory_space<vmem_shared>>) target(%dma_start3A_41 : memref<624x128xf32, #tpu.memory_space<hbm>>) target_semaphore(%run_scoped3A : memref<!tpu.dma_semaphore, #tpu.memory_space<semaphore_mem>>)
        %dma_wait3A = arith.constant 0 : i32
        %dma_wait3A_44 = tpu.memref_slice %arg9[%mul3A_34, %dma_wait3A] : memref<10000x128xf32, #tpu.memory_space<hbm>> -> memref<624x128xf32, #tpu.memory_space<hbm>>
        %dma_wait3A_45 = arith.constant 0 : i32
        %dma_wait3A_46 = tpu.memref_slice %arg12[%mul3A_32, %dma_wait3A_45] : memref<10000x128xf32, #tpu.memory_space<vmem_shared>> -> memref<624x128xf32, #tpu.memory_space<vmem_shared>>
        tpu.wait_dma2 semaphore(%run_scoped3A : memref<!tpu.dma_semaphore, #tpu.memory_space<semaphore_mem>>) src(%dma_wait3A_46 : memref<624x128xf32, #tpu.memory_space<vmem_shared>>) dst(%dma_wait3A_44 : memref<624x128xf32, #tpu.memory_space<hbm>>)
        tpu.yield
      }) : () -> ()
      %eq3A_35 = arith.constant 0 : i32
      %eq3A_36 = arith.cmpi eq, %arg1, %eq3A_35 : i32
      %convert_element_type3A_37 = arith.extui %eq3A_36 : i1 to i32
      %cond3A_38 = arith.constant 0 : i32
      %cond3A_39 = arith.cmpi ne, %convert_element_type3A_37, %cond3A_38 : i32
      scf.if %cond3A_39 {
        "tpu.region"() ({
          %run_scoped3A = tpu.sem_alloc : memref<!tpu.dma_semaphore, #tpu.memory_space<semaphore_mem>>
          %dma_start3A = arith.constant 9984 : i32
          %dma_start3A_41 = arith.constant 0 : i32
          %dma_start3A_42 = tpu.memref_slice %arg9[%dma_start3A, %dma_start3A_41] : memref<10000x128xf32, #tpu.memory_space<hbm>> -> memref<16x128xf32, #tpu.memory_space<hbm>>
          %dma_start3A_43 = arith.constant 9984 : i32
          %dma_start3A_44 = arith.constant 0 : i32
          %dma_start3A_45 = tpu.memref_slice %arg12[%dma_start3A_43, %dma_start3A_44] : memref<10000x128xf32, #tpu.memory_space<vmem_shared>> -> memref<16x128xf32, #tpu.memory_space<vmem_shared>>
          tpu.enqueue_dma source(%dma_start3A_45 : memref<16x128xf32, #tpu.memory_space<vmem_shared>>) target(%dma_start3A_42 : memref<16x128xf32, #tpu.memory_space<hbm>>) target_semaphore(%run_scoped3A : memref<!tpu.dma_semaphore, #tpu.memory_space<semaphore_mem>>)
          %dma_wait3A = arith.constant 9984 : i32
          %dma_wait3A_46 = arith.constant 0 : i32
          %dma_wait3A_47 = tpu.memref_slice %arg9[%dma_wait3A, %dma_wait3A_46] : memref<10000x128xf32, #tpu.memory_space<hbm>> -> memref<16x128xf32, #tpu.memory_space<hbm>>
          %dma_wait3A_48 = arith.constant 9984 : i32
          %dma_wait3A_49 = arith.constant 0 : i32
          %dma_wait3A_50 = tpu.memref_slice %arg12[%dma_wait3A_48, %dma_wait3A_49] : memref<10000x128xf32, #tpu.memory_space<vmem_shared>> -> memref<16x128xf32, #tpu.memory_space<vmem_shared>>
          tpu.wait_dma2 semaphore(%run_scoped3A : memref<!tpu.dma_semaphore, #tpu.memory_space<semaphore_mem>>) src(%dma_wait3A_50 : memref<16x128xf32, #tpu.memory_space<vmem_shared>>) dst(%dma_wait3A_47 : memref<16x128xf32, #tpu.memory_space<hbm>>)
          tpu.yield
        }) : () -> ()
      } else {
      }
      %barrier3A_40 = arith.constant 0 : index
      tpu.barrier barrier_id(%barrier3A_40)
    } else {
    }
    %eq3A_12 = arith.constant 1 : i32
    %eq3A_13 = arith.cmpi eq, %arg0, %eq3A_12 : i32
    %convert_element_type3A_14 = arith.extui %eq3A_13 : i1 to i32
    %cond3A_15 = arith.constant 0 : i32
    %cond3A_16 = arith.cmpi ne, %convert_element_type3A_14, %cond3A_15 : i32
    scf.if %cond3A_16 {
      %mul3A = arith.constant 624 : i32
      %mul3A_17 = arith.muli %arg1, %mul3A : i32
      %mul3A_18 = arith.constant 624 : i32
      %mul3A_19 = arith.muli %arg1, %mul3A_18 : i32
      "tpu.region"() ({
        %run_scoped3A = tpu.sem_alloc : memref<!tpu.dma_semaphore, #tpu.memory_space<semaphore_mem>>
        %dma_start3A = arith.constant 0 : i32
        %dma_start3A_41 = tpu.memref_slice %arg12[%mul3A_19, %dma_start3A] : memref<10000x128xf32, #tpu.memory_space<vmem_shared>> -> memref<624x128xf32, #tpu.memory_space<vmem_shared>>
        %dma_start3A_42 = arith.constant 0 : i32
        %dma_start3A_43 = tpu.memref_slice %arg5[%mul3A_17, %dma_start3A_42] : memref<10000x128xf32, #tpu.memory_space<hbm>> -> memref<624x128xf32, #tpu.memory_space<hbm>>
        tpu.enqueue_dma source(%dma_start3A_43 : memref<624x128xf32, #tpu.memory_space<hbm>>) target(%dma_start3A_41 : memref<624x128xf32, #tpu.memory_space<vmem_shared>>) target_semaphore(%run_scoped3A : memref<!tpu.dma_semaphore, #tpu.memory_space<semaphore_mem>>)
        %dma_wait3A = arith.constant 0 : i32
        %dma_wait3A_44 = tpu.memref_slice %arg12[%mul3A_19, %dma_wait3A] : memref<10000x128xf32, #tpu.memory_space<vmem_shared>> -> memref<624x128xf32, #tpu.memory_space<vmem_shared>>
        %dma_wait3A_45 = arith.constant 0 : i32
        %dma_wait3A_46 = tpu.memref_slice %arg5[%mul3A_17, %dma_wait3A_45] : memref<10000x128xf32, #tpu.memory_space<hbm>> -> memref<624x128xf32, #tpu.memory_space<hbm>>
        tpu.wait_dma2 semaphore(%run_scoped3A : memref<!tpu.dma_semaphore, #tpu.memory_space<semaphore_mem>>) src(%dma_wait3A_46 : memref<624x128xf32, #tpu.memory_space<hbm>>) dst(%dma_wait3A_44 : memref<624x128xf32, #tpu.memory_space<vmem_shared>>)
        tpu.yield
      }) : () -> ()
      %eq3A_20 = arith.constant 0 : i32
      %eq3A_21 = arith.cmpi eq, %arg1, %eq3A_20 : i32
      %convert_element_type3A_22 = arith.extui %eq3A_21 : i1 to i32
      %cond3A_23 = arith.constant 0 : i32
      %cond3A_24 = arith.cmpi ne, %convert_element_type3A_22, %cond3A_23 : i32
      scf.if %cond3A_24 {
        "tpu.region"() ({
          %run_scoped3A = tpu.sem_alloc : memref<!tpu.dma_semaphore, #tpu.memory_space<semaphore_mem>>
          %dma_start3A = arith.constant 9984 : i32
          %dma_start3A_41 = arith.constant 0 : i32
          %dma_start3A_42 = tpu.memref_slice %arg12[%dma_start3A, %dma_start3A_41] : memref<10000x128xf32, #tpu.memory_space<vmem_shared>> -> memref<16x128xf32, #tpu.memory_space<vmem_shared>>
          %dma_start3A_43 = arith.constant 9984 : i32
          %dma_start3A_44 = arith.constant 0 : i32
          %dma_start3A_45 = tpu.memref_slice %arg5[%dma_start3A_43, %dma_start3A_44] : memref<10000x128xf32, #tpu.memory_space<hbm>> -> memref<16x128xf32, #tpu.memory_space<hbm>>
          tpu.enqueue_dma source(%dma_start3A_45 : memref<16x128xf32, #tpu.memory_space<hbm>>) target(%dma_start3A_42 : memref<16x128xf32, #tpu.memory_space<vmem_shared>>) target_semaphore(%run_scoped3A : memref<!tpu.dma_semaphore, #tpu.memory_space<semaphore_mem>>)
          %dma_wait3A = arith.constant 9984 : i32
          %dma_wait3A_46 = arith.constant 0 : i32
          %dma_wait3A_47 = tpu.memref_slice %arg12[%dma_wait3A, %dma_wait3A_46] : memref<10000x128xf32, #tpu.memory_space<vmem_shared>> -> memref<16x128xf32, #tpu.memory_space<vmem_shared>>
          %dma_wait3A_48 = arith.constant 9984 : i32
          %dma_wait3A_49 = arith.constant 0 : i32
          %dma_wait3A_50 = tpu.memref_slice %arg5[%dma_wait3A_48, %dma_wait3A_49] : memref<10000x128xf32, #tpu.memory_space<hbm>> -> memref<16x128xf32, #tpu.memory_space<hbm>>
          tpu.wait_dma2 semaphore(%run_scoped3A : memref<!tpu.dma_semaphore, #tpu.memory_space<semaphore_mem>>) src(%dma_wait3A_50 : memref<16x128xf32, #tpu.memory_space<hbm>>) dst(%dma_wait3A_47 : memref<16x128xf32, #tpu.memory_space<vmem_shared>>)
          tpu.yield
        }) : () -> ()
      } else {
      }
      %barrier3A = arith.constant 0 : index
      tpu.barrier barrier_id(%barrier3A)
      %scan3A = arith.constant 0 : i32
      %scan3A_25 = arith.constant 0 : i32
      %scan3A_26 = arith.constant 125 : i32
      %scan3A_27 = arith.addi %scan3A_25, %scan3A_26 : i32
      %scan3A_28 = arith.constant 1 : i32
      scf.for %scan3A_41 = %scan3A_25 to %scan3A_27 step %scan3A_28  : i32 {
        %dma_start3A = arith.constant 0 : i32
        %dma_start3A_42 = tpu.memref_slice %arg13[%scan3A_41, %dma_start3A] : memref<125x80xi32, #tpu.memory_space<vmem>> -> memref<1x80xi32, #tpu.memory_space<vmem>>
        %dma_start3A_43 = tpu.memref_squeeze %dma_start3A_42 : memref<1x80xi32, #tpu.memory_space<vmem>> -> memref<80xi32, #tpu.memory_space<vmem>>
        %dma_start3A_44 = arith.constant 0 : i32
        %dma_start3A_45 = arith.constant 0 : i32
        %dma_start3A_46 = tpu.memref_slice %arg5[%dma_start3A_44, %dma_start3A_45] : memref<10000x128xf32, #tpu.memory_space<hbm>> -> memref<10000x128xf32, #tpu.memory_space<hbm>>
        tpu.enqueue_indirect_dma source(%dma_start3A_46 : memref<10000x128xf32, #tpu.memory_space<hbm>>) target(%arg15 : memref<80x128xf32, #tpu.memory_space<vmem>>) offsets(%dma_start3A_43 : memref<80xi32, #tpu.memory_space<vmem>>) semaphore(%arg16 : memref<!tpu.dma_semaphore, #tpu.memory_space<semaphore_mem>>)
        %dma_wait3A = arith.constant 0 : i32
        %dma_wait3A_47 = tpu.memref_slice %arg13[%scan3A_41, %dma_wait3A] : memref<125x80xi32, #tpu.memory_space<vmem>> -> memref<1x80xi32, #tpu.memory_space<vmem>>
        %dma_wait3A_48 = tpu.memref_squeeze %dma_wait3A_47 : memref<1x80xi32, #tpu.memory_space<vmem>> -> memref<80xi32, #tpu.memory_space<vmem>>
        %dma_wait3A_49 = arith.constant 0 : i32
        %dma_wait3A_50 = arith.constant 0 : i32
        %dma_wait3A_51 = tpu.memref_slice %arg5[%dma_wait3A_49, %dma_wait3A_50] : memref<10000x128xf32, #tpu.memory_space<hbm>> -> memref<10000x128xf32, #tpu.memory_space<hbm>>
        tpu.wait_indirect_dma semaphore(%arg16 : memref<!tpu.dma_semaphore, #tpu.memory_space<semaphore_mem>>) src(%dma_wait3A_51 : memref<10000x128xf32, #tpu.memory_space<hbm>>) dst(%arg15 : memref<80x128xf32, #tpu.memory_space<vmem>>)
        "tpu.region"() ({
          %run_scoped3A = tpu.sem_alloc : memref<!tpu.dma_semaphore, #tpu.memory_space<semaphore_mem>>
          %dma_start3A_52 = arith.constant 0 : i32
          %dma_start3A_53 = tpu.memref_slice %arg14[%scan3A_41, %dma_start3A_52] : memref<125x80xi32, #tpu.memory_space<vmem>> -> memref<1x80xi32, #tpu.memory_space<vmem>>
          %dma_start3A_54 = tpu.memref_squeeze %dma_start3A_53 : memref<1x80xi32, #tpu.memory_space<vmem>> -> memref<80xi32, #tpu.memory_space<vmem>>
          %dma_start3A_55 = arith.constant 0 : i32
          %dma_start3A_56 = arith.constant 0 : i32
          %dma_start3A_57 = tpu.memref_slice %arg12[%dma_start3A_55, %dma_start3A_56] : memref<10000x128xf32, #tpu.memory_space<vmem_shared>> -> memref<10000x128xf32, #tpu.memory_space<vmem_shared>>
          tpu.enqueue_indirect_dma source(%arg15 : memref<80x128xf32, #tpu.memory_space<vmem>>) target(%dma_start3A_57 : memref<10000x128xf32, #tpu.memory_space<vmem_shared>>) offsets(%dma_start3A_54 : memref<80xi32, #tpu.memory_space<vmem>>) semaphore(%run_scoped3A : memref<!tpu.dma_semaphore, #tpu.memory_space<semaphore_mem>>) {add = true}
          %dma_wait3A_58 = arith.constant 0 : i32
          %dma_wait3A_59 = tpu.memref_slice %arg14[%scan3A_41, %dma_wait3A_58] : memref<125x80xi32, #tpu.memory_space<vmem>> -> memref<1x80xi32, #tpu.memory_space<vmem>>
          %dma_wait3A_60 = tpu.memref_squeeze %dma_wait3A_59 : memref<1x80xi32, #tpu.memory_space<vmem>> -> memref<80xi32, #tpu.memory_space<vmem>>
          %dma_wait3A_61 = arith.constant 0 : i32
          %dma_wait3A_62 = arith.constant 0 : i32
          %dma_wait3A_63 = tpu.memref_slice %arg12[%dma_wait3A_61, %dma_wait3A_62] : memref<10000x128xf32, #tpu.memory_space<vmem_shared>> -> memref<10000x128xf32, #tpu.memory_space<vmem_shared>>
          tpu.wait_indirect_dma semaphore(%run_scoped3A : memref<!tpu.dma_semaphore, #tpu.memory_space<semaphore_mem>>) src(%arg15 : memref<80x128xf32, #tpu.memory_space<vmem>>) dst(%dma_wait3A_63 : memref<10000x128xf32, #tpu.memory_space<vmem_shared>>)
          tpu.yield
        }) : () -> ()
      }
      %scan3A_29 = arith.constant 125 : i32
      %barrier3A_30 = arith.constant 0 : index
      tpu.barrier barrier_id(%barrier3A_30)
      %mul3A_31 = arith.constant 624 : i32
      %mul3A_32 = arith.muli %arg1, %mul3A_31 : i32
      %mul3A_33 = arith.constant 624 : i32
      %mul3A_34 = arith.muli %arg1, %mul3A_33 : i32
      "tpu.region"() ({
        %run_scoped3A = tpu.sem_alloc : memref<!tpu.dma_semaphore, #tpu.memory_space<semaphore_mem>>
        %dma_start3A = arith.constant 0 : i32
        %dma_start3A_41 = tpu.memref_slice %arg11[%mul3A_34, %dma_start3A] : memref<10000x128xf32, #tpu.memory_space<hbm>> -> memref<624x128xf32, #tpu.memory_space<hbm>>
        %dma_start3A_42 = arith.constant 0 : i32
        %dma_start3A_43 = tpu.memref_slice %arg12[%mul3A_32, %dma_start3A_42] : memref<10000x128xf32, #tpu.memory_space<vmem_shared>> -> memref<624x128xf32, #tpu.memory_space<vmem_shared>>
        tpu.enqueue_dma source(%dma_start3A_43 : memref<624x128xf32, #tpu.memory_space<vmem_shared>>) target(%dma_start3A_41 : memref<624x128xf32, #tpu.memory_space<hbm>>) target_semaphore(%run_scoped3A : memref<!tpu.dma_semaphore, #tpu.memory_space<semaphore_mem>>)
        %dma_wait3A = arith.constant 0 : i32
        %dma_wait3A_44 = tpu.memref_slice %arg11[%mul3A_34, %dma_wait3A] : memref<10000x128xf32, #tpu.memory_space<hbm>> -> memref<624x128xf32, #tpu.memory_space<hbm>>
        %dma_wait3A_45 = arith.constant 0 : i32
        %dma_wait3A_46 = tpu.memref_slice %arg12[%mul3A_32, %dma_wait3A_45] : memref<10000x128xf32, #tpu.memory_space<vmem_shared>> -> memref<624x128xf32, #tpu.memory_space<vmem_shared>>
        tpu.wait_dma2 semaphore(%run_scoped3A : memref<!tpu.dma_semaphore, #tpu.memory_space<semaphore_mem>>) src(%dma_wait3A_46 : memref<624x128xf32, #tpu.memory_space<vmem_shared>>) dst(%dma_wait3A_44 : memref<624x128xf32, #tpu.memory_space<hbm>>)
        tpu.yield
      }) : () -> ()
      %eq3A_35 = arith.constant 0 : i32
      %eq3A_36 = arith.cmpi eq, %arg1, %eq3A_35 : i32
      %convert_element_type3A_37 = arith.extui %eq3A_36 : i1 to i32
      %cond3A_38 = arith.constant 0 : i32
      %cond3A_39 = arith.cmpi ne, %convert_element_type3A_37, %cond3A_38 : i32
      scf.if %cond3A_39 {
        "tpu.region"() ({
          %run_scoped3A = tpu.sem_alloc : memref<!tpu.dma_semaphore, #tpu.memory_space<semaphore_mem>>
          %dma_start3A = arith.constant 9984 : i32
          %dma_start3A_41 = arith.constant 0 : i32
          %dma_start3A_42 = tpu.memref_slice %arg11[%dma_start3A, %dma_start3A_41] : memref<10000x128xf32, #tpu.memory_space<hbm>> -> memref<16x128xf32, #tpu.memory_space<hbm>>
          %dma_start3A_43 = arith.constant 9984 : i32
          %dma_start3A_44 = arith.constant 0 : i32
          %dma_start3A_45 = tpu.memref_slice %arg12[%dma_start3A_43, %dma_start3A_44] : memref<10000x128xf32, #tpu.memory_space<vmem_shared>> -> memref<16x128xf32, #tpu.memory_space<vmem_shared>>
          tpu.enqueue_dma source(%dma_start3A_45 : memref<16x128xf32, #tpu.memory_space<vmem_shared>>) target(%dma_start3A_42 : memref<16x128xf32, #tpu.memory_space<hbm>>) target_semaphore(%run_scoped3A : memref<!tpu.dma_semaphore, #tpu.memory_space<semaphore_mem>>)
          %dma_wait3A = arith.constant 9984 : i32
          %dma_wait3A_46 = arith.constant 0 : i32
          %dma_wait3A_47 = tpu.memref_slice %arg11[%dma_wait3A, %dma_wait3A_46] : memref<10000x128xf32, #tpu.memory_space<hbm>> -> memref<16x128xf32, #tpu.memory_space<hbm>>
          %dma_wait3A_48 = arith.constant 9984 : i32
          %dma_wait3A_49 = arith.constant 0 : i32
          %dma_wait3A_50 = tpu.memref_slice %arg12[%dma_wait3A_48, %dma_wait3A_49] : memref<10000x128xf32, #tpu.memory_space<vmem_shared>> -> memref<16x128xf32, #tpu.memory_space<vmem_shared>>
          tpu.wait_dma2 semaphore(%run_scoped3A : memref<!tpu.dma_semaphore, #tpu.memory_space<semaphore_mem>>) src(%dma_wait3A_50 : memref<16x128xf32, #tpu.memory_space<vmem_shared>>) dst(%dma_wait3A_47 : memref<16x128xf32, #tpu.memory_space<hbm>>)
          tpu.yield
        }) : () -> ()
      } else {
      }
      %barrier3A_40 = arith.constant 0 : index
      tpu.barrier barrier_id(%barrier3A_40)
    } else {
    }
    return
  }
}

#map = affine_map<(d0, d1) -> (0, 0)>
#map1 = affine_map<(d0, d1) -> (0, 0, 0)>
module attributes {stable_mosaic.version = 14 : i64} {
  func.func @_scatter_body(%arg0: i32, %arg1: i32, %arg2: memref<10000x128xf32, #tpu.memory_space<hbm>>, %arg3: memref<10000x128xf32, #tpu.memory_space<hbm>>, %arg4: memref<10000x128xf32, #tpu.memory_space<hbm>>, %arg5: memref<10000x128xf32, #tpu.memory_space<hbm>>, %arg6: memref<16x125x80xi32, #tpu.memory_space<hbm>>, %arg7: memref<16x125x80xi32, #tpu.memory_space<hbm>>, %arg8: memref<10000x128xf32, #tpu.memory_space<hbm>>, %arg9: memref<10000x128xf32, #tpu.memory_space<hbm>>, %arg10: memref<10000x128xf32, #tpu.memory_space<hbm>>, %arg11: memref<10000x128xf32, #tpu.memory_space<hbm>>, %arg12: memref<10000x128xf32, #tpu.memory_space<vmem_shared>>, %arg13: memref<125x80xi32, #tpu.memory_space<vmem>>, %arg14: memref<125x80xi32, #tpu.memory_space<vmem>>, %arg15: memref<80x128xf32, #tpu.memory_space<vmem>>, %arg16: memref<!tpu.dma_semaphore, #tpu.memory_space<semaphore_mem>>) attributes {dimension_semantics = [#tpu.dimension_semantics<core_parallel>, #tpu.dimension_semantics<subcore_parallel>], iteration_bounds = array<i64: 2, 16>, scalar_prefetch = 0 : i64, scratch_operands = 5 : i64, tpu.core_type = #tpu.core_type<sc_vector_subcore>, window_params = [{transform_indices = #map}, {transform_indices = #map}, {transform_indices = #map}, {transform_indices = #map}, {transform_indices = #map1}, {transform_indices = #map1}, {transform_indices = #map}, {transform_indices = #map}, {transform_indices = #map}, {transform_indices = #map}]} {
    "tpu.region"() ({
      %run_scoped3A = tpu.sem_alloc : memref<!tpu.dma_semaphore, #tpu.memory_space<semaphore_mem>>
      %dma_start3A = arith.constant 0 : i32
      %dma_start3A_17 = arith.constant 0 : i32
      %dma_start3A_18 = tpu.memref_slice %arg6[%arg1, %dma_start3A, %dma_start3A_17] : memref<16x125x80xi32, #tpu.memory_space<hbm>> -> memref<1x125x80xi32, #tpu.memory_space<hbm>>
      %dma_start3A_19 = tpu.memref_squeeze %dma_start3A_18 : memref<1x125x80xi32, #tpu.memory_space<hbm>> -> memref<125x80xi32, #tpu.memory_space<hbm>>
      %dma_start3A_20 = arith.constant 0 : i32
      %dma_start3A_21 = arith.constant 0 : i32
      %dma_start3A_22 = tpu.memref_slice %arg6[%arg1, %dma_start3A_20, %dma_start3A_21] : memref<16x125x80xi32, #tpu.memory_space<hbm>> -> memref<1x125x80xi32, #tpu.memory_space<hbm>>
      %dma_start3A_23 = tpu.memref_squeeze %dma_start3A_22 : memref<1x125x80xi32, #tpu.memory_space<hbm>> -> memref<125x80xi32, #tpu.memory_space<hbm>>
      tpu.enqueue_dma source(%dma_start3A_23 : memref<125x80xi32, #tpu.memory_space<hbm>>) target(%arg13 : memref<125x80xi32, #tpu.memory_space<vmem>>) target_semaphore(%run_scoped3A : memref<!tpu.dma_semaphore, #tpu.memory_space<semaphore_mem>>)
      %dma_wait3A = arith.constant 0 : i32
      %dma_wait3A_24 = arith.constant 0 : i32
      %dma_wait3A_25 = tpu.memref_slice %arg6[%arg1, %dma_wait3A, %dma_wait3A_24] : memref<16x125x80xi32, #tpu.memory_space<hbm>> -> memref<1x125x80xi32, #tpu.memory_space<hbm>>
      %dma_wait3A_26 = tpu.memref_squeeze %dma_wait3A_25 : memref<1x125x80xi32, #tpu.memory_space<hbm>> -> memref<125x80xi32, #tpu.memory_space<hbm>>
      %dma_wait3A_27 = arith.constant 0 : i32
      %dma_wait3A_28 = arith.constant 0 : i32
      %dma_wait3A_29 = tpu.memref_slice %arg6[%arg1, %dma_wait3A_27, %dma_wait3A_28] : memref<16x125x80xi32, #tpu.memory_space<hbm>> -> memref<1x125x80xi32, #tpu.memory_space<hbm>>
      %dma_wait3A_30 = tpu.memref_squeeze %dma_wait3A_29 : memref<1x125x80xi32, #tpu.memory_space<hbm>> -> memref<125x80xi32, #tpu.memory_space<hbm>>
      tpu.wait_dma2 semaphore(%run_scoped3A : memref<!tpu.dma_semaphore, #tpu.memory_space<semaphore_mem>>) src(%dma_wait3A_30 : memref<125x80xi32, #tpu.memory_space<hbm>>) dst(%arg13 : memref<125x80xi32, #tpu.memory_space<vmem>>)
      tpu.yield
    }) : () -> ()
    "tpu.region"() ({
      %run_scoped3A = tpu.sem_alloc : memref<!tpu.dma_semaphore, #tpu.memory_space<semaphore_mem>>
      %dma_start3A = arith.constant 0 : i32
      %dma_start3A_17 = arith.constant 0 : i32
      %dma_start3A_18 = tpu.memref_slice %arg7[%arg1, %dma_start3A, %dma_start3A_17] : memref<16x125x80xi32, #tpu.memory_space<hbm>> -> memref<1x125x80xi32, #tpu.memory_space<hbm>>
      %dma_start3A_19 = tpu.memref_squeeze %dma_start3A_18 : memref<1x125x80xi32, #tpu.memory_space<hbm>> -> memref<125x80xi32, #tpu.memory_space<hbm>>
      %dma_start3A_20 = arith.constant 0 : i32
      %dma_start3A_21 = arith.constant 0 : i32
      %dma_start3A_22 = tpu.memref_slice %arg7[%arg1, %dma_start3A_20, %dma_start3A_21] : memref<16x125x80xi32, #tpu.memory_space<hbm>> -> memref<1x125x80xi32, #tpu.memory_space<hbm>>
      %dma_start3A_23 = tpu.memref_squeeze %dma_start3A_22 : memref<1x125x80xi32, #tpu.memory_space<hbm>> -> memref<125x80xi32, #tpu.memory_space<hbm>>
      tpu.enqueue_dma source(%dma_start3A_23 : memref<125x80xi32, #tpu.memory_space<hbm>>) target(%arg14 : memref<125x80xi32, #tpu.memory_space<vmem>>) target_semaphore(%run_scoped3A : memref<!tpu.dma_semaphore, #tpu.memory_space<semaphore_mem>>)
      %dma_wait3A = arith.constant 0 : i32
      %dma_wait3A_24 = arith.constant 0 : i32
      %dma_wait3A_25 = tpu.memref_slice %arg7[%arg1, %dma_wait3A, %dma_wait3A_24] : memref<16x125x80xi32, #tpu.memory_space<hbm>> -> memref<1x125x80xi32, #tpu.memory_space<hbm>>
      %dma_wait3A_26 = tpu.memref_squeeze %dma_wait3A_25 : memref<1x125x80xi32, #tpu.memory_space<hbm>> -> memref<125x80xi32, #tpu.memory_space<hbm>>
      %dma_wait3A_27 = arith.constant 0 : i32
      %dma_wait3A_28 = arith.constant 0 : i32
      %dma_wait3A_29 = tpu.memref_slice %arg7[%arg1, %dma_wait3A_27, %dma_wait3A_28] : memref<16x125x80xi32, #tpu.memory_space<hbm>> -> memref<1x125x80xi32, #tpu.memory_space<hbm>>
      %dma_wait3A_30 = tpu.memref_squeeze %dma_wait3A_29 : memref<1x125x80xi32, #tpu.memory_space<hbm>> -> memref<125x80xi32, #tpu.memory_space<hbm>>
      tpu.wait_dma2 semaphore(%run_scoped3A : memref<!tpu.dma_semaphore, #tpu.memory_space<semaphore_mem>>) src(%dma_wait3A_30 : memref<125x80xi32, #tpu.memory_space<hbm>>) dst(%arg14 : memref<125x80xi32, #tpu.memory_space<vmem>>)
      tpu.yield
    }) : () -> ()
    %eq3A = arith.constant 0 : i32
    %eq3A_0 = arith.cmpi eq, %arg0, %eq3A : i32
    %convert_element_type3A = arith.extui %eq3A_0 : i1 to i32
    %cond3A = arith.constant 0 : i32
    %cond3A_1 = arith.cmpi ne, %convert_element_type3A, %cond3A : i32
    scf.if %cond3A_1 {
      %mul3A = arith.constant 624 : i32
      %mul3A_17 = arith.muli %arg1, %mul3A : i32
      %mul3A_18 = arith.constant 624 : i32
      %mul3A_19 = arith.muli %arg1, %mul3A_18 : i32
      "tpu.region"() ({
        %run_scoped3A = tpu.sem_alloc : memref<!tpu.dma_semaphore, #tpu.memory_space<semaphore_mem>>
        %dma_start3A = arith.constant 0 : i32
        %dma_start3A_41 = tpu.memref_slice %arg12[%mul3A_19, %dma_start3A] : memref<10000x128xf32, #tpu.memory_space<vmem_shared>> -> memref<624x128xf32, #tpu.memory_space<vmem_shared>>
        %dma_start3A_42 = arith.constant 0 : i32
        %dma_start3A_43 = tpu.memref_slice %arg2[%mul3A_17, %dma_start3A_42] : memref<10000x128xf32, #tpu.memory_space<hbm>> -> memref<624x128xf32, #tpu.memory_space<hbm>>
        tpu.enqueue_dma source(%dma_start3A_43 : memref<624x128xf32, #tpu.memory_space<hbm>>) target(%dma_start3A_41 : memref<624x128xf32, #tpu.memory_space<vmem_shared>>) target_semaphore(%run_scoped3A : memref<!tpu.dma_semaphore, #tpu.memory_space<semaphore_mem>>)
        %dma_wait3A = arith.constant 0 : i32
        %dma_wait3A_44 = tpu.memref_slice %arg12[%mul3A_19, %dma_wait3A] : memref<10000x128xf32, #tpu.memory_space<vmem_shared>> -> memref<624x128xf32, #tpu.memory_space<vmem_shared>>
        %dma_wait3A_45 = arith.constant 0 : i32
        %dma_wait3A_46 = tpu.memref_slice %arg2[%mul3A_17, %dma_wait3A_45] : memref<10000x128xf32, #tpu.memory_space<hbm>> -> memref<624x128xf32, #tpu.memory_space<hbm>>
        tpu.wait_dma2 semaphore(%run_scoped3A : memref<!tpu.dma_semaphore, #tpu.memory_space<semaphore_mem>>) src(%dma_wait3A_46 : memref<624x128xf32, #tpu.memory_space<hbm>>) dst(%dma_wait3A_44 : memref<624x128xf32, #tpu.memory_space<vmem_shared>>)
        tpu.yield
      }) : () -> ()
      %eq3A_20 = arith.constant 0 : i32
      %eq3A_21 = arith.cmpi eq, %arg1, %eq3A_20 : i32
      %convert_element_type3A_22 = arith.extui %eq3A_21 : i1 to i32
      %cond3A_23 = arith.constant 0 : i32
      %cond3A_24 = arith.cmpi ne, %convert_element_type3A_22, %cond3A_23 : i32
      scf.if %cond3A_24 {
        "tpu.region"() ({
          %run_scoped3A = tpu.sem_alloc : memref<!tpu.dma_semaphore, #tpu.memory_space<semaphore_mem>>
          %dma_start3A = arith.constant 9984 : i32
          %dma_start3A_41 = arith.constant 0 : i32
          %dma_start3A_42 = tpu.memref_slice %arg12[%dma_start3A, %dma_start3A_41] : memref<10000x128xf32, #tpu.memory_space<vmem_shared>> -> memref<16x128xf32, #tpu.memory_space<vmem_shared>>
          %dma_start3A_43 = arith.constant 9984 : i32
          %dma_start3A_44 = arith.constant 0 : i32
          %dma_start3A_45 = tpu.memref_slice %arg2[%dma_start3A_43, %dma_start3A_44] : memref<10000x128xf32, #tpu.memory_space<hbm>> -> memref<16x128xf32, #tpu.memory_space<hbm>>
          tpu.enqueue_dma source(%dma_start3A_45 : memref<16x128xf32, #tpu.memory_space<hbm>>) target(%dma_start3A_42 : memref<16x128xf32, #tpu.memory_space<vmem_shared>>) target_semaphore(%run_scoped3A : memref<!tpu.dma_semaphore, #tpu.memory_space<semaphore_mem>>)
          %dma_wait3A = arith.constant 9984 : i32
          %dma_wait3A_46 = arith.constant 0 : i32
          %dma_wait3A_47 = tpu.memref_slice %arg12[%dma_wait3A, %dma_wait3A_46] : memref<10000x128xf32, #tpu.memory_space<vmem_shared>> -> memref<16x128xf32, #tpu.memory_space<vmem_shared>>
          %dma_wait3A_48 = arith.constant 9984 : i32
          %dma_wait3A_49 = arith.constant 0 : i32
          %dma_wait3A_50 = tpu.memref_slice %arg2[%dma_wait3A_48, %dma_wait3A_49] : memref<10000x128xf32, #tpu.memory_space<hbm>> -> memref<16x128xf32, #tpu.memory_space<hbm>>
          tpu.wait_dma2 semaphore(%run_scoped3A : memref<!tpu.dma_semaphore, #tpu.memory_space<semaphore_mem>>) src(%dma_wait3A_50 : memref<16x128xf32, #tpu.memory_space<hbm>>) dst(%dma_wait3A_47 : memref<16x128xf32, #tpu.memory_space<vmem_shared>>)
          tpu.yield
        }) : () -> ()
      } else {
      }
      %barrier3A = arith.constant 0 : index
      tpu.barrier barrier_id(%barrier3A)
      %scan3A = arith.constant 0 : i32
      %scan3A_25 = arith.constant 0 : i32
      %scan3A_26 = arith.constant 125 : i32
      %scan3A_27 = arith.addi %scan3A_25, %scan3A_26 : i32
      %scan3A_28 = arith.constant 1 : i32
      scf.for %scan3A_41 = %scan3A_25 to %scan3A_27 step %scan3A_28  : i32 {
        %dma_start3A = arith.constant 0 : i32
        %dma_start3A_42 = tpu.memref_slice %arg13[%scan3A_41, %dma_start3A] : memref<125x80xi32, #tpu.memory_space<vmem>> -> memref<1x80xi32, #tpu.memory_space<vmem>>
        %dma_start3A_43 = tpu.memref_squeeze %dma_start3A_42 : memref<1x80xi32, #tpu.memory_space<vmem>> -> memref<80xi32, #tpu.memory_space<vmem>>
        %dma_start3A_44 = arith.constant 0 : i32
        %dma_start3A_45 = arith.constant 0 : i32
        %dma_start3A_46 = tpu.memref_slice %arg2[%dma_start3A_44, %dma_start3A_45] : memref<10000x128xf32, #tpu.memory_space<hbm>> -> memref<10000x128xf32, #tpu.memory_space<hbm>>
        tpu.enqueue_indirect_dma source(%dma_start3A_46 : memref<10000x128xf32, #tpu.memory_space<hbm>>) target(%arg15 : memref<80x128xf32, #tpu.memory_space<vmem>>) offsets(%dma_start3A_43 : memref<80xi32, #tpu.memory_space<vmem>>) semaphore(%arg16 : memref<!tpu.dma_semaphore, #tpu.memory_space<semaphore_mem>>)
        %dma_wait3A = arith.constant 0 : i32
        %dma_wait3A_47 = tpu.memref_slice %arg13[%scan3A_41, %dma_wait3A] : memref<125x80xi32, #tpu.memory_space<vmem>> -> memref<1x80xi32, #tpu.memory_space<vmem>>
        %dma_wait3A_48 = tpu.memref_squeeze %dma_wait3A_47 : memref<1x80xi32, #tpu.memory_space<vmem>> -> memref<80xi32, #tpu.memory_space<vmem>>
        %dma_wait3A_49 = arith.constant 0 : i32
        %dma_wait3A_50 = arith.constant 0 : i32
        %dma_wait3A_51 = tpu.memref_slice %arg2[%dma_wait3A_49, %dma_wait3A_50] : memref<10000x128xf32, #tpu.memory_space<hbm>> -> memref<10000x128xf32, #tpu.memory_space<hbm>>
        tpu.wait_indirect_dma semaphore(%arg16 : memref<!tpu.dma_semaphore, #tpu.memory_space<semaphore_mem>>) src(%dma_wait3A_51 : memref<10000x128xf32, #tpu.memory_space<hbm>>) dst(%arg15 : memref<80x128xf32, #tpu.memory_space<vmem>>)
        "tpu.region"() ({
          %run_scoped3A = tpu.sem_alloc : memref<!tpu.dma_semaphore, #tpu.memory_space<semaphore_mem>>
          %dma_start3A_52 = arith.constant 0 : i32
          %dma_start3A_53 = tpu.memref_slice %arg14[%scan3A_41, %dma_start3A_52] : memref<125x80xi32, #tpu.memory_space<vmem>> -> memref<1x80xi32, #tpu.memory_space<vmem>>
          %dma_start3A_54 = tpu.memref_squeeze %dma_start3A_53 : memref<1x80xi32, #tpu.memory_space<vmem>> -> memref<80xi32, #tpu.memory_space<vmem>>
          %dma_start3A_55 = arith.constant 0 : i32
          %dma_start3A_56 = arith.constant 0 : i32
          %dma_start3A_57 = tpu.memref_slice %arg12[%dma_start3A_55, %dma_start3A_56] : memref<10000x128xf32, #tpu.memory_space<vmem_shared>> -> memref<10000x128xf32, #tpu.memory_space<vmem_shared>>
          tpu.enqueue_indirect_dma source(%arg15 : memref<80x128xf32, #tpu.memory_space<vmem>>) target(%dma_start3A_57 : memref<10000x128xf32, #tpu.memory_space<vmem_shared>>) offsets(%dma_start3A_54 : memref<80xi32, #tpu.memory_space<vmem>>) semaphore(%run_scoped3A : memref<!tpu.dma_semaphore, #tpu.memory_space<semaphore_mem>>) {add = true}
          %dma_wait3A_58 = arith.constant 0 : i32
          %dma_wait3A_59 = tpu.memref_slice %arg14[%scan3A_41, %dma_wait3A_58] : memref<125x80xi32, #tpu.memory_space<vmem>> -> memref<1x80xi32, #tpu.memory_space<vmem>>
          %dma_wait3A_60 = tpu.memref_squeeze %dma_wait3A_59 : memref<1x80xi32, #tpu.memory_space<vmem>> -> memref<80xi32, #tpu.memory_space<vmem>>
          %dma_wait3A_61 = arith.constant 0 : i32
          %dma_wait3A_62 = arith.constant 0 : i32
          %dma_wait3A_63 = tpu.memref_slice %arg12[%dma_wait3A_61, %dma_wait3A_62] : memref<10000x128xf32, #tpu.memory_space<vmem_shared>> -> memref<10000x128xf32, #tpu.memory_space<vmem_shared>>
          tpu.wait_indirect_dma semaphore(%run_scoped3A : memref<!tpu.dma_semaphore, #tpu.memory_space<semaphore_mem>>) src(%arg15 : memref<80x128xf32, #tpu.memory_space<vmem>>) dst(%dma_wait3A_63 : memref<10000x128xf32, #tpu.memory_space<vmem_shared>>)
          tpu.yield
        }) : () -> ()
      }
      %scan3A_29 = arith.constant 125 : i32
      %barrier3A_30 = arith.constant 0 : index
      tpu.barrier barrier_id(%barrier3A_30)
      %mul3A_31 = arith.constant 624 : i32
      %mul3A_32 = arith.muli %arg1, %mul3A_31 : i32
      %mul3A_33 = arith.constant 624 : i32
      %mul3A_34 = arith.muli %arg1, %mul3A_33 : i32
      "tpu.region"() ({
        %run_scoped3A = tpu.sem_alloc : memref<!tpu.dma_semaphore, #tpu.memory_space<semaphore_mem>>
        %dma_start3A = arith.constant 0 : i32
        %dma_start3A_41 = tpu.memref_slice %arg8[%mul3A_34, %dma_start3A] : memref<10000x128xf32, #tpu.memory_space<hbm>> -> memref<624x128xf32, #tpu.memory_space<hbm>>
        %dma_start3A_42 = arith.constant 0 : i32
        %dma_start3A_43 = tpu.memref_slice %arg12[%mul3A_32, %dma_start3A_42] : memref<10000x128xf32, #tpu.memory_space<vmem_shared>> -> memref<624x128xf32, #tpu.memory_space<vmem_shared>>
        tpu.enqueue_dma source(%dma_start3A_43 : memref<624x128xf32, #tpu.memory_space<vmem_shared>>) target(%dma_start3A_41 : memref<624x128xf32, #tpu.memory_space<hbm>>) target_semaphore(%run_scoped3A : memref<!tpu.dma_semaphore, #tpu.memory_space<semaphore_mem>>)
        %dma_wait3A = arith.constant 0 : i32
        %dma_wait3A_44 = tpu.memref_slice %arg8[%mul3A_34, %dma_wait3A] : memref<10000x128xf32, #tpu.memory_space<hbm>> -> memref<624x128xf32, #tpu.memory_space<hbm>>
        %dma_wait3A_45 = arith.constant 0 : i32
        %dma_wait3A_46 = tpu.memref_slice %arg12[%mul3A_32, %dma_wait3A_45] : memref<10000x128xf32, #tpu.memory_space<vmem_shared>> -> memref<624x128xf32, #tpu.memory_space<vmem_shared>>
        tpu.wait_dma2 semaphore(%run_scoped3A : memref<!tpu.dma_semaphore, #tpu.memory_space<semaphore_mem>>) src(%dma_wait3A_46 : memref<624x128xf32, #tpu.memory_space<vmem_shared>>) dst(%dma_wait3A_44 : memref<624x128xf32, #tpu.memory_space<hbm>>)
        tpu.yield
      }) : () -> ()
      %eq3A_35 = arith.constant 0 : i32
      %eq3A_36 = arith.cmpi eq, %arg1, %eq3A_35 : i32
      %convert_element_type3A_37 = arith.extui %eq3A_36 : i1 to i32
      %cond3A_38 = arith.constant 0 : i32
      %cond3A_39 = arith.cmpi ne, %convert_element_type3A_37, %cond3A_38 : i32
      scf.if %cond3A_39 {
        "tpu.region"() ({
          %run_scoped3A = tpu.sem_alloc : memref<!tpu.dma_semaphore, #tpu.memory_space<semaphore_mem>>
          %dma_start3A = arith.constant 9984 : i32
          %dma_start3A_41 = arith.constant 0 : i32
          %dma_start3A_42 = tpu.memref_slice %arg8[%dma_start3A, %dma_start3A_41] : memref<10000x128xf32, #tpu.memory_space<hbm>> -> memref<16x128xf32, #tpu.memory_space<hbm>>
          %dma_start3A_43 = arith.constant 9984 : i32
          %dma_start3A_44 = arith.constant 0 : i32
          %dma_start3A_45 = tpu.memref_slice %arg12[%dma_start3A_43, %dma_start3A_44] : memref<10000x128xf32, #tpu.memory_space<vmem_shared>> -> memref<16x128xf32, #tpu.memory_space<vmem_shared>>
          tpu.enqueue_dma source(%dma_start3A_45 : memref<16x128xf32, #tpu.memory_space<vmem_shared>>) target(%dma_start3A_42 : memref<16x128xf32, #tpu.memory_space<hbm>>) target_semaphore(%run_scoped3A : memref<!tpu.dma_semaphore, #tpu.memory_space<semaphore_mem>>)
          %dma_wait3A = arith.constant 9984 : i32
          %dma_wait3A_46 = arith.constant 0 : i32
          %dma_wait3A_47 = tpu.memref_slice %arg8[%dma_wait3A, %dma_wait3A_46] : memref<10000x128xf32, #tpu.memory_space<hbm>> -> memref<16x128xf32, #tpu.memory_space<hbm>>
          %dma_wait3A_48 = arith.constant 9984 : i32
          %dma_wait3A_49 = arith.constant 0 : i32
          %dma_wait3A_50 = tpu.memref_slice %arg12[%dma_wait3A_48, %dma_wait3A_49] : memref<10000x128xf32, #tpu.memory_space<vmem_shared>> -> memref<16x128xf32, #tpu.memory_space<vmem_shared>>
          tpu.wait_dma2 semaphore(%run_scoped3A : memref<!tpu.dma_semaphore, #tpu.memory_space<semaphore_mem>>) src(%dma_wait3A_50 : memref<16x128xf32, #tpu.memory_space<vmem_shared>>) dst(%dma_wait3A_47 : memref<16x128xf32, #tpu.memory_space<hbm>>)
          tpu.yield
        }) : () -> ()
      } else {
      }
      %barrier3A_40 = arith.constant 0 : index
      tpu.barrier barrier_id(%barrier3A_40)
    } else {
    }
    %eq3A_2 = arith.constant 1 : i32
    %eq3A_3 = arith.cmpi eq, %arg0, %eq3A_2 : i32
    %convert_element_type3A_4 = arith.extui %eq3A_3 : i1 to i32
    %cond3A_5 = arith.constant 0 : i32
    %cond3A_6 = arith.cmpi ne, %convert_element_type3A_4, %cond3A_5 : i32
    scf.if %cond3A_6 {
      %mul3A = arith.constant 624 : i32
      %mul3A_17 = arith.muli %arg1, %mul3A : i32
      %mul3A_18 = arith.constant 624 : i32
      %mul3A_19 = arith.muli %arg1, %mul3A_18 : i32
      "tpu.region"() ({
        %run_scoped3A = tpu.sem_alloc : memref<!tpu.dma_semaphore, #tpu.memory_space<semaphore_mem>>
        %dma_start3A = arith.constant 0 : i32
        %dma_start3A_41 = tpu.memref_slice %arg12[%mul3A_19, %dma_start3A] : memref<10000x128xf32, #tpu.memory_space<vmem_shared>> -> memref<624x128xf32, #tpu.memory_space<vmem_shared>>
        %dma_start3A_42 = arith.constant 0 : i32
        %dma_start3A_43 = tpu.memref_slice %arg4[%mul3A_17, %dma_start3A_42] : memref<10000x128xf32, #tpu.memory_space<hbm>> -> memref<624x128xf32, #tpu.memory_space<hbm>>
        tpu.enqueue_dma source(%dma_start3A_43 : memref<624x128xf32, #tpu.memory_space<hbm>>) target(%dma_start3A_41 : memref<624x128xf32, #tpu.memory_space<vmem_shared>>) target_semaphore(%run_scoped3A : memref<!tpu.dma_semaphore, #tpu.memory_space<semaphore_mem>>)
        %dma_wait3A = arith.constant 0 : i32
        %dma_wait3A_44 = tpu.memref_slice %arg12[%mul3A_19, %dma_wait3A] : memref<10000x128xf32, #tpu.memory_space<vmem_shared>> -> memref<624x128xf32, #tpu.memory_space<vmem_shared>>
        %dma_wait3A_45 = arith.constant 0 : i32
        %dma_wait3A_46 = tpu.memref_slice %arg4[%mul3A_17, %dma_wait3A_45] : memref<10000x128xf32, #tpu.memory_space<hbm>> -> memref<624x128xf32, #tpu.memory_space<hbm>>
        tpu.wait_dma2 semaphore(%run_scoped3A : memref<!tpu.dma_semaphore, #tpu.memory_space<semaphore_mem>>) src(%dma_wait3A_46 : memref<624x128xf32, #tpu.memory_space<hbm>>) dst(%dma_wait3A_44 : memref<624x128xf32, #tpu.memory_space<vmem_shared>>)
        tpu.yield
      }) : () -> ()
      %eq3A_20 = arith.constant 0 : i32
      %eq3A_21 = arith.cmpi eq, %arg1, %eq3A_20 : i32
      %convert_element_type3A_22 = arith.extui %eq3A_21 : i1 to i32
      %cond3A_23 = arith.constant 0 : i32
      %cond3A_24 = arith.cmpi ne, %convert_element_type3A_22, %cond3A_23 : i32
      scf.if %cond3A_24 {
        "tpu.region"() ({
          %run_scoped3A = tpu.sem_alloc : memref<!tpu.dma_semaphore, #tpu.memory_space<semaphore_mem>>
          %dma_start3A = arith.constant 9984 : i32
          %dma_start3A_41 = arith.constant 0 : i32
          %dma_start3A_42 = tpu.memref_slice %arg12[%dma_start3A, %dma_start3A_41] : memref<10000x128xf32, #tpu.memory_space<vmem_shared>> -> memref<16x128xf32, #tpu.memory_space<vmem_shared>>
          %dma_start3A_43 = arith.constant 9984 : i32
          %dma_start3A_44 = arith.constant 0 : i32
          %dma_start3A_45 = tpu.memref_slice %arg4[%dma_start3A_43, %dma_start3A_44] : memref<10000x128xf32, #tpu.memory_space<hbm>> -> memref<16x128xf32, #tpu.memory_space<hbm>>
          tpu.enqueue_dma source(%dma_start3A_45 : memref<16x128xf32, #tpu.memory_space<hbm>>) target(%dma_start3A_42 : memref<16x128xf32, #tpu.memory_space<vmem_shared>>) target_semaphore(%run_scoped3A : memref<!tpu.dma_semaphore, #tpu.memory_space<semaphore_mem>>)
          %dma_wait3A = arith.constant 9984 : i32
          %dma_wait3A_46 = arith.constant 0 : i32
          %dma_wait3A_47 = tpu.memref_slice %arg12[%dma_wait3A, %dma_wait3A_46] : memref<10000x128xf32, #tpu.memory_space<vmem_shared>> -> memref<16x128xf32, #tpu.memory_space<vmem_shared>>
          %dma_wait3A_48 = arith.constant 9984 : i32
          %dma_wait3A_49 = arith.constant 0 : i32
          %dma_wait3A_50 = tpu.memref_slice %arg4[%dma_wait3A_48, %dma_wait3A_49] : memref<10000x128xf32, #tpu.memory_space<hbm>> -> memref<16x128xf32, #tpu.memory_space<hbm>>
          tpu.wait_dma2 semaphore(%run_scoped3A : memref<!tpu.dma_semaphore, #tpu.memory_space<semaphore_mem>>) src(%dma_wait3A_50 : memref<16x128xf32, #tpu.memory_space<hbm>>) dst(%dma_wait3A_47 : memref<16x128xf32, #tpu.memory_space<vmem_shared>>)
          tpu.yield
        }) : () -> ()
      } else {
      }
      %barrier3A = arith.constant 0 : index
      tpu.barrier barrier_id(%barrier3A)
      %scan3A = arith.constant 0 : i32
      %scan3A_25 = arith.constant 0 : i32
      %scan3A_26 = arith.constant 125 : i32
      %scan3A_27 = arith.addi %scan3A_25, %scan3A_26 : i32
      %scan3A_28 = arith.constant 1 : i32
      scf.for %scan3A_41 = %scan3A_25 to %scan3A_27 step %scan3A_28  : i32 {
        %dma_start3A = arith.constant 0 : i32
        %dma_start3A_42 = tpu.memref_slice %arg13[%scan3A_41, %dma_start3A] : memref<125x80xi32, #tpu.memory_space<vmem>> -> memref<1x80xi32, #tpu.memory_space<vmem>>
        %dma_start3A_43 = tpu.memref_squeeze %dma_start3A_42 : memref<1x80xi32, #tpu.memory_space<vmem>> -> memref<80xi32, #tpu.memory_space<vmem>>
        %dma_start3A_44 = arith.constant 0 : i32
        %dma_start3A_45 = arith.constant 0 : i32
        %dma_start3A_46 = tpu.memref_slice %arg4[%dma_start3A_44, %dma_start3A_45] : memref<10000x128xf32, #tpu.memory_space<hbm>> -> memref<10000x128xf32, #tpu.memory_space<hbm>>
        tpu.enqueue_indirect_dma source(%dma_start3A_46 : memref<10000x128xf32, #tpu.memory_space<hbm>>) target(%arg15 : memref<80x128xf32, #tpu.memory_space<vmem>>) offsets(%dma_start3A_43 : memref<80xi32, #tpu.memory_space<vmem>>) semaphore(%arg16 : memref<!tpu.dma_semaphore, #tpu.memory_space<semaphore_mem>>)
        %dma_wait3A = arith.constant 0 : i32
        %dma_wait3A_47 = tpu.memref_slice %arg13[%scan3A_41, %dma_wait3A] : memref<125x80xi32, #tpu.memory_space<vmem>> -> memref<1x80xi32, #tpu.memory_space<vmem>>
        %dma_wait3A_48 = tpu.memref_squeeze %dma_wait3A_47 : memref<1x80xi32, #tpu.memory_space<vmem>> -> memref<80xi32, #tpu.memory_space<vmem>>
        %dma_wait3A_49 = arith.constant 0 : i32
        %dma_wait3A_50 = arith.constant 0 : i32
        %dma_wait3A_51 = tpu.memref_slice %arg4[%dma_wait3A_49, %dma_wait3A_50] : memref<10000x128xf32, #tpu.memory_space<hbm>> -> memref<10000x128xf32, #tpu.memory_space<hbm>>
        tpu.wait_indirect_dma semaphore(%arg16 : memref<!tpu.dma_semaphore, #tpu.memory_space<semaphore_mem>>) src(%dma_wait3A_51 : memref<10000x128xf32, #tpu.memory_space<hbm>>) dst(%arg15 : memref<80x128xf32, #tpu.memory_space<vmem>>)
        "tpu.region"() ({
          %run_scoped3A = tpu.sem_alloc : memref<!tpu.dma_semaphore, #tpu.memory_space<semaphore_mem>>
          %dma_start3A_52 = arith.constant 0 : i32
          %dma_start3A_53 = tpu.memref_slice %arg14[%scan3A_41, %dma_start3A_52] : memref<125x80xi32, #tpu.memory_space<vmem>> -> memref<1x80xi32, #tpu.memory_space<vmem>>
          %dma_start3A_54 = tpu.memref_squeeze %dma_start3A_53 : memref<1x80xi32, #tpu.memory_space<vmem>> -> memref<80xi32, #tpu.memory_space<vmem>>
          %dma_start3A_55 = arith.constant 0 : i32
          %dma_start3A_56 = arith.constant 0 : i32
          %dma_start3A_57 = tpu.memref_slice %arg12[%dma_start3A_55, %dma_start3A_56] : memref<10000x128xf32, #tpu.memory_space<vmem_shared>> -> memref<10000x128xf32, #tpu.memory_space<vmem_shared>>
          tpu.enqueue_indirect_dma source(%arg15 : memref<80x128xf32, #tpu.memory_space<vmem>>) target(%dma_start3A_57 : memref<10000x128xf32, #tpu.memory_space<vmem_shared>>) offsets(%dma_start3A_54 : memref<80xi32, #tpu.memory_space<vmem>>) semaphore(%run_scoped3A : memref<!tpu.dma_semaphore, #tpu.memory_space<semaphore_mem>>) {add = true}
          %dma_wait3A_58 = arith.constant 0 : i32
          %dma_wait3A_59 = tpu.memref_slice %arg14[%scan3A_41, %dma_wait3A_58] : memref<125x80xi32, #tpu.memory_space<vmem>> -> memref<1x80xi32, #tpu.memory_space<vmem>>
          %dma_wait3A_60 = tpu.memref_squeeze %dma_wait3A_59 : memref<1x80xi32, #tpu.memory_space<vmem>> -> memref<80xi32, #tpu.memory_space<vmem>>
          %dma_wait3A_61 = arith.constant 0 : i32
          %dma_wait3A_62 = arith.constant 0 : i32
          %dma_wait3A_63 = tpu.memref_slice %arg12[%dma_wait3A_61, %dma_wait3A_62] : memref<10000x128xf32, #tpu.memory_space<vmem_shared>> -> memref<10000x128xf32, #tpu.memory_space<vmem_shared>>
          tpu.wait_indirect_dma semaphore(%run_scoped3A : memref<!tpu.dma_semaphore, #tpu.memory_space<semaphore_mem>>) src(%arg15 : memref<80x128xf32, #tpu.memory_space<vmem>>) dst(%dma_wait3A_63 : memref<10000x128xf32, #tpu.memory_space<vmem_shared>>)
          tpu.yield
        }) : () -> ()
      }
      %scan3A_29 = arith.constant 125 : i32
      %barrier3A_30 = arith.constant 0 : index
      tpu.barrier barrier_id(%barrier3A_30)
      %mul3A_31 = arith.constant 624 : i32
      %mul3A_32 = arith.muli %arg1, %mul3A_31 : i32
      %mul3A_33 = arith.constant 624 : i32
      %mul3A_34 = arith.muli %arg1, %mul3A_33 : i32
      "tpu.region"() ({
        %run_scoped3A = tpu.sem_alloc : memref<!tpu.dma_semaphore, #tpu.memory_space<semaphore_mem>>
        %dma_start3A = arith.constant 0 : i32
        %dma_start3A_41 = tpu.memref_slice %arg10[%mul3A_34, %dma_start3A] : memref<10000x128xf32, #tpu.memory_space<hbm>> -> memref<624x128xf32, #tpu.memory_space<hbm>>
        %dma_start3A_42 = arith.constant 0 : i32
        %dma_start3A_43 = tpu.memref_slice %arg12[%mul3A_32, %dma_start3A_42] : memref<10000x128xf32, #tpu.memory_space<vmem_shared>> -> memref<624x128xf32, #tpu.memory_space<vmem_shared>>
        tpu.enqueue_dma source(%dma_start3A_43 : memref<624x128xf32, #tpu.memory_space<vmem_shared>>) target(%dma_start3A_41 : memref<624x128xf32, #tpu.memory_space<hbm>>) target_semaphore(%run_scoped3A : memref<!tpu.dma_semaphore, #tpu.memory_space<semaphore_mem>>)
        %dma_wait3A = arith.constant 0 : i32
        %dma_wait3A_44 = tpu.memref_slice %arg10[%mul3A_34, %dma_wait3A] : memref<10000x128xf32, #tpu.memory_space<hbm>> -> memref<624x128xf32, #tpu.memory_space<hbm>>
        %dma_wait3A_45 = arith.constant 0 : i32
        %dma_wait3A_46 = tpu.memref_slice %arg12[%mul3A_32, %dma_wait3A_45] : memref<10000x128xf32, #tpu.memory_space<vmem_shared>> -> memref<624x128xf32, #tpu.memory_space<vmem_shared>>
        tpu.wait_dma2 semaphore(%run_scoped3A : memref<!tpu.dma_semaphore, #tpu.memory_space<semaphore_mem>>) src(%dma_wait3A_46 : memref<624x128xf32, #tpu.memory_space<vmem_shared>>) dst(%dma_wait3A_44 : memref<624x128xf32, #tpu.memory_space<hbm>>)
        tpu.yield
      }) : () -> ()
      %eq3A_35 = arith.constant 0 : i32
      %eq3A_36 = arith.cmpi eq, %arg1, %eq3A_35 : i32
      %convert_element_type3A_37 = arith.extui %eq3A_36 : i1 to i32
      %cond3A_38 = arith.constant 0 : i32
      %cond3A_39 = arith.cmpi ne, %convert_element_type3A_37, %cond3A_38 : i32
      scf.if %cond3A_39 {
        "tpu.region"() ({
          %run_scoped3A = tpu.sem_alloc : memref<!tpu.dma_semaphore, #tpu.memory_space<semaphore_mem>>
          %dma_start3A = arith.constant 9984 : i32
          %dma_start3A_41 = arith.constant 0 : i32
          %dma_start3A_42 = tpu.memref_slice %arg10[%dma_start3A, %dma_start3A_41] : memref<10000x128xf32, #tpu.memory_space<hbm>> -> memref<16x128xf32, #tpu.memory_space<hbm>>
          %dma_start3A_43 = arith.constant 9984 : i32
          %dma_start3A_44 = arith.constant 0 : i32
          %dma_start3A_45 = tpu.memref_slice %arg12[%dma_start3A_43, %dma_start3A_44] : memref<10000x128xf32, #tpu.memory_space<vmem_shared>> -> memref<16x128xf32, #tpu.memory_space<vmem_shared>>
          tpu.enqueue_dma source(%dma_start3A_45 : memref<16x128xf32, #tpu.memory_space<vmem_shared>>) target(%dma_start3A_42 : memref<16x128xf32, #tpu.memory_space<hbm>>) target_semaphore(%run_scoped3A : memref<!tpu.dma_semaphore, #tpu.memory_space<semaphore_mem>>)
          %dma_wait3A = arith.constant 9984 : i32
          %dma_wait3A_46 = arith.constant 0 : i32
          %dma_wait3A_47 = tpu.memref_slice %arg10[%dma_wait3A, %dma_wait3A_46] : memref<10000x128xf32, #tpu.memory_space<hbm>> -> memref<16x128xf32, #tpu.memory_space<hbm>>
          %dma_wait3A_48 = arith.constant 9984 : i32
          %dma_wait3A_49 = arith.constant 0 : i32
          %dma_wait3A_50 = tpu.memref_slice %arg12[%dma_wait3A_48, %dma_wait3A_49] : memref<10000x128xf32, #tpu.memory_space<vmem_shared>> -> memref<16x128xf32, #tpu.memory_space<vmem_shared>>
          tpu.wait_dma2 semaphore(%run_scoped3A : memref<!tpu.dma_semaphore, #tpu.memory_space<semaphore_mem>>) src(%dma_wait3A_50 : memref<16x128xf32, #tpu.memory_space<vmem_shared>>) dst(%dma_wait3A_47 : memref<16x128xf32, #tpu.memory_space<hbm>>)
          tpu.yield
        }) : () -> ()
      } else {
      }
      %barrier3A_40 = arith.constant 0 : index
      tpu.barrier barrier_id(%barrier3A_40)
    } else {
    }
    %eq3A_7 = arith.constant 0 : i32
    %eq3A_8 = arith.cmpi eq, %arg0, %eq3A_7 : i32
    %convert_element_type3A_9 = arith.extui %eq3A_8 : i1 to i32
    %cond3A_10 = arith.constant 0 : i32
    %cond3A_11 = arith.cmpi ne, %convert_element_type3A_9, %cond3A_10 : i32
    scf.if %cond3A_11 {
      %mul3A = arith.constant 624 : i32
      %mul3A_17 = arith.muli %arg1, %mul3A : i32
      %mul3A_18 = arith.constant 624 : i32
      %mul3A_19 = arith.muli %arg1, %mul3A_18 : i32
      "tpu.region"() ({
        %run_scoped3A = tpu.sem_alloc : memref<!tpu.dma_semaphore, #tpu.memory_space<semaphore_mem>>
        %dma_start3A = arith.constant 0 : i32
        %dma_start3A_41 = tpu.memref_slice %arg12[%mul3A_19, %dma_start3A] : memref<10000x128xf32, #tpu.memory_space<vmem_shared>> -> memref<624x128xf32, #tpu.memory_space<vmem_shared>>
        %dma_start3A_42 = arith.constant 0 : i32
        %dma_start3A_43 = tpu.memref_slice %arg3[%mul3A_17, %dma_start3A_42] : memref<10000x128xf32, #tpu.memory_space<hbm>> -> memref<624x128xf32, #tpu.memory_space<hbm>>
        tpu.enqueue_dma source(%dma_start3A_43 : memref<624x128xf32, #tpu.memory_space<hbm>>) target(%dma_start3A_41 : memref<624x128xf32, #tpu.memory_space<vmem_shared>>) target_semaphore(%run_scoped3A : memref<!tpu.dma_semaphore, #tpu.memory_space<semaphore_mem>>)
        %dma_wait3A = arith.constant 0 : i32
        %dma_wait3A_44 = tpu.memref_slice %arg12[%mul3A_19, %dma_wait3A] : memref<10000x128xf32, #tpu.memory_space<vmem_shared>> -> memref<624x128xf32, #tpu.memory_space<vmem_shared>>
        %dma_wait3A_45 = arith.constant 0 : i32
        %dma_wait3A_46 = tpu.memref_slice %arg3[%mul3A_17, %dma_wait3A_45] : memref<10000x128xf32, #tpu.memory_space<hbm>> -> memref<624x128xf32, #tpu.memory_space<hbm>>
        tpu.wait_dma2 semaphore(%run_scoped3A : memref<!tpu.dma_semaphore, #tpu.memory_space<semaphore_mem>>) src(%dma_wait3A_46 : memref<624x128xf32, #tpu.memory_space<hbm>>) dst(%dma_wait3A_44 : memref<624x128xf32, #tpu.memory_space<vmem_shared>>)
        tpu.yield
      }) : () -> ()
      %eq3A_20 = arith.constant 0 : i32
      %eq3A_21 = arith.cmpi eq, %arg1, %eq3A_20 : i32
      %convert_element_type3A_22 = arith.extui %eq3A_21 : i1 to i32
      %cond3A_23 = arith.constant 0 : i32
      %cond3A_24 = arith.cmpi ne, %convert_element_type3A_22, %cond3A_23 : i32
      scf.if %cond3A_24 {
        "tpu.region"() ({
          %run_scoped3A = tpu.sem_alloc : memref<!tpu.dma_semaphore, #tpu.memory_space<semaphore_mem>>
          %dma_start3A = arith.constant 9984 : i32
          %dma_start3A_41 = arith.constant 0 : i32
          %dma_start3A_42 = tpu.memref_slice %arg12[%dma_start3A, %dma_start3A_41] : memref<10000x128xf32, #tpu.memory_space<vmem_shared>> -> memref<16x128xf32, #tpu.memory_space<vmem_shared>>
          %dma_start3A_43 = arith.constant 9984 : i32
          %dma_start3A_44 = arith.constant 0 : i32
          %dma_start3A_45 = tpu.memref_slice %arg3[%dma_start3A_43, %dma_start3A_44] : memref<10000x128xf32, #tpu.memory_space<hbm>> -> memref<16x128xf32, #tpu.memory_space<hbm>>
          tpu.enqueue_dma source(%dma_start3A_45 : memref<16x128xf32, #tpu.memory_space<hbm>>) target(%dma_start3A_42 : memref<16x128xf32, #tpu.memory_space<vmem_shared>>) target_semaphore(%run_scoped3A : memref<!tpu.dma_semaphore, #tpu.memory_space<semaphore_mem>>)
          %dma_wait3A = arith.constant 9984 : i32
          %dma_wait3A_46 = arith.constant 0 : i32
          %dma_wait3A_47 = tpu.memref_slice %arg12[%dma_wait3A, %dma_wait3A_46] : memref<10000x128xf32, #tpu.memory_space<vmem_shared>> -> memref<16x128xf32, #tpu.memory_space<vmem_shared>>
          %dma_wait3A_48 = arith.constant 9984 : i32
          %dma_wait3A_49 = arith.constant 0 : i32
          %dma_wait3A_50 = tpu.memref_slice %arg3[%dma_wait3A_48, %dma_wait3A_49] : memref<10000x128xf32, #tpu.memory_space<hbm>> -> memref<16x128xf32, #tpu.memory_space<hbm>>
          tpu.wait_dma2 semaphore(%run_scoped3A : memref<!tpu.dma_semaphore, #tpu.memory_space<semaphore_mem>>) src(%dma_wait3A_50 : memref<16x128xf32, #tpu.memory_space<hbm>>) dst(%dma_wait3A_47 : memref<16x128xf32, #tpu.memory_space<vmem_shared>>)
          tpu.yield
        }) : () -> ()
      } else {
      }
      %barrier3A = arith.constant 0 : index
      tpu.barrier barrier_id(%barrier3A)
      %scan3A = arith.constant 0 : i32
      %scan3A_25 = arith.constant 0 : i32
      %scan3A_26 = arith.constant 125 : i32
      %scan3A_27 = arith.addi %scan3A_25, %scan3A_26 : i32
      %scan3A_28 = arith.constant 1 : i32
      scf.for %scan3A_41 = %scan3A_25 to %scan3A_27 step %scan3A_28  : i32 {
        %dma_start3A = arith.constant 0 : i32
        %dma_start3A_42 = tpu.memref_slice %arg13[%scan3A_41, %dma_start3A] : memref<125x80xi32, #tpu.memory_space<vmem>> -> memref<1x80xi32, #tpu.memory_space<vmem>>
        %dma_start3A_43 = tpu.memref_squeeze %dma_start3A_42 : memref<1x80xi32, #tpu.memory_space<vmem>> -> memref<80xi32, #tpu.memory_space<vmem>>
        %dma_start3A_44 = arith.constant 0 : i32
        %dma_start3A_45 = arith.constant 0 : i32
        %dma_start3A_46 = tpu.memref_slice %arg3[%dma_start3A_44, %dma_start3A_45] : memref<10000x128xf32, #tpu.memory_space<hbm>> -> memref<10000x128xf32, #tpu.memory_space<hbm>>
        tpu.enqueue_indirect_dma source(%dma_start3A_46 : memref<10000x128xf32, #tpu.memory_space<hbm>>) target(%arg15 : memref<80x128xf32, #tpu.memory_space<vmem>>) offsets(%dma_start3A_43 : memref<80xi32, #tpu.memory_space<vmem>>) semaphore(%arg16 : memref<!tpu.dma_semaphore, #tpu.memory_space<semaphore_mem>>)
        %dma_wait3A = arith.constant 0 : i32
        %dma_wait3A_47 = tpu.memref_slice %arg13[%scan3A_41, %dma_wait3A] : memref<125x80xi32, #tpu.memory_space<vmem>> -> memref<1x80xi32, #tpu.memory_space<vmem>>
        %dma_wait3A_48 = tpu.memref_squeeze %dma_wait3A_47 : memref<1x80xi32, #tpu.memory_space<vmem>> -> memref<80xi32, #tpu.memory_space<vmem>>
        %dma_wait3A_49 = arith.constant 0 : i32
        %dma_wait3A_50 = arith.constant 0 : i32
        %dma_wait3A_51 = tpu.memref_slice %arg3[%dma_wait3A_49, %dma_wait3A_50] : memref<10000x128xf32, #tpu.memory_space<hbm>> -> memref<10000x128xf32, #tpu.memory_space<hbm>>
        tpu.wait_indirect_dma semaphore(%arg16 : memref<!tpu.dma_semaphore, #tpu.memory_space<semaphore_mem>>) src(%dma_wait3A_51 : memref<10000x128xf32, #tpu.memory_space<hbm>>) dst(%arg15 : memref<80x128xf32, #tpu.memory_space<vmem>>)
        "tpu.region"() ({
          %run_scoped3A = tpu.sem_alloc : memref<!tpu.dma_semaphore, #tpu.memory_space<semaphore_mem>>
          %dma_start3A_52 = arith.constant 0 : i32
          %dma_start3A_53 = tpu.memref_slice %arg14[%scan3A_41, %dma_start3A_52] : memref<125x80xi32, #tpu.memory_space<vmem>> -> memref<1x80xi32, #tpu.memory_space<vmem>>
          %dma_start3A_54 = tpu.memref_squeeze %dma_start3A_53 : memref<1x80xi32, #tpu.memory_space<vmem>> -> memref<80xi32, #tpu.memory_space<vmem>>
          %dma_start3A_55 = arith.constant 0 : i32
          %dma_start3A_56 = arith.constant 0 : i32
          %dma_start3A_57 = tpu.memref_slice %arg12[%dma_start3A_55, %dma_start3A_56] : memref<10000x128xf32, #tpu.memory_space<vmem_shared>> -> memref<10000x128xf32, #tpu.memory_space<vmem_shared>>
          tpu.enqueue_indirect_dma source(%arg15 : memref<80x128xf32, #tpu.memory_space<vmem>>) target(%dma_start3A_57 : memref<10000x128xf32, #tpu.memory_space<vmem_shared>>) offsets(%dma_start3A_54 : memref<80xi32, #tpu.memory_space<vmem>>) semaphore(%run_scoped3A : memref<!tpu.dma_semaphore, #tpu.memory_space<semaphore_mem>>) {add = true}
          %dma_wait3A_58 = arith.constant 0 : i32
          %dma_wait3A_59 = tpu.memref_slice %arg14[%scan3A_41, %dma_wait3A_58] : memref<125x80xi32, #tpu.memory_space<vmem>> -> memref<1x80xi32, #tpu.memory_space<vmem>>
          %dma_wait3A_60 = tpu.memref_squeeze %dma_wait3A_59 : memref<1x80xi32, #tpu.memory_space<vmem>> -> memref<80xi32, #tpu.memory_space<vmem>>
          %dma_wait3A_61 = arith.constant 0 : i32
          %dma_wait3A_62 = arith.constant 0 : i32
          %dma_wait3A_63 = tpu.memref_slice %arg12[%dma_wait3A_61, %dma_wait3A_62] : memref<10000x128xf32, #tpu.memory_space<vmem_shared>> -> memref<10000x128xf32, #tpu.memory_space<vmem_shared>>
          tpu.wait_indirect_dma semaphore(%run_scoped3A : memref<!tpu.dma_semaphore, #tpu.memory_space<semaphore_mem>>) src(%arg15 : memref<80x128xf32, #tpu.memory_space<vmem>>) dst(%dma_wait3A_63 : memref<10000x128xf32, #tpu.memory_space<vmem_shared>>)
          tpu.yield
        }) : () -> ()
      }
      %scan3A_29 = arith.constant 125 : i32
      %barrier3A_30 = arith.constant 0 : index
      tpu.barrier barrier_id(%barrier3A_30)
      %mul3A_31 = arith.constant 624 : i32
      %mul3A_32 = arith.muli %arg1, %mul3A_31 : i32
      %mul3A_33 = arith.constant 624 : i32
      %mul3A_34 = arith.muli %arg1, %mul3A_33 : i32
      "tpu.region"() ({
        %run_scoped3A = tpu.sem_alloc : memref<!tpu.dma_semaphore, #tpu.memory_space<semaphore_mem>>
        %dma_start3A = arith.constant 0 : i32
        %dma_start3A_41 = tpu.memref_slice %arg9[%mul3A_34, %dma_start3A] : memref<10000x128xf32, #tpu.memory_space<hbm>> -> memref<624x128xf32, #tpu.memory_space<hbm>>
        %dma_start3A_42 = arith.constant 0 : i32
        %dma_start3A_43 = tpu.memref_slice %arg12[%mul3A_32, %dma_start3A_42] : memref<10000x128xf32, #tpu.memory_space<vmem_shared>> -> memref<624x128xf32, #tpu.memory_space<vmem_shared>>
        tpu.enqueue_dma source(%dma_start3A_43 : memref<624x128xf32, #tpu.memory_space<vmem_shared>>) target(%dma_start3A_41 : memref<624x128xf32, #tpu.memory_space<hbm>>) target_semaphore(%run_scoped3A : memref<!tpu.dma_semaphore, #tpu.memory_space<semaphore_mem>>)
        %dma_wait3A = arith.constant 0 : i32
        %dma_wait3A_44 = tpu.memref_slice %arg9[%mul3A_34, %dma_wait3A] : memref<10000x128xf32, #tpu.memory_space<hbm>> -> memref<624x128xf32, #tpu.memory_space<hbm>>
        %dma_wait3A_45 = arith.constant 0 : i32
        %dma_wait3A_46 = tpu.memref_slice %arg12[%mul3A_32, %dma_wait3A_45] : memref<10000x128xf32, #tpu.memory_space<vmem_shared>> -> memref<624x128xf32, #tpu.memory_space<vmem_shared>>
        tpu.wait_dma2 semaphore(%run_scoped3A : memref<!tpu.dma_semaphore, #tpu.memory_space<semaphore_mem>>) src(%dma_wait3A_46 : memref<624x128xf32, #tpu.memory_space<vmem_shared>>) dst(%dma_wait3A_44 : memref<624x128xf32, #tpu.memory_space<hbm>>)
        tpu.yield
      }) : () -> ()
      %eq3A_35 = arith.constant 0 : i32
      %eq3A_36 = arith.cmpi eq, %arg1, %eq3A_35 : i32
      %convert_element_type3A_37 = arith.extui %eq3A_36 : i1 to i32
      %cond3A_38 = arith.constant 0 : i32
      %cond3A_39 = arith.cmpi ne, %convert_element_type3A_37, %cond3A_38 : i32
      scf.if %cond3A_39 {
        "tpu.region"() ({
          %run_scoped3A = tpu.sem_alloc : memref<!tpu.dma_semaphore, #tpu.memory_space<semaphore_mem>>
          %dma_start3A = arith.constant 9984 : i32
          %dma_start3A_41 = arith.constant 0 : i32
          %dma_start3A_42 = tpu.memref_slice %arg9[%dma_start3A, %dma_start3A_41] : memref<10000x128xf32, #tpu.memory_space<hbm>> -> memref<16x128xf32, #tpu.memory_space<hbm>>
          %dma_start3A_43 = arith.constant 9984 : i32
          %dma_start3A_44 = arith.constant 0 : i32
          %dma_start3A_45 = tpu.memref_slice %arg12[%dma_start3A_43, %dma_start3A_44] : memref<10000x128xf32, #tpu.memory_space<vmem_shared>> -> memref<16x128xf32, #tpu.memory_space<vmem_shared>>
          tpu.enqueue_dma source(%dma_start3A_45 : memref<16x128xf32, #tpu.memory_space<vmem_shared>>) target(%dma_start3A_42 : memref<16x128xf32, #tpu.memory_space<hbm>>) target_semaphore(%run_scoped3A : memref<!tpu.dma_semaphore, #tpu.memory_space<semaphore_mem>>)
          %dma_wait3A = arith.constant 9984 : i32
          %dma_wait3A_46 = arith.constant 0 : i32
          %dma_wait3A_47 = tpu.memref_slice %arg9[%dma_wait3A, %dma_wait3A_46] : memref<10000x128xf32, #tpu.memory_space<hbm>> -> memref<16x128xf32, #tpu.memory_space<hbm>>
          %dma_wait3A_48 = arith.constant 9984 : i32
          %dma_wait3A_49 = arith.constant 0 : i32
          %dma_wait3A_50 = tpu.memref_slice %arg12[%dma_wait3A_48, %dma_wait3A_49] : memref<10000x128xf32, #tpu.memory_space<vmem_shared>> -> memref<16x128xf32, #tpu.memory_space<vmem_shared>>
          tpu.wait_dma2 semaphore(%run_scoped3A : memref<!tpu.dma_semaphore, #tpu.memory_space<semaphore_mem>>) src(%dma_wait3A_50 : memref<16x128xf32, #tpu.memory_space<vmem_shared>>) dst(%dma_wait3A_47 : memref<16x128xf32, #tpu.memory_space<hbm>>)
          tpu.yield
        }) : () -> ()
      } else {
      }
      %barrier3A_40 = arith.constant 0 : index
      tpu.barrier barrier_id(%barrier3A_40)
    } else {
    }
    %eq3A_12 = arith.constant 1 : i32
    %eq3A_13 = arith.cmpi eq, %arg0, %eq3A_12 : i32
    %convert_element_type3A_14 = arith.extui %eq3A_13 : i1 to i32
    %cond3A_15 = arith.constant 0 : i32
    %cond3A_16 = arith.cmpi ne, %convert_element_type3A_14, %cond3A_15 : i32
    scf.if %cond3A_16 {
      %mul3A = arith.constant 624 : i32
      %mul3A_17 = arith.muli %arg1, %mul3A : i32
      %mul3A_18 = arith.constant 624 : i32
      %mul3A_19 = arith.muli %arg1, %mul3A_18 : i32
      "tpu.region"() ({
        %run_scoped3A = tpu.sem_alloc : memref<!tpu.dma_semaphore, #tpu.memory_space<semaphore_mem>>
        %dma_start3A = arith.constant 0 : i32
        %dma_start3A_41 = tpu.memref_slice %arg12[%mul3A_19, %dma_start3A] : memref<10000x128xf32, #tpu.memory_space<vmem_shared>> -> memref<624x128xf32, #tpu.memory_space<vmem_shared>>
        %dma_start3A_42 = arith.constant 0 : i32
        %dma_start3A_43 = tpu.memref_slice %arg5[%mul3A_17, %dma_start3A_42] : memref<10000x128xf32, #tpu.memory_space<hbm>> -> memref<624x128xf32, #tpu.memory_space<hbm>>
        tpu.enqueue_dma source(%dma_start3A_43 : memref<624x128xf32, #tpu.memory_space<hbm>>) target(%dma_start3A_41 : memref<624x128xf32, #tpu.memory_space<vmem_shared>>) target_semaphore(%run_scoped3A : memref<!tpu.dma_semaphore, #tpu.memory_space<semaphore_mem>>)
        %dma_wait3A = arith.constant 0 : i32
        %dma_wait3A_44 = tpu.memref_slice %arg12[%mul3A_19, %dma_wait3A] : memref<10000x128xf32, #tpu.memory_space<vmem_shared>> -> memref<624x128xf32, #tpu.memory_space<vmem_shared>>
        %dma_wait3A_45 = arith.constant 0 : i32
        %dma_wait3A_46 = tpu.memref_slice %arg5[%mul3A_17, %dma_wait3A_45] : memref<10000x128xf32, #tpu.memory_space<hbm>> -> memref<624x128xf32, #tpu.memory_space<hbm>>
        tpu.wait_dma2 semaphore(%run_scoped3A : memref<!tpu.dma_semaphore, #tpu.memory_space<semaphore_mem>>) src(%dma_wait3A_46 : memref<624x128xf32, #tpu.memory_space<hbm>>) dst(%dma_wait3A_44 : memref<624x128xf32, #tpu.memory_space<vmem_shared>>)
        tpu.yield
      }) : () -> ()
      %eq3A_20 = arith.constant 0 : i32
      %eq3A_21 = arith.cmpi eq, %arg1, %eq3A_20 : i32
      %convert_element_type3A_22 = arith.extui %eq3A_21 : i1 to i32
      %cond3A_23 = arith.constant 0 : i32
      %cond3A_24 = arith.cmpi ne, %convert_element_type3A_22, %cond3A_23 : i32
      scf.if %cond3A_24 {
        "tpu.region"() ({
          %run_scoped3A = tpu.sem_alloc : memref<!tpu.dma_semaphore, #tpu.memory_space<semaphore_mem>>
          %dma_start3A = arith.constant 9984 : i32
          %dma_start3A_41 = arith.constant 0 : i32
          %dma_start3A_42 = tpu.memref_slice %arg12[%dma_start3A, %dma_start3A_41] : memref<10000x128xf32, #tpu.memory_space<vmem_shared>> -> memref<16x128xf32, #tpu.memory_space<vmem_shared>>
          %dma_start3A_43 = arith.constant 9984 : i32
          %dma_start3A_44 = arith.constant 0 : i32
          %dma_start3A_45 = tpu.memref_slice %arg5[%dma_start3A_43, %dma_start3A_44] : memref<10000x128xf32, #tpu.memory_space<hbm>> -> memref<16x128xf32, #tpu.memory_space<hbm>>
          tpu.enqueue_dma source(%dma_start3A_45 : memref<16x128xf32, #tpu.memory_space<hbm>>) target(%dma_start3A_42 : memref<16x128xf32, #tpu.memory_space<vmem_shared>>) target_semaphore(%run_scoped3A : memref<!tpu.dma_semaphore, #tpu.memory_space<semaphore_mem>>)
          %dma_wait3A = arith.constant 9984 : i32
          %dma_wait3A_46 = arith.constant 0 : i32
          %dma_wait3A_47 = tpu.memref_slice %arg12[%dma_wait3A, %dma_wait3A_46] : memref<10000x128xf32, #tpu.memory_space<vmem_shared>> -> memref<16x128xf32, #tpu.memory_space<vmem_shared>>
          %dma_wait3A_48 = arith.constant 9984 : i32
          %dma_wait3A_49 = arith.constant 0 : i32
          %dma_wait3A_50 = tpu.memref_slice %arg5[%dma_wait3A_48, %dma_wait3A_49] : memref<10000x128xf32, #tpu.memory_space<hbm>> -> memref<16x128xf32, #tpu.memory_space<hbm>>
          tpu.wait_dma2 semaphore(%run_scoped3A : memref<!tpu.dma_semaphore, #tpu.memory_space<semaphore_mem>>) src(%dma_wait3A_50 : memref<16x128xf32, #tpu.memory_space<hbm>>) dst(%dma_wait3A_47 : memref<16x128xf32, #tpu.memory_space<vmem_shared>>)
          tpu.yield
        }) : () -> ()
      } else {
      }
      %barrier3A = arith.constant 0 : index
      tpu.barrier barrier_id(%barrier3A)
      %scan3A = arith.constant 0 : i32
      %scan3A_25 = arith.constant 0 : i32
      %scan3A_26 = arith.constant 125 : i32
      %scan3A_27 = arith.addi %scan3A_25, %scan3A_26 : i32
      %scan3A_28 = arith.constant 1 : i32
      scf.for %scan3A_41 = %scan3A_25 to %scan3A_27 step %scan3A_28  : i32 {
        %dma_start3A = arith.constant 0 : i32
        %dma_start3A_42 = tpu.memref_slice %arg13[%scan3A_41, %dma_start3A] : memref<125x80xi32, #tpu.memory_space<vmem>> -> memref<1x80xi32, #tpu.memory_space<vmem>>
        %dma_start3A_43 = tpu.memref_squeeze %dma_start3A_42 : memref<1x80xi32, #tpu.memory_space<vmem>> -> memref<80xi32, #tpu.memory_space<vmem>>
        %dma_start3A_44 = arith.constant 0 : i32
        %dma_start3A_45 = arith.constant 0 : i32
        %dma_start3A_46 = tpu.memref_slice %arg5[%dma_start3A_44, %dma_start3A_45] : memref<10000x128xf32, #tpu.memory_space<hbm>> -> memref<10000x128xf32, #tpu.memory_space<hbm>>
        tpu.enqueue_indirect_dma source(%dma_start3A_46 : memref<10000x128xf32, #tpu.memory_space<hbm>>) target(%arg15 : memref<80x128xf32, #tpu.memory_space<vmem>>) offsets(%dma_start3A_43 : memref<80xi32, #tpu.memory_space<vmem>>) semaphore(%arg16 : memref<!tpu.dma_semaphore, #tpu.memory_space<semaphore_mem>>)
        %dma_wait3A = arith.constant 0 : i32
        %dma_wait3A_47 = tpu.memref_slice %arg13[%scan3A_41, %dma_wait3A] : memref<125x80xi32, #tpu.memory_space<vmem>> -> memref<1x80xi32, #tpu.memory_space<vmem>>
        %dma_wait3A_48 = tpu.memref_squeeze %dma_wait3A_47 : memref<1x80xi32, #tpu.memory_space<vmem>> -> memref<80xi32, #tpu.memory_space<vmem>>
        %dma_wait3A_49 = arith.constant 0 : i32
        %dma_wait3A_50 = arith.constant 0 : i32
        %dma_wait3A_51 = tpu.memref_slice %arg5[%dma_wait3A_49, %dma_wait3A_50] : memref<10000x128xf32, #tpu.memory_space<hbm>> -> memref<10000x128xf32, #tpu.memory_space<hbm>>
        tpu.wait_indirect_dma semaphore(%arg16 : memref<!tpu.dma_semaphore, #tpu.memory_space<semaphore_mem>>) src(%dma_wait3A_51 : memref<10000x128xf32, #tpu.memory_space<hbm>>) dst(%arg15 : memref<80x128xf32, #tpu.memory_space<vmem>>)
        "tpu.region"() ({
          %run_scoped3A = tpu.sem_alloc : memref<!tpu.dma_semaphore, #tpu.memory_space<semaphore_mem>>
          %dma_start3A_52 = arith.constant 0 : i32
          %dma_start3A_53 = tpu.memref_slice %arg14[%scan3A_41, %dma_start3A_52] : memref<125x80xi32, #tpu.memory_space<vmem>> -> memref<1x80xi32, #tpu.memory_space<vmem>>
          %dma_start3A_54 = tpu.memref_squeeze %dma_start3A_53 : memref<1x80xi32, #tpu.memory_space<vmem>> -> memref<80xi32, #tpu.memory_space<vmem>>
          %dma_start3A_55 = arith.constant 0 : i32
          %dma_start3A_56 = arith.constant 0 : i32
          %dma_start3A_57 = tpu.memref_slice %arg12[%dma_start3A_55, %dma_start3A_56] : memref<10000x128xf32, #tpu.memory_space<vmem_shared>> -> memref<10000x128xf32, #tpu.memory_space<vmem_shared>>
          tpu.enqueue_indirect_dma source(%arg15 : memref<80x128xf32, #tpu.memory_space<vmem>>) target(%dma_start3A_57 : memref<10000x128xf32, #tpu.memory_space<vmem_shared>>) offsets(%dma_start3A_54 : memref<80xi32, #tpu.memory_space<vmem>>) semaphore(%run_scoped3A : memref<!tpu.dma_semaphore, #tpu.memory_space<semaphore_mem>>) {add = true}
          %dma_wait3A_58 = arith.constant 0 : i32
          %dma_wait3A_59 = tpu.memref_slice %arg14[%scan3A_41, %dma_wait3A_58] : memref<125x80xi32, #tpu.memory_space<vmem>> -> memref<1x80xi32, #tpu.memory_space<vmem>>
          %dma_wait3A_60 = tpu.memref_squeeze %dma_wait3A_59 : memref<1x80xi32, #tpu.memory_space<vmem>> -> memref<80xi32, #tpu.memory_space<vmem>>
          %dma_wait3A_61 = arith.constant 0 : i32
          %dma_wait3A_62 = arith.constant 0 : i32
          %dma_wait3A_63 = tpu.memref_slice %arg12[%dma_wait3A_61, %dma_wait3A_62] : memref<10000x128xf32, #tpu.memory_space<vmem_shared>> -> memref<10000x128xf32, #tpu.memory_space<vmem_shared>>
          tpu.wait_indirect_dma semaphore(%run_scoped3A : memref<!tpu.dma_semaphore, #tpu.memory_space<semaphore_mem>>) src(%arg15 : memref<80x128xf32, #tpu.memory_space<vmem>>) dst(%dma_wait3A_63 : memref<10000x128xf32, #tpu.memory_space<vmem_shared>>)
          tpu.yield
        }) : () -> ()
      }
      %scan3A_29 = arith.constant 125 : i32
      %barrier3A_30 = arith.constant 0 : index
      tpu.barrier barrier_id(%barrier3A_30)
      %mul3A_31 = arith.constant 624 : i32
      %mul3A_32 = arith.muli %arg1, %mul3A_31 : i32
      %mul3A_33 = arith.constant 624 : i32
      %mul3A_34 = arith.muli %arg1, %mul3A_33 : i32
      "tpu.region"() ({
        %run_scoped3A = tpu.sem_alloc : memref<!tpu.dma_semaphore, #tpu.memory_space<semaphore_mem>>
        %dma_start3A = arith.constant 0 : i32
        %dma_start3A_41 = tpu.memref_slice %arg11[%mul3A_34, %dma_start3A] : memref<10000x128xf32, #tpu.memory_space<hbm>> -> memref<624x128xf32, #tpu.memory_space<hbm>>
        %dma_start3A_42 = arith.constant 0 : i32
        %dma_start3A_43 = tpu.memref_slice %arg12[%mul3A_32, %dma_start3A_42] : memref<10000x128xf32, #tpu.memory_space<vmem_shared>> -> memref<624x128xf32, #tpu.memory_space<vmem_shared>>
        tpu.enqueue_dma source(%dma_start3A_43 : memref<624x128xf32, #tpu.memory_space<vmem_shared>>) target(%dma_start3A_41 : memref<624x128xf32, #tpu.memory_space<hbm>>) target_semaphore(%run_scoped3A : memref<!tpu.dma_semaphore, #tpu.memory_space<semaphore_mem>>)
        %dma_wait3A = arith.constant 0 : i32
        %dma_wait3A_44 = tpu.memref_slice %arg11[%mul3A_34, %dma_wait3A] : memref<10000x128xf32, #tpu.memory_space<hbm>> -> memref<624x128xf32, #tpu.memory_space<hbm>>
        %dma_wait3A_45 = arith.constant 0 : i32
        %dma_wait3A_46 = tpu.memref_slice %arg12[%mul3A_32, %dma_wait3A_45] : memref<10000x128xf32, #tpu.memory_space<vmem_shared>> -> memref<624x128xf32, #tpu.memory_space<vmem_shared>>
        tpu.wait_dma2 semaphore(%run_scoped3A : memref<!tpu.dma_semaphore, #tpu.memory_space<semaphore_mem>>) src(%dma_wait3A_46 : memref<624x128xf32, #tpu.memory_space<vmem_shared>>) dst(%dma_wait3A_44 : memref<624x128xf32, #tpu.memory_space<hbm>>)
        tpu.yield
      }) : () -> ()
      %eq3A_35 = arith.constant 0 : i32
      %eq3A_36 = arith.cmpi eq, %arg1, %eq3A_35 : i32
      %convert_element_type3A_37 = arith.extui %eq3A_36 : i1 to i32
      %cond3A_38 = arith.constant 0 : i32
      %cond3A_39 = arith.cmpi ne, %convert_element_type3A_37, %cond3A_38 : i32
      scf.if %cond3A_39 {
        "tpu.region"() ({
          %run_scoped3A = tpu.sem_alloc : memref<!tpu.dma_semaphore, #tpu.memory_space<semaphore_mem>>
          %dma_start3A = arith.constant 9984 : i32
          %dma_start3A_41 = arith.constant 0 : i32
          %dma_start3A_42 = tpu.memref_slice %arg11[%dma_start3A, %dma_start3A_41] : memref<10000x128xf32, #tpu.memory_space<hbm>> -> memref<16x128xf32, #tpu.memory_space<hbm>>
          %dma_start3A_43 = arith.constant 9984 : i32
          %dma_start3A_44 = arith.constant 0 : i32
          %dma_start3A_45 = tpu.memref_slice %arg12[%dma_start3A_43, %dma_start3A_44] : memref<10000x128xf32, #tpu.memory_space<vmem_shared>> -> memref<16x128xf32, #tpu.memory_space<vmem_shared>>
          tpu.enqueue_dma source(%dma_start3A_45 : memref<16x128xf32, #tpu.memory_space<vmem_shared>>) target(%dma_start3A_42 : memref<16x128xf32, #tpu.memory_space<hbm>>) target_semaphore(%run_scoped3A : memref<!tpu.dma_semaphore, #tpu.memory_space<semaphore_mem>>)
          %dma_wait3A = arith.constant 9984 : i32
          %dma_wait3A_46 = arith.constant 0 : i32
          %dma_wait3A_47 = tpu.memref_slice %arg11[%dma_wait3A, %dma_wait3A_46] : memref<10000x128xf32, #tpu.memory_space<hbm>> -> memref<16x128xf32, #tpu.memory_space<hbm>>
          %dma_wait3A_48 = arith.constant 9984 : i32
          %dma_wait3A_49 = arith.constant 0 : i32
          %dma_wait3A_50 = tpu.memref_slice %arg12[%dma_wait3A_48, %dma_wait3A_49] : memref<10000x128xf32, #tpu.memory_space<vmem_shared>> -> memref<16x128xf32, #tpu.memory_space<vmem_shared>>
          tpu.wait_dma2 semaphore(%run_scoped3A : memref<!tpu.dma_semaphore, #tpu.memory_space<semaphore_mem>>) src(%dma_wait3A_50 : memref<16x128xf32, #tpu.memory_space<vmem_shared>>) dst(%dma_wait3A_47 : memref<16x128xf32, #tpu.memory_space<hbm>>)
          tpu.yield
        }) : () -> ()
      } else {
      }
      %barrier3A_40 = arith.constant 0 : index
      tpu.barrier barrier_id(%barrier3A_40)
    } else {
    }
    return
  }
}

#map = affine_map<(d0, d1) -> (0, 0)>
#map1 = affine_map<(d0, d1) -> (0, 0, 0)>
module attributes {stable_mosaic.version = 14 : i64} {
  func.func @_scatter_body(%arg0: i32, %arg1: i32, %arg2: memref<10000x128xf32, #tpu.memory_space<hbm>>, %arg3: memref<10000x128xf32, #tpu.memory_space<hbm>>, %arg4: memref<10000x128xf32, #tpu.memory_space<hbm>>, %arg5: memref<10000x128xf32, #tpu.memory_space<hbm>>, %arg6: memref<16x125x80xi32, #tpu.memory_space<hbm>>, %arg7: memref<16x125x80xi32, #tpu.memory_space<hbm>>, %arg8: memref<10000x128xf32, #tpu.memory_space<hbm>>, %arg9: memref<10000x128xf32, #tpu.memory_space<hbm>>, %arg10: memref<10000x128xf32, #tpu.memory_space<hbm>>, %arg11: memref<10000x128xf32, #tpu.memory_space<hbm>>, %arg12: memref<10000x128xf32, #tpu.memory_space<vmem_shared>>, %arg13: memref<125x80xi32, #tpu.memory_space<vmem>>, %arg14: memref<125x80xi32, #tpu.memory_space<vmem>>, %arg15: memref<80x128xf32, #tpu.memory_space<vmem>>, %arg16: memref<!tpu.dma_semaphore, #tpu.memory_space<semaphore_mem>>) attributes {dimension_semantics = [#tpu.dimension_semantics<core_parallel>, #tpu.dimension_semantics<subcore_parallel>], iteration_bounds = array<i64: 2, 16>, scalar_prefetch = 0 : i64, scratch_operands = 5 : i64, tpu.core_type = #tpu.core_type<sc_vector_subcore>, window_params = [{transform_indices = #map}, {transform_indices = #map}, {transform_indices = #map}, {transform_indices = #map}, {transform_indices = #map1}, {transform_indices = #map1}, {transform_indices = #map}, {transform_indices = #map}, {transform_indices = #map}, {transform_indices = #map}]} {
    "tpu.region"() ({
      %run_scoped3A = tpu.sem_alloc : memref<!tpu.dma_semaphore, #tpu.memory_space<semaphore_mem>>
      %dma_start3A = arith.constant 0 : i32
      %dma_start3A_17 = arith.constant 0 : i32
      %dma_start3A_18 = tpu.memref_slice %arg6[%arg1, %dma_start3A, %dma_start3A_17] : memref<16x125x80xi32, #tpu.memory_space<hbm>> -> memref<1x125x80xi32, #tpu.memory_space<hbm>>
      %dma_start3A_19 = tpu.memref_squeeze %dma_start3A_18 : memref<1x125x80xi32, #tpu.memory_space<hbm>> -> memref<125x80xi32, #tpu.memory_space<hbm>>
      %dma_start3A_20 = arith.constant 0 : i32
      %dma_start3A_21 = arith.constant 0 : i32
      %dma_start3A_22 = tpu.memref_slice %arg6[%arg1, %dma_start3A_20, %dma_start3A_21] : memref<16x125x80xi32, #tpu.memory_space<hbm>> -> memref<1x125x80xi32, #tpu.memory_space<hbm>>
      %dma_start3A_23 = tpu.memref_squeeze %dma_start3A_22 : memref<1x125x80xi32, #tpu.memory_space<hbm>> -> memref<125x80xi32, #tpu.memory_space<hbm>>
      tpu.enqueue_dma source(%dma_start3A_23 : memref<125x80xi32, #tpu.memory_space<hbm>>) target(%arg13 : memref<125x80xi32, #tpu.memory_space<vmem>>) target_semaphore(%run_scoped3A : memref<!tpu.dma_semaphore, #tpu.memory_space<semaphore_mem>>)
      %dma_wait3A = arith.constant 0 : i32
      %dma_wait3A_24 = arith.constant 0 : i32
      %dma_wait3A_25 = tpu.memref_slice %arg6[%arg1, %dma_wait3A, %dma_wait3A_24] : memref<16x125x80xi32, #tpu.memory_space<hbm>> -> memref<1x125x80xi32, #tpu.memory_space<hbm>>
      %dma_wait3A_26 = tpu.memref_squeeze %dma_wait3A_25 : memref<1x125x80xi32, #tpu.memory_space<hbm>> -> memref<125x80xi32, #tpu.memory_space<hbm>>
      %dma_wait3A_27 = arith.constant 0 : i32
      %dma_wait3A_28 = arith.constant 0 : i32
      %dma_wait3A_29 = tpu.memref_slice %arg6[%arg1, %dma_wait3A_27, %dma_wait3A_28] : memref<16x125x80xi32, #tpu.memory_space<hbm>> -> memref<1x125x80xi32, #tpu.memory_space<hbm>>
      %dma_wait3A_30 = tpu.memref_squeeze %dma_wait3A_29 : memref<1x125x80xi32, #tpu.memory_space<hbm>> -> memref<125x80xi32, #tpu.memory_space<hbm>>
      tpu.wait_dma2 semaphore(%run_scoped3A : memref<!tpu.dma_semaphore, #tpu.memory_space<semaphore_mem>>) src(%dma_wait3A_30 : memref<125x80xi32, #tpu.memory_space<hbm>>) dst(%arg13 : memref<125x80xi32, #tpu.memory_space<vmem>>)
      tpu.yield
    }) : () -> ()
    "tpu.region"() ({
      %run_scoped3A = tpu.sem_alloc : memref<!tpu.dma_semaphore, #tpu.memory_space<semaphore_mem>>
      %dma_start3A = arith.constant 0 : i32
      %dma_start3A_17 = arith.constant 0 : i32
      %dma_start3A_18 = tpu.memref_slice %arg7[%arg1, %dma_start3A, %dma_start3A_17] : memref<16x125x80xi32, #tpu.memory_space<hbm>> -> memref<1x125x80xi32, #tpu.memory_space<hbm>>
      %dma_start3A_19 = tpu.memref_squeeze %dma_start3A_18 : memref<1x125x80xi32, #tpu.memory_space<hbm>> -> memref<125x80xi32, #tpu.memory_space<hbm>>
      %dma_start3A_20 = arith.constant 0 : i32
      %dma_start3A_21 = arith.constant 0 : i32
      %dma_start3A_22 = tpu.memref_slice %arg7[%arg1, %dma_start3A_20, %dma_start3A_21] : memref<16x125x80xi32, #tpu.memory_space<hbm>> -> memref<1x125x80xi32, #tpu.memory_space<hbm>>
      %dma_start3A_23 = tpu.memref_squeeze %dma_start3A_22 : memref<1x125x80xi32, #tpu.memory_space<hbm>> -> memref<125x80xi32, #tpu.memory_space<hbm>>
      tpu.enqueue_dma source(%dma_start3A_23 : memref<125x80xi32, #tpu.memory_space<hbm>>) target(%arg14 : memref<125x80xi32, #tpu.memory_space<vmem>>) target_semaphore(%run_scoped3A : memref<!tpu.dma_semaphore, #tpu.memory_space<semaphore_mem>>)
      %dma_wait3A = arith.constant 0 : i32
      %dma_wait3A_24 = arith.constant 0 : i32
      %dma_wait3A_25 = tpu.memref_slice %arg7[%arg1, %dma_wait3A, %dma_wait3A_24] : memref<16x125x80xi32, #tpu.memory_space<hbm>> -> memref<1x125x80xi32, #tpu.memory_space<hbm>>
      %dma_wait3A_26 = tpu.memref_squeeze %dma_wait3A_25 : memref<1x125x80xi32, #tpu.memory_space<hbm>> -> memref<125x80xi32, #tpu.memory_space<hbm>>
      %dma_wait3A_27 = arith.constant 0 : i32
      %dma_wait3A_28 = arith.constant 0 : i32
      %dma_wait3A_29 = tpu.memref_slice %arg7[%arg1, %dma_wait3A_27, %dma_wait3A_28] : memref<16x125x80xi32, #tpu.memory_space<hbm>> -> memref<1x125x80xi32, #tpu.memory_space<hbm>>
      %dma_wait3A_30 = tpu.memref_squeeze %dma_wait3A_29 : memref<1x125x80xi32, #tpu.memory_space<hbm>> -> memref<125x80xi32, #tpu.memory_space<hbm>>
      tpu.wait_dma2 semaphore(%run_scoped3A : memref<!tpu.dma_semaphore, #tpu.memory_space<semaphore_mem>>) src(%dma_wait3A_30 : memref<125x80xi32, #tpu.memory_space<hbm>>) dst(%arg14 : memref<125x80xi32, #tpu.memory_space<vmem>>)
      tpu.yield
    }) : () -> ()
    %eq3A = arith.constant 0 : i32
    %eq3A_0 = arith.cmpi eq, %arg0, %eq3A : i32
    %convert_element_type3A = arith.extui %eq3A_0 : i1 to i32
    %cond3A = arith.constant 0 : i32
    %cond3A_1 = arith.cmpi ne, %convert_element_type3A, %cond3A : i32
    scf.if %cond3A_1 {
      %mul3A = arith.constant 624 : i32
      %mul3A_17 = arith.muli %arg1, %mul3A : i32
      %mul3A_18 = arith.constant 624 : i32
      %mul3A_19 = arith.muli %arg1, %mul3A_18 : i32
      "tpu.region"() ({
        %run_scoped3A = tpu.sem_alloc : memref<!tpu.dma_semaphore, #tpu.memory_space<semaphore_mem>>
        %dma_start3A = arith.constant 0 : i32
        %dma_start3A_41 = tpu.memref_slice %arg12[%mul3A_19, %dma_start3A] : memref<10000x128xf32, #tpu.memory_space<vmem_shared>> -> memref<624x128xf32, #tpu.memory_space<vmem_shared>>
        %dma_start3A_42 = arith.constant 0 : i32
        %dma_start3A_43 = tpu.memref_slice %arg2[%mul3A_17, %dma_start3A_42] : memref<10000x128xf32, #tpu.memory_space<hbm>> -> memref<624x128xf32, #tpu.memory_space<hbm>>
        tpu.enqueue_dma source(%dma_start3A_43 : memref<624x128xf32, #tpu.memory_space<hbm>>) target(%dma_start3A_41 : memref<624x128xf32, #tpu.memory_space<vmem_shared>>) target_semaphore(%run_scoped3A : memref<!tpu.dma_semaphore, #tpu.memory_space<semaphore_mem>>)
        %dma_wait3A = arith.constant 0 : i32
        %dma_wait3A_44 = tpu.memref_slice %arg12[%mul3A_19, %dma_wait3A] : memref<10000x128xf32, #tpu.memory_space<vmem_shared>> -> memref<624x128xf32, #tpu.memory_space<vmem_shared>>
        %dma_wait3A_45 = arith.constant 0 : i32
        %dma_wait3A_46 = tpu.memref_slice %arg2[%mul3A_17, %dma_wait3A_45] : memref<10000x128xf32, #tpu.memory_space<hbm>> -> memref<624x128xf32, #tpu.memory_space<hbm>>
        tpu.wait_dma2 semaphore(%run_scoped3A : memref<!tpu.dma_semaphore, #tpu.memory_space<semaphore_mem>>) src(%dma_wait3A_46 : memref<624x128xf32, #tpu.memory_space<hbm>>) dst(%dma_wait3A_44 : memref<624x128xf32, #tpu.memory_space<vmem_shared>>)
        tpu.yield
      }) : () -> ()
      %eq3A_20 = arith.constant 0 : i32
      %eq3A_21 = arith.cmpi eq, %arg1, %eq3A_20 : i32
      %convert_element_type3A_22 = arith.extui %eq3A_21 : i1 to i32
      %cond3A_23 = arith.constant 0 : i32
      %cond3A_24 = arith.cmpi ne, %convert_element_type3A_22, %cond3A_23 : i32
      scf.if %cond3A_24 {
        "tpu.region"() ({
          %run_scoped3A = tpu.sem_alloc : memref<!tpu.dma_semaphore, #tpu.memory_space<semaphore_mem>>
          %dma_start3A = arith.constant 9984 : i32
          %dma_start3A_41 = arith.constant 0 : i32
          %dma_start3A_42 = tpu.memref_slice %arg12[%dma_start3A, %dma_start3A_41] : memref<10000x128xf32, #tpu.memory_space<vmem_shared>> -> memref<16x128xf32, #tpu.memory_space<vmem_shared>>
          %dma_start3A_43 = arith.constant 9984 : i32
          %dma_start3A_44 = arith.constant 0 : i32
          %dma_start3A_45 = tpu.memref_slice %arg2[%dma_start3A_43, %dma_start3A_44] : memref<10000x128xf32, #tpu.memory_space<hbm>> -> memref<16x128xf32, #tpu.memory_space<hbm>>
          tpu.enqueue_dma source(%dma_start3A_45 : memref<16x128xf32, #tpu.memory_space<hbm>>) target(%dma_start3A_42 : memref<16x128xf32, #tpu.memory_space<vmem_shared>>) target_semaphore(%run_scoped3A : memref<!tpu.dma_semaphore, #tpu.memory_space<semaphore_mem>>)
          %dma_wait3A = arith.constant 9984 : i32
          %dma_wait3A_46 = arith.constant 0 : i32
          %dma_wait3A_47 = tpu.memref_slice %arg12[%dma_wait3A, %dma_wait3A_46] : memref<10000x128xf32, #tpu.memory_space<vmem_shared>> -> memref<16x128xf32, #tpu.memory_space<vmem_shared>>
          %dma_wait3A_48 = arith.constant 9984 : i32
          %dma_wait3A_49 = arith.constant 0 : i32
          %dma_wait3A_50 = tpu.memref_slice %arg2[%dma_wait3A_48, %dma_wait3A_49] : memref<10000x128xf32, #tpu.memory_space<hbm>> -> memref<16x128xf32, #tpu.memory_space<hbm>>
          tpu.wait_dma2 semaphore(%run_scoped3A : memref<!tpu.dma_semaphore, #tpu.memory_space<semaphore_mem>>) src(%dma_wait3A_50 : memref<16x128xf32, #tpu.memory_space<hbm>>) dst(%dma_wait3A_47 : memref<16x128xf32, #tpu.memory_space<vmem_shared>>)
          tpu.yield
        }) : () -> ()
      } else {
      }
      %barrier3A = arith.constant 0 : index
      tpu.barrier barrier_id(%barrier3A)
      %scan3A = arith.constant 0 : i32
      %scan3A_25 = arith.constant 0 : i32
      %scan3A_26 = arith.constant 125 : i32
      %scan3A_27 = arith.addi %scan3A_25, %scan3A_26 : i32
      %scan3A_28 = arith.constant 1 : i32
      scf.for %scan3A_41 = %scan3A_25 to %scan3A_27 step %scan3A_28  : i32 {
        %dma_start3A = arith.constant 0 : i32
        %dma_start3A_42 = tpu.memref_slice %arg13[%scan3A_41, %dma_start3A] : memref<125x80xi32, #tpu.memory_space<vmem>> -> memref<1x80xi32, #tpu.memory_space<vmem>>
        %dma_start3A_43 = tpu.memref_squeeze %dma_start3A_42 : memref<1x80xi32, #tpu.memory_space<vmem>> -> memref<80xi32, #tpu.memory_space<vmem>>
        %dma_start3A_44 = arith.constant 0 : i32
        %dma_start3A_45 = arith.constant 0 : i32
        %dma_start3A_46 = tpu.memref_slice %arg2[%dma_start3A_44, %dma_start3A_45] : memref<10000x128xf32, #tpu.memory_space<hbm>> -> memref<10000x128xf32, #tpu.memory_space<hbm>>
        tpu.enqueue_indirect_dma source(%dma_start3A_46 : memref<10000x128xf32, #tpu.memory_space<hbm>>) target(%arg15 : memref<80x128xf32, #tpu.memory_space<vmem>>) offsets(%dma_start3A_43 : memref<80xi32, #tpu.memory_space<vmem>>) semaphore(%arg16 : memref<!tpu.dma_semaphore, #tpu.memory_space<semaphore_mem>>)
        %dma_wait3A = arith.constant 0 : i32
        %dma_wait3A_47 = tpu.memref_slice %arg13[%scan3A_41, %dma_wait3A] : memref<125x80xi32, #tpu.memory_space<vmem>> -> memref<1x80xi32, #tpu.memory_space<vmem>>
        %dma_wait3A_48 = tpu.memref_squeeze %dma_wait3A_47 : memref<1x80xi32, #tpu.memory_space<vmem>> -> memref<80xi32, #tpu.memory_space<vmem>>
        %dma_wait3A_49 = arith.constant 0 : i32
        %dma_wait3A_50 = arith.constant 0 : i32
        %dma_wait3A_51 = tpu.memref_slice %arg2[%dma_wait3A_49, %dma_wait3A_50] : memref<10000x128xf32, #tpu.memory_space<hbm>> -> memref<10000x128xf32, #tpu.memory_space<hbm>>
        tpu.wait_indirect_dma semaphore(%arg16 : memref<!tpu.dma_semaphore, #tpu.memory_space<semaphore_mem>>) src(%dma_wait3A_51 : memref<10000x128xf32, #tpu.memory_space<hbm>>) dst(%arg15 : memref<80x128xf32, #tpu.memory_space<vmem>>)
        "tpu.region"() ({
          %run_scoped3A = tpu.sem_alloc : memref<!tpu.dma_semaphore, #tpu.memory_space<semaphore_mem>>
          %dma_start3A_52 = arith.constant 0 : i32
          %dma_start3A_53 = tpu.memref_slice %arg14[%scan3A_41, %dma_start3A_52] : memref<125x80xi32, #tpu.memory_space<vmem>> -> memref<1x80xi32, #tpu.memory_space<vmem>>
          %dma_start3A_54 = tpu.memref_squeeze %dma_start3A_53 : memref<1x80xi32, #tpu.memory_space<vmem>> -> memref<80xi32, #tpu.memory_space<vmem>>
          %dma_start3A_55 = arith.constant 0 : i32
          %dma_start3A_56 = arith.constant 0 : i32
          %dma_start3A_57 = tpu.memref_slice %arg12[%dma_start3A_55, %dma_start3A_56] : memref<10000x128xf32, #tpu.memory_space<vmem_shared>> -> memref<10000x128xf32, #tpu.memory_space<vmem_shared>>
          tpu.enqueue_indirect_dma source(%arg15 : memref<80x128xf32, #tpu.memory_space<vmem>>) target(%dma_start3A_57 : memref<10000x128xf32, #tpu.memory_space<vmem_shared>>) offsets(%dma_start3A_54 : memref<80xi32, #tpu.memory_space<vmem>>) semaphore(%run_scoped3A : memref<!tpu.dma_semaphore, #tpu.memory_space<semaphore_mem>>) {add = true}
          %dma_wait3A_58 = arith.constant 0 : i32
          %dma_wait3A_59 = tpu.memref_slice %arg14[%scan3A_41, %dma_wait3A_58] : memref<125x80xi32, #tpu.memory_space<vmem>> -> memref<1x80xi32, #tpu.memory_space<vmem>>
          %dma_wait3A_60 = tpu.memref_squeeze %dma_wait3A_59 : memref<1x80xi32, #tpu.memory_space<vmem>> -> memref<80xi32, #tpu.memory_space<vmem>>
          %dma_wait3A_61 = arith.constant 0 : i32
          %dma_wait3A_62 = arith.constant 0 : i32
          %dma_wait3A_63 = tpu.memref_slice %arg12[%dma_wait3A_61, %dma_wait3A_62] : memref<10000x128xf32, #tpu.memory_space<vmem_shared>> -> memref<10000x128xf32, #tpu.memory_space<vmem_shared>>
          tpu.wait_indirect_dma semaphore(%run_scoped3A : memref<!tpu.dma_semaphore, #tpu.memory_space<semaphore_mem>>) src(%arg15 : memref<80x128xf32, #tpu.memory_space<vmem>>) dst(%dma_wait3A_63 : memref<10000x128xf32, #tpu.memory_space<vmem_shared>>)
          tpu.yield
        }) : () -> ()
      }
      %scan3A_29 = arith.constant 125 : i32
      %barrier3A_30 = arith.constant 0 : index
      tpu.barrier barrier_id(%barrier3A_30)
      %mul3A_31 = arith.constant 624 : i32
      %mul3A_32 = arith.muli %arg1, %mul3A_31 : i32
      %mul3A_33 = arith.constant 624 : i32
      %mul3A_34 = arith.muli %arg1, %mul3A_33 : i32
      "tpu.region"() ({
        %run_scoped3A = tpu.sem_alloc : memref<!tpu.dma_semaphore, #tpu.memory_space<semaphore_mem>>
        %dma_start3A = arith.constant 0 : i32
        %dma_start3A_41 = tpu.memref_slice %arg8[%mul3A_34, %dma_start3A] : memref<10000x128xf32, #tpu.memory_space<hbm>> -> memref<624x128xf32, #tpu.memory_space<hbm>>
        %dma_start3A_42 = arith.constant 0 : i32
        %dma_start3A_43 = tpu.memref_slice %arg12[%mul3A_32, %dma_start3A_42] : memref<10000x128xf32, #tpu.memory_space<vmem_shared>> -> memref<624x128xf32, #tpu.memory_space<vmem_shared>>
        tpu.enqueue_dma source(%dma_start3A_43 : memref<624x128xf32, #tpu.memory_space<vmem_shared>>) target(%dma_start3A_41 : memref<624x128xf32, #tpu.memory_space<hbm>>) target_semaphore(%run_scoped3A : memref<!tpu.dma_semaphore, #tpu.memory_space<semaphore_mem>>)
        %dma_wait3A = arith.constant 0 : i32
        %dma_wait3A_44 = tpu.memref_slice %arg8[%mul3A_34, %dma_wait3A] : memref<10000x128xf32, #tpu.memory_space<hbm>> -> memref<624x128xf32, #tpu.memory_space<hbm>>
        %dma_wait3A_45 = arith.constant 0 : i32
        %dma_wait3A_46 = tpu.memref_slice %arg12[%mul3A_32, %dma_wait3A_45] : memref<10000x128xf32, #tpu.memory_space<vmem_shared>> -> memref<624x128xf32, #tpu.memory_space<vmem_shared>>
        tpu.wait_dma2 semaphore(%run_scoped3A : memref<!tpu.dma_semaphore, #tpu.memory_space<semaphore_mem>>) src(%dma_wait3A_46 : memref<624x128xf32, #tpu.memory_space<vmem_shared>>) dst(%dma_wait3A_44 : memref<624x128xf32, #tpu.memory_space<hbm>>)
        tpu.yield
      }) : () -> ()
      %eq3A_35 = arith.constant 0 : i32
      %eq3A_36 = arith.cmpi eq, %arg1, %eq3A_35 : i32
      %convert_element_type3A_37 = arith.extui %eq3A_36 : i1 to i32
      %cond3A_38 = arith.constant 0 : i32
      %cond3A_39 = arith.cmpi ne, %convert_element_type3A_37, %cond3A_38 : i32
      scf.if %cond3A_39 {
        "tpu.region"() ({
          %run_scoped3A = tpu.sem_alloc : memref<!tpu.dma_semaphore, #tpu.memory_space<semaphore_mem>>
          %dma_start3A = arith.constant 9984 : i32
          %dma_start3A_41 = arith.constant 0 : i32
          %dma_start3A_42 = tpu.memref_slice %arg8[%dma_start3A, %dma_start3A_41] : memref<10000x128xf32, #tpu.memory_space<hbm>> -> memref<16x128xf32, #tpu.memory_space<hbm>>
          %dma_start3A_43 = arith.constant 9984 : i32
          %dma_start3A_44 = arith.constant 0 : i32
          %dma_start3A_45 = tpu.memref_slice %arg12[%dma_start3A_43, %dma_start3A_44] : memref<10000x128xf32, #tpu.memory_space<vmem_shared>> -> memref<16x128xf32, #tpu.memory_space<vmem_shared>>
          tpu.enqueue_dma source(%dma_start3A_45 : memref<16x128xf32, #tpu.memory_space<vmem_shared>>) target(%dma_start3A_42 : memref<16x128xf32, #tpu.memory_space<hbm>>) target_semaphore(%run_scoped3A : memref<!tpu.dma_semaphore, #tpu.memory_space<semaphore_mem>>)
          %dma_wait3A = arith.constant 9984 : i32
          %dma_wait3A_46 = arith.constant 0 : i32
          %dma_wait3A_47 = tpu.memref_slice %arg8[%dma_wait3A, %dma_wait3A_46] : memref<10000x128xf32, #tpu.memory_space<hbm>> -> memref<16x128xf32, #tpu.memory_space<hbm>>
          %dma_wait3A_48 = arith.constant 9984 : i32
          %dma_wait3A_49 = arith.constant 0 : i32
          %dma_wait3A_50 = tpu.memref_slice %arg12[%dma_wait3A_48, %dma_wait3A_49] : memref<10000x128xf32, #tpu.memory_space<vmem_shared>> -> memref<16x128xf32, #tpu.memory_space<vmem_shared>>
          tpu.wait_dma2 semaphore(%run_scoped3A : memref<!tpu.dma_semaphore, #tpu.memory_space<semaphore_mem>>) src(%dma_wait3A_50 : memref<16x128xf32, #tpu.memory_space<vmem_shared>>) dst(%dma_wait3A_47 : memref<16x128xf32, #tpu.memory_space<hbm>>)
          tpu.yield
        }) : () -> ()
      } else {
      }
      %barrier3A_40 = arith.constant 0 : index
      tpu.barrier barrier_id(%barrier3A_40)
    } else {
    }
    %eq3A_2 = arith.constant 1 : i32
    %eq3A_3 = arith.cmpi eq, %arg0, %eq3A_2 : i32
    %convert_element_type3A_4 = arith.extui %eq3A_3 : i1 to i32
    %cond3A_5 = arith.constant 0 : i32
    %cond3A_6 = arith.cmpi ne, %convert_element_type3A_4, %cond3A_5 : i32
    scf.if %cond3A_6 {
      %mul3A = arith.constant 624 : i32
      %mul3A_17 = arith.muli %arg1, %mul3A : i32
      %mul3A_18 = arith.constant 624 : i32
      %mul3A_19 = arith.muli %arg1, %mul3A_18 : i32
      "tpu.region"() ({
        %run_scoped3A = tpu.sem_alloc : memref<!tpu.dma_semaphore, #tpu.memory_space<semaphore_mem>>
        %dma_start3A = arith.constant 0 : i32
        %dma_start3A_41 = tpu.memref_slice %arg12[%mul3A_19, %dma_start3A] : memref<10000x128xf32, #tpu.memory_space<vmem_shared>> -> memref<624x128xf32, #tpu.memory_space<vmem_shared>>
        %dma_start3A_42 = arith.constant 0 : i32
        %dma_start3A_43 = tpu.memref_slice %arg4[%mul3A_17, %dma_start3A_42] : memref<10000x128xf32, #tpu.memory_space<hbm>> -> memref<624x128xf32, #tpu.memory_space<hbm>>
        tpu.enqueue_dma source(%dma_start3A_43 : memref<624x128xf32, #tpu.memory_space<hbm>>) target(%dma_start3A_41 : memref<624x128xf32, #tpu.memory_space<vmem_shared>>) target_semaphore(%run_scoped3A : memref<!tpu.dma_semaphore, #tpu.memory_space<semaphore_mem>>)
        %dma_wait3A = arith.constant 0 : i32
        %dma_wait3A_44 = tpu.memref_slice %arg12[%mul3A_19, %dma_wait3A] : memref<10000x128xf32, #tpu.memory_space<vmem_shared>> -> memref<624x128xf32, #tpu.memory_space<vmem_shared>>
        %dma_wait3A_45 = arith.constant 0 : i32
        %dma_wait3A_46 = tpu.memref_slice %arg4[%mul3A_17, %dma_wait3A_45] : memref<10000x128xf32, #tpu.memory_space<hbm>> -> memref<624x128xf32, #tpu.memory_space<hbm>>
        tpu.wait_dma2 semaphore(%run_scoped3A : memref<!tpu.dma_semaphore, #tpu.memory_space<semaphore_mem>>) src(%dma_wait3A_46 : memref<624x128xf32, #tpu.memory_space<hbm>>) dst(%dma_wait3A_44 : memref<624x128xf32, #tpu.memory_space<vmem_shared>>)
        tpu.yield
      }) : () -> ()
      %eq3A_20 = arith.constant 0 : i32
      %eq3A_21 = arith.cmpi eq, %arg1, %eq3A_20 : i32
      %convert_element_type3A_22 = arith.extui %eq3A_21 : i1 to i32
      %cond3A_23 = arith.constant 0 : i32
      %cond3A_24 = arith.cmpi ne, %convert_element_type3A_22, %cond3A_23 : i32
      scf.if %cond3A_24 {
        "tpu.region"() ({
          %run_scoped3A = tpu.sem_alloc : memref<!tpu.dma_semaphore, #tpu.memory_space<semaphore_mem>>
          %dma_start3A = arith.constant 9984 : i32
          %dma_start3A_41 = arith.constant 0 : i32
          %dma_start3A_42 = tpu.memref_slice %arg12[%dma_start3A, %dma_start3A_41] : memref<10000x128xf32, #tpu.memory_space<vmem_shared>> -> memref<16x128xf32, #tpu.memory_space<vmem_shared>>
          %dma_start3A_43 = arith.constant 9984 : i32
          %dma_start3A_44 = arith.constant 0 : i32
          %dma_start3A_45 = tpu.memref_slice %arg4[%dma_start3A_43, %dma_start3A_44] : memref<10000x128xf32, #tpu.memory_space<hbm>> -> memref<16x128xf32, #tpu.memory_space<hbm>>
          tpu.enqueue_dma source(%dma_start3A_45 : memref<16x128xf32, #tpu.memory_space<hbm>>) target(%dma_start3A_42 : memref<16x128xf32, #tpu.memory_space<vmem_shared>>) target_semaphore(%run_scoped3A : memref<!tpu.dma_semaphore, #tpu.memory_space<semaphore_mem>>)
          %dma_wait3A = arith.constant 9984 : i32
          %dma_wait3A_46 = arith.constant 0 : i32
          %dma_wait3A_47 = tpu.memref_slice %arg12[%dma_wait3A, %dma_wait3A_46] : memref<10000x128xf32, #tpu.memory_space<vmem_shared>> -> memref<16x128xf32, #tpu.memory_space<vmem_shared>>
          %dma_wait3A_48 = arith.constant 9984 : i32
          %dma_wait3A_49 = arith.constant 0 : i32
          %dma_wait3A_50 = tpu.memref_slice %arg4[%dma_wait3A_48, %dma_wait3A_49] : memref<10000x128xf32, #tpu.memory_space<hbm>> -> memref<16x128xf32, #tpu.memory_space<hbm>>
          tpu.wait_dma2 semaphore(%run_scoped3A : memref<!tpu.dma_semaphore, #tpu.memory_space<semaphore_mem>>) src(%dma_wait3A_50 : memref<16x128xf32, #tpu.memory_space<hbm>>) dst(%dma_wait3A_47 : memref<16x128xf32, #tpu.memory_space<vmem_shared>>)
          tpu.yield
        }) : () -> ()
      } else {
      }
      %barrier3A = arith.constant 0 : index
      tpu.barrier barrier_id(%barrier3A)
      %scan3A = arith.constant 0 : i32
      %scan3A_25 = arith.constant 0 : i32
      %scan3A_26 = arith.constant 125 : i32
      %scan3A_27 = arith.addi %scan3A_25, %scan3A_26 : i32
      %scan3A_28 = arith.constant 1 : i32
      scf.for %scan3A_41 = %scan3A_25 to %scan3A_27 step %scan3A_28  : i32 {
        %dma_start3A = arith.constant 0 : i32
        %dma_start3A_42 = tpu.memref_slice %arg13[%scan3A_41, %dma_start3A] : memref<125x80xi32, #tpu.memory_space<vmem>> -> memref<1x80xi32, #tpu.memory_space<vmem>>
        %dma_start3A_43 = tpu.memref_squeeze %dma_start3A_42 : memref<1x80xi32, #tpu.memory_space<vmem>> -> memref<80xi32, #tpu.memory_space<vmem>>
        %dma_start3A_44 = arith.constant 0 : i32
        %dma_start3A_45 = arith.constant 0 : i32
        %dma_start3A_46 = tpu.memref_slice %arg4[%dma_start3A_44, %dma_start3A_45] : memref<10000x128xf32, #tpu.memory_space<hbm>> -> memref<10000x128xf32, #tpu.memory_space<hbm>>
        tpu.enqueue_indirect_dma source(%dma_start3A_46 : memref<10000x128xf32, #tpu.memory_space<hbm>>) target(%arg15 : memref<80x128xf32, #tpu.memory_space<vmem>>) offsets(%dma_start3A_43 : memref<80xi32, #tpu.memory_space<vmem>>) semaphore(%arg16 : memref<!tpu.dma_semaphore, #tpu.memory_space<semaphore_mem>>)
        %dma_wait3A = arith.constant 0 : i32
        %dma_wait3A_47 = tpu.memref_slice %arg13[%scan3A_41, %dma_wait3A] : memref<125x80xi32, #tpu.memory_space<vmem>> -> memref<1x80xi32, #tpu.memory_space<vmem>>
        %dma_wait3A_48 = tpu.memref_squeeze %dma_wait3A_47 : memref<1x80xi32, #tpu.memory_space<vmem>> -> memref<80xi32, #tpu.memory_space<vmem>>
        %dma_wait3A_49 = arith.constant 0 : i32
        %dma_wait3A_50 = arith.constant 0 : i32
        %dma_wait3A_51 = tpu.memref_slice %arg4[%dma_wait3A_49, %dma_wait3A_50] : memref<10000x128xf32, #tpu.memory_space<hbm>> -> memref<10000x128xf32, #tpu.memory_space<hbm>>
        tpu.wait_indirect_dma semaphore(%arg16 : memref<!tpu.dma_semaphore, #tpu.memory_space<semaphore_mem>>) src(%dma_wait3A_51 : memref<10000x128xf32, #tpu.memory_space<hbm>>) dst(%arg15 : memref<80x128xf32, #tpu.memory_space<vmem>>)
        "tpu.region"() ({
          %run_scoped3A = tpu.sem_alloc : memref<!tpu.dma_semaphore, #tpu.memory_space<semaphore_mem>>
          %dma_start3A_52 = arith.constant 0 : i32
          %dma_start3A_53 = tpu.memref_slice %arg14[%scan3A_41, %dma_start3A_52] : memref<125x80xi32, #tpu.memory_space<vmem>> -> memref<1x80xi32, #tpu.memory_space<vmem>>
          %dma_start3A_54 = tpu.memref_squeeze %dma_start3A_53 : memref<1x80xi32, #tpu.memory_space<vmem>> -> memref<80xi32, #tpu.memory_space<vmem>>
          %dma_start3A_55 = arith.constant 0 : i32
          %dma_start3A_56 = arith.constant 0 : i32
          %dma_start3A_57 = tpu.memref_slice %arg12[%dma_start3A_55, %dma_start3A_56] : memref<10000x128xf32, #tpu.memory_space<vmem_shared>> -> memref<10000x128xf32, #tpu.memory_space<vmem_shared>>
          tpu.enqueue_indirect_dma source(%arg15 : memref<80x128xf32, #tpu.memory_space<vmem>>) target(%dma_start3A_57 : memref<10000x128xf32, #tpu.memory_space<vmem_shared>>) offsets(%dma_start3A_54 : memref<80xi32, #tpu.memory_space<vmem>>) semaphore(%run_scoped3A : memref<!tpu.dma_semaphore, #tpu.memory_space<semaphore_mem>>) {add = true}
          %dma_wait3A_58 = arith.constant 0 : i32
          %dma_wait3A_59 = tpu.memref_slice %arg14[%scan3A_41, %dma_wait3A_58] : memref<125x80xi32, #tpu.memory_space<vmem>> -> memref<1x80xi32, #tpu.memory_space<vmem>>
          %dma_wait3A_60 = tpu.memref_squeeze %dma_wait3A_59 : memref<1x80xi32, #tpu.memory_space<vmem>> -> memref<80xi32, #tpu.memory_space<vmem>>
          %dma_wait3A_61 = arith.constant 0 : i32
          %dma_wait3A_62 = arith.constant 0 : i32
          %dma_wait3A_63 = tpu.memref_slice %arg12[%dma_wait3A_61, %dma_wait3A_62] : memref<10000x128xf32, #tpu.memory_space<vmem_shared>> -> memref<10000x128xf32, #tpu.memory_space<vmem_shared>>
          tpu.wait_indirect_dma semaphore(%run_scoped3A : memref<!tpu.dma_semaphore, #tpu.memory_space<semaphore_mem>>) src(%arg15 : memref<80x128xf32, #tpu.memory_space<vmem>>) dst(%dma_wait3A_63 : memref<10000x128xf32, #tpu.memory_space<vmem_shared>>)
          tpu.yield
        }) : () -> ()
      }
      %scan3A_29 = arith.constant 125 : i32
      %barrier3A_30 = arith.constant 0 : index
      tpu.barrier barrier_id(%barrier3A_30)
      %mul3A_31 = arith.constant 624 : i32
      %mul3A_32 = arith.muli %arg1, %mul3A_31 : i32
      %mul3A_33 = arith.constant 624 : i32
      %mul3A_34 = arith.muli %arg1, %mul3A_33 : i32
      "tpu.region"() ({
        %run_scoped3A = tpu.sem_alloc : memref<!tpu.dma_semaphore, #tpu.memory_space<semaphore_mem>>
        %dma_start3A = arith.constant 0 : i32
        %dma_start3A_41 = tpu.memref_slice %arg10[%mul3A_34, %dma_start3A] : memref<10000x128xf32, #tpu.memory_space<hbm>> -> memref<624x128xf32, #tpu.memory_space<hbm>>
        %dma_start3A_42 = arith.constant 0 : i32
        %dma_start3A_43 = tpu.memref_slice %arg12[%mul3A_32, %dma_start3A_42] : memref<10000x128xf32, #tpu.memory_space<vmem_shared>> -> memref<624x128xf32, #tpu.memory_space<vmem_shared>>
        tpu.enqueue_dma source(%dma_start3A_43 : memref<624x128xf32, #tpu.memory_space<vmem_shared>>) target(%dma_start3A_41 : memref<624x128xf32, #tpu.memory_space<hbm>>) target_semaphore(%run_scoped3A : memref<!tpu.dma_semaphore, #tpu.memory_space<semaphore_mem>>)
        %dma_wait3A = arith.constant 0 : i32
        %dma_wait3A_44 = tpu.memref_slice %arg10[%mul3A_34, %dma_wait3A] : memref<10000x128xf32, #tpu.memory_space<hbm>> -> memref<624x128xf32, #tpu.memory_space<hbm>>
        %dma_wait3A_45 = arith.constant 0 : i32
        %dma_wait3A_46 = tpu.memref_slice %arg12[%mul3A_32, %dma_wait3A_45] : memref<10000x128xf32, #tpu.memory_space<vmem_shared>> -> memref<624x128xf32, #tpu.memory_space<vmem_shared>>
        tpu.wait_dma2 semaphore(%run_scoped3A : memref<!tpu.dma_semaphore, #tpu.memory_space<semaphore_mem>>) src(%dma_wait3A_46 : memref<624x128xf32, #tpu.memory_space<vmem_shared>>) dst(%dma_wait3A_44 : memref<624x128xf32, #tpu.memory_space<hbm>>)
        tpu.yield
      }) : () -> ()
      %eq3A_35 = arith.constant 0 : i32
      %eq3A_36 = arith.cmpi eq, %arg1, %eq3A_35 : i32
      %convert_element_type3A_37 = arith.extui %eq3A_36 : i1 to i32
      %cond3A_38 = arith.constant 0 : i32
      %cond3A_39 = arith.cmpi ne, %convert_element_type3A_37, %cond3A_38 : i32
      scf.if %cond3A_39 {
        "tpu.region"() ({
          %run_scoped3A = tpu.sem_alloc : memref<!tpu.dma_semaphore, #tpu.memory_space<semaphore_mem>>
          %dma_start3A = arith.constant 9984 : i32
          %dma_start3A_41 = arith.constant 0 : i32
          %dma_start3A_42 = tpu.memref_slice %arg10[%dma_start3A, %dma_start3A_41] : memref<10000x128xf32, #tpu.memory_space<hbm>> -> memref<16x128xf32, #tpu.memory_space<hbm>>
          %dma_start3A_43 = arith.constant 9984 : i32
          %dma_start3A_44 = arith.constant 0 : i32
          %dma_start3A_45 = tpu.memref_slice %arg12[%dma_start3A_43, %dma_start3A_44] : memref<10000x128xf32, #tpu.memory_space<vmem_shared>> -> memref<16x128xf32, #tpu.memory_space<vmem_shared>>
          tpu.enqueue_dma source(%dma_start3A_45 : memref<16x128xf32, #tpu.memory_space<vmem_shared>>) target(%dma_start3A_42 : memref<16x128xf32, #tpu.memory_space<hbm>>) target_semaphore(%run_scoped3A : memref<!tpu.dma_semaphore, #tpu.memory_space<semaphore_mem>>)
          %dma_wait3A = arith.constant 9984 : i32
          %dma_wait3A_46 = arith.constant 0 : i32
          %dma_wait3A_47 = tpu.memref_slice %arg10[%dma_wait3A, %dma_wait3A_46] : memref<10000x128xf32, #tpu.memory_space<hbm>> -> memref<16x128xf32, #tpu.memory_space<hbm>>
          %dma_wait3A_48 = arith.constant 9984 : i32
          %dma_wait3A_49 = arith.constant 0 : i32
          %dma_wait3A_50 = tpu.memref_slice %arg12[%dma_wait3A_48, %dma_wait3A_49] : memref<10000x128xf32, #tpu.memory_space<vmem_shared>> -> memref<16x128xf32, #tpu.memory_space<vmem_shared>>
          tpu.wait_dma2 semaphore(%run_scoped3A : memref<!tpu.dma_semaphore, #tpu.memory_space<semaphore_mem>>) src(%dma_wait3A_50 : memref<16x128xf32, #tpu.memory_space<vmem_shared>>) dst(%dma_wait3A_47 : memref<16x128xf32, #tpu.memory_space<hbm>>)
          tpu.yield
        }) : () -> ()
      } else {
      }
      %barrier3A_40 = arith.constant 0 : index
      tpu.barrier barrier_id(%barrier3A_40)
    } else {
    }
    %eq3A_7 = arith.constant 0 : i32
    %eq3A_8 = arith.cmpi eq, %arg0, %eq3A_7 : i32
    %convert_element_type3A_9 = arith.extui %eq3A_8 : i1 to i32
    %cond3A_10 = arith.constant 0 : i32
    %cond3A_11 = arith.cmpi ne, %convert_element_type3A_9, %cond3A_10 : i32
    scf.if %cond3A_11 {
      %mul3A = arith.constant 624 : i32
      %mul3A_17 = arith.muli %arg1, %mul3A : i32
      %mul3A_18 = arith.constant 624 : i32
      %mul3A_19 = arith.muli %arg1, %mul3A_18 : i32
      "tpu.region"() ({
        %run_scoped3A = tpu.sem_alloc : memref<!tpu.dma_semaphore, #tpu.memory_space<semaphore_mem>>
        %dma_start3A = arith.constant 0 : i32
        %dma_start3A_41 = tpu.memref_slice %arg12[%mul3A_19, %dma_start3A] : memref<10000x128xf32, #tpu.memory_space<vmem_shared>> -> memref<624x128xf32, #tpu.memory_space<vmem_shared>>
        %dma_start3A_42 = arith.constant 0 : i32
        %dma_start3A_43 = tpu.memref_slice %arg3[%mul3A_17, %dma_start3A_42] : memref<10000x128xf32, #tpu.memory_space<hbm>> -> memref<624x128xf32, #tpu.memory_space<hbm>>
        tpu.enqueue_dma source(%dma_start3A_43 : memref<624x128xf32, #tpu.memory_space<hbm>>) target(%dma_start3A_41 : memref<624x128xf32, #tpu.memory_space<vmem_shared>>) target_semaphore(%run_scoped3A : memref<!tpu.dma_semaphore, #tpu.memory_space<semaphore_mem>>)
        %dma_wait3A = arith.constant 0 : i32
        %dma_wait3A_44 = tpu.memref_slice %arg12[%mul3A_19, %dma_wait3A] : memref<10000x128xf32, #tpu.memory_space<vmem_shared>> -> memref<624x128xf32, #tpu.memory_space<vmem_shared>>
        %dma_wait3A_45 = arith.constant 0 : i32
        %dma_wait3A_46 = tpu.memref_slice %arg3[%mul3A_17, %dma_wait3A_45] : memref<10000x128xf32, #tpu.memory_space<hbm>> -> memref<624x128xf32, #tpu.memory_space<hbm>>
        tpu.wait_dma2 semaphore(%run_scoped3A : memref<!tpu.dma_semaphore, #tpu.memory_space<semaphore_mem>>) src(%dma_wait3A_46 : memref<624x128xf32, #tpu.memory_space<hbm>>) dst(%dma_wait3A_44 : memref<624x128xf32, #tpu.memory_space<vmem_shared>>)
        tpu.yield
      }) : () -> ()
      %eq3A_20 = arith.constant 0 : i32
      %eq3A_21 = arith.cmpi eq, %arg1, %eq3A_20 : i32
      %convert_element_type3A_22 = arith.extui %eq3A_21 : i1 to i32
      %cond3A_23 = arith.constant 0 : i32
      %cond3A_24 = arith.cmpi ne, %convert_element_type3A_22, %cond3A_23 : i32
      scf.if %cond3A_24 {
        "tpu.region"() ({
          %run_scoped3A = tpu.sem_alloc : memref<!tpu.dma_semaphore, #tpu.memory_space<semaphore_mem>>
          %dma_start3A = arith.constant 9984 : i32
          %dma_start3A_41 = arith.constant 0 : i32
          %dma_start3A_42 = tpu.memref_slice %arg12[%dma_start3A, %dma_start3A_41] : memref<10000x128xf32, #tpu.memory_space<vmem_shared>> -> memref<16x128xf32, #tpu.memory_space<vmem_shared>>
          %dma_start3A_43 = arith.constant 9984 : i32
          %dma_start3A_44 = arith.constant 0 : i32
          %dma_start3A_45 = tpu.memref_slice %arg3[%dma_start3A_43, %dma_start3A_44] : memref<10000x128xf32, #tpu.memory_space<hbm>> -> memref<16x128xf32, #tpu.memory_space<hbm>>
          tpu.enqueue_dma source(%dma_start3A_45 : memref<16x128xf32, #tpu.memory_space<hbm>>) target(%dma_start3A_42 : memref<16x128xf32, #tpu.memory_space<vmem_shared>>) target_semaphore(%run_scoped3A : memref<!tpu.dma_semaphore, #tpu.memory_space<semaphore_mem>>)
          %dma_wait3A = arith.constant 9984 : i32
          %dma_wait3A_46 = arith.constant 0 : i32
          %dma_wait3A_47 = tpu.memref_slice %arg12[%dma_wait3A, %dma_wait3A_46] : memref<10000x128xf32, #tpu.memory_space<vmem_shared>> -> memref<16x128xf32, #tpu.memory_space<vmem_shared>>
          %dma_wait3A_48 = arith.constant 9984 : i32
          %dma_wait3A_49 = arith.constant 0 : i32
          %dma_wait3A_50 = tpu.memref_slice %arg3[%dma_wait3A_48, %dma_wait3A_49] : memref<10000x128xf32, #tpu.memory_space<hbm>> -> memref<16x128xf32, #tpu.memory_space<hbm>>
          tpu.wait_dma2 semaphore(%run_scoped3A : memref<!tpu.dma_semaphore, #tpu.memory_space<semaphore_mem>>) src(%dma_wait3A_50 : memref<16x128xf32, #tpu.memory_space<hbm>>) dst(%dma_wait3A_47 : memref<16x128xf32, #tpu.memory_space<vmem_shared>>)
          tpu.yield
        }) : () -> ()
      } else {
      }
      %barrier3A = arith.constant 0 : index
      tpu.barrier barrier_id(%barrier3A)
      %scan3A = arith.constant 0 : i32
      %scan3A_25 = arith.constant 0 : i32
      %scan3A_26 = arith.constant 125 : i32
      %scan3A_27 = arith.addi %scan3A_25, %scan3A_26 : i32
      %scan3A_28 = arith.constant 1 : i32
      scf.for %scan3A_41 = %scan3A_25 to %scan3A_27 step %scan3A_28  : i32 {
        %dma_start3A = arith.constant 0 : i32
        %dma_start3A_42 = tpu.memref_slice %arg13[%scan3A_41, %dma_start3A] : memref<125x80xi32, #tpu.memory_space<vmem>> -> memref<1x80xi32, #tpu.memory_space<vmem>>
        %dma_start3A_43 = tpu.memref_squeeze %dma_start3A_42 : memref<1x80xi32, #tpu.memory_space<vmem>> -> memref<80xi32, #tpu.memory_space<vmem>>
        %dma_start3A_44 = arith.constant 0 : i32
        %dma_start3A_45 = arith.constant 0 : i32
        %dma_start3A_46 = tpu.memref_slice %arg3[%dma_start3A_44, %dma_start3A_45] : memref<10000x128xf32, #tpu.memory_space<hbm>> -> memref<10000x128xf32, #tpu.memory_space<hbm>>
        tpu.enqueue_indirect_dma source(%dma_start3A_46 : memref<10000x128xf32, #tpu.memory_space<hbm>>) target(%arg15 : memref<80x128xf32, #tpu.memory_space<vmem>>) offsets(%dma_start3A_43 : memref<80xi32, #tpu.memory_space<vmem>>) semaphore(%arg16 : memref<!tpu.dma_semaphore, #tpu.memory_space<semaphore_mem>>)
        %dma_wait3A = arith.constant 0 : i32
        %dma_wait3A_47 = tpu.memref_slice %arg13[%scan3A_41, %dma_wait3A] : memref<125x80xi32, #tpu.memory_space<vmem>> -> memref<1x80xi32, #tpu.memory_space<vmem>>
        %dma_wait3A_48 = tpu.memref_squeeze %dma_wait3A_47 : memref<1x80xi32, #tpu.memory_space<vmem>> -> memref<80xi32, #tpu.memory_space<vmem>>
        %dma_wait3A_49 = arith.constant 0 : i32
        %dma_wait3A_50 = arith.constant 0 : i32
        %dma_wait3A_51 = tpu.memref_slice %arg3[%dma_wait3A_49, %dma_wait3A_50] : memref<10000x128xf32, #tpu.memory_space<hbm>> -> memref<10000x128xf32, #tpu.memory_space<hbm>>
        tpu.wait_indirect_dma semaphore(%arg16 : memref<!tpu.dma_semaphore, #tpu.memory_space<semaphore_mem>>) src(%dma_wait3A_51 : memref<10000x128xf32, #tpu.memory_space<hbm>>) dst(%arg15 : memref<80x128xf32, #tpu.memory_space<vmem>>)
        "tpu.region"() ({
          %run_scoped3A = tpu.sem_alloc : memref<!tpu.dma_semaphore, #tpu.memory_space<semaphore_mem>>
          %dma_start3A_52 = arith.constant 0 : i32
          %dma_start3A_53 = tpu.memref_slice %arg14[%scan3A_41, %dma_start3A_52] : memref<125x80xi32, #tpu.memory_space<vmem>> -> memref<1x80xi32, #tpu.memory_space<vmem>>
          %dma_start3A_54 = tpu.memref_squeeze %dma_start3A_53 : memref<1x80xi32, #tpu.memory_space<vmem>> -> memref<80xi32, #tpu.memory_space<vmem>>
          %dma_start3A_55 = arith.constant 0 : i32
          %dma_start3A_56 = arith.constant 0 : i32
          %dma_start3A_57 = tpu.memref_slice %arg12[%dma_start3A_55, %dma_start3A_56] : memref<10000x128xf32, #tpu.memory_space<vmem_shared>> -> memref<10000x128xf32, #tpu.memory_space<vmem_shared>>
          tpu.enqueue_indirect_dma source(%arg15 : memref<80x128xf32, #tpu.memory_space<vmem>>) target(%dma_start3A_57 : memref<10000x128xf32, #tpu.memory_space<vmem_shared>>) offsets(%dma_start3A_54 : memref<80xi32, #tpu.memory_space<vmem>>) semaphore(%run_scoped3A : memref<!tpu.dma_semaphore, #tpu.memory_space<semaphore_mem>>) {add = true}
          %dma_wait3A_58 = arith.constant 0 : i32
          %dma_wait3A_59 = tpu.memref_slice %arg14[%scan3A_41, %dma_wait3A_58] : memref<125x80xi32, #tpu.memory_space<vmem>> -> memref<1x80xi32, #tpu.memory_space<vmem>>
          %dma_wait3A_60 = tpu.memref_squeeze %dma_wait3A_59 : memref<1x80xi32, #tpu.memory_space<vmem>> -> memref<80xi32, #tpu.memory_space<vmem>>
          %dma_wait3A_61 = arith.constant 0 : i32
          %dma_wait3A_62 = arith.constant 0 : i32
          %dma_wait3A_63 = tpu.memref_slice %arg12[%dma_wait3A_61, %dma_wait3A_62] : memref<10000x128xf32, #tpu.memory_space<vmem_shared>> -> memref<10000x128xf32, #tpu.memory_space<vmem_shared>>
          tpu.wait_indirect_dma semaphore(%run_scoped3A : memref<!tpu.dma_semaphore, #tpu.memory_space<semaphore_mem>>) src(%arg15 : memref<80x128xf32, #tpu.memory_space<vmem>>) dst(%dma_wait3A_63 : memref<10000x128xf32, #tpu.memory_space<vmem_shared>>)
          tpu.yield
        }) : () -> ()
      }
      %scan3A_29 = arith.constant 125 : i32
      %barrier3A_30 = arith.constant 0 : index
      tpu.barrier barrier_id(%barrier3A_30)
      %mul3A_31 = arith.constant 624 : i32
      %mul3A_32 = arith.muli %arg1, %mul3A_31 : i32
      %mul3A_33 = arith.constant 624 : i32
      %mul3A_34 = arith.muli %arg1, %mul3A_33 : i32
      "tpu.region"() ({
        %run_scoped3A = tpu.sem_alloc : memref<!tpu.dma_semaphore, #tpu.memory_space<semaphore_mem>>
        %dma_start3A = arith.constant 0 : i32
        %dma_start3A_41 = tpu.memref_slice %arg9[%mul3A_34, %dma_start3A] : memref<10000x128xf32, #tpu.memory_space<hbm>> -> memref<624x128xf32, #tpu.memory_space<hbm>>
        %dma_start3A_42 = arith.constant 0 : i32
        %dma_start3A_43 = tpu.memref_slice %arg12[%mul3A_32, %dma_start3A_42] : memref<10000x128xf32, #tpu.memory_space<vmem_shared>> -> memref<624x128xf32, #tpu.memory_space<vmem_shared>>
        tpu.enqueue_dma source(%dma_start3A_43 : memref<624x128xf32, #tpu.memory_space<vmem_shared>>) target(%dma_start3A_41 : memref<624x128xf32, #tpu.memory_space<hbm>>) target_semaphore(%run_scoped3A : memref<!tpu.dma_semaphore, #tpu.memory_space<semaphore_mem>>)
        %dma_wait3A = arith.constant 0 : i32
        %dma_wait3A_44 = tpu.memref_slice %arg9[%mul3A_34, %dma_wait3A] : memref<10000x128xf32, #tpu.memory_space<hbm>> -> memref<624x128xf32, #tpu.memory_space<hbm>>
        %dma_wait3A_45 = arith.constant 0 : i32
        %dma_wait3A_46 = tpu.memref_slice %arg12[%mul3A_32, %dma_wait3A_45] : memref<10000x128xf32, #tpu.memory_space<vmem_shared>> -> memref<624x128xf32, #tpu.memory_space<vmem_shared>>
        tpu.wait_dma2 semaphore(%run_scoped3A : memref<!tpu.dma_semaphore, #tpu.memory_space<semaphore_mem>>) src(%dma_wait3A_46 : memref<624x128xf32, #tpu.memory_space<vmem_shared>>) dst(%dma_wait3A_44 : memref<624x128xf32, #tpu.memory_space<hbm>>)
        tpu.yield
      }) : () -> ()
      %eq3A_35 = arith.constant 0 : i32
      %eq3A_36 = arith.cmpi eq, %arg1, %eq3A_35 : i32
      %convert_element_type3A_37 = arith.extui %eq3A_36 : i1 to i32
      %cond3A_38 = arith.constant 0 : i32
      %cond3A_39 = arith.cmpi ne, %convert_element_type3A_37, %cond3A_38 : i32
      scf.if %cond3A_39 {
        "tpu.region"() ({
          %run_scoped3A = tpu.sem_alloc : memref<!tpu.dma_semaphore, #tpu.memory_space<semaphore_mem>>
          %dma_start3A = arith.constant 9984 : i32
          %dma_start3A_41 = arith.constant 0 : i32
          %dma_start3A_42 = tpu.memref_slice %arg9[%dma_start3A, %dma_start3A_41] : memref<10000x128xf32, #tpu.memory_space<hbm>> -> memref<16x128xf32, #tpu.memory_space<hbm>>
          %dma_start3A_43 = arith.constant 9984 : i32
          %dma_start3A_44 = arith.constant 0 : i32
          %dma_start3A_45 = tpu.memref_slice %arg12[%dma_start3A_43, %dma_start3A_44] : memref<10000x128xf32, #tpu.memory_space<vmem_shared>> -> memref<16x128xf32, #tpu.memory_space<vmem_shared>>
          tpu.enqueue_dma source(%dma_start3A_45 : memref<16x128xf32, #tpu.memory_space<vmem_shared>>) target(%dma_start3A_42 : memref<16x128xf32, #tpu.memory_space<hbm>>) target_semaphore(%run_scoped3A : memref<!tpu.dma_semaphore, #tpu.memory_space<semaphore_mem>>)
          %dma_wait3A = arith.constant 9984 : i32
          %dma_wait3A_46 = arith.constant 0 : i32
          %dma_wait3A_47 = tpu.memref_slice %arg9[%dma_wait3A, %dma_wait3A_46] : memref<10000x128xf32, #tpu.memory_space<hbm>> -> memref<16x128xf32, #tpu.memory_space<hbm>>
          %dma_wait3A_48 = arith.constant 9984 : i32
          %dma_wait3A_49 = arith.constant 0 : i32
          %dma_wait3A_50 = tpu.memref_slice %arg12[%dma_wait3A_48, %dma_wait3A_49] : memref<10000x128xf32, #tpu.memory_space<vmem_shared>> -> memref<16x128xf32, #tpu.memory_space<vmem_shared>>
          tpu.wait_dma2 semaphore(%run_scoped3A : memref<!tpu.dma_semaphore, #tpu.memory_space<semaphore_mem>>) src(%dma_wait3A_50 : memref<16x128xf32, #tpu.memory_space<vmem_shared>>) dst(%dma_wait3A_47 : memref<16x128xf32, #tpu.memory_space<hbm>>)
          tpu.yield
        }) : () -> ()
      } else {
      }
      %barrier3A_40 = arith.constant 0 : index
      tpu.barrier barrier_id(%barrier3A_40)
    } else {
    }
    %eq3A_12 = arith.constant 1 : i32
    %eq3A_13 = arith.cmpi eq, %arg0, %eq3A_12 : i32
    %convert_element_type3A_14 = arith.extui %eq3A_13 : i1 to i32
    %cond3A_15 = arith.constant 0 : i32
    %cond3A_16 = arith.cmpi ne, %convert_element_type3A_14, %cond3A_15 : i32
    scf.if %cond3A_16 {
      %mul3A = arith.constant 624 : i32
      %mul3A_17 = arith.muli %arg1, %mul3A : i32
      %mul3A_18 = arith.constant 624 : i32
      %mul3A_19 = arith.muli %arg1, %mul3A_18 : i32
      "tpu.region"() ({
        %run_scoped3A = tpu.sem_alloc : memref<!tpu.dma_semaphore, #tpu.memory_space<semaphore_mem>>
        %dma_start3A = arith.constant 0 : i32
        %dma_start3A_41 = tpu.memref_slice %arg12[%mul3A_19, %dma_start3A] : memref<10000x128xf32, #tpu.memory_space<vmem_shared>> -> memref<624x128xf32, #tpu.memory_space<vmem_shared>>
        %dma_start3A_42 = arith.constant 0 : i32
        %dma_start3A_43 = tpu.memref_slice %arg5[%mul3A_17, %dma_start3A_42] : memref<10000x128xf32, #tpu.memory_space<hbm>> -> memref<624x128xf32, #tpu.memory_space<hbm>>
        tpu.enqueue_dma source(%dma_start3A_43 : memref<624x128xf32, #tpu.memory_space<hbm>>) target(%dma_start3A_41 : memref<624x128xf32, #tpu.memory_space<vmem_shared>>) target_semaphore(%run_scoped3A : memref<!tpu.dma_semaphore, #tpu.memory_space<semaphore_mem>>)
        %dma_wait3A = arith.constant 0 : i32
        %dma_wait3A_44 = tpu.memref_slice %arg12[%mul3A_19, %dma_wait3A] : memref<10000x128xf32, #tpu.memory_space<vmem_shared>> -> memref<624x128xf32, #tpu.memory_space<vmem_shared>>
        %dma_wait3A_45 = arith.constant 0 : i32
        %dma_wait3A_46 = tpu.memref_slice %arg5[%mul3A_17, %dma_wait3A_45] : memref<10000x128xf32, #tpu.memory_space<hbm>> -> memref<624x128xf32, #tpu.memory_space<hbm>>
        tpu.wait_dma2 semaphore(%run_scoped3A : memref<!tpu.dma_semaphore, #tpu.memory_space<semaphore_mem>>) src(%dma_wait3A_46 : memref<624x128xf32, #tpu.memory_space<hbm>>) dst(%dma_wait3A_44 : memref<624x128xf32, #tpu.memory_space<vmem_shared>>)
        tpu.yield
      }) : () -> ()
      %eq3A_20 = arith.constant 0 : i32
      %eq3A_21 = arith.cmpi eq, %arg1, %eq3A_20 : i32
      %convert_element_type3A_22 = arith.extui %eq3A_21 : i1 to i32
      %cond3A_23 = arith.constant 0 : i32
      %cond3A_24 = arith.cmpi ne, %convert_element_type3A_22, %cond3A_23 : i32
      scf.if %cond3A_24 {
        "tpu.region"() ({
          %run_scoped3A = tpu.sem_alloc : memref<!tpu.dma_semaphore, #tpu.memory_space<semaphore_mem>>
          %dma_start3A = arith.constant 9984 : i32
          %dma_start3A_41 = arith.constant 0 : i32
          %dma_start3A_42 = tpu.memref_slice %arg12[%dma_start3A, %dma_start3A_41] : memref<10000x128xf32, #tpu.memory_space<vmem_shared>> -> memref<16x128xf32, #tpu.memory_space<vmem_shared>>
          %dma_start3A_43 = arith.constant 9984 : i32
          %dma_start3A_44 = arith.constant 0 : i32
          %dma_start3A_45 = tpu.memref_slice %arg5[%dma_start3A_43, %dma_start3A_44] : memref<10000x128xf32, #tpu.memory_space<hbm>> -> memref<16x128xf32, #tpu.memory_space<hbm>>
          tpu.enqueue_dma source(%dma_start3A_45 : memref<16x128xf32, #tpu.memory_space<hbm>>) target(%dma_start3A_42 : memref<16x128xf32, #tpu.memory_space<vmem_shared>>) target_semaphore(%run_scoped3A : memref<!tpu.dma_semaphore, #tpu.memory_space<semaphore_mem>>)
          %dma_wait3A = arith.constant 9984 : i32
          %dma_wait3A_46 = arith.constant 0 : i32
          %dma_wait3A_47 = tpu.memref_slice %arg12[%dma_wait3A, %dma_wait3A_46] : memref<10000x128xf32, #tpu.memory_space<vmem_shared>> -> memref<16x128xf32, #tpu.memory_space<vmem_shared>>
          %dma_wait3A_48 = arith.constant 9984 : i32
          %dma_wait3A_49 = arith.constant 0 : i32
          %dma_wait3A_50 = tpu.memref_slice %arg5[%dma_wait3A_48, %dma_wait3A_49] : memref<10000x128xf32, #tpu.memory_space<hbm>> -> memref<16x128xf32, #tpu.memory_space<hbm>>
          tpu.wait_dma2 semaphore(%run_scoped3A : memref<!tpu.dma_semaphore, #tpu.memory_space<semaphore_mem>>) src(%dma_wait3A_50 : memref<16x128xf32, #tpu.memory_space<hbm>>) dst(%dma_wait3A_47 : memref<16x128xf32, #tpu.memory_space<vmem_shared>>)
          tpu.yield
        }) : () -> ()
      } else {
      }
      %barrier3A = arith.constant 0 : index
      tpu.barrier barrier_id(%barrier3A)
      %scan3A = arith.constant 0 : i32
      %scan3A_25 = arith.constant 0 : i32
      %scan3A_26 = arith.constant 125 : i32
      %scan3A_27 = arith.addi %scan3A_25, %scan3A_26 : i32
      %scan3A_28 = arith.constant 1 : i32
      scf.for %scan3A_41 = %scan3A_25 to %scan3A_27 step %scan3A_28  : i32 {
        %dma_start3A = arith.constant 0 : i32
        %dma_start3A_42 = tpu.memref_slice %arg13[%scan3A_41, %dma_start3A] : memref<125x80xi32, #tpu.memory_space<vmem>> -> memref<1x80xi32, #tpu.memory_space<vmem>>
        %dma_start3A_43 = tpu.memref_squeeze %dma_start3A_42 : memref<1x80xi32, #tpu.memory_space<vmem>> -> memref<80xi32, #tpu.memory_space<vmem>>
        %dma_start3A_44 = arith.constant 0 : i32
        %dma_start3A_45 = arith.constant 0 : i32
        %dma_start3A_46 = tpu.memref_slice %arg5[%dma_start3A_44, %dma_start3A_45] : memref<10000x128xf32, #tpu.memory_space<hbm>> -> memref<10000x128xf32, #tpu.memory_space<hbm>>
        tpu.enqueue_indirect_dma source(%dma_start3A_46 : memref<10000x128xf32, #tpu.memory_space<hbm>>) target(%arg15 : memref<80x128xf32, #tpu.memory_space<vmem>>) offsets(%dma_start3A_43 : memref<80xi32, #tpu.memory_space<vmem>>) semaphore(%arg16 : memref<!tpu.dma_semaphore, #tpu.memory_space<semaphore_mem>>)
        %dma_wait3A = arith.constant 0 : i32
        %dma_wait3A_47 = tpu.memref_slice %arg13[%scan3A_41, %dma_wait3A] : memref<125x80xi32, #tpu.memory_space<vmem>> -> memref<1x80xi32, #tpu.memory_space<vmem>>
        %dma_wait3A_48 = tpu.memref_squeeze %dma_wait3A_47 : memref<1x80xi32, #tpu.memory_space<vmem>> -> memref<80xi32, #tpu.memory_space<vmem>>
        %dma_wait3A_49 = arith.constant 0 : i32
        %dma_wait3A_50 = arith.constant 0 : i32
        %dma_wait3A_51 = tpu.memref_slice %arg5[%dma_wait3A_49, %dma_wait3A_50] : memref<10000x128xf32, #tpu.memory_space<hbm>> -> memref<10000x128xf32, #tpu.memory_space<hbm>>
        tpu.wait_indirect_dma semaphore(%arg16 : memref<!tpu.dma_semaphore, #tpu.memory_space<semaphore_mem>>) src(%dma_wait3A_51 : memref<10000x128xf32, #tpu.memory_space<hbm>>) dst(%arg15 : memref<80x128xf32, #tpu.memory_space<vmem>>)
        "tpu.region"() ({
          %run_scoped3A = tpu.sem_alloc : memref<!tpu.dma_semaphore, #tpu.memory_space<semaphore_mem>>
          %dma_start3A_52 = arith.constant 0 : i32
          %dma_start3A_53 = tpu.memref_slice %arg14[%scan3A_41, %dma_start3A_52] : memref<125x80xi32, #tpu.memory_space<vmem>> -> memref<1x80xi32, #tpu.memory_space<vmem>>
          %dma_start3A_54 = tpu.memref_squeeze %dma_start3A_53 : memref<1x80xi32, #tpu.memory_space<vmem>> -> memref<80xi32, #tpu.memory_space<vmem>>
          %dma_start3A_55 = arith.constant 0 : i32
          %dma_start3A_56 = arith.constant 0 : i32
          %dma_start3A_57 = tpu.memref_slice %arg12[%dma_start3A_55, %dma_start3A_56] : memref<10000x128xf32, #tpu.memory_space<vmem_shared>> -> memref<10000x128xf32, #tpu.memory_space<vmem_shared>>
          tpu.enqueue_indirect_dma source(%arg15 : memref<80x128xf32, #tpu.memory_space<vmem>>) target(%dma_start3A_57 : memref<10000x128xf32, #tpu.memory_space<vmem_shared>>) offsets(%dma_start3A_54 : memref<80xi32, #tpu.memory_space<vmem>>) semaphore(%run_scoped3A : memref<!tpu.dma_semaphore, #tpu.memory_space<semaphore_mem>>) {add = true}
          %dma_wait3A_58 = arith.constant 0 : i32
          %dma_wait3A_59 = tpu.memref_slice %arg14[%scan3A_41, %dma_wait3A_58] : memref<125x80xi32, #tpu.memory_space<vmem>> -> memref<1x80xi32, #tpu.memory_space<vmem>>
          %dma_wait3A_60 = tpu.memref_squeeze %dma_wait3A_59 : memref<1x80xi32, #tpu.memory_space<vmem>> -> memref<80xi32, #tpu.memory_space<vmem>>
          %dma_wait3A_61 = arith.constant 0 : i32
          %dma_wait3A_62 = arith.constant 0 : i32
          %dma_wait3A_63 = tpu.memref_slice %arg12[%dma_wait3A_61, %dma_wait3A_62] : memref<10000x128xf32, #tpu.memory_space<vmem_shared>> -> memref<10000x128xf32, #tpu.memory_space<vmem_shared>>
          tpu.wait_indirect_dma semaphore(%run_scoped3A : memref<!tpu.dma_semaphore, #tpu.memory_space<semaphore_mem>>) src(%arg15 : memref<80x128xf32, #tpu.memory_space<vmem>>) dst(%dma_wait3A_63 : memref<10000x128xf32, #tpu.memory_space<vmem_shared>>)
          tpu.yield
        }) : () -> ()
      }
      %scan3A_29 = arith.constant 125 : i32
      %barrier3A_30 = arith.constant 0 : index
      tpu.barrier barrier_id(%barrier3A_30)
      %mul3A_31 = arith.constant 624 : i32
      %mul3A_32 = arith.muli %arg1, %mul3A_31 : i32
      %mul3A_33 = arith.constant 624 : i32
      %mul3A_34 = arith.muli %arg1, %mul3A_33 : i32
      "tpu.region"() ({
        %run_scoped3A = tpu.sem_alloc : memref<!tpu.dma_semaphore, #tpu.memory_space<semaphore_mem>>
        %dma_start3A = arith.constant 0 : i32
        %dma_start3A_41 = tpu.memref_slice %arg11[%mul3A_34, %dma_start3A] : memref<10000x128xf32, #tpu.memory_space<hbm>> -> memref<624x128xf32, #tpu.memory_space<hbm>>
        %dma_start3A_42 = arith.constant 0 : i32
        %dma_start3A_43 = tpu.memref_slice %arg12[%mul3A_32, %dma_start3A_42] : memref<10000x128xf32, #tpu.memory_space<vmem_shared>> -> memref<624x128xf32, #tpu.memory_space<vmem_shared>>
        tpu.enqueue_dma source(%dma_start3A_43 : memref<624x128xf32, #tpu.memory_space<vmem_shared>>) target(%dma_start3A_41 : memref<624x128xf32, #tpu.memory_space<hbm>>) target_semaphore(%run_scoped3A : memref<!tpu.dma_semaphore, #tpu.memory_space<semaphore_mem>>)
        %dma_wait3A = arith.constant 0 : i32
        %dma_wait3A_44 = tpu.memref_slice %arg11[%mul3A_34, %dma_wait3A] : memref<10000x128xf32, #tpu.memory_space<hbm>> -> memref<624x128xf32, #tpu.memory_space<hbm>>
        %dma_wait3A_45 = arith.constant 0 : i32
        %dma_wait3A_46 = tpu.memref_slice %arg12[%mul3A_32, %dma_wait3A_45] : memref<10000x128xf32, #tpu.memory_space<vmem_shared>> -> memref<624x128xf32, #tpu.memory_space<vmem_shared>>
        tpu.wait_dma2 semaphore(%run_scoped3A : memref<!tpu.dma_semaphore, #tpu.memory_space<semaphore_mem>>) src(%dma_wait3A_46 : memref<624x128xf32, #tpu.memory_space<vmem_shared>>) dst(%dma_wait3A_44 : memref<624x128xf32, #tpu.memory_space<hbm>>)
        tpu.yield
      }) : () -> ()
      %eq3A_35 = arith.constant 0 : i32
      %eq3A_36 = arith.cmpi eq, %arg1, %eq3A_35 : i32
      %convert_element_type3A_37 = arith.extui %eq3A_36 : i1 to i32
      %cond3A_38 = arith.constant 0 : i32
      %cond3A_39 = arith.cmpi ne, %convert_element_type3A_37, %cond3A_38 : i32
      scf.if %cond3A_39 {
        "tpu.region"() ({
          %run_scoped3A = tpu.sem_alloc : memref<!tpu.dma_semaphore, #tpu.memory_space<semaphore_mem>>
          %dma_start3A = arith.constant 9984 : i32
          %dma_start3A_41 = arith.constant 0 : i32
          %dma_start3A_42 = tpu.memref_slice %arg11[%dma_start3A, %dma_start3A_41] : memref<10000x128xf32, #tpu.memory_space<hbm>> -> memref<16x128xf32, #tpu.memory_space<hbm>>
          %dma_start3A_43 = arith.constant 9984 : i32
          %dma_start3A_44 = arith.constant 0 : i32
          %dma_start3A_45 = tpu.memref_slice %arg12[%dma_start3A_43, %dma_start3A_44] : memref<10000x128xf32, #tpu.memory_space<vmem_shared>> -> memref<16x128xf32, #tpu.memory_space<vmem_shared>>
          tpu.enqueue_dma source(%dma_start3A_45 : memref<16x128xf32, #tpu.memory_space<vmem_shared>>) target(%dma_start3A_42 : memref<16x128xf32, #tpu.memory_space<hbm>>) target_semaphore(%run_scoped3A : memref<!tpu.dma_semaphore, #tpu.memory_space<semaphore_mem>>)
          %dma_wait3A = arith.constant 9984 : i32
          %dma_wait3A_46 = arith.constant 0 : i32
          %dma_wait3A_47 = tpu.memref_slice %arg11[%dma_wait3A, %dma_wait3A_46] : memref<10000x128xf32, #tpu.memory_space<hbm>> -> memref<16x128xf32, #tpu.memory_space<hbm>>
          %dma_wait3A_48 = arith.constant 9984 : i32
          %dma_wait3A_49 = arith.constant 0 : i32
          %dma_wait3A_50 = tpu.memref_slice %arg12[%dma_wait3A_48, %dma_wait3A_49] : memref<10000x128xf32, #tpu.memory_space<vmem_shared>> -> memref<16x128xf32, #tpu.memory_space<vmem_shared>>
          tpu.wait_dma2 semaphore(%run_scoped3A : memref<!tpu.dma_semaphore, #tpu.memory_space<semaphore_mem>>) src(%dma_wait3A_50 : memref<16x128xf32, #tpu.memory_space<vmem_shared>>) dst(%dma_wait3A_47 : memref<16x128xf32, #tpu.memory_space<hbm>>)
          tpu.yield
        }) : () -> ()
      } else {
      }
      %barrier3A_40 = arith.constant 0 : index
      tpu.barrier barrier_id(%barrier3A_40)
    } else {
    }
    return
  }
}

module attributes {stable_mosaic.version = 14 : i64} {
  func.func @_enc_body(%arg0: i32, %arg1: memref<1000x64xf32, #tpu.memory_space<vmem>>, %arg2: memref<1000x256xf32, #tpu.memory_space<vmem>>, %arg3: memref<320x512xf32, #tpu.memory_space<vmem>>, %arg4: memref<1x512xf32, #tpu.memory_space<vmem>>, %arg5: memref<1000x512xf32, #tpu.memory_space<vmem>>) attributes {dimension_semantics = [#tpu.dimension_semantics<arbitrary>], iteration_bounds = array<i64: 10>, scalar_prefetch = 0 : i64, scratch_operands = 0 : i64, tpu.core_type = #tpu.core_type<tc>, window_params = [{transform_indices = @transform_0, window_bounds = array<i64: 1000, 64>}, {transform_indices = @transform_1, window_bounds = array<i64: 1000, 256>}, {pipeline_mode = #tpu.pipeline_mode<synchronous>, transform_indices = @transform_2, window_bounds = array<i64: 320, 512>}, {pipeline_mode = #tpu.pipeline_mode<synchronous>, transform_indices = @transform_3, window_bounds = array<i64: 1, 512>}, {transform_indices = @transform_4, window_bounds = array<i64: 1000, 512>}]} {
    %get3A = arith.constant 0 : index
    %get3A_0 = arith.constant 0 : index
    %get3A_1 = vector.load %arg1[%get3A, %get3A_0] : memref<1000x64xf32, #tpu.memory_space<vmem>>, vector<1000x64xf32>
    %get3A_2 = arith.constant 0 : index
    %get3A_3 = arith.constant 0 : index
    %get3A_4 = vector.load %arg2[%get3A_2, %get3A_3] : memref<1000x256xf32, #tpu.memory_space<vmem>>, vector<1000x256xf32>
    %concatenate3A = tpu.concatenate %get3A_1, %get3A_4 in 1 : vector<1000x64xf32>, vector<1000x256xf32> -> vector<1000x320xf32>
    %get3A_5 = arith.constant 0 : index
    %get3A_6 = arith.constant 0 : index
    %get3A_7 = vector.load %arg3[%get3A_5, %get3A_6] : memref<320x512xf32, #tpu.memory_space<vmem>>, vector<320x512xf32>
    %dot_general3A = arith.constant dense<0.000000e+00> : vector<1000x512xf32>
    %dot_general3A_8 = tpu.matmul %concatenate3A, %get3A_7, %dot_general3A {dimension_numbers = #tpu.dot_dimension_numbers<[1], [0], [0], [1], [0, 0, 1, 1], [], []>, transpose_lhs_hint = false} : vector<1000x320xf32>, vector<320x512xf32>, vector<1000x512xf32> -> vector<1000x512xf32>
    %get3A_9 = arith.constant 0 : index
    %get3A_10 = arith.constant 0 : index
    %get3A_11 = vector.load %arg4[%get3A_9, %get3A_10] : memref<1x512xf32, #tpu.memory_space<vmem>>, vector<1x512xf32>
    %add3A = vector.broadcast %get3A_11 : vector<1x512xf32> to vector<1000x512xf32>
    %add3A_12 = arith.addf %dot_general3A_8, %add3A : vector<1000x512xf32>
    %swap3A = arith.constant 0 : index
    %swap3A_13 = arith.constant 0 : index
    %swap3A_14 = vector.load %arg5[%swap3A, %swap3A_13] : memref<1000x512xf32, #tpu.memory_space<vmem>>, vector<1000x512xf32>
    tpu.vector_store %arg5[%swap3A, %swap3A_13], %add3A_12 {strides = array<i32>} : memref<1000x512xf32, #tpu.memory_space<vmem>>, vector<1000x512xf32>,
    return
  }
  func.func @transform_0(%arg0: i32) -> (i32, i32) {
    %c0_i32 = arith.constant 0 : i32
    %c0_i32_0 = arith.constant 0 : i32
    return %arg0, %c0_i32 : i32, i32
  }
  func.func @transform_1(%arg0: i32) -> (i32, i32) {
    %c0_i32 = arith.constant 0 : i32
    %c0_i32_0 = arith.constant 0 : i32
    return %arg0, %c0_i32 : i32, i32
  }
  func.func @transform_2(%arg0: i32) -> (i32, i32) {
    %c0_i32 = arith.constant 0 : i32
    %c0_i32_0 = arith.constant 0 : i32
    %c0_i32_1 = arith.constant 0 : i32
    return %c0_i32, %c0_i32_0 : i32, i32
  }
  func.func @transform_3(%arg0: i32) -> (i32, i32) {
    %c0_i32 = arith.constant 0 : i32
    %c0_i32_0 = arith.constant 0 : i32
    %c0_i32_1 = arith.constant 0 : i32
    return %c0_i32, %c0_i32_0 : i32, i32
  }
  func.func @transform_4(%arg0: i32) -> (i32, i32) {
    %c0_i32 = arith.constant 0 : i32
    %c0_i32_0 = arith.constant 0 : i32
    return %arg0, %c0_i32 : i32, i32
  }
}

module attributes {stable_mosaic.version = 14 : i64} {
  func.func @_mm0_body(%arg0: i32, %arg1: memref<1000x512xf32, #tpu.memory_space<vmem>>, %arg2: memref<512x512xf32, #tpu.memory_space<vmem>>, %arg3: memref<1000x1xf32, #tpu.memory_space<vmem>>, %arg4: memref<1000x128xf32, #tpu.memory_space<vmem>>, %arg5: memref<1000x128xf32, #tpu.memory_space<vmem>>, %arg6: memref<1000x128xf32, #tpu.memory_space<vmem>>, %arg7: memref<1000x128xf32, #tpu.memory_space<vmem>>) attributes {dimension_semantics = [#tpu.dimension_semantics<arbitrary>], iteration_bounds = array<i64: 10>, scalar_prefetch = 0 : i64, scratch_operands = 0 : i64, tpu.core_type = #tpu.core_type<tc>, window_params = [{transform_indices = @transform_0, window_bounds = array<i64: 1000, 512>}, {pipeline_mode = #tpu.pipeline_mode<synchronous>, transform_indices = @transform_1, window_bounds = array<i64: 512, 512>}, {transform_indices = @transform_2, window_bounds = array<i64: 1000, 1>}, {transform_indices = @transform_3, window_bounds = array<i64: 1000, 128>}, {transform_indices = @transform_4, window_bounds = array<i64: 1000, 128>}, {transform_indices = @transform_5, window_bounds = array<i64: 1000, 128>}, {transform_indices = @transform_6, window_bounds = array<i64: 1000, 128>}]} {
    %get3A = arith.constant 0 : index
    %get3A_0 = arith.constant 0 : index
    %get3A_1 = vector.load %arg3[%get3A, %get3A_0] : memref<1000x1xf32, #tpu.memory_space<vmem>>, vector<1000x1xf32>
    %add3A = arith.constant 1.000000e+00 : f32
    %add3A_2 = vector.broadcast %add3A : f32 to vector<1000x1xf32>
    %add3A_3 = arith.addf %get3A_1, %add3A_2 : vector<1000x1xf32>
    %sqrt3A = math.sqrt %add3A_3 : vector<1000x1xf32>
    %div3A = arith.constant 1.000000e+00 : f32
    %div3A_4 = vector.broadcast %div3A : f32 to vector<1000x1xf32>
    %div3A_5 = arith.divf %div3A_4, %sqrt3A : vector<1000x1xf32>
    %get3A_6 = arith.constant 0 : index
    %get3A_7 = arith.constant 0 : index
    %get3A_8 = vector.load %arg1[%get3A_6, %get3A_7] : memref<1000x512xf32, #tpu.memory_space<vmem>>, vector<1000x512xf32>
    %get3A_9 = arith.constant 0 : index
    %get3A_10 = arith.constant 0 : index
    %get3A_11 = vector.load %arg2[%get3A_9, %get3A_10] : memref<512x512xf32, #tpu.memory_space<vmem>>, vector<512x512xf32>
    %dot_general3A = arith.constant dense<0.000000e+00> : vector<1000x512xf32>
    %dot_general3A_12 = tpu.matmul %get3A_8, %get3A_11, %dot_general3A {dimension_numbers = #tpu.dot_dimension_numbers<[1], [0], [0], [1], [0, 0, 1, 1], [], []>, transpose_lhs_hint = false} : vector<1000x512xf32>, vector<512x512xf32>, vector<1000x512xf32> -> vector<1000x512xf32>
    %mul3A = vector.broadcast %div3A_5 : vector<1000x1xf32> to vector<1000x512xf32>
    %mul3A_13 = arith.mulf %dot_general3A_12, %mul3A : vector<1000x512xf32>
    %slice3A = vector.extract_strided_slice %mul3A_13 {offsets = [0, 0], sizes = [1000, 128], strides = [1, 1]} : vector<1000x512xf32> to vector<1000x128xf32>
    %swap3A = arith.constant 0 : index
    %swap3A_14 = arith.constant 0 : index
    %swap3A_15 = vector.load %arg4[%swap3A, %swap3A_14] : memref<1000x128xf32, #tpu.memory_space<vmem>>, vector<1000x128xf32>
    tpu.vector_store %arg4[%swap3A, %swap3A_14], %slice3A {strides = array<i32>} : memref<1000x128xf32, #tpu.memory_space<vmem>>, vector<1000x128xf32>,
    %slice3A_16 = vector.extract_strided_slice %mul3A_13 {offsets = [0, 128], sizes = [1000, 128], strides = [1, 1]} : vector<1000x512xf32> to vector<1000x128xf32>
    %swap3A_17 = arith.constant 0 : index
    %swap3A_18 = arith.constant 0 : index
    %swap3A_19 = vector.load %arg5[%swap3A_17, %swap3A_18] : memref<1000x128xf32, #tpu.memory_space<vmem>>, vector<1000x128xf32>
    tpu.vector_store %arg5[%swap3A_17, %swap3A_18], %slice3A_16 {strides = array<i32>} : memref<1000x128xf32, #tpu.memory_space<vmem>>, vector<1000x128xf32>,
    %slice3A_20 = vector.extract_strided_slice %mul3A_13 {offsets = [0, 256], sizes = [1000, 128], strides = [1, 1]} : vector<1000x512xf32> to vector<1000x128xf32>
    %swap3A_21 = arith.constant 0 : index
    %swap3A_22 = arith.constant 0 : index
    %swap3A_23 = vector.load %arg6[%swap3A_21, %swap3A_22] : memref<1000x128xf32, #tpu.memory_space<vmem>>, vector<1000x128xf32>
    tpu.vector_store %arg6[%swap3A_21, %swap3A_22], %slice3A_20 {strides = array<i32>} : memref<1000x128xf32, #tpu.memory_space<vmem>>, vector<1000x128xf32>,
    %slice3A_24 = vector.extract_strided_slice %mul3A_13 {offsets = [0, 384], sizes = [1000, 128], strides = [1, 1]} : vector<1000x512xf32> to vector<1000x128xf32>
    %swap3A_25 = arith.constant 0 : index
    %swap3A_26 = arith.constant 0 : index
    %swap3A_27 = vector.load %arg7[%swap3A_25, %swap3A_26] : memref<1000x128xf32, #tpu.memory_space<vmem>>, vector<1000x128xf32>
    tpu.vector_store %arg7[%swap3A_25, %swap3A_26], %slice3A_24 {strides = array<i32>} : memref<1000x128xf32, #tpu.memory_space<vmem>>, vector<1000x128xf32>,
    return
  }
  func.func @transform_0(%arg0: i32) -> (i32, i32) {
    %c0_i32 = arith.constant 0 : i32
    %c0_i32_0 = arith.constant 0 : i32
    return %arg0, %c0_i32 : i32, i32
  }
  func.func @transform_1(%arg0: i32) -> (i32, i32) {
    %c0_i32 = arith.constant 0 : i32
    %c0_i32_0 = arith.constant 0 : i32
    %c0_i32_1 = arith.constant 0 : i32
    return %c0_i32, %c0_i32_0 : i32, i32
  }
  func.func @transform_2(%arg0: i32) -> (i32, i32) {
    %c0_i32 = arith.constant 0 : i32
    %c0_i32_0 = arith.constant 0 : i32
    return %arg0, %c0_i32 : i32, i32
  }
  func.func @transform_3(%arg0: i32) -> (i32, i32) {
    %c0_i32 = arith.constant 0 : i32
    %c0_i32_0 = arith.constant 0 : i32
    return %arg0, %c0_i32 : i32, i32
  }
  func.func @transform_4(%arg0: i32) -> (i32, i32) {
    %c0_i32 = arith.constant 0 : i32
    %c0_i32_0 = arith.constant 0 : i32
    return %arg0, %c0_i32 : i32, i32
  }
  func.func @transform_5(%arg0: i32) -> (i32, i32) {
    %c0_i32 = arith.constant 0 : i32
    %c0_i32_0 = arith.constant 0 : i32
    return %arg0, %c0_i32 : i32, i32
  }
  func.func @transform_6(%arg0: i32) -> (i32, i32) {
    %c0_i32 = arith.constant 0 : i32
    %c0_i32_0 = arith.constant 0 : i32
    return %arg0, %c0_i32 : i32, i32
  }
}

module attributes {stable_mosaic.version = 14 : i64} {
  func.func @_mm_body(%arg0: i32, %arg1: memref<1000x128xf32, #tpu.memory_space<vmem>>, %arg2: memref<1000x128xf32, #tpu.memory_space<vmem>>, %arg3: memref<1000x128xf32, #tpu.memory_space<vmem>>, %arg4: memref<1000x128xf32, #tpu.memory_space<vmem>>, %arg5: memref<512x512xf32, #tpu.memory_space<vmem>>, %arg6: memref<1000x1xf32, #tpu.memory_space<vmem>>, %arg7: memref<1x512xf32, #tpu.memory_space<vmem>>, %arg8: memref<1000x128xf32, #tpu.memory_space<vmem>>, %arg9: memref<1000x128xf32, #tpu.memory_space<vmem>>, %arg10: memref<1000x128xf32, #tpu.memory_space<vmem>>, %arg11: memref<1000x128xf32, #tpu.memory_space<vmem>>) attributes {dimension_semantics = [#tpu.dimension_semantics<arbitrary>], iteration_bounds = array<i64: 10>, scalar_prefetch = 0 : i64, scratch_operands = 0 : i64, tpu.core_type = #tpu.core_type<tc>, window_params = [{transform_indices = @transform_0, window_bounds = array<i64: 1000, 128>}, {transform_indices = @transform_1, window_bounds = array<i64: 1000, 128>}, {transform_indices = @transform_2, window_bounds = array<i64: 1000, 128>}, {transform_indices = @transform_3, window_bounds = array<i64: 1000, 128>}, {pipeline_mode = #tpu.pipeline_mode<synchronous>, transform_indices = @transform_4, window_bounds = array<i64: 512, 512>}, {transform_indices = @transform_5, window_bounds = array<i64: 1000, 1>}, {pipeline_mode = #tpu.pipeline_mode<synchronous>, transform_indices = @transform_6, window_bounds = array<i64: 1, 512>}, {transform_indices = @transform_7, window_bounds = array<i64: 1000, 128>}, {transform_indices = @transform_8, window_bounds = array<i64: 1000, 128>}, {transform_indices = @transform_9, window_bounds = array<i64: 1000, 128>}, {transform_indices = @transform_10, window_bounds = array<i64: 1000, 128>}]} {
    %get3A = arith.constant 0 : index
    %get3A_0 = arith.constant 0 : index
    %get3A_1 = vector.load %arg6[%get3A, %get3A_0] : memref<1000x1xf32, #tpu.memory_space<vmem>>, vector<1000x1xf32>
    %add3A = arith.constant 1.000000e+00 : f32
    %add3A_2 = vector.broadcast %add3A : f32 to vector<1000x1xf32>
    %add3A_3 = arith.addf %get3A_1, %add3A_2 : vector<1000x1xf32>
    %sqrt3A = math.sqrt %add3A_3 : vector<1000x1xf32>
    %div3A = arith.constant 1.000000e+00 : f32
    %div3A_4 = vector.broadcast %div3A : f32 to vector<1000x1xf32>
    %div3A_5 = arith.divf %div3A_4, %sqrt3A : vector<1000x1xf32>
    %get3A_6 = arith.constant 0 : index
    %get3A_7 = arith.constant 0 : index
    %get3A_8 = vector.load %arg1[%get3A_6, %get3A_7] : memref<1000x128xf32, #tpu.memory_space<vmem>>, vector<1000x128xf32>
    %get3A_9 = arith.constant 0 : index
    %get3A_10 = arith.constant 0 : index
    %get3A_11 = vector.load %arg2[%get3A_9, %get3A_10] : memref<1000x128xf32, #tpu.memory_space<vmem>>, vector<1000x128xf32>
    %get3A_12 = arith.constant 0 : index
    %get3A_13 = arith.constant 0 : index
    %get3A_14 = vector.load %arg3[%get3A_12, %get3A_13] : memref<1000x128xf32, #tpu.memory_space<vmem>>, vector<1000x128xf32>
    %get3A_15 = arith.constant 0 : index
    %get3A_16 = arith.constant 0 : index
    %get3A_17 = vector.load %arg4[%get3A_15, %get3A_16] : memref<1000x128xf32, #tpu.memory_space<vmem>>, vector<1000x128xf32>
    %concatenate3A = tpu.concatenate %get3A_8, %get3A_11, %get3A_14, %get3A_17 in 1 : vector<1000x128xf32>, vector<1000x128xf32>, vector<1000x128xf32>, vector<1000x128xf32> -> vector<1000x512xf32>
    %mul3A = vector.broadcast %div3A_5 : vector<1000x1xf32> to vector<1000x512xf32>
    %mul3A_18 = arith.mulf %concatenate3A, %mul3A : vector<1000x512xf32>
    %get3A_19 = arith.constant 0 : index
    %get3A_20 = arith.constant 0 : index
    %get3A_21 = vector.load %arg7[%get3A_19, %get3A_20] : memref<1x512xf32, #tpu.memory_space<vmem>>, vector<1x512xf32>
    %add3A_22 = vector.broadcast %get3A_21 : vector<1x512xf32> to vector<1000x512xf32>
    %add3A_23 = arith.addf %mul3A_18, %add3A_22 : vector<1000x512xf32>
    %max3A = arith.constant 0.000000e+00 : f32
    %max3A_24 = vector.broadcast %max3A : f32 to vector<1000x512xf32>
    %max3A_25 = arith.maximumf %add3A_23, %max3A_24 : vector<1000x512xf32>
    %get3A_26 = arith.constant 0 : index
    %get3A_27 = arith.constant 0 : index
    %get3A_28 = vector.load %arg5[%get3A_26, %get3A_27] : memref<512x512xf32, #tpu.memory_space<vmem>>, vector<512x512xf32>
    %dot_general3A = arith.constant dense<0.000000e+00> : vector<1000x512xf32>
    %dot_general3A_29 = tpu.matmul %max3A_25, %get3A_28, %dot_general3A {dimension_numbers = #tpu.dot_dimension_numbers<[1], [0], [0], [1], [0, 0, 1, 1], [], []>, transpose_lhs_hint = false} : vector<1000x512xf32>, vector<512x512xf32>, vector<1000x512xf32> -> vector<1000x512xf32>
    %mul3A_30 = vector.broadcast %div3A_5 : vector<1000x1xf32> to vector<1000x512xf32>
    %mul3A_31 = arith.mulf %dot_general3A_29, %mul3A_30 : vector<1000x512xf32>
    %slice3A = vector.extract_strided_slice %mul3A_31 {offsets = [0, 0], sizes = [1000, 128], strides = [1, 1]} : vector<1000x512xf32> to vector<1000x128xf32>
    %swap3A = arith.constant 0 : index
    %swap3A_32 = arith.constant 0 : index
    %swap3A_33 = vector.load %arg8[%swap3A, %swap3A_32] : memref<1000x128xf32, #tpu.memory_space<vmem>>, vector<1000x128xf32>
    tpu.vector_store %arg8[%swap3A, %swap3A_32], %slice3A {strides = array<i32>} : memref<1000x128xf32, #tpu.memory_space<vmem>>, vector<1000x128xf32>,
    %slice3A_34 = vector.extract_strided_slice %mul3A_31 {offsets = [0, 128], sizes = [1000, 128], strides = [1, 1]} : vector<1000x512xf32> to vector<1000x128xf32>
    %swap3A_35 = arith.constant 0 : index
    %swap3A_36 = arith.constant 0 : index
    %swap3A_37 = vector.load %arg9[%swap3A_35, %swap3A_36] : memref<1000x128xf32, #tpu.memory_space<vmem>>, vector<1000x128xf32>
    tpu.vector_store %arg9[%swap3A_35, %swap3A_36], %slice3A_34 {strides = array<i32>} : memref<1000x128xf32, #tpu.memory_space<vmem>>, vector<1000x128xf32>,
    %slice3A_38 = vector.extract_strided_slice %mul3A_31 {offsets = [0, 256], sizes = [1000, 128], strides = [1, 1]} : vector<1000x512xf32> to vector<1000x128xf32>
    %swap3A_39 = arith.constant 0 : index
    %swap3A_40 = arith.constant 0 : index
    %swap3A_41 = vector.load %arg10[%swap3A_39, %swap3A_40] : memref<1000x128xf32, #tpu.memory_space<vmem>>, vector<1000x128xf32>
    tpu.vector_store %arg10[%swap3A_39, %swap3A_40], %slice3A_38 {strides = array<i32>} : memref<1000x128xf32, #tpu.memory_space<vmem>>, vector<1000x128xf32>,
    %slice3A_42 = vector.extract_strided_slice %mul3A_31 {offsets = [0, 384], sizes = [1000, 128], strides = [1, 1]} : vector<1000x512xf32> to vector<1000x128xf32>
    %swap3A_43 = arith.constant 0 : index
    %swap3A_44 = arith.constant 0 : index
    %swap3A_45 = vector.load %arg11[%swap3A_43, %swap3A_44] : memref<1000x128xf32, #tpu.memory_space<vmem>>, vector<1000x128xf32>
    tpu.vector_store %arg11[%swap3A_43, %swap3A_44], %slice3A_42 {strides = array<i32>} : memref<1000x128xf32, #tpu.memory_space<vmem>>, vector<1000x128xf32>,
    return
  }
  func.func @transform_0(%arg0: i32) -> (i32, i32) {
    %c0_i32 = arith.constant 0 : i32
    %c0_i32_0 = arith.constant 0 : i32
    return %arg0, %c0_i32 : i32, i32
  }
  func.func @transform_1(%arg0: i32) -> (i32, i32) {
    %c0_i32 = arith.constant 0 : i32
    %c0_i32_0 = arith.constant 0 : i32
    return %arg0, %c0_i32 : i32, i32
  }
  func.func @transform_2(%arg0: i32) -> (i32, i32) {
    %c0_i32 = arith.constant 0 : i32
    %c0_i32_0 = arith.constant 0 : i32
    return %arg0, %c0_i32 : i32, i32
  }
  func.func @transform_3(%arg0: i32) -> (i32, i32) {
    %c0_i32 = arith.constant 0 : i32
    %c0_i32_0 = arith.constant 0 : i32
    return %arg0, %c0_i32 : i32, i32
  }
  func.func @transform_4(%arg0: i32) -> (i32, i32) {
    %c0_i32 = arith.constant 0 : i32
    %c0_i32_0 = arith.constant 0 : i32
    %c0_i32_1 = arith.constant 0 : i32
    return %c0_i32, %c0_i32_0 : i32, i32
  }
  func.func @transform_5(%arg0: i32) -> (i32, i32) {
    %c0_i32 = arith.constant 0 : i32
    %c0_i32_0 = arith.constant 0 : i32
    return %arg0, %c0_i32 : i32, i32
  }
  func.func @transform_6(%arg0: i32) -> (i32, i32) {
    %c0_i32 = arith.constant 0 : i32
    %c0_i32_0 = arith.constant 0 : i32
    %c0_i32_1 = arith.constant 0 : i32
    return %c0_i32, %c0_i32_0 : i32, i32
  }
  func.func @transform_7(%arg0: i32) -> (i32, i32) {
    %c0_i32 = arith.constant 0 : i32
    %c0_i32_0 = arith.constant 0 : i32
    return %arg0, %c0_i32 : i32, i32
  }
  func.func @transform_8(%arg0: i32) -> (i32, i32) {
    %c0_i32 = arith.constant 0 : i32
    %c0_i32_0 = arith.constant 0 : i32
    return %arg0, %c0_i32 : i32, i32
  }
  func.func @transform_9(%arg0: i32) -> (i32, i32) {
    %c0_i32 = arith.constant 0 : i32
    %c0_i32_0 = arith.constant 0 : i32
    return %arg0, %c0_i32 : i32, i32
  }
  func.func @transform_10(%arg0: i32) -> (i32, i32) {
    %c0_i32 = arith.constant 0 : i32
    %c0_i32_0 = arith.constant 0 : i32
    return %arg0, %c0_i32 : i32, i32
  }
}

module attributes {stable_mosaic.version = 14 : i64} {
  func.func @_h1_body(%arg0: i32, %arg1: memref<1000x128xf32, #tpu.memory_space<vmem>>, %arg2: memref<1000x128xf32, #tpu.memory_space<vmem>>, %arg3: memref<1000x128xf32, #tpu.memory_space<vmem>>, %arg4: memref<1000x128xf32, #tpu.memory_space<vmem>>, %arg5: memref<1000x1xf32, #tpu.memory_space<vmem>>, %arg6: memref<1x512xf32, #tpu.memory_space<vmem>>, %arg7: memref<512x512xf32, #tpu.memory_space<vmem>>, %arg8: memref<1x512xf32, #tpu.memory_space<vmem>>, %arg9: memref<512x1xf32, #tpu.memory_space<vmem>>, %arg10: memref<1x1xf32, #tpu.memory_space<vmem>>, %arg11: memref<1000x1xi32, #tpu.memory_space<vmem>>, %arg12: memref<1000x1xf32, #tpu.memory_space<vmem>>, %arg13: memref<16x512xf32, #tpu.memory_space<vmem>>, %arg14: memref<16x2xf32, #tpu.memory_space<vmem>>, %arg15: memref<16x512xf32, #tpu.memory_space<vmem>>, %arg16: memref<16x2xf32, #tpu.memory_space<vmem>>) attributes {dimension_semantics = [#tpu.dimension_semantics<arbitrary>], iteration_bounds = array<i64: 10>, scalar_prefetch = 0 : i64, scratch_operands = 2 : i64, tpu.core_type = #tpu.core_type<tc>, window_params = [{transform_indices = @transform_0, window_bounds = array<i64: 1000, 128>}, {transform_indices = @transform_1, window_bounds = array<i64: 1000, 128>}, {transform_indices = @transform_2, window_bounds = array<i64: 1000, 128>}, {transform_indices = @transform_3, window_bounds = array<i64: 1000, 128>}, {transform_indices = @transform_4, window_bounds = array<i64: 1000, 1>}, {pipeline_mode = #tpu.pipeline_mode<synchronous>, transform_indices = @transform_5, window_bounds = array<i64: 1, 512>}, {pipeline_mode = #tpu.pipeline_mode<synchronous>, transform_indices = @transform_6, window_bounds = array<i64: 512, 512>}, {pipeline_mode = #tpu.pipeline_mode<synchronous>, transform_indices = @transform_7, window_bounds = array<i64: 1, 512>}, {pipeline_mode = #tpu.pipeline_mode<synchronous>, transform_indices = @transform_8, window_bounds = array<i64: 512, 1>}, {pipeline_mode = #tpu.pipeline_mode<synchronous>, transform_indices = @transform_9, window_bounds = array<i64: 1, 1>}, {transform_indices = @transform_10, window_bounds = array<i64: 1000, 1>}, {transform_indices = @transform_11, window_bounds = array<i64: 1000, 1>}, {pipeline_mode = #tpu.pipeline_mode<synchronous>, transform_indices = @transform_12, window_bounds = array<i64: 16, 512>}, {pipeline_mode = #tpu.pipeline_mode<synchronous>, transform_indices = @transform_13, window_bounds = array<i64: 16, 2>}]} {
    %get3A = arith.constant 0 : index
    %get3A_0 = arith.constant 0 : index
    %get3A_1 = vector.load %arg5[%get3A, %get3A_0] : memref<1000x1xf32, #tpu.memory_space<vmem>>, vector<1000x1xf32>
    %add3A = arith.constant 1.000000e+00 : f32
    %add3A_2 = vector.broadcast %add3A : f32 to vector<1000x1xf32>
    %add3A_3 = arith.addf %get3A_1, %add3A_2 : vector<1000x1xf32>
    %sqrt3A = math.sqrt %add3A_3 : vector<1000x1xf32>
    %div3A = arith.constant 1.000000e+00 : f32
    %div3A_4 = vector.broadcast %div3A : f32 to vector<1000x1xf32>
    %div3A_5 = arith.divf %div3A_4, %sqrt3A : vector<1000x1xf32>
    %get3A_6 = arith.constant 0 : index
    %get3A_7 = arith.constant 0 : index
    %get3A_8 = vector.load %arg1[%get3A_6, %get3A_7] : memref<1000x128xf32, #tpu.memory_space<vmem>>, vector<1000x128xf32>
    %get3A_9 = arith.constant 0 : index
    %get3A_10 = arith.constant 0 : index
    %get3A_11 = vector.load %arg2[%get3A_9, %get3A_10] : memref<1000x128xf32, #tpu.memory_space<vmem>>, vector<1000x128xf32>
    %get3A_12 = arith.constant 0 : index
    %get3A_13 = arith.constant 0 : index
    %get3A_14 = vector.load %arg3[%get3A_12, %get3A_13] : memref<1000x128xf32, #tpu.memory_space<vmem>>, vector<1000x128xf32>
    %get3A_15 = arith.constant 0 : index
    %get3A_16 = arith.constant 0 : index
    %get3A_17 = vector.load %arg4[%get3A_15, %get3A_16] : memref<1000x128xf32, #tpu.memory_space<vmem>>, vector<1000x128xf32>
    %concatenate3A = tpu.concatenate %get3A_8, %get3A_11, %get3A_14, %get3A_17 in 1 : vector<1000x128xf32>, vector<1000x128xf32>, vector<1000x128xf32>, vector<1000x128xf32> -> vector<1000x512xf32>
    %mul3A = vector.broadcast %div3A_5 : vector<1000x1xf32> to vector<1000x512xf32>
    %mul3A_18 = arith.mulf %concatenate3A, %mul3A : vector<1000x512xf32>
    %get3A_19 = arith.constant 0 : index
    %get3A_20 = arith.constant 0 : index
    %get3A_21 = vector.load %arg6[%get3A_19, %get3A_20] : memref<1x512xf32, #tpu.memory_space<vmem>>, vector<1x512xf32>
    %add3A_22 = vector.broadcast %get3A_21 : vector<1x512xf32> to vector<1000x512xf32>
    %add3A_23 = arith.addf %mul3A_18, %add3A_22 : vector<1000x512xf32>
    %max3A = arith.constant 0.000000e+00 : f32
    %max3A_24 = vector.broadcast %max3A : f32 to vector<1000x512xf32>
    %max3A_25 = arith.maximumf %add3A_23, %max3A_24 : vector<1000x512xf32>
    %get3A_26 = arith.constant 0 : index
    %get3A_27 = arith.constant 0 : index
    %get3A_28 = vector.load %arg7[%get3A_26, %get3A_27] : memref<512x512xf32, #tpu.memory_space<vmem>>, vector<512x512xf32>
    %dot_general3A = arith.constant dense<0.000000e+00> : vector<1000x512xf32>
    %dot_general3A_29 = tpu.matmul %max3A_25, %get3A_28, %dot_general3A {dimension_numbers = #tpu.dot_dimension_numbers<[1], [0], [0], [1], [0, 0, 1, 1], [], []>, transpose_lhs_hint = false} : vector<1000x512xf32>, vector<512x512xf32>, vector<1000x512xf32> -> vector<1000x512xf32>
    %get3A_30 = arith.constant 0 : index
    %get3A_31 = arith.constant 0 : index
    %get3A_32 = vector.load %arg8[%get3A_30, %get3A_31] : memref<1x512xf32, #tpu.memory_space<vmem>>, vector<1x512xf32>
    %add3A_33 = vector.broadcast %get3A_32 : vector<1x512xf32> to vector<1000x512xf32>
    %add3A_34 = arith.addf %dot_general3A_29, %add3A_33 : vector<1000x512xf32>
    %max3A_35 = arith.constant 0.000000e+00 : f32
    %max3A_36 = vector.broadcast %max3A_35 : f32 to vector<1000x512xf32>
    %max3A_37 = arith.maximumf %add3A_34, %max3A_36 : vector<1000x512xf32>
    %get3A_38 = arith.constant 0 : index
    %get3A_39 = arith.constant 0 : index
    %get3A_40 = vector.load %arg9[%get3A_38, %get3A_39] : memref<512x1xf32, #tpu.memory_space<vmem>>, vector<512x1xf32>
    %dot_general3A_41 = arith.constant dense<0.000000e+00> : vector<1000x1xf32>
    %dot_general3A_42 = tpu.matmul %max3A_37, %get3A_40, %dot_general3A_41 {dimension_numbers = #tpu.dot_dimension_numbers<[1], [0], [0], [1], [0, 0, 1, 1], [], []>, transpose_lhs_hint = false} : vector<1000x512xf32>, vector<512x1xf32>, vector<1000x1xf32> -> vector<1000x1xf32>
    %get3A_43 = arith.constant 0 : index
    %get3A_44 = arith.constant 0 : index
    %get3A_45 = vector.load %arg10[%get3A_43, %get3A_44] : memref<1x1xf32, #tpu.memory_space<vmem>>, vector<1x1xf32>
    %add3A_46 = vector.broadcast %get3A_45 : vector<1x1xf32> to vector<1000x1xf32>
    %add3A_47 = arith.addf %dot_general3A_42, %add3A_46 : vector<1000x1xf32>
    %swap3A = arith.constant 0 : index
    %swap3A_48 = arith.constant 0 : index
    %swap3A_49 = vector.load %arg12[%swap3A, %swap3A_48] : memref<1000x1xf32, #tpu.memory_space<vmem>>, vector<1000x1xf32>
    tpu.vector_store %arg12[%swap3A, %swap3A_48], %add3A_47 {strides = array<i32>} : memref<1000x1xf32, #tpu.memory_space<vmem>>, vector<1000x1xf32>,
    %get3A_50 = arith.constant 0 : index
    %get3A_51 = arith.constant 0 : index
    %get3A_52 = vector.load %arg11[%get3A_50, %get3A_51] : memref<1000x1xi32, #tpu.memory_space<vmem>>, vector<1000x1xi32>
    %iota3A = tpu.iota {dimensions = array<i32: 1>} : vector<1000x16xi32>
    %eq3A = vector.broadcast %get3A_52 : vector<1000x1xi32> to vector<1000x16xi32>
    %eq3A_53 = arith.cmpi eq, %eq3A, %iota3A : vector<1000x16xi32>
    %convert_element_type3A = arith.extui %eq3A_53 : vector<1000x16xi1> to vector<1000x16xi32>
    %convert_element_type3A_54 = arith.sitofp %convert_element_type3A : vector<1000x16xi32> to vector<1000x16xf32>
    %eq3A_55 = arith.constant 0 : i32
    %eq3A_56 = arith.cmpi eq, %arg0, %eq3A_55 : i32
    %convert_element_type3A_57 = arith.extui %eq3A_56 : i1 to i32
    %cond3A = arith.constant 0 : i32
    %cond3A_58 = arith.cmpi ne, %convert_element_type3A_57, %cond3A : i32
    scf.if %cond3A_58 {
      %broadcast_in_dim3A_84 = arith.constant 0.000000e+00 : f32
      %broadcast_in_dim3A_85 = vector.broadcast %broadcast_in_dim3A_84 : f32 to vector<16x512xf32>
      %swap3A_86 = arith.constant 0 : index
      %swap3A_87 = arith.constant 0 : index
      %swap3A_88 = vector.load %arg15[%swap3A_86, %swap3A_87] : memref<16x512xf32, #tpu.memory_space<vmem>>, vector<16x512xf32>
      tpu.vector_store %arg15[%swap3A_86, %swap3A_87], %broadcast_in_dim3A_85 {strides = array<i32>} : memref<16x512xf32, #tpu.memory_space<vmem>>, vector<16x512xf32>,
      %broadcast_in_dim3A_89 = arith.constant 0.000000e+00 : f32
      %broadcast_in_dim3A_90 = vector.broadcast %broadcast_in_dim3A_89 : f32 to vector<16x2xf32>
      %swap3A_91 = arith.constant 0 : index
      %swap3A_92 = arith.constant 0 : index
      %swap3A_93 = vector.load %arg16[%swap3A_91, %swap3A_92] : memref<16x2xf32, #tpu.memory_space<vmem>>, vector<16x2xf32>
      tpu.vector_store %arg16[%swap3A_91, %swap3A_92], %broadcast_in_dim3A_90 {strides = array<i32>} : memref<16x2xf32, #tpu.memory_space<vmem>>, vector<16x2xf32>,
    } else {
    }
    %get3A_59 = arith.constant 0 : index
    %get3A_60 = arith.constant 0 : index
    %get3A_61 = vector.load %arg15[%get3A_59, %get3A_60] : memref<16x512xf32, #tpu.memory_space<vmem>>, vector<16x512xf32>
    %dot_general3A_62 = arith.constant dense<0.000000e+00> : vector<16x512xf32>
    %dot_general3A_63 = tpu.matmul %convert_element_type3A_54, %max3A_25, %dot_general3A_62 {dimension_numbers = #tpu.dot_dimension_numbers<[0], [0], [1], [1], [0, 1, 1, 1], [], []>, transpose_lhs_hint = false} : vector<1000x16xf32>, vector<1000x512xf32>, vector<16x512xf32> -> vector<16x512xf32>
    %add3A_64 = arith.addf %get3A_61, %dot_general3A_63 : vector<16x512xf32>
    %swap3A_65 = arith.constant 0 : index
    %swap3A_66 = arith.constant 0 : index
    %swap3A_67 = vector.load %arg15[%swap3A_65, %swap3A_66] : memref<16x512xf32, #tpu.memory_space<vmem>>, vector<16x512xf32>
    tpu.vector_store %arg15[%swap3A_65, %swap3A_66], %add3A_64 {strides = array<i32>} : memref<16x512xf32, #tpu.memory_space<vmem>>, vector<16x512xf32>,
    %broadcast_in_dim3A = arith.constant 1.000000e+00 : f32
    %broadcast_in_dim3A_68 = vector.broadcast %broadcast_in_dim3A : f32 to vector<1000x1xf32>
    %concatenate3A_69 = tpu.concatenate %add3A_47, %broadcast_in_dim3A_68 in 1 : vector<1000x1xf32>, vector<1000x1xf32> -> vector<1000x2xf32>
    %get3A_70 = arith.constant 0 : index
    %get3A_71 = arith.constant 0 : index
    %get3A_72 = vector.load %arg16[%get3A_70, %get3A_71] : memref<16x2xf32, #tpu.memory_space<vmem>>, vector<16x2xf32>
    %dot_general3A_73 = arith.constant dense<0.000000e+00> : vector<16x2xf32>
    %dot_general3A_74 = tpu.matmul %convert_element_type3A_54, %concatenate3A_69, %dot_general3A_73 {dimension_numbers = #tpu.dot_dimension_numbers<[0], [0], [1], [1], [0, 1, 1, 1], [], []>, transpose_lhs_hint = false} : vector<1000x16xf32>, vector<1000x2xf32>, vector<16x2xf32> -> vector<16x2xf32>
    %add3A_75 = arith.addf %get3A_72, %dot_general3A_74 : vector<16x2xf32>
    %swap3A_76 = arith.constant 0 : index
    %swap3A_77 = arith.constant 0 : index
    %swap3A_78 = vector.load %arg16[%swap3A_76, %swap3A_77] : memref<16x2xf32, #tpu.memory_space<vmem>>, vector<16x2xf32>
    tpu.vector_store %arg16[%swap3A_76, %swap3A_77], %add3A_75 {strides = array<i32>} : memref<16x2xf32, #tpu.memory_space<vmem>>, vector<16x2xf32>,
    %eq3A_79 = arith.constant 9 : i32
    %eq3A_80 = arith.cmpi eq, %arg0, %eq3A_79 : i32
    %convert_element_type3A_81 = arith.extui %eq3A_80 : i1 to i32
    %cond3A_82 = arith.constant 0 : i32
    %cond3A_83 = arith.cmpi ne, %convert_element_type3A_81, %cond3A_82 : i32
    scf.if %cond3A_83 {
      %get3A_84 = arith.constant 0 : index
      %get3A_85 = arith.constant 0 : index
      %get3A_86 = vector.load %arg15[%get3A_84, %get3A_85] : memref<16x512xf32, #tpu.memory_space<vmem>>, vector<16x512xf32>
      %swap3A_87 = arith.constant 0 : index
      %swap3A_88 = arith.constant 0 : index
      %swap3A_89 = vector.load %arg13[%swap3A_87, %swap3A_88] : memref<16x512xf32, #tpu.memory_space<vmem>>, vector<16x512xf32>
      tpu.vector_store %arg13[%swap3A_87, %swap3A_88], %get3A_86 {strides = array<i32>} : memref<16x512xf32, #tpu.memory_space<vmem>>, vector<16x512xf32>,
      %get3A_90 = arith.constant 0 : index
      %get3A_91 = arith.constant 0 : index
      %get3A_92 = vector.load %arg16[%get3A_90, %get3A_91] : memref<16x2xf32, #tpu.memory_space<vmem>>, vector<16x2xf32>
      %swap3A_93 = arith.constant 0 : index
      %swap3A_94 = arith.constant 0 : index
      %swap3A_95 = vector.load %arg14[%swap3A_93, %swap3A_94] : memref<16x2xf32, #tpu.memory_space<vmem>>, vector<16x2xf32>
      tpu.vector_store %arg14[%swap3A_93, %swap3A_94], %get3A_92 {strides = array<i32>} : memref<16x2xf32, #tpu.memory_space<vmem>>, vector<16x2xf32>,
    } else {
    }
    return
  }
  func.func @transform_0(%arg0: i32) -> (i32, i32) {
    %c0_i32 = arith.constant 0 : i32
    %c0_i32_0 = arith.constant 0 : i32
    return %arg0, %c0_i32 : i32, i32
  }
  func.func @transform_1(%arg0: i32) -> (i32, i32) {
    %c0_i32 = arith.constant 0 : i32
    %c0_i32_0 = arith.constant 0 : i32
    return %arg0, %c0_i32 : i32, i32
  }
  func.func @transform_2(%arg0: i32) -> (i32, i32) {
    %c0_i32 = arith.constant 0 : i32
    %c0_i32_0 = arith.constant 0 : i32
    return %arg0, %c0_i32 : i32, i32
  }
  func.func @transform_3(%arg0: i32) -> (i32, i32) {
    %c0_i32 = arith.constant 0 : i32
    %c0_i32_0 = arith.constant 0 : i32
    return %arg0, %c0_i32 : i32, i32
  }
  func.func @transform_4(%arg0: i32) -> (i32, i32) {
    %c0_i32 = arith.constant 0 : i32
    %c0_i32_0 = arith.constant 0 : i32
    return %arg0, %c0_i32 : i32, i32
  }
  func.func @transform_5(%arg0: i32) -> (i32, i32) {
    %c0_i32 = arith.constant 0 : i32
    %c0_i32_0 = arith.constant 0 : i32
    %c0_i32_1 = arith.constant 0 : i32
    return %c0_i32, %c0_i32_0 : i32, i32
  }
  func.func @transform_6(%arg0: i32) -> (i32, i32) {
    %c0_i32 = arith.constant 0 : i32
    %c0_i32_0 = arith.constant 0 : i32
    %c0_i32_1 = arith.constant 0 : i32
    return %c0_i32, %c0_i32_0 : i32, i32
  }
  func.func @transform_7(%arg0: i32) -> (i32, i32) {
    %c0_i32 = arith.constant 0 : i32
    %c0_i32_0 = arith.constant 0 : i32
    %c0_i32_1 = arith.constant 0 : i32
    return %c0_i32, %c0_i32_0 : i32, i32
  }
  func.func @transform_8(%arg0: i32) -> (i32, i32) {
    %c0_i32 = arith.constant 0 : i32
    %c0_i32_0 = arith.constant 0 : i32
    %c0_i32_1 = arith.constant 0 : i32
    return %c0_i32, %c0_i32_0 : i32, i32
  }
  func.func @transform_9(%arg0: i32) -> (i32, i32) {
    %c0_i32 = arith.constant 0 : i32
    %c0_i32_0 = arith.constant 0 : i32
    %c0_i32_1 = arith.constant 0 : i32
    return %c0_i32, %c0_i32_0 : i32, i32
  }
  func.func @transform_10(%arg0: i32) -> (i32, i32) {
    %c0_i32 = arith.constant 0 : i32
    %c0_i32_0 = arith.constant 0 : i32
    return %arg0, %c0_i32 : i32, i32
  }
  func.func @transform_11(%arg0: i32) -> (i32, i32) {
    %c0_i32 = arith.constant 0 : i32
    %c0_i32_0 = arith.constant 0 : i32
    return %arg0, %c0_i32 : i32, i32
  }
  func.func @transform_12(%arg0: i32) -> (i32, i32) {
    %c0_i32 = arith.constant 0 : i32
    %c0_i32_0 = arith.constant 0 : i32
    %c0_i32_1 = arith.constant 0 : i32
    return %c0_i32, %c0_i32_0 : i32, i32
  }
  func.func @transform_13(%arg0: i32) -> (i32, i32) {
    %c0_i32 = arith.constant 0 : i32
    %c0_i32_0 = arith.constant 0 : i32
    %c0_i32_1 = arith.constant 0 : i32
    return %c0_i32, %c0_i32_0 : i32, i32
  }
}

module attributes {stable_mosaic.version = 14 : i64} {
  func.func @_h2_body(%arg0: i32, %arg1: memref<16x512xf32, #tpu.memory_space<vmem>>, %arg2: memref<16x2xf32, #tpu.memory_space<vmem>>, %arg3: memref<512x512xf32, #tpu.memory_space<vmem>>, %arg4: memref<1x512xf32, #tpu.memory_space<vmem>>, %arg5: memref<512x1xf32, #tpu.memory_space<vmem>>, %arg6: memref<1x1xf32, #tpu.memory_space<vmem>>, %arg7: memref<1000x1xf32, #tpu.memory_space<vmem>>, %arg8: memref<1000x1xi32, #tpu.memory_space<vmem>>, %arg9: memref<1000x1xf32, #tpu.memory_space<vmem>>) attributes {dimension_semantics = [#tpu.dimension_semantics<arbitrary>], iteration_bounds = array<i64: 10>, scalar_prefetch = 0 : i64, scratch_operands = 0 : i64, tpu.core_type = #tpu.core_type<tc>, window_params = [{pipeline_mode = #tpu.pipeline_mode<synchronous>, transform_indices = @transform_0, window_bounds = array<i64: 16, 512>}, {pipeline_mode = #tpu.pipeline_mode<synchronous>, transform_indices = @transform_1, window_bounds = array<i64: 16, 2>}, {pipeline_mode = #tpu.pipeline_mode<synchronous>, transform_indices = @transform_2, window_bounds = array<i64: 512, 512>}, {pipeline_mode = #tpu.pipeline_mode<synchronous>, transform_indices = @transform_3, window_bounds = array<i64: 1, 512>}, {pipeline_mode = #tpu.pipeline_mode<synchronous>, transform_indices = @transform_4, window_bounds = array<i64: 512, 1>}, {pipeline_mode = #tpu.pipeline_mode<synchronous>, transform_indices = @transform_5, window_bounds = array<i64: 1, 1>}, {transform_indices = @transform_6, window_bounds = array<i64: 1000, 1>}, {transform_indices = @transform_7, window_bounds = array<i64: 1000, 1>}, {transform_indices = @transform_8, window_bounds = array<i64: 1000, 1>}]} {
    %get3A = arith.constant 0 : index
    %get3A_0 = arith.constant 1 : index
    %get3A_1 = vector.load %arg2[%get3A, %get3A_0] : memref<16x2xf32, #tpu.memory_space<vmem>>, vector<16x1xf32>
    %max3A = arith.constant 1.000000e+00 : f32
    %max3A_2 = vector.broadcast %max3A : f32 to vector<16x1xf32>
    %max3A_3 = arith.maximumf %get3A_1, %max3A_2 : vector<16x1xf32>
    %get3A_4 = arith.constant 0 : index
    %get3A_5 = arith.constant 0 : index
    %get3A_6 = vector.load %arg1[%get3A_4, %get3A_5] : memref<16x512xf32, #tpu.memory_space<vmem>>, vector<16x512xf32>
    %div3A = vector.broadcast %max3A_3 : vector<16x1xf32> to vector<16x512xf32>
    %div3A_7 = arith.divf %get3A_6, %div3A : vector<16x512xf32>
    %get3A_8 = arith.constant 0 : index
    %get3A_9 = arith.constant 0 : index
    %get3A_10 = vector.load %arg3[%get3A_8, %get3A_9] : memref<512x512xf32, #tpu.memory_space<vmem>>, vector<512x512xf32>
    %dot_general3A = arith.constant dense<0.000000e+00> : vector<16x512xf32>
    %dot_general3A_11 = tpu.matmul %div3A_7, %get3A_10, %dot_general3A {dimension_numbers = #tpu.dot_dimension_numbers<[1], [0], [0], [1], [0, 0, 1, 1], [], []>, transpose_lhs_hint = false} : vector<16x512xf32>, vector<512x512xf32>, vector<16x512xf32> -> vector<16x512xf32>
    %get3A_12 = arith.constant 0 : index
    %get3A_13 = arith.constant 0 : index
    %get3A_14 = vector.load %arg4[%get3A_12, %get3A_13] : memref<1x512xf32, #tpu.memory_space<vmem>>, vector<1x512xf32>
    %add3A = vector.broadcast %get3A_14 : vector<1x512xf32> to vector<16x512xf32>
    %add3A_15 = arith.addf %dot_general3A_11, %add3A : vector<16x512xf32>
    %max3A_16 = arith.constant 0.000000e+00 : f32
    %max3A_17 = vector.broadcast %max3A_16 : f32 to vector<16x512xf32>
    %max3A_18 = arith.maximumf %add3A_15, %max3A_17 : vector<16x512xf32>
    %get3A_19 = arith.constant 0 : index
    %get3A_20 = arith.constant 0 : index
    %get3A_21 = vector.load %arg5[%get3A_19, %get3A_20] : memref<512x1xf32, #tpu.memory_space<vmem>>, vector<512x1xf32>
    %dot_general3A_22 = arith.constant dense<0.000000e+00> : vector<16x1xf32>
    %dot_general3A_23 = tpu.matmul %max3A_18, %get3A_21, %dot_general3A_22 {dimension_numbers = #tpu.dot_dimension_numbers<[1], [0], [0], [1], [0, 0, 1, 1], [], []>, transpose_lhs_hint = false} : vector<16x512xf32>, vector<512x1xf32>, vector<16x1xf32> -> vector<16x1xf32>
    %get3A_24 = arith.constant 0 : index
    %get3A_25 = arith.constant 0 : index
    %get3A_26 = vector.load %arg6[%get3A_24, %get3A_25] : memref<1x1xf32, #tpu.memory_space<vmem>>, vector<1x1xf32>
    %add3A_27 = vector.broadcast %get3A_26 : vector<1x1xf32> to vector<16x1xf32>
    %add3A_28 = arith.addf %dot_general3A_23, %add3A_27 : vector<16x1xf32>
    %get3A_29 = arith.constant 0 : index
    %get3A_30 = arith.constant 0 : index
    %get3A_31 = vector.load %arg2[%get3A_29, %get3A_30] : memref<16x2xf32, #tpu.memory_space<vmem>>, vector<16x1xf32>
    %div3A_32 = arith.divf %get3A_31, %max3A_3 : vector<16x1xf32>
    %sub3A = arith.subf %add3A_28, %div3A_32 : vector<16x1xf32>
    %get3A_33 = arith.constant 0 : index
    %get3A_34 = arith.constant 0 : index
    %get3A_35 = vector.load %arg8[%get3A_33, %get3A_34] : memref<1000x1xi32, #tpu.memory_space<vmem>>, vector<1000x1xi32>
    %iota3A = tpu.iota {dimensions = array<i32: 1>} : vector<1000x16xi32>
    %eq3A = vector.broadcast %get3A_35 : vector<1000x1xi32> to vector<1000x16xi32>
    %eq3A_36 = arith.cmpi eq, %eq3A, %iota3A : vector<1000x16xi32>
    %convert_element_type3A = arith.extui %eq3A_36 : vector<1000x16xi1> to vector<1000x16xi32>
    %convert_element_type3A_37 = arith.sitofp %convert_element_type3A : vector<1000x16xi32> to vector<1000x16xf32>
    %get3A_38 = arith.constant 0 : index
    %get3A_39 = arith.constant 0 : index
    %get3A_40 = vector.load %arg7[%get3A_38, %get3A_39] : memref<1000x1xf32, #tpu.memory_space<vmem>>, vector<1000x1xf32>
    %dot_general3A_41 = arith.constant dense<0.000000e+00> : vector<1000x1xf32>
    %dot_general3A_42 = tpu.matmul %convert_element_type3A_37, %sub3A, %dot_general3A_41 {dimension_numbers = #tpu.dot_dimension_numbers<[1], [0], [0], [1], [0, 0, 1, 1], [], []>, transpose_lhs_hint = false} : vector<1000x16xf32>, vector<16x1xf32>, vector<1000x1xf32> -> vector<1000x1xf32>
    %add3A_43 = arith.addf %get3A_40, %dot_general3A_42 : vector<1000x1xf32>
    %swap3A = arith.constant 0 : index
    %swap3A_44 = arith.constant 0 : index
    %swap3A_45 = vector.load %arg9[%swap3A, %swap3A_44] : memref<1000x1xf32, #tpu.memory_space<vmem>>, vector<1000x1xf32>
    tpu.vector_store %arg9[%swap3A, %swap3A_44], %add3A_43 {strides = array<i32>} : memref<1000x1xf32, #tpu.memory_space<vmem>>, vector<1000x1xf32>,
    return
  }
  func.func @transform_0(%arg0: i32) -> (i32, i32) {
    %c0_i32 = arith.constant 0 : i32
    %c0_i32_0 = arith.constant 0 : i32
    %c0_i32_1 = arith.constant 0 : i32
    return %c0_i32, %c0_i32_0 : i32, i32
  }
  func.func @transform_1(%arg0: i32) -> (i32, i32) {
    %c0_i32 = arith.constant 0 : i32
    %c0_i32_0 = arith.constant 0 : i32
    %c0_i32_1 = arith.constant 0 : i32
    return %c0_i32, %c0_i32_0 : i32, i32
  }
  func.func @transform_2(%arg0: i32) -> (i32, i32) {
    %c0_i32 = arith.constant 0 : i32
    %c0_i32_0 = arith.constant 0 : i32
    %c0_i32_1 = arith.constant 0 : i32
    return %c0_i32, %c0_i32_0 : i32, i32
  }
  func.func @transform_3(%arg0: i32) -> (i32, i32) {
    %c0_i32 = arith.constant 0 : i32
    %c0_i32_0 = arith.constant 0 : i32
    %c0_i32_1 = arith.constant 0 : i32
    return %c0_i32, %c0_i32_0 : i32, i32
  }
  func.func @transform_4(%arg0: i32) -> (i32, i32) {
    %c0_i32 = arith.constant 0 : i32
    %c0_i32_0 = arith.constant 0 : i32
    %c0_i32_1 = arith.constant 0 : i32
    return %c0_i32, %c0_i32_0 : i32, i32
  }
  func.func @transform_5(%arg0: i32) -> (i32, i32) {
    %c0_i32 = arith.constant 0 : i32
    %c0_i32_0 = arith.constant 0 : i32
    %c0_i32_1 = arith.constant 0 : i32
    return %c0_i32, %c0_i32_0 : i32, i32
  }
  func.func @transform_6(%arg0: i32) -> (i32, i32) {
    %c0_i32 = arith.constant 0 : i32
    %c0_i32_0 = arith.constant 0 : i32
    return %arg0, %c0_i32 : i32, i32
  }
  func.func @transform_7(%arg0: i32) -> (i32, i32) {
    %c0_i32 = arith.constant 0 : i32
    %c0_i32_0 = arith.constant 0 : i32
    return %arg0, %c0_i32 : i32, i32
  }
  func.func @transform_8(%arg0: i32) -> (i32, i32) {
    %c0_i32 = arith.constant 0 : i32
    %c0_i32_0 = arith.constant 0 : i32
    return %arg0, %c0_i32 : i32, i32
  }
}

</mosaic_0001>

<sc_bundles>
// kernel: kernel.11.cloned.1.call-start
scs
__scs_entry_jumppad:
0x0: {  	(pc) =	sbr.rel $0x88, $3  }
0x1: {  	(tag) =	ssettag $0x0;
	lr =	simm.s32 $0x1  }
0x2: {  	[smem:$0x3F8C] =	sst lr;
	_ =	strace $0xD0000000  }
0x3: {  	_ = 	snop  }
0x4: {  	_ = 	snop  }
0x5: {  	_ = 	snop  }
0x6: {  	_ = 	snop  }
0x7: {  	_ = 	snop  }
__scs_overlays_trampoline_lowered:
0x8: {  	[smem:$0x3F9B] =	sst s0  }
0x9: {  	[smem:$0x3F9C] =	sst s1  }
0xa: {  	[smem:$0x3F9D] =	sst s2  }
0xb: {  	[smem:$0x3F9E] =	sst s3  }
0xc: {  	[smem:$0x3F9F] =	sst s4  }
0xd: {  	[smem:$0x3FA0] =	sst s5  }
0xe: {  	[smem:$0x3FA1] =	sst s6  }
0xf: {  	[smem:$0x3FA2] =	sst s7  }
0x10: {  	[smem:$0x3FA3] =	sst s8  }
0x11: {  	[smem:$0x3FA4] =	sst s9;
	s0 =	simm.s32 @!p0 $0x0  }
0x12: {  	s1 =	sld [smem:$0x3F8A];
	s0 =	simm.s32 @p0 $0x1  }
0x13: {  	[smem:$0x3FA5] =	sst s0;
	s0 =	simm.s32 @!p1 $0x0  }
0x14: {  	s2 =	sld [smem:$0x3F89];
	s0 =	simm.s32 @p1 $0x1  }
0x15: {  	[smem:$0x3FA6] =	sst s0;
	s0 =	simm.s32 @!p2 $0x0  }
0x16: {  	s3 =	sld [smem:$0x3FDB];
	s0 =	simm.s32 @p2 $0x1  }
0x17: {  	s4 =	simm.s32 $0x1BF5;
	[smem:$0x3FA8] =	sst s0  }
0x18: {  	s0 =	sld [smem:$0x3F8B];
	_ =	swait.ge [sflag:s4], $0x0  }
0x19: {  	s7 =	sld [smem:$0x3F8C]  }
0x1a: {  	s8 =	sadd.s32 $0xFFFFE003, lr  }
0x1b: {  	s9 =	sadd.s32 $0xFFFFFEF7, lr;
	s5 =	simm.s32 $0xFFFFFFFF;
	p2 =	slt.u32 s8, $0xFFFFF086  }
0x1c: {  	p1 =	slt.u32 s9, $0xF7A;
	s5 =	simm.s32 @!p2 $0x0  }
0x1d: {  	s5 =	simm.s32 @p1 $0x1;
	p0 =	seq.s32 s7, s2  }
0x1e: {  	s7 =	smul.u32 @!p0 $0xF7A, s2;
	p2 =	seq.s32 @!p0 s5, $0x0  }
0x1f: {  	s9 =	smul.u32 $0xF7A, s1;
	s8 =	simm.s32 @!p0 $0x1BF5;
	p2 =	por !p2, p0  }
0x20: {  	[sflag:s8] =	ssyncset.s32 @!p0 $0xFFFFF086;
	s6 =	sadd.s32 @!p0 s3, s7;
	s7 =	simm.s32 @!p0 $0x108  }
0x21: {  	s3 =	sadd.s32 s3, s9;
	s6 =	sadd.s32 @!p0 $0x88, s6;
	s7 =	simm.s32 @p2 $0x1082  }
0x22: {  	[simem:s7], [sflag:s8] =	dma.local @!p0 [hbm:s6], $0xF7A  }
0x23: {  	s9 =	sor.u32 $0xD0000000, s2;
	s6 =	simm.s32 $0x108;
	_ =	swait.ge @!p0 [sflag:s8], $0x0  }
0x24: {  	s3 =	sadd.s32 $0x88, s3;
	s6 =	simm.s32 @!p1 $0x1082;
	[sflag:s4] =	ssyncset.s32 $0xFFFFF086  }
0x25: {  	[simem:s6], [sflag:s4] =	dma.local [hbm:s3], $0xF7A  }
0x26: {  	[smem:$0x3F8C] =	sst s1;
	(tag) =	ssettag s2;
	_ =	strace s9  }
0x27: {  	s1 =	sld [smem:$0x3F9C]  }
0x28: {  	s2 =	sld [smem:$0x3F9D]  }
0x29: {  	s4 =	sld [smem:$0x3F9F]  }
0x2a: {  	p0 =	seq.s32 s5, $0x0;
	s5 =	sld [smem:$0x3FA0]  }
0x2b: {  	s6 =	sld [smem:$0x3FA1]  }
0x2c: {  	s7 =	sld [smem:$0x3FA2]  }
0x2d: {  	s3 =	simm.s32 $0x108;
	s8 =	sld [smem:$0x3FA3]  }
0x2e: {  	s3 =	simm.s32 @!p0 $0x1082;
	s9 =	sld [smem:$0x3FA4]  }
0x2f: {  	lr =	sadd.s32 s0, s3;
	s0 =	sld [smem:$0x3F9B]  }
0x30: {  	s3 =	sld [smem:$0x3F9E]  }
0x31: {  	[smem:$0x3FA7] =	sst s10  }
0x32: {  	s10 =	sld [smem:$0x3FA5];
	_ =	sdelay $0x3  }
0x33: {  	p0 =	seq.s32 s10, $0x1;
	s10 =	sld [smem:$0x3FA7];
	_ =	sdelay $0x3  }
0x34: {  	[smem:$0x3FA7] =	sst s10  }
0x35: {  	s10 =	sld [smem:$0x3FA6];
	_ =	sdelay $0x3  }
0x36: {  	p1 =	seq.s32 s10, $0x1;
	s10 =	sld [smem:$0x3FA7];
	_ =	sdelay $0x3  }
0x37: {  	[smem:$0x3FA7] =	sst s10  }
0x38: {  	s10 =	sld [smem:$0x3FA8]  }
0x39: {  	_ = 	snop;
	(pc) =	sbr.ind lr, $3  }
0x3a: {  	_ = 	snop  }
0x3b: {  	_ = 	snop  }
0x3c: {  	p2 =	seq.s32 s10, $0x1;
	s10 =	sld [smem:$0x3FA7]  }
0x3d: {  	_ =	shalt  }
0x3e: {  	_ =	shalt  }
0x3f: {  	_ =	shalt  }
0x40: {  	_ =	shalt  }
0x41: {  	_ =	shalt  }
0x42: {  	_ =	shalt  }
0x43: {  	_ =	shalt  }
0x44: {  	_ =	shalt  }
0x45: {  	_ =	shalt  }
0x46: {  	_ =	shalt  }
0x47: {  	_ =	shalt  }
0x48: {  	_ =	shalt  }
0x49: {  	_ =	shalt  }
0x4a: {  	_ =	shalt  }
0x4b: {  	_ =	shalt  }
0x4c: {  	_ =	shalt  }
0x4d: {  	_ =	shalt  }
0x4e: {  	_ =	shalt  }
0x4f: {  	_ =	shalt  }
0x50: {  	_ =	shalt  }
0x51: {  	_ =	shalt  }
0x52: {  	_ =	shalt  }
0x53: {  	_ =	shalt  }
0x54: {  	_ =	shalt  }
0x55: {  	_ =	shalt  }
0x56: {  	_ =	shalt  }
0x57: {  	_ =	shalt  }
0x58: {  	_ =	shalt  }
0x59: {  	_ =	shalt  }
0x5a: {  	_ =	shalt  }
0x5b: {  	_ =	shalt  }
0x5c: {  	_ =	shalt  }
0x5d: {  	_ =	shalt  }
0x5e: {  	_ =	shalt  }
0x5f: {  	_ =	shalt  }
0x60: {  	_ =	shalt  }
0x61: {  	_ =	shalt  }
0x62: {  	_ =	shalt  }
0x63: {  	_ =	shalt  }
0x64: {  	_ =	shalt  }
0x65: {  	_ =	shalt  }
0x66: {  	_ =	shalt  }
0x67: {  	_ =	shalt  }
0x68: {  	_ =	shalt  }
0x69: {  	_ =	shalt  }
0x6a: {  	_ =	shalt  }
0x6b: {  	_ =	shalt  }
0x6c: {  	_ =	shalt  }
0x6d: {  	_ =	shalt  }
0x6e: {  	_ =	shalt  }
0x6f: {  	_ =	shalt  }
0x70: {  	_ =	shalt  }
0x71: {  	_ =	shalt  }
0x72: {  	_ =	shalt  }
0x73: {  	_ =	shalt  }
0x74: {  	_ =	shalt  }
0x75: {  	_ =	shalt  }
0x76: {  	_ =	shalt  }
0x77: {  	_ =	shalt  }
0x78: {  	_ =	shalt  }
0x79: {  	_ =	shalt  }
0x7a: {  	_ =	shalt  }
0x7b: {  	_ =	shalt  }
0x7c: {  	_ =	shalt  }
0x7d: {  	_ =	shalt  }
0x7e: {  	_ =	shalt  }
0x7f: {  	_ =	shalt  }
0x80: {  	_ =	shalt  }
0x81: {  	_ =	shalt  }
0x82: {  	_ =	shalt  }
0x83: {  	_ =	shalt  }
0x84: {  	_ =	shalt  }
0x85: {  	_ =	shalt  }
0x86: {  	_ =	shalt  }
0x87: {  	_ =	shalt  }
.Lfunc_end0:
.L_simem_size_0:
called_computation.1_lowered:
.L_overlay_start_0:
0x88: {  	s2 =	sld [smem:$0x3FD9]  }
0x89: {  	s3 =	sld [smem:$0x3FFE];
	_ =	sdelay $0x1  }
0x8a: {  	s1 =	srdreg.scid  }
0x8b: {  	s0 =	sand.u32 $0x1, s1  }
0x8c: {  	s16 =	sshll.u32 s0, $0xA;
	s2 =	sadd.s32 s3, s2  }
0x8d: {  	s2 =	sadd.s32 s2, s16  }
0x8e: {  	[smem:$0x3FB3] =	sst s2  }
0x8f: {  	_ = 	snop  }
0x90: {  	(tm) =	ssettm $0x1  }
0x91: {  	s17 =	sld [smem:$0x3FFB];
	_ =	sdelay $0x3  }
0x92: {  	_ =	strace s17  }
0x93: {  	s2 =	sld [smem:$0x3FFC];
	_ =	sdelay $0x3  }
0x94: {  	_ =	strace s2  }
0x95: {  	s2 =	sld [smem:$0x3FFD];
	_ =	sdelay $0x3  }
0x96: {  	_ =	strace s2  }
0x97: {  	_ =	strace $0x8FFFFFFF  }
0x98: {  	s18 =	sld [smem:$0x3FDB];
	_ =	sdelay $0x1  }
0x99: {  	s19 =	simm.s32 $_scs_section_size  }
0x9a: {  	s4 =	simm.s32 $_size__tile_overlayer_lowered;
	s5 =	simm.s32 $_tile_overlayer_lowered  }
0x9b: {  	s22 =	simm.s32 $0x1BFF;
	s21 =	sshll.u32 s5, $0x1;
	s2 =	sadd.s32 s19, s18  }
0x9c: {  	s6 =	simm.s32 $0x0;
	s20 =	sshll.u32 s4, $0x1;
	s4 =	sadd.s32 s21, s2  }
0x9d: {  	[timem:s6], [sflag:s22] =	dma.local [hbm:s4], s20  }
0x9e: {  	_ =	swait.ge [sflag:s22], s20  }
0x9f: {  	s3 =	ssub.s32 $0x0, s20;
	[sflag:s22] =	ssyncset.done $0x0  }
0xa0: {  	[sflag:s22] =	ssyncadd.s32 s3;
	_ =	sdelay $0x1  }
0xa1: {  	s23 =	simm.s32 $0x1B8B  }
0xa2: {  	_ =	swait.ge [sflag:s23], $0x1  }
0xa3: {  	[sflag:s23] =	ssyncset.done $0x0  }
0xa4: {  	s25 =	simm.s32 $0x1B8E;
	s24 =	sld [smem:$0x3FFE];
	[sflag:s23] =	ssyncadd.s32 $0xFFFFFFFF  }
0xa5: {  	s26 =	simm.s32 $execute0_lowered;
	[smem:$0x3FD2] =	sst s25  }
0xa6: {  	s4 =	sshll.u32 s26, $0x1;
	_ =	strace $0x80000049;
	[dreg:$0x1] =	wrdreg $0xFFFFFFFF  }
0xa7: {  	s28 =	simm.s32 $_size_execute0_lowered;
	s2 =	sadd.s32 s2, s4;
	[dreg:$0x0] =	wrdreg $0x0  }
0xa8: {  	s4 =	sshll.u32 s28, $0x1;
	[dreg:$0x2] =	wrdreg s2  }
0xa9: {  	[dreg:$0x3] =	wrdreg s4  }
0xaa: {  	[dreg:$0x4] =	wrdreg $0xC0  }
0xab: {  	_ =	task [dreg:s6], $0x5FFFF  }
0xac: {  	[dreg:$0x1] =	wrdreg $0xFFFFFFFF  }
0xad: {  	[dreg:$0x0] =	wrdreg $0x60  }
0xae: {  	[dreg:$0x2] =	wrdreg s24  }
0xaf: {  	[dreg:$0x3] =	wrdreg $0x0  }
0xb0: {  	[dreg:$0x4] =	wrdreg $0x9  }
0xb1: {  	_ =	task.clear_ibuf [dreg:s6], $0x5FFFF;
	_ =	strace $0x90000049  }
0xb2: {  	s29 =	simm.s32 $0x9;
	_ =	strace $0x8000004B  }
0xb3: {  	_ =	swait.ge [sflag:s29], $0x1  }
0xb4: {  	[sflag:s29] =	ssyncadd.s32 $0xFFFFFFFF  }
0xb5: {  	_ =	strace $0x9000004B  }
0xb6: {  	_ =	sfence  }
0xb7: {  	s30 =	sld [smem:$0x0];
	_ =	sdelay $0x2  }
0xb8: {  	s31 =	sshll.u32 s1, $0xD;
	s1 =	sshrl.u32 s1, $0x2  }
0xb9: {  	s3 =	sand.u32 $0x4000, s31;
	s1 =	sadd.s32 s1, s30  }
0xba: {  	s0 =	sor.u32 s3, s0;
	s1 =	sshll.u32 s1, $0x11  }
0xbb: {  	s0 =	sor.u32 s1, s0  }
0xbc: {  	s0 =	sadd.s32 $0x8F2B, s0  }
0xbd: {  	[sflag:s0] =	ssyncadd.remote.s32 $0x1  }
0xbe: {  	_ =	sfence.sel $0xFFFF  }
0xbf: {  	[dreg:$0x0] =	wrdreg $0xFFFFFFFF;
	(pc) =	sbr.abs _section_cstart, $3  }
0xc0: {  	[dreg:$0x1] =	wrdreg $0xFFFFFFFF  }
0xc1: {  	_ =	task.clear_ibuf [dreg:s6], $0x2FFFF;
	_ =	strace $0x9FFFFFFF  }
0xc2: {  	(tm) =	ssettm $0x7FFFFFFF  }
0xc3: {  	_ =	shalt  }
tec
execute0_lowered:
.L_overlay_start_1:
0x0: {  	(tag) =	ssettag $0x1  }
0x1: {  	s0 =	rddreg [dreg:$0x0]  }
0x2: {  	s1 =	rddreg [dreg:$0x1];
	s2 =	simm.s32 $0x0;
	s6 =	stileid.u32  }
0x3: {  	s7 =	srdreg.scid;
	s31 =	simm.s32 $0x2;
	[smem:$0x7FF] =	sst s2  }
0x4: {  	s3 =	sadd.s32 $0x46C00, s0;
	s4 =	sadd.s32 $0x6DE00, s0;
	s5 =	sadd.s32 $0x95000, s0  }
0x5: {  	s8 =	sshll.u32 s6, $0xB;
	s13 =	smul.u32 $0x2700, s6;
	s14 =	sand.u32 $0x1, s7  }
0x6: {  	s7 =	sadd.s32 $0xBC200, s0;
	s16 =	smul.u32 $0x4E000, s6;
	s9 =	sadd.s32 $0x158A00, s0  }
0x7: {  	s21 =	sadd.s32 $0xBC000, s0;
	s23 =	sadd.s32 $0x158800, s0;
	s25 =	sadd.s32 $0x6DC00, s0  }
0x8: {  	s26 =	sadd.s32 $0x10A400, s0;
	_ =	strace $0x8000004A;
	[dreg:$0x4] =	wrdreg s21  }
0x9: {  	s30 =	sadd.s32 $0x94E00, s0;
	p1 =	sne.s32 s6, $0x0;
	[dreg:$0x6] =	wrdreg s23  }
0xa: {  	p2 =	seq.s32 s6, $0x0;
	s29 =	sadd.s32 $0x138000, s1;
	[dreg:$0x8] =	wrdreg s25  }
0xb: {  	s11 =	sadd.s32 s8, s0;
	s10 =	ssub.s32 $0x2, s14;
	[dreg:$0xa] =	wrdreg s26  }
0xc: {  	s8 =	sadd.s32 $0x10A600, s0;
	p0 =	sne.s32 s14, $0x0;
	[dreg:$0xb] =	wrdreg s30  }
0xd: {  	s14 =	simm.s32 $0x1B880;
	s15 =	sadd.s32 s13, s0;
	s12 =	sshrl.u32 s10, $0x1  }
0xe: {  	s19 =	sshrl.u32 s16, $0x2;
	s20 =	sadd.s32 s5, s13;
	s24 =	sadd.s32 s3, s13  }
0xf: {  	s21 =	sadd.s32 s4, s13;
	s0 =	sadd.s32 $0xE3200, s0;
	s25 =	sadd.s32 s7, s13  }
0x10: {  	s26 =	sadd.s32 s9, s13;
	s16 =	simm.s32 $0x0;
	s17 =	ssub.s32 s10, s12  }
.Ltmp0:
0x11: {  	s10 =	sadd.s32 $0x17A00, s11;
	[dreg:$0x3] =	wrdreg s20;
	(pc) =	sbr.rel .LBB2_1-.Ltmp0, $4  }
0x12: {  	s11 =	sadd.s32 $0x5A00, s11;
	s12 =	sadd.s32 s19, s1;
	[dreg:$0x7] =	wrdreg s24  }
0x13: {  	s22 =	sadd.s32 $0x131800, s15;
	s15 =	sadd.s32 $0xE3400, s15;
	[dreg:$0xc] =	wrdreg s0  }
0x14: {  	s24 =	sadd.s32 s8, s13;
	s13 =	simm.s32 $0x50;
	[dreg:$0x5] =	wrdreg s22  }
0x15: {  	[dreg:$0x9] =	wrdreg s15;
	s28 =	smax.u32 s17, $0x1;
	s15 =	simm.s32 $0x1  }
.LBB2_12:
0x16: {  	s0 =	sadd.s32 $0x27000, s18;
	s30 =	sshrl.u32 s29, $0x3  }
0x17: {  	[hbm:s0], [sflag:s17] =	dma.local [spmem:s30], $0x100  }
0x18: {  	_ =	swait.ge [sflag:s31], $0x100  }
0x19: {  	[sflag:s31] =	ssyncset.done $0x0  }
0x1a: {  	[sflag:s31] =	ssyncadd.s32 $0xFFFFFF00  }
.LBB2_13:
0x1b: {  	s16 =	sadd.s32 $0x1, s16  }
0x1c: {  	p3 =	sne.s32 s16, s28  }
.Ltmp1:
0x1d: {  	_ = 	snop;
	(pc) =	sbr.rel @!p3 .LBB2_14-.Ltmp1, $2  }
0x1e: {  	_ =	sdelay $0x1  }
0x1f: {  	[bflag:$0x0] =	sbarrier.arrive $0xFFFF;
	_ =	sdelay $0x1  }
.LBB2_1:
0x20: {  	s0 =	simm.s32 $0x13880  }
0x21: {  	[tilespmem:s0], [sflag:$0x2] =	stream.linear.gather [hbm4b:s10+s2], $0x3E80, $0x38;
	[tilespmem:$0x1E080] =	vst v63  }
0x22: {  	_ =	swait.ge [sflag:s31], $0x3E80  }
0x23: {  	[sflag:s31] =	ssyncset.done $0x0  }
.Ltmp2:
0x24: {  	s30 =	simm.s32 $0x17880;
	[sflag:s31] =	ssyncadd.s32 $0xFFFFC180;
	(pc) =	sbr.rel @p0 .LBB2_7-.Ltmp2, $4  }
0x25: {  	[tilespmem:s30], [sflag:$0x2] =	stream.linear.gather [hbm4b:s11+s2], $0x3E80, $0x38;
	[tilespmem:$0x1E080] =	vst v63  }
0x26: {  	_ =	swait.ge [sflag:s31], $0x3E80  }
0x27: {  	s20 =	sshll.u32 s6, $0x6;
	s18 =	sshrl.u32 s12, $0x3;
	[sflag:s31] =	ssyncset.done $0x0  }
0x28: {  	s19 =	sshrl.u32 @!p1 s29, $0x3;
	s17 =	sor.u32 $0x1C02, s20;
	[sflag:s31] =	ssyncadd.s32 $0xFFFFC180  }
0x29: {  	s17 =	sor.u32 $0x1C02, s20;
	s0 =	rddreg [dreg:$0x7]  }
0x2a: {  	[spmem:s18], [sflag:s17] =	dma.local [hbm:s0], $0x2700  }
0x2b: {  	_ =	swait.ge [sflag:s31], $0x2700  }
0x2c: {  	[sflag:s31] =	ssyncset.done $0x0  }
0x2d: {  	s20 =	simm.s32 @!p1 $0x2;
	s0 =	rddreg [dreg:$0x8];
	[sflag:s31] =	ssyncadd.s32 $0xFFFFD900  }
0x2e: {  	[spmem:s19], [sflag:s17] =	dma.local @!p1 [hbm:s0], $0x100  }
0x2f: {  	_ =	swait.ge @!p1 [sflag:s20], $0x100  }
0x30: {  	[sflag:s20] =	ssyncset.done @!p1 $0x0  }
0x31: {  	[sflag:s20] =	ssyncadd.s32 @!p1 $0xFFFFFF00  }
0x32: {  	s22 =	simm.s32 $0x13880;
	[bflag:$0x0] =	sbarrier.arrive $0xFFFF  }
0x33: {  	[tilespmem:s14], [sflag:$0x1] =	stream.indirect.gather [hbm4b:s3+s13], $0x80, s22, s13, $0xb8;
	[tilespmem:$0x1E080] =	vst v63  }
0x34: {  	_ =	swait.ge [sflag:s15], $0x2800  }
0x35: {  	[sflag:s15] =	ssyncset.done $0x0  }
0x36: {  	s23 =	simm.s32 $0x17880;
	[sflag:s15] =	ssyncadd.s32 $0xFFFFD800  }
0x37: {  	[spmem:s1] =	stream.indirect.scatter.add.f32 [tilespmem:s14], [sflag:$0x2], $0x80, s23, s13, $0xb8;
	[tilespmem:$0x1E080] =	vst v63  }
0x38: {  	_ =	swait.ge [sflag:s31], $0x2800  }
0x39: {  	s30 =	simm.s32 $0x400;
	s20 =	simm.s32 $0x80;
	[sflag:s31] =	ssyncset.done $0x0  }
.LBB2_3:
0x3a: {  	s22 =	sadd.s32 $0x13880, s20  }
0x3b: {  	[sflag:s31] =	ssyncadd.s32 $0xFFFFD800;
	s0 =	smov.u32 s30;
	s23 =	sadd.s32 $0x200, s30  }
0x3c: {  	[tilespmem:s14], [sflag:$0x1] =	stream.indirect.gather [hbm4b:s3+s13], $0x80, s22, s13, $0xb8;
	[tilespmem:$0x1E080] =	vst v63  }
0x3d: {  	p3 =	sne.s32 s30, $0xF800;
	_ =	swait.ge [sflag:s15], $0x2800  }
.Ltmp3:
0x3e: {  	[sflag:s15] =	ssyncset.done $0x0;
	(pc) =	sbr.rel @p3 .LBB2_3-.Ltmp3, $4  }
0x3f: {  	s20 =	sadd.s32 $0x17880, s20;
	[sflag:s15] =	ssyncadd.s32 $0xFFFFD800  }
0x40: {  	[spmem:s1] =	stream.indirect.scatter.add.f32 [tilespmem:s14], [sflag:$0x2], $0x80, s20, s13, $0xb8;
	[tilespmem:$0x1E080] =	vst v63  }
0x41: {  	_ =	swait.ge [sflag:s31], $0x2800  }
0x42: {  	s30 =	smov.u32 s23;
	s20 =	sshra.s32 s0, $0x2;
	[sflag:s31] =	ssyncset.done $0x0  }
0x43: {  	s0 =	sadd.s32 $0x13880, s20;
	[sflag:s31] =	ssyncadd.s32 $0xFFFFD800  }
0x44: {  	[tilespmem:s14], [sflag:$0x1] =	stream.indirect.gather [hbm4b:s3+s13], $0x80, s0, s13, $0xb8;
	[tilespmem:$0x1E080] =	vst v63  }
0x45: {  	_ =	swait.ge [sflag:s15], $0x2800  }
0x46: {  	[sflag:s15] =	ssyncset.done $0x0  }
0x47: {  	s20 =	sadd.s32 $0x17880, s20;
	[sflag:s15] =	ssyncadd.s32 $0xFFFFD800  }
0x48: {  	[spmem:s1] =	stream.indirect.scatter.add.f32 [tilespmem:s14], [sflag:$0x2], $0x80, s20, s13, $0xb8;
	[tilespmem:$0x1E080] =	vst v63  }
0x49: {  	_ =	swait.ge [sflag:s31], $0x2800  }
0x4a: {  	[sflag:s31] =	ssyncset.done $0x0  }
0x4b: {  	[sflag:s31] =	ssyncadd.s32 $0xFFFFD800  }
0x4c: {  	[bflag:$0x0] =	sbarrier.arrive $0xFFFF  }
0x4d: {  	s22 =	rddreg [dreg:$0x9]  }
0x4e: {  	[hbm:s22], [sflag:s17] =	dma.local [spmem:s18], $0x2700  }
0x4f: {  	_ =	swait.ge [sflag:s31], $0x2700  }
0x50: {  	[sflag:s31] =	ssyncset.done $0x0  }
0x51: {  	[sflag:s31] =	ssyncadd.s32 $0xFFFFD900  }
0x52: {  	s0 =	sshrl.u32 @p1 s12, $0x3;
	[bflag:$0x0] =	sbarrier.arrive @p1 $0xFFFF  }
0x53: {  	[spmem:s0], [sflag:s17] =	dma.local @p1 [hbm:s21], $0x2700  }
0x54: {  	s0 =	simm.s32 @p1 $0x2  }
0x55: {  	_ =	swait.ge @p1 [sflag:s0], $0x2700  }
0x56: {  	[sflag:s0] =	ssyncset.done @p1 $0x0  }
0x57: {  	[sflag:s0] =	ssyncadd.s32 @p1 $0xFFFFD900;
	s0 =	rddreg [dreg:$0xa]  }
0x58: {  	[hbm:s0], [sflag:s17] =	dma.local @!p1 [spmem:s19], $0x100  }
0x59: {  	s0 =	simm.s32 @!p1 $0x2  }
0x5a: {  	_ =	swait.ge @!p1 [sflag:s0], $0x100  }
0x5b: {  	[sflag:s0] =	ssyncset.done @!p1 $0x0  }
0x5c: {  	[sflag:s0] =	ssyncadd.s32 @!p1 $0xFFFFFF00  }
0x5d: {  	s20 =	sshrl.u32 @!p1 s12, $0x3;
	[bflag:$0x0] =	sbarrier.arrive @!p1 $0xFFFF  }
0x5e: {  	[spmem:s20], [sflag:s17] =	dma.local @!p1 [hbm:s21], $0x2700  }
0x5f: {  	_ =	swait.ge @!p1 [sflag:s0], $0x2700  }
0x60: {  	[sflag:s0] =	ssyncset.done @!p1 $0x0  }
0x61: {  	s20 =	rddreg [dreg:$0xb];
	[sflag:s0] =	ssyncadd.s32 @!p1 $0xFFFFD900  }
0x62: {  	[spmem:s19], [sflag:s17] =	dma.local @!p1 [hbm:s20], $0x100  }
0x63: {  	_ =	swait.ge @!p1 [sflag:s0], $0x100  }
0x64: {  	[sflag:s0] =	ssyncset.done @!p1 $0x0  }
0x65: {  	[sflag:s0] =	ssyncadd.s32 @!p1 $0xFFFFFF00  }
0x66: {  	s23 =	simm.s32 $0x13880;
	[bflag:$0x0] =	sbarrier.arrive $0xFFFF  }
0x67: {  	[tilespmem:s14], [sflag:$0x1] =	stream.indirect.gather [hbm4b:s4+s13], $0x80, s23, s13, $0xb8;
	[tilespmem:$0x1E080] =	vst v63  }
0x68: {  	_ =	swait.ge [sflag:s15], $0x2800  }
0x69: {  	[sflag:s15] =	ssyncset.done $0x0  }
0x6a: {  	s30 =	simm.s32 $0x17880;
	[sflag:s15] =	ssyncadd.s32 $0xFFFFD800  }
0x6b: {  	[spmem:s1] =	stream.indirect.scatter.add.f32 [tilespmem:s14], [sflag:$0x2], $0x80, s30, s13, $0xb8;
	[tilespmem:$0x1E080] =	vst v63  }
0x6c: {  	_ =	swait.ge [sflag:s31], $0x2800  }
0x6d: {  	s20 =	simm.s32 $0x400;
	s19 =	simm.s32 $0x80;
	[sflag:s31] =	ssyncset.done $0x0  }
.LBB2_5:
0x6e: {  	s0 =	sadd.s32 $0x13880, s19  }
0x6f: {  	[sflag:s31] =	ssyncadd.s32 $0xFFFFD800;
	s22 =	smov.u32 s20;
	s23 =	sadd.s32 $0x200, s20  }
0x70: {  	[tilespmem:s14], [sflag:$0x1] =	stream.indirect.gather [hbm4b:s4+s13], $0x80, s0, s13, $0xb8;
	[tilespmem:$0x1E080] =	vst v63  }
0x71: {  	p3 =	sne.s32 s20, $0xF800;
	_ =	swait.ge [sflag:s15], $0x2800  }
.Ltmp4:
0x72: {  	[sflag:s15] =	ssyncset.done $0x0;
	(pc) =	sbr.rel @p3 .LBB2_5-.Ltmp4, $4  }
0x73: {  	s0 =	sadd.s32 $0x17880, s19;
	[sflag:s15] =	ssyncadd.s32 $0xFFFFD800  }
0x74: {  	[spmem:s1] =	stream.indirect.scatter.add.f32 [tilespmem:s14], [sflag:$0x2], $0x80, s0, s13, $0xb8;
	[tilespmem:$0x1E080] =	vst v63  }
0x75: {  	_ =	swait.ge [sflag:s31], $0x2800  }
0x76: {  	s19 =	sshra.s32 s22, $0x2;
	s20 =	smov.u32 s23;
	[sflag:s31] =	ssyncset.done $0x0  }
0x77: {  	s0 =	sadd.s32 $0x13880, s19;
	[sflag:s31] =	ssyncadd.s32 $0xFFFFD800  }
0x78: {  	[tilespmem:s14], [sflag:$0x1] =	stream.indirect.gather [hbm4b:s4+s13], $0x80, s0, s13, $0xb8;
	[tilespmem:$0x1E080] =	vst v63  }
0x79: {  	_ =	swait.ge [sflag:s15], $0x2800  }
0x7a: {  	[sflag:s15] =	ssyncset.done $0x0  }
0x7b: {  	s30 =	sadd.s32 $0x17880, s19;
	[sflag:s15] =	ssyncadd.s32 $0xFFFFD800  }
0x7c: {  	[spmem:s1] =	stream.indirect.scatter.add.f32 [tilespmem:s14], [sflag:$0x2], $0x80, s30, s13, $0xb8;
	[tilespmem:$0x1E080] =	vst v63  }
0x7d: {  	_ =	swait.ge [sflag:s31], $0x2800  }
0x7e: {  	[sflag:s31] =	ssyncset.done $0x0  }
0x7f: {  	[sflag:s31] =	ssyncadd.s32 $0xFFFFD800  }
0x80: {  	[bflag:$0x0] =	sbarrier.arrive $0xFFFF  }
0x81: {  	[hbm:s24], [sflag:s17] =	dma.local [spmem:s18], $0x2700  }
.Ltmp5:
0x82: {  	_ = 	snop;
	(pc) =	sbr.rel @!p2 .LBB2_13-.Ltmp5, $4  }
.Ltmp6:
0x83: {  	_ = 	snop;
	(pc) =	sbr.rel @p2 .LBB2_12-.Ltmp6, $4  }
0x84: {  	_ =	swait.ge [sflag:s31], $0x2700  }
0x85: {  	[sflag:s31] =	ssyncset.done $0x0  }
0x86: {  	s18 =	smov.u32 s8;
	[sflag:s31] =	ssyncadd.s32 $0xFFFFD900  }
0x87: {  	_ = 	snop  }
.LBB2_7:
0x88: {  	s0 =	rddreg [dreg:$0x3]  }
0x89: {  	[spmem:s18], [sflag:s17] =	dma.local [hbm:s0], $0x2700  }
0x8a: {  	_ =	swait.ge [sflag:s31], $0x2700  }
0x8b: {  	[sflag:s31] =	ssyncset.done $0x0  }
0x8c: {  	s0 =	rddreg [dreg:$0x4];
	[sflag:s31] =	ssyncadd.s32 $0xFFFFD900  }
0x8d: {  	[spmem:s19], [sflag:s17] =	dma.local @!p1 [hbm:s0], $0x100  }
0x8e: {  	s0 =	simm.s32 @!p1 $0x2  }
0x8f: {  	_ =	swait.ge @!p1 [sflag:s0], $0x100  }
0x90: {  	[sflag:s0] =	ssyncset.done @!p1 $0x0  }
0x91: {  	[sflag:s0] =	ssyncadd.s32 @!p1 $0xFFFFFF00  }
0x92: {  	s22 =	simm.s32 $0x13880;
	[bflag:$0x0] =	sbarrier.arrive $0xFFFF  }
0x93: {  	[tilespmem:s14], [sflag:$0x1] =	stream.indirect.gather [hbm4b:s5+s13], $0x80, s22, s13, $0xb8;
	[tilespmem:$0x1E080] =	vst v63  }
0x94: {  	_ =	swait.ge [sflag:s15], $0x2800  }
0x95: {  	[sflag:s15] =	ssyncset.done $0x0  }
0x96: {  	s23 =	simm.s32 $0x17880;
	[sflag:s15] =	ssyncadd.s32 $0xFFFFD800  }
0x97: {  	[spmem:s1] =	stream.indirect.scatter.add.f32 [tilespmem:s14], [sflag:$0x2], $0x80, s23, s13, $0xb8;
	[tilespmem:$0x1E080] =	vst v63  }
0x98: {  	_ =	swait.ge [sflag:s31], $0x2800  }
0x99: {  	s30 =	simm.s32 $0x400;
	s20 =	simm.s32 $0x80;
	[sflag:s31] =	ssyncset.done $0x0  }
.LBB2_8:
0x9a: {  	s0 =	sadd.s32 $0x13880, s20  }
0x9b: {  	[sflag:s31] =	ssyncadd.s32 $0xFFFFD800;
	s22 =	smov.u32 s30;
	s23 =	sadd.s32 $0x200, s30  }
0x9c: {  	[tilespmem:s14], [sflag:$0x1] =	stream.indirect.gather [hbm4b:s5+s13], $0x80, s0, s13, $0xb8;
	[tilespmem:$0x1E080] =	vst v63  }
0x9d: {  	p3 =	sne.s32 s30, $0xF800;
	_ =	swait.ge [sflag:s15], $0x2800  }
.Ltmp7:
0x9e: {  	[sflag:s15] =	ssyncset.done $0x0;
	(pc) =	sbr.rel @p3 .LBB2_8-.Ltmp7, $4  }
0x9f: {  	s0 =	sadd.s32 $0x17880, s20;
	[sflag:s15] =	ssyncadd.s32 $0xFFFFD800  }
0xa0: {  	[spmem:s1] =	stream.indirect.scatter.add.f32 [tilespmem:s14], [sflag:$0x2], $0x80, s0, s13, $0xb8;
	[tilespmem:$0x1E080] =	vst v63  }
0xa1: {  	_ =	swait.ge [sflag:s31], $0x2800  }
0xa2: {  	s20 =	sshra.s32 s22, $0x2;
	s30 =	smov.u32 s23;
	[sflag:s31] =	ssyncset.done $0x0  }
0xa3: {  	s0 =	sadd.s32 $0x13880, s20;
	[sflag:s31] =	ssyncadd.s32 $0xFFFFD800  }
0xa4: {  	[tilespmem:s14], [sflag:$0x1] =	stream.indirect.gather [hbm4b:s5+s13], $0x80, s0, s13, $0xb8;
	[tilespmem:$0x1E080] =	vst v63  }
0xa5: {  	_ =	swait.ge [sflag:s15], $0x2800  }
0xa6: {  	[sflag:s15] =	ssyncset.done $0x0  }
0xa7: {  	s20 =	sadd.s32 $0x17880, s20;
	[sflag:s15] =	ssyncadd.s32 $0xFFFFD800  }
0xa8: {  	[spmem:s1] =	stream.indirect.scatter.add.f32 [tilespmem:s14], [sflag:$0x2], $0x80, s20, s13, $0xb8;
	[tilespmem:$0x1E080] =	vst v63  }
0xa9: {  	_ =	swait.ge [sflag:s31], $0x2800  }
0xaa: {  	[sflag:s31] =	ssyncset.done $0x0  }
0xab: {  	[sflag:s31] =	ssyncadd.s32 $0xFFFFD800  }
0xac: {  	[bflag:$0x0] =	sbarrier.arrive $0xFFFF  }
0xad: {  	s22 =	rddreg [dreg:$0x5]  }
0xae: {  	[hbm:s22], [sflag:s17] =	dma.local [spmem:s18], $0x2700  }
0xaf: {  	_ =	swait.ge [sflag:s31], $0x2700  }
0xb0: {  	[sflag:s31] =	ssyncset.done $0x0  }
0xb1: {  	s20 =	simm.s32 @!p1 $0x2;
	s0 =	rddreg [dreg:$0x6];
	[sflag:s31] =	ssyncadd.s32 $0xFFFFD900  }
0xb2: {  	[hbm:s0], [sflag:s17] =	dma.local @!p1 [spmem:s19], $0x100  }
0xb3: {  	_ =	swait.ge @!p1 [sflag:s20], $0x100  }
0xb4: {  	[sflag:s20] =	ssyncset.done @!p1 $0x0  }
0xb5: {  	[sflag:s20] =	ssyncadd.s32 @!p1 $0xFFFFFF00  }
0xb6: {  	[bflag:$0x0] =	sbarrier.arrive $0xFFFF  }
0xb7: {  	[spmem:s18], [sflag:s17] =	dma.local [hbm:s25], $0x2700  }
0xb8: {  	_ =	swait.ge [sflag:s31], $0x2700  }
0xb9: {  	[sflag:s31] =	ssyncset.done $0x0  }
0xba: {  	s0 =	rddreg [dreg:$0xc];
	[sflag:s31] =	ssyncadd.s32 $0xFFFFD900  }
0xbb: {  	[spmem:s19], [sflag:s17] =	dma.local @!p1 [hbm:s0], $0x100  }
0xbc: {  	_ =	swait.ge @!p1 [sflag:s20], $0x100  }
0xbd: {  	[sflag:s20] =	ssyncset.done @!p1 $0x0  }
0xbe: {  	[sflag:s20] =	ssyncadd.s32 @!p1 $0xFFFFFF00  }
0xbf: {  	s23 =	simm.s32 $0x13880;
	[bflag:$0x0] =	sbarrier.arrive $0xFFFF  }
0xc0: {  	[tilespmem:s14], [sflag:$0x1] =	stream.indirect.gather [hbm4b:s7+s13], $0x80, s23, s13, $0xb8;
	[tilespmem:$0x1E080] =	vst v63  }
0xc1: {  	_ =	swait.ge [sflag:s15], $0x2800  }
0xc2: {  	[sflag:s15] =	ssyncset.done $0x0  }
0xc3: {  	s30 =	simm.s32 $0x17880;
	[sflag:s15] =	ssyncadd.s32 $0xFFFFD800  }
0xc4: {  	[spmem:s1] =	stream.indirect.scatter.add.f32 [tilespmem:s14], [sflag:$0x2], $0x80, s30, s13, $0xb8;
	[tilespmem:$0x1E080] =	vst v63  }
0xc5: {  	_ =	swait.ge [sflag:s31], $0x2800  }
0xc6: {  	s19 =	simm.s32 $0x80;
	s20 =	simm.s32 $0x400;
	[sflag:s31] =	ssyncset.done $0x0  }
.LBB2_10:
0xc7: {  	s0 =	sadd.s32 $0x13880, s19  }
0xc8: {  	[sflag:s31] =	ssyncadd.s32 $0xFFFFD800;
	s22 =	smov.u32 s20;
	s23 =	sadd.s32 $0x200, s20  }
0xc9: {  	[tilespmem:s14], [sflag:$0x1] =	stream.indirect.gather [hbm4b:s7+s13], $0x80, s0, s13, $0xb8;
	[tilespmem:$0x1E080] =	vst v63  }
0xca: {  	p3 =	sne.s32 s20, $0xF800;
	_ =	swait.ge [sflag:s15], $0x2800  }
.Ltmp8:
0xcb: {  	[sflag:s15] =	ssyncset.done $0x0;
	(pc) =	sbr.rel @p3 .LBB2_10-.Ltmp8, $4  }
0xcc: {  	s0 =	sadd.s32 $0x17880, s19;
	[sflag:s15] =	ssyncadd.s32 $0xFFFFD800  }
0xcd: {  	[spmem:s1] =	stream.indirect.scatter.add.f32 [tilespmem:s14], [sflag:$0x2], $0x80, s0, s13, $0xb8;
	[tilespmem:$0x1E080] =	vst v63  }
0xce: {  	_ =	swait.ge [sflag:s31], $0x2800  }
0xcf: {  	s19 =	sshra.s32 s22, $0x2;
	s20 =	smov.u32 s23;
	[sflag:s31] =	ssyncset.done $0x0  }
0xd0: {  	s0 =	sadd.s32 $0x13880, s19;
	[sflag:s31] =	ssyncadd.s32 $0xFFFFD800  }
0xd1: {  	[tilespmem:s14], [sflag:$0x1] =	stream.indirect.gather [hbm4b:s7+s13], $0x80, s0, s13, $0xb8;
	[tilespmem:$0x1E080] =	vst v63  }
0xd2: {  	_ =	swait.ge [sflag:s15], $0x2800  }
0xd3: {  	[sflag:s15] =	ssyncset.done $0x0  }
0xd4: {  	s30 =	sadd.s32 $0x17880, s19;
	[sflag:s15] =	ssyncadd.s32 $0xFFFFD800  }
0xd5: {  	[spmem:s1] =	stream.indirect.scatter.add.f32 [tilespmem:s14], [sflag:$0x2], $0x80, s30, s13, $0xb8;
	[tilespmem:$0x1E080] =	vst v63  }
0xd6: {  	_ =	swait.ge [sflag:s31], $0x2800  }
0xd7: {  	[sflag:s31] =	ssyncset.done $0x0  }
0xd8: {  	[sflag:s31] =	ssyncadd.s32 $0xFFFFD800  }
0xd9: {  	[bflag:$0x0] =	sbarrier.arrive $0xFFFF  }
0xda: {  	[hbm:s26], [sflag:s17] =	dma.local [spmem:s18], $0x2700  }
.Ltmp9:
0xdb: {  	_ = 	snop;
	(pc) =	sbr.rel @p1 .LBB2_13-.Ltmp9, $4  }
.Ltmp10:
0xdc: {  	_ = 	snop;
	(pc) =	sbr.rel @!p1 .LBB2_12-.Ltmp10, $4  }
0xdd: {  	_ =	swait.ge [sflag:s31], $0x2700  }
0xde: {  	[sflag:s31] =	ssyncset.done $0x0  }
0xdf: {  	s18 =	smov.u32 s9;
	[sflag:s31] =	ssyncadd.s32 $0xFFFFD900  }
0xe0: {  	_ = 	snop  }
.LBB2_14:
0xe1: {  	_ =	sfence.sel $0x180000  }
0xe2: {  	[bflag:$0x0] =	sbarrier.arrive $0xFFFF  }
0xe3: {  	_ =	strace $0x9000004A  }
0xe4: {  	[bflag:$0x2] =	sbarrier.arrive $0xFFFF  }
0xe5: {  	s0 =	rddreg [dreg:$0x2]  }
0xe6: {  	s0 =	sadd.s32 @!p1 $0x100000, s0  }
0xe7: {  	[sflag:s0] =	ssyncadd.tile.s32 @!p1 $0x1;
	_ =	shalt  }
.Lfunc_end2:
_tile_overlayer_lowered:
.L_overlay_start_2:
0xe8: {  	(tag) =	ssettag $0x2  }
0xe9: {  	s0 =	rddreg [dreg:$0x0];
	s2 =	stileid.u32  }
0xea: {  	s1 =	rddreg [dreg:$0x1];
	p0 =	sne.s32 s2, $0x0  }
0xeb: {  	s3 =	rddreg [dreg:$0x2];
	[bflag:$0x3] =	sbarrier.arrive $0xFFFF;
	s2 =	simm.s32 @!p0 $0x1C02  }
0xec: {  	[timem:s3], [sflag:s2] =	dma.local @!p0 [hbm:s0], s1  }
0xed: {  	s0 =	simm.s32 @!p0 $0x2  }
0xee: {  	_ =	swait.ge @!p0 [sflag:s0], s1  }
0xef: {  	s1 =	ssub.s32 @!p0 $0x0, s1;
	[sflag:s0] =	ssyncset.done @!p0 $0x0  }
0xf0: {  	[sflag:s0] =	ssyncadd.s32 @!p0 s1  }
0xf1: {  	[bflag:$0x3] =	sbarrier.arrive $0xFFFF  }
0xf2: {  	_ =	shalt  }

// kernel: kernel.14.cloned.1.call-start
scs
__scs_entry_jumppad:
0x0: {  	(pc) =	sbr.rel $0x88, $3  }
0x1: {  	(tag) =	ssettag $0x0;
	lr =	simm.s32 $0x1  }
0x2: {  	[smem:$0x3F8C] =	sst lr;
	_ =	strace $0xD0000000  }
0x3: {  	_ = 	snop  }
0x4: {  	_ = 	snop  }
0x5: {  	_ = 	snop  }
0x6: {  	_ = 	snop  }
0x7: {  	_ = 	snop  }
__scs_overlays_trampoline_lowered:
0x8: {  	[smem:$0x3F9B] =	sst s0  }
0x9: {  	[smem:$0x3F9C] =	sst s1  }
0xa: {  	[smem:$0x3F9D] =	sst s2  }
0xb: {  	[smem:$0x3F9E] =	sst s3  }
0xc: {  	[smem:$0x3F9F] =	sst s4  }
0xd: {  	[smem:$0x3FA0] =	sst s5  }
0xe: {  	[smem:$0x3FA1] =	sst s6  }
0xf: {  	[smem:$0x3FA2] =	sst s7  }
0x10: {  	[smem:$0x3FA3] =	sst s8  }
0x11: {  	[smem:$0x3FA4] =	sst s9;
	s0 =	simm.s32 @!p0 $0x0  }
0x12: {  	s1 =	sld [smem:$0x3F8A];
	s0 =	simm.s32 @p0 $0x1  }
0x13: {  	[smem:$0x3FA5] =	sst s0;
	s0 =	simm.s32 @!p1 $0x0  }
0x14: {  	s2 =	sld [smem:$0x3F89];
	s0 =	simm.s32 @p1 $0x1  }
0x15: {  	[smem:$0x3FA6] =	sst s0;
	s0 =	simm.s32 @!p2 $0x0  }
0x16: {  	s3 =	sld [smem:$0x3FDB];
	s0 =	simm.s32 @p2 $0x1  }
0x17: {  	s4 =	simm.s32 $0x1BF5;
	[smem:$0x3FA8] =	sst s0  }
0x18: {  	s0 =	sld [smem:$0x3F8B];
	_ =	swait.ge [sflag:s4], $0x0  }
0x19: {  	s7 =	sld [smem:$0x3F8C]  }
0x1a: {  	s8 =	sadd.s32 $0xFFFFE003, lr  }
0x1b: {  	s9 =	sadd.s32 $0xFFFFFEF7, lr;
	s5 =	simm.s32 $0xFFFFFFFF;
	p2 =	slt.u32 s8, $0xFFFFF086  }
0x1c: {  	p1 =	slt.u32 s9, $0xF7A;
	s5 =	simm.s32 @!p2 $0x0  }
0x1d: {  	s5 =	simm.s32 @p1 $0x1;
	p0 =	seq.s32 s7, s2  }
0x1e: {  	s7 =	smul.u32 @!p0 $0xF7A, s2;
	p2 =	seq.s32 @!p0 s5, $0x0  }
0x1f: {  	s9 =	smul.u32 $0xF7A, s1;
	s8 =	simm.s32 @!p0 $0x1BF5;
	p2 =	por !p2, p0  }
0x20: {  	[sflag:s8] =	ssyncset.s32 @!p0 $0xFFFFF086;
	s6 =	sadd.s32 @!p0 s3, s7;
	s7 =	simm.s32 @!p0 $0x108  }
0x21: {  	s3 =	sadd.s32 s3, s9;
	s6 =	sadd.s32 @!p0 $0x88, s6;
	s7 =	simm.s32 @p2 $0x1082  }
0x22: {  	[simem:s7], [sflag:s8] =	dma.local @!p0 [hbm:s6], $0xF7A  }
0x23: {  	s9 =	sor.u32 $0xD0000000, s2;
	s6 =	simm.s32 $0x108;
	_ =	swait.ge @!p0 [sflag:s8], $0x0  }
0x24: {  	s3 =	sadd.s32 $0x88, s3;
	s6 =	simm.s32 @!p1 $0x1082;
	[sflag:s4] =	ssyncset.s32 $0xFFFFF086  }
0x25: {  	[simem:s6], [sflag:s4] =	dma.local [hbm:s3], $0xF7A  }
0x26: {  	[smem:$0x3F8C] =	sst s1;
	(tag) =	ssettag s2;
	_ =	strace s9  }
0x27: {  	s1 =	sld [smem:$0x3F9C]  }
0x28: {  	s2 =	sld [smem:$0x3F9D]  }
0x29: {  	s4 =	sld [smem:$0x3F9F]  }
0x2a: {  	p0 =	seq.s32 s5, $0x0;
	s5 =	sld [smem:$0x3FA0]  }
0x2b: {  	s6 =	sld [smem:$0x3FA1]  }
0x2c: {  	s7 =	sld [smem:$0x3FA2]  }
0x2d: {  	s3 =	simm.s32 $0x108;
	s8 =	sld [smem:$0x3FA3]  }
0x2e: {  	s3 =	simm.s32 @!p0 $0x1082;
	s9 =	sld [smem:$0x3FA4]  }
0x2f: {  	lr =	sadd.s32 s0, s3;
	s0 =	sld [smem:$0x3F9B]  }
0x30: {  	s3 =	sld [smem:$0x3F9E]  }
0x31: {  	[smem:$0x3FA7] =	sst s10  }
0x32: {  	s10 =	sld [smem:$0x3FA5];
	_ =	sdelay $0x3  }
0x33: {  	p0 =	seq.s32 s10, $0x1;
	s10 =	sld [smem:$0x3FA7];
	_ =	sdelay $0x3  }
0x34: {  	[smem:$0x3FA7] =	sst s10  }
0x35: {  	s10 =	sld [smem:$0x3FA6];
	_ =	sdelay $0x3  }
0x36: {  	p1 =	seq.s32 s10, $0x1;
	s10 =	sld [smem:$0x3FA7];
	_ =	sdelay $0x3  }
0x37: {  	[smem:$0x3FA7] =	sst s10  }
0x38: {  	s10 =	sld [smem:$0x3FA8]  }
0x39: {  	_ = 	snop;
	(pc) =	sbr.ind lr, $3  }
0x3a: {  	_ = 	snop  }
0x3b: {  	_ = 	snop  }
0x3c: {  	p2 =	seq.s32 s10, $0x1;
	s10 =	sld [smem:$0x3FA7]  }
0x3d: {  	_ =	shalt  }
0x3e: {  	_ =	shalt  }
0x3f: {  	_ =	shalt  }
0x40: {  	_ =	shalt  }
0x41: {  	_ =	shalt  }
0x42: {  	_ =	shalt  }
0x43: {  	_ =	shalt  }
0x44: {  	_ =	shalt  }
0x45: {  	_ =	shalt  }
0x46: {  	_ =	shalt  }
0x47: {  	_ =	shalt  }
0x48: {  	_ =	shalt  }
0x49: {  	_ =	shalt  }
0x4a: {  	_ =	shalt  }
0x4b: {  	_ =	shalt  }
0x4c: {  	_ =	shalt  }
0x4d: {  	_ =	shalt  }
0x4e: {  	_ =	shalt  }
0x4f: {  	_ =	shalt  }
0x50: {  	_ =	shalt  }
0x51: {  	_ =	shalt  }
0x52: {  	_ =	shalt  }
0x53: {  	_ =	shalt  }
0x54: {  	_ =	shalt  }
0x55: {  	_ =	shalt  }
0x56: {  	_ =	shalt  }
0x57: {  	_ =	shalt  }
0x58: {  	_ =	shalt  }
0x59: {  	_ =	shalt  }
0x5a: {  	_ =	shalt  }
0x5b: {  	_ =	shalt  }
0x5c: {  	_ =	shalt  }
0x5d: {  	_ =	shalt  }
0x5e: {  	_ =	shalt  }
0x5f: {  	_ =	shalt  }
0x60: {  	_ =	shalt  }
0x61: {  	_ =	shalt  }
0x62: {  	_ =	shalt  }
0x63: {  	_ =	shalt  }
0x64: {  	_ =	shalt  }
0x65: {  	_ =	shalt  }
0x66: {  	_ =	shalt  }
0x67: {  	_ =	shalt  }
0x68: {  	_ =	shalt  }
0x69: {  	_ =	shalt  }
0x6a: {  	_ =	shalt  }
0x6b: {  	_ =	shalt  }
0x6c: {  	_ =	shalt  }
0x6d: {  	_ =	shalt  }
0x6e: {  	_ =	shalt  }
0x6f: {  	_ =	shalt  }
0x70: {  	_ =	shalt  }
0x71: {  	_ =	shalt  }
0x72: {  	_ =	shalt  }
0x73: {  	_ =	shalt  }
0x74: {  	_ =	shalt  }
0x75: {  	_ =	shalt  }
0x76: {  	_ =	shalt  }
0x77: {  	_ =	shalt  }
0x78: {  	_ =	shalt  }
0x79: {  	_ =	shalt  }
0x7a: {  	_ =	shalt  }
0x7b: {  	_ =	shalt  }
0x7c: {  	_ =	shalt  }
0x7d: {  	_ =	shalt  }
0x7e: {  	_ =	shalt  }
0x7f: {  	_ =	shalt  }
0x80: {  	_ =	shalt  }
0x81: {  	_ =	shalt  }
0x82: {  	_ =	shalt  }
0x83: {  	_ =	shalt  }
0x84: {  	_ =	shalt  }
0x85: {  	_ =	shalt  }
0x86: {  	_ =	shalt  }
0x87: {  	_ =	shalt  }
.Lfunc_end0:
.L_simem_size_0:
called_computation.2_lowered:
.L_overlay_start_0:
0x88: {  	s2 =	sld [smem:$0x3FD9]  }
0x89: {  	s3 =	sld [smem:$0x3FFE];
	_ =	sdelay $0x1  }
0x8a: {  	s1 =	srdreg.scid  }
0x8b: {  	s0 =	sand.u32 $0x1, s1  }
0x8c: {  	s16 =	sshll.u32 s0, $0xA;
	s2 =	sadd.s32 s3, s2  }
0x8d: {  	s2 =	sadd.s32 s2, s16  }
0x8e: {  	[smem:$0x3FB3] =	sst s2  }
0x8f: {  	_ = 	snop  }
0x90: {  	(tm) =	ssettm $0x1  }
0x91: {  	s17 =	sld [smem:$0x3FFB];
	_ =	sdelay $0x3  }
0x92: {  	_ =	strace s17  }
0x93: {  	s2 =	sld [smem:$0x3FFC];
	_ =	sdelay $0x3  }
0x94: {  	_ =	strace s2  }
0x95: {  	s2 =	sld [smem:$0x3FFD];
	_ =	sdelay $0x3  }
0x96: {  	_ =	strace s2  }
0x97: {  	_ =	strace $0x8FFFFFFF  }
0x98: {  	s18 =	sld [smem:$0x3FDB];
	_ =	sdelay $0x1  }
0x99: {  	s19 =	simm.s32 $_scs_section_size  }
0x9a: {  	s4 =	simm.s32 $_size__tile_overlayer_lowered;
	s5 =	simm.s32 $_tile_overlayer_lowered  }
0x9b: {  	s22 =	simm.s32 $0x1BFF;
	s21 =	sshll.u32 s5, $0x1;
	s2 =	sadd.s32 s19, s18  }
0x9c: {  	s6 =	simm.s32 $0x0;
	s20 =	sshll.u32 s4, $0x1;
	s4 =	sadd.s32 s21, s2  }
0x9d: {  	[timem:s6], [sflag:s22] =	dma.local [hbm:s4], s20  }
0x9e: {  	_ =	swait.ge [sflag:s22], s20  }
0x9f: {  	s3 =	ssub.s32 $0x0, s20;
	[sflag:s22] =	ssyncset.done $0x0  }
0xa0: {  	[sflag:s22] =	ssyncadd.s32 s3;
	_ =	sdelay $0x1  }
0xa1: {  	s23 =	simm.s32 $0x1B8B  }
0xa2: {  	_ =	swait.ge [sflag:s23], $0x1  }
0xa3: {  	[sflag:s23] =	ssyncset.done $0x0  }
0xa4: {  	s25 =	simm.s32 $0x1B8E;
	s24 =	sld [smem:$0x3FFE];
	[sflag:s23] =	ssyncadd.s32 $0xFFFFFFFF  }
0xa5: {  	s26 =	simm.s32 $execute0_lowered;
	[smem:$0x3FD2] =	sst s25  }
0xa6: {  	s4 =	sshll.u32 s26, $0x1;
	_ =	strace $0x8000004C;
	[dreg:$0x1] =	wrdreg $0xFFFFFFFF  }
0xa7: {  	s28 =	simm.s32 $_size_execute0_lowered;
	s2 =	sadd.s32 s2, s4;
	[dreg:$0x0] =	wrdreg $0x0  }
0xa8: {  	s4 =	sshll.u32 s28, $0x1;
	[dreg:$0x2] =	wrdreg s2  }
0xa9: {  	[dreg:$0x3] =	wrdreg s4  }
0xaa: {  	[dreg:$0x4] =	wrdreg $0xC0  }
0xab: {  	_ =	task [dreg:s6], $0x5FFFF  }
0xac: {  	[dreg:$0x1] =	wrdreg $0xFFFFFFFF  }
0xad: {  	[dreg:$0x0] =	wrdreg $0x60  }
0xae: {  	[dreg:$0x2] =	wrdreg s24  }
0xaf: {  	[dreg:$0x3] =	wrdreg $0x0  }
0xb0: {  	[dreg:$0x4] =	wrdreg $0x9  }
0xb1: {  	_ =	task.clear_ibuf [dreg:s6], $0x5FFFF;
	_ =	strace $0x9000004C  }
0xb2: {  	s29 =	simm.s32 $0x9;
	_ =	strace $0x8000004E  }
0xb3: {  	_ =	swait.ge [sflag:s29], $0x1  }
0xb4: {  	[sflag:s29] =	ssyncadd.s32 $0xFFFFFFFF  }
0xb5: {  	_ =	strace $0x9000004E  }
0xb6: {  	_ =	sfence  }
0xb7: {  	s30 =	sld [smem:$0x0];
	_ =	sdelay $0x2  }
0xb8: {  	s31 =	sshll.u32 s1, $0xD;
	s1 =	sshrl.u32 s1, $0x2  }
0xb9: {  	s3 =	sand.u32 $0x4000, s31;
	s1 =	sadd.s32 s1, s30  }
0xba: {  	s0 =	sor.u32 s3, s0;
	s1 =	sshll.u32 s1, $0x11  }
0xbb: {  	s0 =	sor.u32 s1, s0  }
0xbc: {  	s0 =	sadd.s32 $0x8F2B, s0  }
0xbd: {  	[sflag:s0] =	ssyncadd.remote.s32 $0x1  }
0xbe: {  	_ =	sfence.sel $0xFFFF  }
0xbf: {  	[dreg:$0x0] =	wrdreg $0xFFFFFFFF;
	(pc) =	sbr.abs _section_cstart, $3  }
0xc0: {  	[dreg:$0x1] =	wrdreg $0xFFFFFFFF  }
0xc1: {  	_ =	task.clear_ibuf [dreg:s6], $0x2FFFF;
	_ =	strace $0x9FFFFFFF  }
0xc2: {  	(tm) =	ssettm $0x7FFFFFFF  }
0xc3: {  	_ =	shalt  }
tec
execute0_lowered:
.L_overlay_start_1:
0x0: {  	(tag) =	ssettag $0x1  }
0x1: {  	s0 =	rddreg [dreg:$0x0]  }
0x2: {  	s1 =	rddreg [dreg:$0x1];
	s2 =	simm.s32 $0x0;
	s6 =	stileid.u32  }
0x3: {  	s7 =	srdreg.scid;
	s31 =	simm.s32 $0x2;
	[smem:$0x7FF] =	sst s2  }
0x4: {  	s3 =	sadd.s32 $0x46C00, s0;
	s4 =	sadd.s32 $0x6DE00, s0;
	s5 =	sadd.s32 $0x95000, s0  }
0x5: {  	s8 =	sshll.u32 s6, $0xB;
	s13 =	smul.u32 $0x2700, s6;
	s14 =	sand.u32 $0x1, s7  }
0x6: {  	s7 =	sadd.s32 $0xBC200, s0;
	s16 =	smul.u32 $0x4E000, s6;
	s9 =	sadd.s32 $0x158A00, s0  }
0x7: {  	s21 =	sadd.s32 $0xBC000, s0;
	s23 =	sadd.s32 $0x158800, s0;
	s25 =	sadd.s32 $0x6DC00, s0  }
0x8: {  	s26 =	sadd.s32 $0x10A400, s0;
	_ =	strace $0x8000004D;
	[dreg:$0x4] =	wrdreg s21  }
0x9: {  	s30 =	sadd.s32 $0x94E00, s0;
	p1 =	sne.s32 s6, $0x0;
	[dreg:$0x6] =	wrdreg s23  }
0xa: {  	p2 =	seq.s32 s6, $0x0;
	s29 =	sadd.s32 $0x138000, s1;
	[dreg:$0x8] =	wrdreg s25  }
0xb: {  	s11 =	sadd.s32 s8, s0;
	s10 =	ssub.s32 $0x2, s14;
	[dreg:$0xa] =	wrdreg s26  }
0xc: {  	s8 =	sadd.s32 $0x10A600, s0;
	p0 =	sne.s32 s14, $0x0;
	[dreg:$0xb] =	wrdreg s30  }
0xd: {  	s14 =	simm.s32 $0x1B880;
	s15 =	sadd.s32 s13, s0;
	s12 =	sshrl.u32 s10, $0x1  }
0xe: {  	s19 =	sshrl.u32 s16, $0x2;
	s20 =	sadd.s32 s5, s13;
	s24 =	sadd.s32 s3, s13  }
0xf: {  	s21 =	sadd.s32 s4, s13;
	s0 =	sadd.s32 $0xE3200, s0;
	s25 =	sadd.s32 s7, s13  }
0x10: {  	s26 =	sadd.s32 s9, s13;
	s16 =	simm.s32 $0x0;
	s17 =	ssub.s32 s10, s12  }
.Ltmp0:
0x11: {  	s10 =	sadd.s32 $0x17A00, s11;
	[dreg:$0x3] =	wrdreg s20;
	(pc) =	sbr.rel .LBB2_1-.Ltmp0, $4  }
0x12: {  	s11 =	sadd.s32 $0x5A00, s11;
	s12 =	sadd.s32 s19, s1;
	[dreg:$0x7] =	wrdreg s24  }
0x13: {  	s22 =	sadd.s32 $0x131800, s15;
	s15 =	sadd.s32 $0xE3400, s15;
	[dreg:$0xc] =	wrdreg s0  }
0x14: {  	s24 =	sadd.s32 s8, s13;
	s13 =	simm.s32 $0x50;
	[dreg:$0x5] =	wrdreg s22  }
0x15: {  	[dreg:$0x9] =	wrdreg s15;
	s28 =	smax.u32 s17, $0x1;
	s15 =	simm.s32 $0x1  }
.LBB2_12:
0x16: {  	s0 =	sadd.s32 $0x27000, s18;
	s30 =	sshrl.u32 s29, $0x3  }
0x17: {  	[hbm:s0], [sflag:s17] =	dma.local [spmem:s30], $0x100  }
0x18: {  	_ =	swait.ge [sflag:s31], $0x100  }
0x19: {  	[sflag:s31] =	ssyncset.done $0x0  }
0x1a: {  	[sflag:s31] =	ssyncadd.s32 $0xFFFFFF00  }
.LBB2_13:
0x1b: {  	s16 =	sadd.s32 $0x1, s16  }
0x1c: {  	p3 =	sne.s32 s16, s28  }
.Ltmp1:
0x1d: {  	_ = 	snop;
	(pc) =	sbr.rel @!p3 .LBB2_14-.Ltmp1, $2  }
0x1e: {  	_ =	sdelay $0x1  }
0x1f: {  	[bflag:$0x0] =	sbarrier.arrive $0xFFFF;
	_ =	sdelay $0x1  }
.LBB2_1:
0x20: {  	s0 =	simm.s32 $0x13880  }
0x21: {  	[tilespmem:s0], [sflag:$0x2] =	stream.linear.gather [hbm4b:s10+s2], $0x3E80, $0x38;
	[tilespmem:$0x1E080] =	vst v63  }
0x22: {  	_ =	swait.ge [sflag:s31], $0x3E80  }
0x23: {  	[sflag:s31] =	ssyncset.done $0x0  }
.Ltmp2:
0x24: {  	s30 =	simm.s32 $0x17880;
	[sflag:s31] =	ssyncadd.s32 $0xFFFFC180;
	(pc) =	sbr.rel @p0 .LBB2_7-.Ltmp2, $4  }
0x25: {  	[tilespmem:s30], [sflag:$0x2] =	stream.linear.gather [hbm4b:s11+s2], $0x3E80, $0x38;
	[tilespmem:$0x1E080] =	vst v63  }
0x26: {  	_ =	swait.ge [sflag:s31], $0x3E80  }
0x27: {  	s20 =	sshll.u32 s6, $0x6;
	s18 =	sshrl.u32 s12, $0x3;
	[sflag:s31] =	ssyncset.done $0x0  }
0x28: {  	s19 =	sshrl.u32 @!p1 s29, $0x3;
	s17 =	sor.u32 $0x1C02, s20;
	[sflag:s31] =	ssyncadd.s32 $0xFFFFC180  }
0x29: {  	s17 =	sor.u32 $0x1C02, s20;
	s0 =	rddreg [dreg:$0x7]  }
0x2a: {  	[spmem:s18], [sflag:s17] =	dma.local [hbm:s0], $0x2700  }
0x2b: {  	_ =	swait.ge [sflag:s31], $0x2700  }
0x2c: {  	[sflag:s31] =	ssyncset.done $0x0  }
0x2d: {  	s20 =	simm.s32 @!p1 $0x2;
	s0 =	rddreg [dreg:$0x8];
	[sflag:s31] =	ssyncadd.s32 $0xFFFFD900  }
0x2e: {  	[spmem:s19], [sflag:s17] =	dma.local @!p1 [hbm:s0], $0x100  }
0x2f: {  	_ =	swait.ge @!p1 [sflag:s20], $0x100  }
0x30: {  	[sflag:s20] =	ssyncset.done @!p1 $0x0  }
0x31: {  	[sflag:s20] =	ssyncadd.s32 @!p1 $0xFFFFFF00  }
0x32: {  	s22 =	simm.s32 $0x13880;
	[bflag:$0x0] =	sbarrier.arrive $0xFFFF  }
0x33: {  	[tilespmem:s14], [sflag:$0x1] =	stream.indirect.gather [hbm4b:s3+s13], $0x80, s22, s13, $0xb8;
	[tilespmem:$0x1E080] =	vst v63  }
0x34: {  	_ =	swait.ge [sflag:s15], $0x2800  }
0x35: {  	[sflag:s15] =	ssyncset.done $0x0  }
0x36: {  	s23 =	simm.s32 $0x17880;
	[sflag:s15] =	ssyncadd.s32 $0xFFFFD800  }
0x37: {  	[spmem:s1] =	stream.indirect.scatter.add.f32 [tilespmem:s14], [sflag:$0x2], $0x80, s23, s13, $0xb8;
	[tilespmem:$0x1E080] =	vst v63  }
0x38: {  	_ =	swait.ge [sflag:s31], $0x2800  }
0x39: {  	s30 =	simm.s32 $0x400;
	s20 =	simm.s32 $0x80;
	[sflag:s31] =	ssyncset.done $0x0  }
.LBB2_3:
0x3a: {  	s22 =	sadd.s32 $0x13880, s20  }
0x3b: {  	[sflag:s31] =	ssyncadd.s32 $0xFFFFD800;
	s0 =	smov.u32 s30;
	s23 =	sadd.s32 $0x200, s30  }
0x3c: {  	[tilespmem:s14], [sflag:$0x1] =	stream.indirect.gather [hbm4b:s3+s13], $0x80, s22, s13, $0xb8;
	[tilespmem:$0x1E080] =	vst v63  }
0x3d: {  	p3 =	sne.s32 s30, $0xF800;
	_ =	swait.ge [sflag:s15], $0x2800  }
.Ltmp3:
0x3e: {  	[sflag:s15] =	ssyncset.done $0x0;
	(pc) =	sbr.rel @p3 .LBB2_3-.Ltmp3, $4  }
0x3f: {  	s20 =	sadd.s32 $0x17880, s20;
	[sflag:s15] =	ssyncadd.s32 $0xFFFFD800  }
0x40: {  	[spmem:s1] =	stream.indirect.scatter.add.f32 [tilespmem:s14], [sflag:$0x2], $0x80, s20, s13, $0xb8;
	[tilespmem:$0x1E080] =	vst v63  }
0x41: {  	_ =	swait.ge [sflag:s31], $0x2800  }
0x42: {  	s30 =	smov.u32 s23;
	s20 =	sshra.s32 s0, $0x2;
	[sflag:s31] =	ssyncset.done $0x0  }
0x43: {  	s0 =	sadd.s32 $0x13880, s20;
	[sflag:s31] =	ssyncadd.s32 $0xFFFFD800  }
0x44: {  	[tilespmem:s14], [sflag:$0x1] =	stream.indirect.gather [hbm4b:s3+s13], $0x80, s0, s13, $0xb8;
	[tilespmem:$0x1E080] =	vst v63  }
0x45: {  	_ =	swait.ge [sflag:s15], $0x2800  }
0x46: {  	[sflag:s15] =	ssyncset.done $0x0  }
0x47: {  	s20 =	sadd.s32 $0x17880, s20;
	[sflag:s15] =	ssyncadd.s32 $0xFFFFD800  }
0x48: {  	[spmem:s1] =	stream.indirect.scatter.add.f32 [tilespmem:s14], [sflag:$0x2], $0x80, s20, s13, $0xb8;
	[tilespmem:$0x1E080] =	vst v63  }
0x49: {  	_ =	swait.ge [sflag:s31], $0x2800  }
0x4a: {  	[sflag:s31] =	ssyncset.done $0x0  }
0x4b: {  	[sflag:s31] =	ssyncadd.s32 $0xFFFFD800  }
0x4c: {  	[bflag:$0x0] =	sbarrier.arrive $0xFFFF  }
0x4d: {  	s22 =	rddreg [dreg:$0x9]  }
0x4e: {  	[hbm:s22], [sflag:s17] =	dma.local [spmem:s18], $0x2700  }
0x4f: {  	_ =	swait.ge [sflag:s31], $0x2700  }
0x50: {  	[sflag:s31] =	ssyncset.done $0x0  }
0x51: {  	[sflag:s31] =	ssyncadd.s32 $0xFFFFD900  }
0x52: {  	s0 =	sshrl.u32 @p1 s12, $0x3;
	[bflag:$0x0] =	sbarrier.arrive @p1 $0xFFFF  }
0x53: {  	[spmem:s0], [sflag:s17] =	dma.local @p1 [hbm:s21], $0x2700  }
0x54: {  	s0 =	simm.s32 @p1 $0x2  }
0x55: {  	_ =	swait.ge @p1 [sflag:s0], $0x2700  }
0x56: {  	[sflag:s0] =	ssyncset.done @p1 $0x0  }
0x57: {  	[sflag:s0] =	ssyncadd.s32 @p1 $0xFFFFD900;
	s0 =	rddreg [dreg:$0xa]  }
0x58: {  	[hbm:s0], [sflag:s17] =	dma.local @!p1 [spmem:s19], $0x100  }
0x59: {  	s0 =	simm.s32 @!p1 $0x2  }
0x5a: {  	_ =	swait.ge @!p1 [sflag:s0], $0x100  }
0x5b: {  	[sflag:s0] =	ssyncset.done @!p1 $0x0  }
0x5c: {  	[sflag:s0] =	ssyncadd.s32 @!p1 $0xFFFFFF00  }
0x5d: {  	s20 =	sshrl.u32 @!p1 s12, $0x3;
	[bflag:$0x0] =	sbarrier.arrive @!p1 $0xFFFF  }
0x5e: {  	[spmem:s20], [sflag:s17] =	dma.local @!p1 [hbm:s21], $0x2700  }
0x5f: {  	_ =	swait.ge @!p1 [sflag:s0], $0x2700  }
0x60: {  	[sflag:s0] =	ssyncset.done @!p1 $0x0  }
0x61: {  	s20 =	rddreg [dreg:$0xb];
	[sflag:s0] =	ssyncadd.s32 @!p1 $0xFFFFD900  }
0x62: {  	[spmem:s19], [sflag:s17] =	dma.local @!p1 [hbm:s20], $0x100  }
0x63: {  	_ =	swait.ge @!p1 [sflag:s0], $0x100  }
0x64: {  	[sflag:s0] =	ssyncset.done @!p1 $0x0  }
0x65: {  	[sflag:s0] =	ssyncadd.s32 @!p1 $0xFFFFFF00  }
0x66: {  	s23 =	simm.s32 $0x13880;
	[bflag:$0x0] =	sbarrier.arrive $0xFFFF  }
0x67: {  	[tilespmem:s14], [sflag:$0x1] =	stream.indirect.gather [hbm4b:s4+s13], $0x80, s23, s13, $0xb8;
	[tilespmem:$0x1E080] =	vst v63  }
0x68: {  	_ =	swait.ge [sflag:s15], $0x2800  }
0x69: {  	[sflag:s15] =	ssyncset.done $0x0  }
0x6a: {  	s30 =	simm.s32 $0x17880;
	[sflag:s15] =	ssyncadd.s32 $0xFFFFD800  }
0x6b: {  	[spmem:s1] =	stream.indirect.scatter.add.f32 [tilespmem:s14], [sflag:$0x2], $0x80, s30, s13, $0xb8;
	[tilespmem:$0x1E080] =	vst v63  }
0x6c: {  	_ =	swait.ge [sflag:s31], $0x2800  }
0x6d: {  	s20 =	simm.s32 $0x400;
	s19 =	simm.s32 $0x80;
	[sflag:s31] =	ssyncset.done $0x0  }
.LBB2_5:
0x6e: {  	s0 =	sadd.s32 $0x13880, s19  }
0x6f: {  	[sflag:s31] =	ssyncadd.s32 $0xFFFFD800;
	s22 =	smov.u32 s20;
	s23 =	sadd.s32 $0x200, s20  }
0x70: {  	[tilespmem:s14], [sflag:$0x1] =	stream.indirect.gather [hbm4b:s4+s13], $0x80, s0, s13, $0xb8;
	[tilespmem:$0x1E080] =	vst v63  }
0x71: {  	p3 =	sne.s32 s20, $0xF800;
	_ =	swait.ge [sflag:s15], $0x2800  }
.Ltmp4:
0x72: {  	[sflag:s15] =	ssyncset.done $0x0;
	(pc) =	sbr.rel @p3 .LBB2_5-.Ltmp4, $4  }
0x73: {  	s0 =	sadd.s32 $0x17880, s19;
	[sflag:s15] =	ssyncadd.s32 $0xFFFFD800  }
0x74: {  	[spmem:s1] =	stream.indirect.scatter.add.f32 [tilespmem:s14], [sflag:$0x2], $0x80, s0, s13, $0xb8;
	[tilespmem:$0x1E080] =	vst v63  }
0x75: {  	_ =	swait.ge [sflag:s31], $0x2800  }
0x76: {  	s19 =	sshra.s32 s22, $0x2;
	s20 =	smov.u32 s23;
	[sflag:s31] =	ssyncset.done $0x0  }
0x77: {  	s0 =	sadd.s32 $0x13880, s19;
	[sflag:s31] =	ssyncadd.s32 $0xFFFFD800  }
0x78: {  	[tilespmem:s14], [sflag:$0x1] =	stream.indirect.gather [hbm4b:s4+s13], $0x80, s0, s13, $0xb8;
	[tilespmem:$0x1E080] =	vst v63  }
0x79: {  	_ =	swait.ge [sflag:s15], $0x2800  }
0x7a: {  	[sflag:s15] =	ssyncset.done $0x0  }
0x7b: {  	s30 =	sadd.s32 $0x17880, s19;
	[sflag:s15] =	ssyncadd.s32 $0xFFFFD800  }
0x7c: {  	[spmem:s1] =	stream.indirect.scatter.add.f32 [tilespmem:s14], [sflag:$0x2], $0x80, s30, s13, $0xb8;
	[tilespmem:$0x1E080] =	vst v63  }
0x7d: {  	_ =	swait.ge [sflag:s31], $0x2800  }
0x7e: {  	[sflag:s31] =	ssyncset.done $0x0  }
0x7f: {  	[sflag:s31] =	ssyncadd.s32 $0xFFFFD800  }
0x80: {  	[bflag:$0x0] =	sbarrier.arrive $0xFFFF  }
0x81: {  	[hbm:s24], [sflag:s17] =	dma.local [spmem:s18], $0x2700  }
.Ltmp5:
0x82: {  	_ = 	snop;
	(pc) =	sbr.rel @!p2 .LBB2_13-.Ltmp5, $4  }
.Ltmp6:
0x83: {  	_ = 	snop;
	(pc) =	sbr.rel @p2 .LBB2_12-.Ltmp6, $4  }
0x84: {  	_ =	swait.ge [sflag:s31], $0x2700  }
0x85: {  	[sflag:s31] =	ssyncset.done $0x0  }
0x86: {  	s18 =	smov.u32 s8;
	[sflag:s31] =	ssyncadd.s32 $0xFFFFD900  }
0x87: {  	_ = 	snop  }
.LBB2_7:
0x88: {  	s0 =	rddreg [dreg:$0x3]  }
0x89: {  	[spmem:s18], [sflag:s17] =	dma.local [hbm:s0], $0x2700  }
0x8a: {  	_ =	swait.ge [sflag:s31], $0x2700  }
0x8b: {  	[sflag:s31] =	ssyncset.done $0x0  }
0x8c: {  	s0 =	rddreg [dreg:$0x4];
	[sflag:s31] =	ssyncadd.s32 $0xFFFFD900  }
0x8d: {  	[spmem:s19], [sflag:s17] =	dma.local @!p1 [hbm:s0], $0x100  }
0x8e: {  	s0 =	simm.s32 @!p1 $0x2  }
0x8f: {  	_ =	swait.ge @!p1 [sflag:s0], $0x100  }
0x90: {  	[sflag:s0] =	ssyncset.done @!p1 $0x0  }
0x91: {  	[sflag:s0] =	ssyncadd.s32 @!p1 $0xFFFFFF00  }
0x92: {  	s22 =	simm.s32 $0x13880;
	[bflag:$0x0] =	sbarrier.arrive $0xFFFF  }
0x93: {  	[tilespmem:s14], [sflag:$0x1] =	stream.indirect.gather [hbm4b:s5+s13], $0x80, s22, s13, $0xb8;
	[tilespmem:$0x1E080] =	vst v63  }
0x94: {  	_ =	swait.ge [sflag:s15], $0x2800  }
0x95: {  	[sflag:s15] =	ssyncset.done $0x0  }
0x96: {  	s23 =	simm.s32 $0x17880;
	[sflag:s15] =	ssyncadd.s32 $0xFFFFD800  }
0x97: {  	[spmem:s1] =	stream.indirect.scatter.add.f32 [tilespmem:s14], [sflag:$0x2], $0x80, s23, s13, $0xb8;
	[tilespmem:$0x1E080] =	vst v63  }
0x98: {  	_ =	swait.ge [sflag:s31], $0x2800  }
0x99: {  	s30 =	simm.s32 $0x400;
	s20 =	simm.s32 $0x80;
	[sflag:s31] =	ssyncset.done $0x0  }
.LBB2_8:
0x9a: {  	s0 =	sadd.s32 $0x13880, s20  }
0x9b: {  	[sflag:s31] =	ssyncadd.s32 $0xFFFFD800;
	s22 =	smov.u32 s30;
	s23 =	sadd.s32 $0x200, s30  }
0x9c: {  	[tilespmem:s14], [sflag:$0x1] =	stream.indirect.gather [hbm4b:s5+s13], $0x80, s0, s13, $0xb8;
	[tilespmem:$0x1E080] =	vst v63  }
0x9d: {  	p3 =	sne.s32 s30, $0xF800;
	_ =	swait.ge [sflag:s15], $0x2800  }
.Ltmp7:
0x9e: {  	[sflag:s15] =	ssyncset.done $0x0;
	(pc) =	sbr.rel @p3 .LBB2_8-.Ltmp7, $4  }
0x9f: {  	s0 =	sadd.s32 $0x17880, s20;
	[sflag:s15] =	ssyncadd.s32 $0xFFFFD800  }
0xa0: {  	[spmem:s1] =	stream.indirect.scatter.add.f32 [tilespmem:s14], [sflag:$0x2], $0x80, s0, s13, $0xb8;
	[tilespmem:$0x1E080] =	vst v63  }
0xa1: {  	_ =	swait.ge [sflag:s31], $0x2800  }
0xa2: {  	s20 =	sshra.s32 s22, $0x2;
	s30 =	smov.u32 s23;
	[sflag:s31] =	ssyncset.done $0x0  }
0xa3: {  	s0 =	sadd.s32 $0x13880, s20;
	[sflag:s31] =	ssyncadd.s32 $0xFFFFD800  }
0xa4: {  	[tilespmem:s14], [sflag:$0x1] =	stream.indirect.gather [hbm4b:s5+s13], $0x80, s0, s13, $0xb8;
	[tilespmem:$0x1E080] =	vst v63  }
0xa5: {  	_ =	swait.ge [sflag:s15], $0x2800  }
0xa6: {  	[sflag:s15] =	ssyncset.done $0x0  }
0xa7: {  	s20 =	sadd.s32 $0x17880, s20;
	[sflag:s15] =	ssyncadd.s32 $0xFFFFD800  }
0xa8: {  	[spmem:s1] =	stream.indirect.scatter.add.f32 [tilespmem:s14], [sflag:$0x2], $0x80, s20, s13, $0xb8;
	[tilespmem:$0x1E080] =	vst v63  }
0xa9: {  	_ =	swait.ge [sflag:s31], $0x2800  }
0xaa: {  	[sflag:s31] =	ssyncset.done $0x0  }
0xab: {  	[sflag:s31] =	ssyncadd.s32 $0xFFFFD800  }
0xac: {  	[bflag:$0x0] =	sbarrier.arrive $0xFFFF  }
0xad: {  	s22 =	rddreg [dreg:$0x5]  }
0xae: {  	[hbm:s22], [sflag:s17] =	dma.local [spmem:s18], $0x2700  }
0xaf: {  	_ =	swait.ge [sflag:s31], $0x2700  }
0xb0: {  	[sflag:s31] =	ssyncset.done $0x0  }
0xb1: {  	s20 =	simm.s32 @!p1 $0x2;
	s0 =	rddreg [dreg:$0x6];
	[sflag:s31] =	ssyncadd.s32 $0xFFFFD900  }
0xb2: {  	[hbm:s0], [sflag:s17] =	dma.local @!p1 [spmem:s19], $0x100  }
0xb3: {  	_ =	swait.ge @!p1 [sflag:s20], $0x100  }
0xb4: {  	[sflag:s20] =	ssyncset.done @!p1 $0x0  }
0xb5: {  	[sflag:s20] =	ssyncadd.s32 @!p1 $0xFFFFFF00  }
0xb6: {  	[bflag:$0x0] =	sbarrier.arrive $0xFFFF  }
0xb7: {  	[spmem:s18], [sflag:s17] =	dma.local [hbm:s25], $0x2700  }
0xb8: {  	_ =	swait.ge [sflag:s31], $0x2700  }
0xb9: {  	[sflag:s31] =	ssyncset.done $0x0  }
0xba: {  	s0 =	rddreg [dreg:$0xc];
	[sflag:s31] =	ssyncadd.s32 $0xFFFFD900  }
0xbb: {  	[spmem:s19], [sflag:s17] =	dma.local @!p1 [hbm:s0], $0x100  }
0xbc: {  	_ =	swait.ge @!p1 [sflag:s20], $0x100  }
0xbd: {  	[sflag:s20] =	ssyncset.done @!p1 $0x0  }
0xbe: {  	[sflag:s20] =	ssyncadd.s32 @!p1 $0xFFFFFF00  }
0xbf: {  	s23 =	simm.s32 $0x13880;
	[bflag:$0x0] =	sbarrier.arrive $0xFFFF  }
0xc0: {  	[tilespmem:s14], [sflag:$0x1] =	stream.indirect.gather [hbm4b:s7+s13], $0x80, s23, s13, $0xb8;
	[tilespmem:$0x1E080] =	vst v63  }
0xc1: {  	_ =	swait.ge [sflag:s15], $0x2800  }
0xc2: {  	[sflag:s15] =	ssyncset.done $0x0  }
0xc3: {  	s30 =	simm.s32 $0x17880;
	[sflag:s15] =	ssyncadd.s32 $0xFFFFD800  }
0xc4: {  	[spmem:s1] =	stream.indirect.scatter.add.f32 [tilespmem:s14], [sflag:$0x2], $0x80, s30, s13, $0xb8;
	[tilespmem:$0x1E080] =	vst v63  }
0xc5: {  	_ =	swait.ge [sflag:s31], $0x2800  }
0xc6: {  	s19 =	simm.s32 $0x80;
	s20 =	simm.s32 $0x400;
	[sflag:s31] =	ssyncset.done $0x0  }
.LBB2_10:
0xc7: {  	s0 =	sadd.s32 $0x13880, s19  }
0xc8: {  	[sflag:s31] =	ssyncadd.s32 $0xFFFFD800;
	s22 =	smov.u32 s20;
	s23 =	sadd.s32 $0x200, s20  }
0xc9: {  	[tilespmem:s14], [sflag:$0x1] =	stream.indirect.gather [hbm4b:s7+s13], $0x80, s0, s13, $0xb8;
	[tilespmem:$0x1E080] =	vst v63  }
0xca: {  	p3 =	sne.s32 s20, $0xF800;
	_ =	swait.ge [sflag:s15], $0x2800  }
.Ltmp8:
0xcb: {  	[sflag:s15] =	ssyncset.done $0x0;
	(pc) =	sbr.rel @p3 .LBB2_10-.Ltmp8, $4  }
0xcc: {  	s0 =	sadd.s32 $0x17880, s19;
	[sflag:s15] =	ssyncadd.s32 $0xFFFFD800  }
0xcd: {  	[spmem:s1] =	stream.indirect.scatter.add.f32 [tilespmem:s14], [sflag:$0x2], $0x80, s0, s13, $0xb8;
	[tilespmem:$0x1E080] =	vst v63  }
0xce: {  	_ =	swait.ge [sflag:s31], $0x2800  }
0xcf: {  	s19 =	sshra.s32 s22, $0x2;
	s20 =	smov.u32 s23;
	[sflag:s31] =	ssyncset.done $0x0  }
0xd0: {  	s0 =	sadd.s32 $0x13880, s19;
	[sflag:s31] =	ssyncadd.s32 $0xFFFFD800  }
0xd1: {  	[tilespmem:s14], [sflag:$0x1] =	stream.indirect.gather [hbm4b:s7+s13], $0x80, s0, s13, $0xb8;
	[tilespmem:$0x1E080] =	vst v63  }
0xd2: {  	_ =	swait.ge [sflag:s15], $0x2800  }
0xd3: {  	[sflag:s15] =	ssyncset.done $0x0  }
0xd4: {  	s30 =	sadd.s32 $0x17880, s19;
	[sflag:s15] =	ssyncadd.s32 $0xFFFFD800  }
0xd5: {  	[spmem:s1] =	stream.indirect.scatter.add.f32 [tilespmem:s14], [sflag:$0x2], $0x80, s30, s13, $0xb8;
	[tilespmem:$0x1E080] =	vst v63  }
0xd6: {  	_ =	swait.ge [sflag:s31], $0x2800  }
0xd7: {  	[sflag:s31] =	ssyncset.done $0x0  }
0xd8: {  	[sflag:s31] =	ssyncadd.s32 $0xFFFFD800  }
0xd9: {  	[bflag:$0x0] =	sbarrier.arrive $0xFFFF  }
0xda: {  	[hbm:s26], [sflag:s17] =	dma.local [spmem:s18], $0x2700  }
.Ltmp9:
0xdb: {  	_ = 	snop;
	(pc) =	sbr.rel @p1 .LBB2_13-.Ltmp9, $4  }
.Ltmp10:
0xdc: {  	_ = 	snop;
	(pc) =	sbr.rel @!p1 .LBB2_12-.Ltmp10, $4  }
0xdd: {  	_ =	swait.ge [sflag:s31], $0x2700  }
0xde: {  	[sflag:s31] =	ssyncset.done $0x0  }
0xdf: {  	s18 =	smov.u32 s9;
	[sflag:s31] =	ssyncadd.s32 $0xFFFFD900  }
0xe0: {  	_ = 	snop  }
.LBB2_14:
0xe1: {  	_ =	sfence.sel $0x180000  }
0xe2: {  	[bflag:$0x0] =	sbarrier.arrive $0xFFFF  }
0xe3: {  	_ =	strace $0x9000004D  }
0xe4: {  	[bflag:$0x2] =	sbarrier.arrive $0xFFFF  }
0xe5: {  	s0 =	rddreg [dreg:$0x2]  }
0xe6: {  	s0 =	sadd.s32 @!p1 $0x100000, s0  }
0xe7: {  	[sflag:s0] =	ssyncadd.tile.s32 @!p1 $0x1;
	_ =	shalt  }
.Lfunc_end2:
_tile_overlayer_lowered:
.L_overlay_start_2:
0xe8: {  	(tag) =	ssettag $0x2  }
0xe9: {  	s0 =	rddreg [dreg:$0x0];
	s2 =	stileid.u32  }
0xea: {  	s1 =	rddreg [dreg:$0x1];
	p0 =	sne.s32 s2, $0x0  }
0xeb: {  	s3 =	rddreg [dreg:$0x2];
	[bflag:$0x3] =	sbarrier.arrive $0xFFFF;
	s2 =	simm.s32 @!p0 $0x1C02  }
0xec: {  	[timem:s3], [sflag:s2] =	dma.local @!p0 [hbm:s0], s1  }
0xed: {  	s0 =	simm.s32 @!p0 $0x2  }
0xee: {  	_ =	swait.ge @!p0 [sflag:s0], s1  }
0xef: {  	s1 =	ssub.s32 @!p0 $0x0, s1;
	[sflag:s0] =	ssyncset.done @!p0 $0x0  }
0xf0: {  	[sflag:s0] =	ssyncadd.s32 @!p0 s1  }
0xf1: {  	[bflag:$0x3] =	sbarrier.arrive $0xFFFF  }
0xf2: {  	_ =	shalt  }

// kernel: kernel.17.cloned.1.call-start
scs
__scs_entry_jumppad:
0x0: {  	(pc) =	sbr.rel $0x88, $3  }
0x1: {  	(tag) =	ssettag $0x0;
	lr =	simm.s32 $0x1  }
0x2: {  	[smem:$0x3F8C] =	sst lr;
	_ =	strace $0xD0000000  }
0x3: {  	_ = 	snop  }
0x4: {  	_ = 	snop  }
0x5: {  	_ = 	snop  }
0x6: {  	_ = 	snop  }
0x7: {  	_ = 	snop  }
__scs_overlays_trampoline_lowered:
0x8: {  	[smem:$0x3F9B] =	sst s0  }
0x9: {  	[smem:$0x3F9C] =	sst s1  }
0xa: {  	[smem:$0x3F9D] =	sst s2  }
0xb: {  	[smem:$0x3F9E] =	sst s3  }
0xc: {  	[smem:$0x3F9F] =	sst s4  }
0xd: {  	[smem:$0x3FA0] =	sst s5  }
0xe: {  	[smem:$0x3FA1] =	sst s6  }
0xf: {  	[smem:$0x3FA2] =	sst s7  }
0x10: {  	[smem:$0x3FA3] =	sst s8  }
0x11: {  	[smem:$0x3FA4] =	sst s9;
	s0 =	simm.s32 @!p0 $0x0  }
0x12: {  	s1 =	sld [smem:$0x3F8A];
	s0 =	simm.s32 @p0 $0x1  }
0x13: {  	[smem:$0x3FA5] =	sst s0;
	s0 =	simm.s32 @!p1 $0x0  }
0x14: {  	s2 =	sld [smem:$0x3F89];
	s0 =	simm.s32 @p1 $0x1  }
0x15: {  	[smem:$0x3FA6] =	sst s0;
	s0 =	simm.s32 @!p2 $0x0  }
0x16: {  	s3 =	sld [smem:$0x3FDB];
	s0 =	simm.s32 @p2 $0x1  }
0x17: {  	s4 =	simm.s32 $0x1BF5;
	[smem:$0x3FA8] =	sst s0  }
0x18: {  	s0 =	sld [smem:$0x3F8B];
	_ =	swait.ge [sflag:s4], $0x0  }
0x19: {  	s7 =	sld [smem:$0x3F8C]  }
0x1a: {  	s8 =	sadd.s32 $0xFFFFE003, lr  }
0x1b: {  	s9 =	sadd.s32 $0xFFFFFEF7, lr;
	s5 =	simm.s32 $0xFFFFFFFF;
	p2 =	slt.u32 s8, $0xFFFFF086  }
0x1c: {  	p1 =	slt.u32 s9, $0xF7A;
	s5 =	simm.s32 @!p2 $0x0  }
0x1d: {  	s5 =	simm.s32 @p1 $0x1;
	p0 =	seq.s32 s7, s2  }
0x1e: {  	s7 =	smul.u32 @!p0 $0xF7A, s2;
	p2 =	seq.s32 @!p0 s5, $0x0  }
0x1f: {  	s9 =	smul.u32 $0xF7A, s1;
	s8 =	simm.s32 @!p0 $0x1BF5;
	p2 =	por !p2, p0  }
0x20: {  	[sflag:s8] =	ssyncset.s32 @!p0 $0xFFFFF086;
	s6 =	sadd.s32 @!p0 s3, s7;
	s7 =	simm.s32 @!p0 $0x108  }
0x21: {  	s3 =	sadd.s32 s3, s9;
	s6 =	sadd.s32 @!p0 $0x88, s6;
	s7 =	simm.s32 @p2 $0x1082  }
0x22: {  	[simem:s7], [sflag:s8] =	dma.local @!p0 [hbm:s6], $0xF7A  }
0x23: {  	s9 =	sor.u32 $0xD0000000, s2;
	s6 =	simm.s32 $0x108;
	_ =	swait.ge @!p0 [sflag:s8], $0x0  }
0x24: {  	s3 =	sadd.s32 $0x88, s3;
	s6 =	simm.s32 @!p1 $0x1082;
	[sflag:s4] =	ssyncset.s32 $0xFFFFF086  }
0x25: {  	[simem:s6], [sflag:s4] =	dma.local [hbm:s3], $0xF7A  }
0x26: {  	[smem:$0x3F8C] =	sst s1;
	(tag) =	ssettag s2;
	_ =	strace s9  }
0x27: {  	s1 =	sld [smem:$0x3F9C]  }
0x28: {  	s2 =	sld [smem:$0x3F9D]  }
0x29: {  	s4 =	sld [smem:$0x3F9F]  }
0x2a: {  	p0 =	seq.s32 s5, $0x0;
	s5 =	sld [smem:$0x3FA0]  }
0x2b: {  	s6 =	sld [smem:$0x3FA1]  }
0x2c: {  	s7 =	sld [smem:$0x3FA2]  }
0x2d: {  	s3 =	simm.s32 $0x108;
	s8 =	sld [smem:$0x3FA3]  }
0x2e: {  	s3 =	simm.s32 @!p0 $0x1082;
	s9 =	sld [smem:$0x3FA4]  }
0x2f: {  	lr =	sadd.s32 s0, s3;
	s0 =	sld [smem:$0x3F9B]  }
0x30: {  	s3 =	sld [smem:$0x3F9E]  }
0x31: {  	[smem:$0x3FA7] =	sst s10  }
0x32: {  	s10 =	sld [smem:$0x3FA5];
	_ =	sdelay $0x3  }
0x33: {  	p0 =	seq.s32 s10, $0x1;
	s10 =	sld [smem:$0x3FA7];
	_ =	sdelay $0x3  }
0x34: {  	[smem:$0x3FA7] =	sst s10  }
0x35: {  	s10 =	sld [smem:$0x3FA6];
	_ =	sdelay $0x3  }
0x36: {  	p1 =	seq.s32 s10, $0x1;
	s10 =	sld [smem:$0x3FA7];
	_ =	sdelay $0x3  }
0x37: {  	[smem:$0x3FA7] =	sst s10  }
0x38: {  	s10 =	sld [smem:$0x3FA8]  }
0x39: {  	_ = 	snop;
	(pc) =	sbr.ind lr, $3  }
0x3a: {  	_ = 	snop  }
0x3b: {  	_ = 	snop  }
0x3c: {  	p2 =	seq.s32 s10, $0x1;
	s10 =	sld [smem:$0x3FA7]  }
0x3d: {  	_ =	shalt  }
0x3e: {  	_ =	shalt  }
0x3f: {  	_ =	shalt  }
0x40: {  	_ =	shalt  }
0x41: {  	_ =	shalt  }
0x42: {  	_ =	shalt  }
0x43: {  	_ =	shalt  }
0x44: {  	_ =	shalt  }
0x45: {  	_ =	shalt  }
0x46: {  	_ =	shalt  }
0x47: {  	_ =	shalt  }
0x48: {  	_ =	shalt  }
0x49: {  	_ =	shalt  }
0x4a: {  	_ =	shalt  }
0x4b: {  	_ =	shalt  }
0x4c: {  	_ =	shalt  }
0x4d: {  	_ =	shalt  }
0x4e: {  	_ =	shalt  }
0x4f: {  	_ =	shalt  }
0x50: {  	_ =	shalt  }
0x51: {  	_ =	shalt  }
0x52: {  	_ =	shalt  }
0x53: {  	_ =	shalt  }
0x54: {  	_ =	shalt  }
0x55: {  	_ =	shalt  }
0x56: {  	_ =	shalt  }
0x57: {  	_ =	shalt  }
0x58: {  	_ =	shalt  }
0x59: {  	_ =	shalt  }
0x5a: {  	_ =	shalt  }
0x5b: {  	_ =	shalt  }
0x5c: {  	_ =	shalt  }
0x5d: {  	_ =	shalt  }
0x5e: {  	_ =	shalt  }
0x5f: {  	_ =	shalt  }
0x60: {  	_ =	shalt  }
0x61: {  	_ =	shalt  }
0x62: {  	_ =	shalt  }
0x63: {  	_ =	shalt  }
0x64: {  	_ =	shalt  }
0x65: {  	_ =	shalt  }
0x66: {  	_ =	shalt  }
0x67: {  	_ =	shalt  }
0x68: {  	_ =	shalt  }
0x69: {  	_ =	shalt  }
0x6a: {  	_ =	shalt  }
0x6b: {  	_ =	shalt  }
0x6c: {  	_ =	shalt  }
0x6d: {  	_ =	shalt  }
0x6e: {  	_ =	shalt  }
0x6f: {  	_ =	shalt  }
0x70: {  	_ =	shalt  }
0x71: {  	_ =	shalt  }
0x72: {  	_ =	shalt  }
0x73: {  	_ =	shalt  }
0x74: {  	_ =	shalt  }
0x75: {  	_ =	shalt  }
0x76: {  	_ =	shalt  }
0x77: {  	_ =	shalt  }
0x78: {  	_ =	shalt  }
0x79: {  	_ =	shalt  }
0x7a: {  	_ =	shalt  }
0x7b: {  	_ =	shalt  }
0x7c: {  	_ =	shalt  }
0x7d: {  	_ =	shalt  }
0x7e: {  	_ =	shalt  }
0x7f: {  	_ =	shalt  }
0x80: {  	_ =	shalt  }
0x81: {  	_ =	shalt  }
0x82: {  	_ =	shalt  }
0x83: {  	_ =	shalt  }
0x84: {  	_ =	shalt  }
0x85: {  	_ =	shalt  }
0x86: {  	_ =	shalt  }
0x87: {  	_ =	shalt  }
.Lfunc_end0:
.L_simem_size_0:
called_computation.3_lowered:
.L_overlay_start_0:
0x88: {  	s2 =	sld [smem:$0x3FD9]  }
0x89: {  	s3 =	sld [smem:$0x3FFE];
	_ =	sdelay $0x1  }
0x8a: {  	s1 =	srdreg.scid  }
0x8b: {  	s0 =	sand.u32 $0x1, s1  }
0x8c: {  	s16 =	sshll.u32 s0, $0xA;
	s2 =	sadd.s32 s3, s2  }
0x8d: {  	s2 =	sadd.s32 s2, s16  }
0x8e: {  	[smem:$0x3FB3] =	sst s2  }
0x8f: {  	_ = 	snop  }
0x90: {  	(tm) =	ssettm $0x1  }
0x91: {  	s17 =	sld [smem:$0x3FFB];
	_ =	sdelay $0x3  }
0x92: {  	_ =	strace s17  }
0x93: {  	s2 =	sld [smem:$0x3FFC];
	_ =	sdelay $0x3  }
0x94: {  	_ =	strace s2  }
0x95: {  	s2 =	sld [smem:$0x3FFD];
	_ =	sdelay $0x3  }
0x96: {  	_ =	strace s2  }
0x97: {  	_ =	strace $0x8FFFFFFF  }
0x98: {  	s18 =	sld [smem:$0x3FDB];
	_ =	sdelay $0x1  }
0x99: {  	s19 =	simm.s32 $_scs_section_size  }
0x9a: {  	s4 =	simm.s32 $_size__tile_overlayer_lowered;
	s5 =	simm.s32 $_tile_overlayer_lowered  }
0x9b: {  	s22 =	simm.s32 $0x1BFF;
	s21 =	sshll.u32 s5, $0x1;
	s2 =	sadd.s32 s19, s18  }
0x9c: {  	s6 =	simm.s32 $0x0;
	s20 =	sshll.u32 s4, $0x1;
	s4 =	sadd.s32 s21, s2  }
0x9d: {  	[timem:s6], [sflag:s22] =	dma.local [hbm:s4], s20  }
0x9e: {  	_ =	swait.ge [sflag:s22], s20  }
0x9f: {  	s3 =	ssub.s32 $0x0, s20;
	[sflag:s22] =	ssyncset.done $0x0  }
0xa0: {  	[sflag:s22] =	ssyncadd.s32 s3;
	_ =	sdelay $0x1  }
0xa1: {  	s23 =	simm.s32 $0x1B8B  }
0xa2: {  	_ =	swait.ge [sflag:s23], $0x1  }
0xa3: {  	[sflag:s23] =	ssyncset.done $0x0  }
0xa4: {  	s25 =	simm.s32 $0x1B8E;
	s24 =	sld [smem:$0x3FFE];
	[sflag:s23] =	ssyncadd.s32 $0xFFFFFFFF  }
0xa5: {  	s26 =	simm.s32 $execute0_lowered;
	[smem:$0x3FD2] =	sst s25  }
0xa6: {  	s4 =	sshll.u32 s26, $0x1;
	_ =	strace $0x8000004F;
	[dreg:$0x1] =	wrdreg $0xFFFFFFFF  }
0xa7: {  	s28 =	simm.s32 $_size_execute0_lowered;
	s2 =	sadd.s32 s2, s4;
	[dreg:$0x0] =	wrdreg $0x0  }
0xa8: {  	s4 =	sshll.u32 s28, $0x1;
	[dreg:$0x2] =	wrdreg s2  }
0xa9: {  	[dreg:$0x3] =	wrdreg s4  }
0xaa: {  	[dreg:$0x4] =	wrdreg $0xC0  }
0xab: {  	_ =	task [dreg:s6], $0x5FFFF  }
0xac: {  	[dreg:$0x1] =	wrdreg $0xFFFFFFFF  }
0xad: {  	[dreg:$0x0] =	wrdreg $0x60  }
0xae: {  	[dreg:$0x2] =	wrdreg s24  }
0xaf: {  	[dreg:$0x3] =	wrdreg $0x0  }
0xb0: {  	[dreg:$0x4] =	wrdreg $0x9  }
0xb1: {  	_ =	task.clear_ibuf [dreg:s6], $0x5FFFF;
	_ =	strace $0x9000004F  }
0xb2: {  	s29 =	simm.s32 $0x9;
	_ =	strace $0x80000051  }
0xb3: {  	_ =	swait.ge [sflag:s29], $0x1  }
0xb4: {  	[sflag:s29] =	ssyncadd.s32 $0xFFFFFFFF  }
0xb5: {  	_ =	strace $0x90000051  }
0xb6: {  	_ =	sfence  }
0xb7: {  	s30 =	sld [smem:$0x0];
	_ =	sdelay $0x2  }
0xb8: {  	s31 =	sshll.u32 s1, $0xD;
	s1 =	sshrl.u32 s1, $0x2  }
0xb9: {  	s3 =	sand.u32 $0x4000, s31;
	s1 =	sadd.s32 s1, s30  }
0xba: {  	s0 =	sor.u32 s3, s0;
	s1 =	sshll.u32 s1, $0x11  }
0xbb: {  	s0 =	sor.u32 s1, s0  }
0xbc: {  	s0 =	sadd.s32 $0x8F2B, s0  }
0xbd: {  	[sflag:s0] =	ssyncadd.remote.s32 $0x1  }
0xbe: {  	_ =	sfence.sel $0xFFFF  }
0xbf: {  	[dreg:$0x0] =	wrdreg $0xFFFFFFFF;
	(pc) =	sbr.abs _section_cstart, $3  }
0xc0: {  	[dreg:$0x1] =	wrdreg $0xFFFFFFFF  }
0xc1: {  	_ =	task.clear_ibuf [dreg:s6], $0x2FFFF;
	_ =	strace $0x9FFFFFFF  }
0xc2: {  	(tm) =	ssettm $0x7FFFFFFF  }
0xc3: {  	_ =	shalt  }
tec
execute0_lowered:
.L_overlay_start_1:
0x0: {  	(tag) =	ssettag $0x1  }
0x1: {  	s0 =	rddreg [dreg:$0x0]  }
0x2: {  	s1 =	rddreg [dreg:$0x1];
	s2 =	simm.s32 $0x0;
	s6 =	stileid.u32  }
0x3: {  	s7 =	srdreg.scid;
	s31 =	simm.s32 $0x2;
	[smem:$0x7FF] =	sst s2  }
0x4: {  	s3 =	sadd.s32 $0x46C00, s0;
	s4 =	sadd.s32 $0x6DE00, s0;
	s5 =	sadd.s32 $0x95000, s0  }
0x5: {  	s8 =	sshll.u32 s6, $0xB;
	s13 =	smul.u32 $0x2700, s6;
	s14 =	sand.u32 $0x1, s7  }
0x6: {  	s7 =	sadd.s32 $0xBC200, s0;
	s16 =	smul.u32 $0x4E000, s6;
	s9 =	sadd.s32 $0x158A00, s0  }
0x7: {  	s21 =	sadd.s32 $0xBC000, s0;
	s23 =	sadd.s32 $0x158800, s0;
	s25 =	sadd.s32 $0x6DC00, s0  }
0x8: {  	s26 =	sadd.s32 $0x10A400, s0;
	_ =	strace $0x80000050;
	[dreg:$0x4] =	wrdreg s21  }
0x9: {  	s30 =	sadd.s32 $0x94E00, s0;
	p1 =	sne.s32 s6, $0x0;
	[dreg:$0x6] =	wrdreg s23  }
0xa: {  	p2 =	seq.s32 s6, $0x0;
	s29 =	sadd.s32 $0x138000, s1;
	[dreg:$0x8] =	wrdreg s25  }
0xb: {  	s11 =	sadd.s32 s8, s0;
	s10 =	ssub.s32 $0x2, s14;
	[dreg:$0xa] =	wrdreg s26  }
0xc: {  	s8 =	sadd.s32 $0x10A600, s0;
	p0 =	sne.s32 s14, $0x0;
	[dreg:$0xb] =	wrdreg s30  }
0xd: {  	s14 =	simm.s32 $0x1B880;
	s15 =	sadd.s32 s13, s0;
	s12 =	sshrl.u32 s10, $0x1  }
0xe: {  	s19 =	sshrl.u32 s16, $0x2;
	s20 =	sadd.s32 s5, s13;
	s24 =	sadd.s32 s3, s13  }
0xf: {  	s21 =	sadd.s32 s4, s13;
	s0 =	sadd.s32 $0xE3200, s0;
	s25 =	sadd.s32 s7, s13  }
0x10: {  	s26 =	sadd.s32 s9, s13;
	s16 =	simm.s32 $0x0;
	s17 =	ssub.s32 s10, s12  }
.Ltmp0:
0x11: {  	s10 =	sadd.s32 $0x17A00, s11;
	[dreg:$0x3] =	wrdreg s20;
	(pc) =	sbr.rel .LBB2_1-.Ltmp0, $4  }
0x12: {  	s11 =	sadd.s32 $0x5A00, s11;
	s12 =	sadd.s32 s19, s1;
	[dreg:$0x7] =	wrdreg s24  }
0x13: {  	s22 =	sadd.s32 $0x131800, s15;
	s15 =	sadd.s32 $0xE3400, s15;
	[dreg:$0xc] =	wrdreg s0  }
0x14: {  	s24 =	sadd.s32 s8, s13;
	s13 =	simm.s32 $0x50;
	[dreg:$0x5] =	wrdreg s22  }
0x15: {  	[dreg:$0x9] =	wrdreg s15;
	s28 =	smax.u32 s17, $0x1;
	s15 =	simm.s32 $0x1  }
.LBB2_12:
0x16: {  	s0 =	sadd.s32 $0x27000, s18;
	s30 =	sshrl.u32 s29, $0x3  }
0x17: {  	[hbm:s0], [sflag:s17] =	dma.local [spmem:s30], $0x100  }
0x18: {  	_ =	swait.ge [sflag:s31], $0x100  }
0x19: {  	[sflag:s31] =	ssyncset.done $0x0  }
0x1a: {  	[sflag:s31] =	ssyncadd.s32 $0xFFFFFF00  }
.LBB2_13:
0x1b: {  	s16 =	sadd.s32 $0x1, s16  }
0x1c: {  	p3 =	sne.s32 s16, s28  }
.Ltmp1:
0x1d: {  	_ = 	snop;
	(pc) =	sbr.rel @!p3 .LBB2_14-.Ltmp1, $2  }
0x1e: {  	_ =	sdelay $0x1  }
0x1f: {  	[bflag:$0x0] =	sbarrier.arrive $0xFFFF;
	_ =	sdelay $0x1  }
.LBB2_1:
0x20: {  	s0 =	simm.s32 $0x13880  }
0x21: {  	[tilespmem:s0], [sflag:$0x2] =	stream.linear.gather [hbm4b:s10+s2], $0x3E80, $0x38;
	[tilespmem:$0x1E080] =	vst v63  }
0x22: {  	_ =	swait.ge [sflag:s31], $0x3E80  }
0x23: {  	[sflag:s31] =	ssyncset.done $0x0  }
.Ltmp2:
0x24: {  	s30 =	simm.s32 $0x17880;
	[sflag:s31] =	ssyncadd.s32 $0xFFFFC180;
	(pc) =	sbr.rel @p0 .LBB2_7-.Ltmp2, $4  }
0x25: {  	[tilespmem:s30], [sflag:$0x2] =	stream.linear.gather [hbm4b:s11+s2], $0x3E80, $0x38;
	[tilespmem:$0x1E080] =	vst v63  }
0x26: {  	_ =	swait.ge [sflag:s31], $0x3E80  }
0x27: {  	s20 =	sshll.u32 s6, $0x6;
	s18 =	sshrl.u32 s12, $0x3;
	[sflag:s31] =	ssyncset.done $0x0  }
0x28: {  	s19 =	sshrl.u32 @!p1 s29, $0x3;
	s17 =	sor.u32 $0x1C02, s20;
	[sflag:s31] =	ssyncadd.s32 $0xFFFFC180  }
0x29: {  	s17 =	sor.u32 $0x1C02, s20;
	s0 =	rddreg [dreg:$0x7]  }
0x2a: {  	[spmem:s18], [sflag:s17] =	dma.local [hbm:s0], $0x2700  }
0x2b: {  	_ =	swait.ge [sflag:s31], $0x2700  }
0x2c: {  	[sflag:s31] =	ssyncset.done $0x0  }
0x2d: {  	s20 =	simm.s32 @!p1 $0x2;
	s0 =	rddreg [dreg:$0x8];
	[sflag:s31] =	ssyncadd.s32 $0xFFFFD900  }
0x2e: {  	[spmem:s19], [sflag:s17] =	dma.local @!p1 [hbm:s0], $0x100  }
0x2f: {  	_ =	swait.ge @!p1 [sflag:s20], $0x100  }
0x30: {  	[sflag:s20] =	ssyncset.done @!p1 $0x0  }
0x31: {  	[sflag:s20] =	ssyncadd.s32 @!p1 $0xFFFFFF00  }
0x32: {  	s22 =	simm.s32 $0x13880;
	[bflag:$0x0] =	sbarrier.arrive $0xFFFF  }
0x33: {  	[tilespmem:s14], [sflag:$0x1] =	stream.indirect.gather [hbm4b:s3+s13], $0x80, s22, s13, $0xb8;
	[tilespmem:$0x1E080] =	vst v63  }
0x34: {  	_ =	swait.ge [sflag:s15], $0x2800  }
0x35: {  	[sflag:s15] =	ssyncset.done $0x0  }
0x36: {  	s23 =	simm.s32 $0x17880;
	[sflag:s15] =	ssyncadd.s32 $0xFFFFD800  }
0x37: {  	[spmem:s1] =	stream.indirect.scatter.add.f32 [tilespmem:s14], [sflag:$0x2], $0x80, s23, s13, $0xb8;
	[tilespmem:$0x1E080] =	vst v63  }
0x38: {  	_ =	swait.ge [sflag:s31], $0x2800  }
0x39: {  	s30 =	simm.s32 $0x400;
	s20 =	simm.s32 $0x80;
	[sflag:s31] =	ssyncset.done $0x0  }
.LBB2_3:
0x3a: {  	s22 =	sadd.s32 $0x13880, s20  }
0x3b: {  	[sflag:s31] =	ssyncadd.s32 $0xFFFFD800;
	s0 =	smov.u32 s30;
	s23 =	sadd.s32 $0x200, s30  }
0x3c: {  	[tilespmem:s14], [sflag:$0x1] =	stream.indirect.gather [hbm4b:s3+s13], $0x80, s22, s13, $0xb8;
	[tilespmem:$0x1E080] =	vst v63  }
0x3d: {  	p3 =	sne.s32 s30, $0xF800;
	_ =	swait.ge [sflag:s15], $0x2800  }
.Ltmp3:
0x3e: {  	[sflag:s15] =	ssyncset.done $0x0;
	(pc) =	sbr.rel @p3 .LBB2_3-.Ltmp3, $4  }
0x3f: {  	s20 =	sadd.s32 $0x17880, s20;
	[sflag:s15] =	ssyncadd.s32 $0xFFFFD800  }
0x40: {  	[spmem:s1] =	stream.indirect.scatter.add.f32 [tilespmem:s14], [sflag:$0x2], $0x80, s20, s13, $0xb8;
	[tilespmem:$0x1E080] =	vst v63  }
0x41: {  	_ =	swait.ge [sflag:s31], $0x2800  }
0x42: {  	s30 =	smov.u32 s23;
	s20 =	sshra.s32 s0, $0x2;
	[sflag:s31] =	ssyncset.done $0x0  }
0x43: {  	s0 =	sadd.s32 $0x13880, s20;
	[sflag:s31] =	ssyncadd.s32 $0xFFFFD800  }
0x44: {  	[tilespmem:s14], [sflag:$0x1] =	stream.indirect.gather [hbm4b:s3+s13], $0x80, s0, s13, $0xb8;
	[tilespmem:$0x1E080] =	vst v63  }
0x45: {  	_ =	swait.ge [sflag:s15], $0x2800  }
0x46: {  	[sflag:s15] =	ssyncset.done $0x0  }
0x47: {  	s20 =	sadd.s32 $0x17880, s20;
	[sflag:s15] =	ssyncadd.s32 $0xFFFFD800  }
0x48: {  	[spmem:s1] =	stream.indirect.scatter.add.f32 [tilespmem:s14], [sflag:$0x2], $0x80, s20, s13, $0xb8;
	[tilespmem:$0x1E080] =	vst v63  }
0x49: {  	_ =	swait.ge [sflag:s31], $0x2800  }
0x4a: {  	[sflag:s31] =	ssyncset.done $0x0  }
0x4b: {  	[sflag:s31] =	ssyncadd.s32 $0xFFFFD800  }
0x4c: {  	[bflag:$0x0] =	sbarrier.arrive $0xFFFF  }
0x4d: {  	s22 =	rddreg [dreg:$0x9]  }
0x4e: {  	[hbm:s22], [sflag:s17] =	dma.local [spmem:s18], $0x2700  }
0x4f: {  	_ =	swait.ge [sflag:s31], $0x2700  }
0x50: {  	[sflag:s31] =	ssyncset.done $0x0  }
0x51: {  	[sflag:s31] =	ssyncadd.s32 $0xFFFFD900  }
0x52: {  	s0 =	sshrl.u32 @p1 s12, $0x3;
	[bflag:$0x0] =	sbarrier.arrive @p1 $0xFFFF  }
0x53: {  	[spmem:s0], [sflag:s17] =	dma.local @p1 [hbm:s21], $0x2700  }
0x54: {  	s0 =	simm.s32 @p1 $0x2  }
0x55: {  	_ =	swait.ge @p1 [sflag:s0], $0x2700  }
0x56: {  	[sflag:s0] =	ssyncset.done @p1 $0x0  }
0x57: {  	[sflag:s0] =	ssyncadd.s32 @p1 $0xFFFFD900;
	s0 =	rddreg [dreg:$0xa]  }
0x58: {  	[hbm:s0], [sflag:s17] =	dma.local @!p1 [spmem:s19], $0x100  }
0x59: {  	s0 =	simm.s32 @!p1 $0x2  }
0x5a: {  	_ =	swait.ge @!p1 [sflag:s0], $0x100  }
0x5b: {  	[sflag:s0] =	ssyncset.done @!p1 $0x0  }
0x5c: {  	[sflag:s0] =	ssyncadd.s32 @!p1 $0xFFFFFF00  }
0x5d: {  	s20 =	sshrl.u32 @!p1 s12, $0x3;
	[bflag:$0x0] =	sbarrier.arrive @!p1 $0xFFFF  }
0x5e: {  	[spmem:s20], [sflag:s17] =	dma.local @!p1 [hbm:s21], $0x2700  }
0x5f: {  	_ =	swait.ge @!p1 [sflag:s0], $0x2700  }
0x60: {  	[sflag:s0] =	ssyncset.done @!p1 $0x0  }
0x61: {  	s20 =	rddreg [dreg:$0xb];
	[sflag:s0] =	ssyncadd.s32 @!p1 $0xFFFFD900  }
0x62: {  	[spmem:s19], [sflag:s17] =	dma.local @!p1 [hbm:s20], $0x100  }
0x63: {  	_ =	swait.ge @!p1 [sflag:s0], $0x100  }
0x64: {  	[sflag:s0] =	ssyncset.done @!p1 $0x0  }
0x65: {  	[sflag:s0] =	ssyncadd.s32 @!p1 $0xFFFFFF00  }
0x66: {  	s23 =	simm.s32 $0x13880;
	[bflag:$0x0] =	sbarrier.arrive $0xFFFF  }
0x67: {  	[tilespmem:s14], [sflag:$0x1] =	stream.indirect.gather [hbm4b:s4+s13], $0x80, s23, s13, $0xb8;
	[tilespmem:$0x1E080] =	vst v63  }
0x68: {  	_ =	swait.ge [sflag:s15], $0x2800  }
0x69: {  	[sflag:s15] =	ssyncset.done $0x0  }
0x6a: {  	s30 =	simm.s32 $0x17880;
	[sflag:s15] =	ssyncadd.s32 $0xFFFFD800  }
0x6b: {  	[spmem:s1] =	stream.indirect.scatter.add.f32 [tilespmem:s14], [sflag:$0x2], $0x80, s30, s13, $0xb8;
	[tilespmem:$0x1E080] =	vst v63  }
0x6c: {  	_ =	swait.ge [sflag:s31], $0x2800  }
0x6d: {  	s20 =	simm.s32 $0x400;
	s19 =	simm.s32 $0x80;
	[sflag:s31] =	ssyncset.done $0x0  }
.LBB2_5:
0x6e: {  	s0 =	sadd.s32 $0x13880, s19  }
0x6f: {  	[sflag:s31] =	ssyncadd.s32 $0xFFFFD800;
	s22 =	smov.u32 s20;
	s23 =	sadd.s32 $0x200, s20  }
0x70: {  	[tilespmem:s14], [sflag:$0x1] =	stream.indirect.gather [hbm4b:s4+s13], $0x80, s0, s13, $0xb8;
	[tilespmem:$0x1E080] =	vst v63  }
0x71: {  	p3 =	sne.s32 s20, $0xF800;
	_ =	swait.ge [sflag:s15], $0x2800  }
.Ltmp4:
0x72: {  	[sflag:s15] =	ssyncset.done $0x0;
	(pc) =	sbr.rel @p3 .LBB2_5-.Ltmp4, $4  }
0x73: {  	s0 =	sadd.s32 $0x17880, s19;
	[sflag:s15] =	ssyncadd.s32 $0xFFFFD800  }
0x74: {  	[spmem:s1] =	stream.indirect.scatter.add.f32 [tilespmem:s14], [sflag:$0x2], $0x80, s0, s13, $0xb8;
	[tilespmem:$0x1E080] =	vst v63  }
0x75: {  	_ =	swait.ge [sflag:s31], $0x2800  }
0x76: {  	s19 =	sshra.s32 s22, $0x2;
	s20 =	smov.u32 s23;
	[sflag:s31] =	ssyncset.done $0x0  }
0x77: {  	s0 =	sadd.s32 $0x13880, s19;
	[sflag:s31] =	ssyncadd.s32 $0xFFFFD800  }
0x78: {  	[tilespmem:s14], [sflag:$0x1] =	stream.indirect.gather [hbm4b:s4+s13], $0x80, s0, s13, $0xb8;
	[tilespmem:$0x1E080] =	vst v63  }
0x79: {  	_ =	swait.ge [sflag:s15], $0x2800  }
0x7a: {  	[sflag:s15] =	ssyncset.done $0x0  }
0x7b: {  	s30 =	sadd.s32 $0x17880, s19;
	[sflag:s15] =	ssyncadd.s32 $0xFFFFD800  }
0x7c: {  	[spmem:s1] =	stream.indirect.scatter.add.f32 [tilespmem:s14], [sflag:$0x2], $0x80, s30, s13, $0xb8;
	[tilespmem:$0x1E080] =	vst v63  }
0x7d: {  	_ =	swait.ge [sflag:s31], $0x2800  }
0x7e: {  	[sflag:s31] =	ssyncset.done $0x0  }
0x7f: {  	[sflag:s31] =	ssyncadd.s32 $0xFFFFD800  }
0x80: {  	[bflag:$0x0] =	sbarrier.arrive $0xFFFF  }
0x81: {  	[hbm:s24], [sflag:s17] =	dma.local [spmem:s18], $0x2700  }
.Ltmp5:
0x82: {  	_ = 	snop;
	(pc) =	sbr.rel @!p2 .LBB2_13-.Ltmp5, $4  }
.Ltmp6:
0x83: {  	_ = 	snop;
	(pc) =	sbr.rel @p2 .LBB2_12-.Ltmp6, $4  }
0x84: {  	_ =	swait.ge [sflag:s31], $0x2700  }
0x85: {  	[sflag:s31] =	ssyncset.done $0x0  }
0x86: {  	s18 =	smov.u32 s8;
	[sflag:s31] =	ssyncadd.s32 $0xFFFFD900  }
0x87: {  	_ = 	snop  }
.LBB2_7:
0x88: {  	s0 =	rddreg [dreg:$0x3]  }
0x89: {  	[spmem:s18], [sflag:s17] =	dma.local [hbm:s0], $0x2700  }
0x8a: {  	_ =	swait.ge [sflag:s31], $0x2700  }
0x8b: {  	[sflag:s31] =	ssyncset.done $0x0  }
0x8c: {  	s0 =	rddreg [dreg:$0x4];
	[sflag:s31] =	ssyncadd.s32 $0xFFFFD900  }
0x8d: {  	[spmem:s19], [sflag:s17] =	dma.local @!p1 [hbm:s0], $0x100  }
0x8e: {  	s0 =	simm.s32 @!p1 $0x2  }
0x8f: {  	_ =	swait.ge @!p1 [sflag:s0], $0x100  }
0x90: {  	[sflag:s0] =	ssyncset.done @!p1 $0x0  }
0x91: {  	[sflag:s0] =	ssyncadd.s32 @!p1 $0xFFFFFF00  }
0x92: {  	s22 =	simm.s32 $0x13880;
	[bflag:$0x0] =	sbarrier.arrive $0xFFFF  }
0x93: {  	[tilespmem:s14], [sflag:$0x1] =	stream.indirect.gather [hbm4b:s5+s13], $0x80, s22, s13, $0xb8;
	[tilespmem:$0x1E080] =	vst v63  }
0x94: {  	_ =	swait.ge [sflag:s15], $0x2800  }
0x95: {  	[sflag:s15] =	ssyncset.done $0x0  }
0x96: {  	s23 =	simm.s32 $0x17880;
	[sflag:s15] =	ssyncadd.s32 $0xFFFFD800  }
0x97: {  	[spmem:s1] =	stream.indirect.scatter.add.f32 [tilespmem:s14], [sflag:$0x2], $0x80, s23, s13, $0xb8;
	[tilespmem:$0x1E080] =	vst v63  }
0x98: {  	_ =	swait.ge [sflag:s31], $0x2800  }
0x99: {  	s30 =	simm.s32 $0x400;
	s20 =	simm.s32 $0x80;
	[sflag:s31] =	ssyncset.done $0x0  }
.LBB2_8:
0x9a: {  	s0 =	sadd.s32 $0x13880, s20  }
0x9b: {  	[sflag:s31] =	ssyncadd.s32 $0xFFFFD800;
	s22 =	smov.u32 s30;
	s23 =	sadd.s32 $0x200, s30  }
0x9c: {  	[tilespmem:s14], [sflag:$0x1] =	stream.indirect.gather [hbm4b:s5+s13], $0x80, s0, s13, $0xb8;
	[tilespmem:$0x1E080] =	vst v63  }
0x9d: {  	p3 =	sne.s32 s30, $0xF800;
	_ =	swait.ge [sflag:s15], $0x2800  }
.Ltmp7:
0x9e: {  	[sflag:s15] =	ssyncset.done $0x0;
	(pc) =	sbr.rel @p3 .LBB2_8-.Ltmp7, $4  }
0x9f: {  	s0 =	sadd.s32 $0x17880, s20;
	[sflag:s15] =	ssyncadd.s32 $0xFFFFD800  }
0xa0: {  	[spmem:s1] =	stream.indirect.scatter.add.f32 [tilespmem:s14], [sflag:$0x2], $0x80, s0, s13, $0xb8;
	[tilespmem:$0x1E080] =	vst v63  }
0xa1: {  	_ =	swait.ge [sflag:s31], $0x2800  }
0xa2: {  	s20 =	sshra.s32 s22, $0x2;
	s30 =	smov.u32 s23;
	[sflag:s31] =	ssyncset.done $0x0  }
0xa3: {  	s0 =	sadd.s32 $0x13880, s20;
	[sflag:s31] =	ssyncadd.s32 $0xFFFFD800  }
0xa4: {  	[tilespmem:s14], [sflag:$0x1] =	stream.indirect.gather [hbm4b:s5+s13], $0x80, s0, s13, $0xb8;
	[tilespmem:$0x1E080] =	vst v63  }
0xa5: {  	_ =	swait.ge [sflag:s15], $0x2800  }
0xa6: {  	[sflag:s15] =	ssyncset.done $0x0  }
0xa7: {  	s20 =	sadd.s32 $0x17880, s20;
	[sflag:s15] =	ssyncadd.s32 $0xFFFFD800  }
0xa8: {  	[spmem:s1] =	stream.indirect.scatter.add.f32 [tilespmem:s14], [sflag:$0x2], $0x80, s20, s13, $0xb8;
	[tilespmem:$0x1E080] =	vst v63  }
0xa9: {  	_ =	swait.ge [sflag:s31], $0x2800  }
0xaa: {  	[sflag:s31] =	ssyncset.done $0x0  }
0xab: {  	[sflag:s31] =	ssyncadd.s32 $0xFFFFD800  }
0xac: {  	[bflag:$0x0] =	sbarrier.arrive $0xFFFF  }
0xad: {  	s22 =	rddreg [dreg:$0x5]  }
0xae: {  	[hbm:s22], [sflag:s17] =	dma.local [spmem:s18], $0x2700  }
0xaf: {  	_ =	swait.ge [sflag:s31], $0x2700  }
0xb0: {  	[sflag:s31] =	ssyncset.done $0x0  }
0xb1: {  	s20 =	simm.s32 @!p1 $0x2;
	s0 =	rddreg [dreg:$0x6];
	[sflag:s31] =	ssyncadd.s32 $0xFFFFD900  }
0xb2: {  	[hbm:s0], [sflag:s17] =	dma.local @!p1 [spmem:s19], $0x100  }
0xb3: {  	_ =	swait.ge @!p1 [sflag:s20], $0x100  }
0xb4: {  	[sflag:s20] =	ssyncset.done @!p1 $0x0  }
0xb5: {  	[sflag:s20] =	ssyncadd.s32 @!p1 $0xFFFFFF00  }
0xb6: {  	[bflag:$0x0] =	sbarrier.arrive $0xFFFF  }
0xb7: {  	[spmem:s18], [sflag:s17] =	dma.local [hbm:s25], $0x2700  }
0xb8: {  	_ =	swait.ge [sflag:s31], $0x2700  }
0xb9: {  	[sflag:s31] =	ssyncset.done $0x0  }
0xba: {  	s0 =	rddreg [dreg:$0xc];
	[sflag:s31] =	ssyncadd.s32 $0xFFFFD900  }
0xbb: {  	[spmem:s19], [sflag:s17] =	dma.local @!p1 [hbm:s0], $0x100  }
0xbc: {  	_ =	swait.ge @!p1 [sflag:s20], $0x100  }
0xbd: {  	[sflag:s20] =	ssyncset.done @!p1 $0x0  }
0xbe: {  	[sflag:s20] =	ssyncadd.s32 @!p1 $0xFFFFFF00  }
0xbf: {  	s23 =	simm.s32 $0x13880;
	[bflag:$0x0] =	sbarrier.arrive $0xFFFF  }
0xc0: {  	[tilespmem:s14], [sflag:$0x1] =	stream.indirect.gather [hbm4b:s7+s13], $0x80, s23, s13, $0xb8;
	[tilespmem:$0x1E080] =	vst v63  }
0xc1: {  	_ =	swait.ge [sflag:s15], $0x2800  }
0xc2: {  	[sflag:s15] =	ssyncset.done $0x0  }
0xc3: {  	s30 =	simm.s32 $0x17880;
	[sflag:s15] =	ssyncadd.s32 $0xFFFFD800  }
0xc4: {  	[spmem:s1] =	stream.indirect.scatter.add.f32 [tilespmem:s14], [sflag:$0x2], $0x80, s30, s13, $0xb8;
	[tilespmem:$0x1E080] =	vst v63  }
0xc5: {  	_ =	swait.ge [sflag:s31], $0x2800  }
0xc6: {  	s19 =	simm.s32 $0x80;
	s20 =	simm.s32 $0x400;
	[sflag:s31] =	ssyncset.done $0x0  }
.LBB2_10:
0xc7: {  	s0 =	sadd.s32 $0x13880, s19  }
0xc8: {  	[sflag:s31] =	ssyncadd.s32 $0xFFFFD800;
	s22 =	smov.u32 s20;
	s23 =	sadd.s32 $0x200, s20  }
0xc9: {  	[tilespmem:s14], [sflag:$0x1] =	stream.indirect.gather [hbm4b:s7+s13], $0x80, s0, s13, $0xb8;
	[tilespmem:$0x1E080] =	vst v63  }
0xca: {  	p3 =	sne.s32 s20, $0xF800;
	_ =	swait.ge [sflag:s15], $0x2800  }
.Ltmp8:
0xcb: {  	[sflag:s15] =	ssyncset.done $0x0;
	(pc) =	sbr.rel @p3 .LBB2_10-.Ltmp8, $4  }
0xcc: {  	s0 =	sadd.s32 $0x17880, s19;
	[sflag:s15] =	ssyncadd.s32 $0xFFFFD800  }
0xcd: {  	[spmem:s1] =	stream.indirect.scatter.add.f32 [tilespmem:s14], [sflag:$0x2], $0x80, s0, s13, $0xb8;
	[tilespmem:$0x1E080] =	vst v63  }
0xce: {  	_ =	swait.ge [sflag:s31], $0x2800  }
0xcf: {  	s19 =	sshra.s32 s22, $0x2;
	s20 =	smov.u32 s23;
	[sflag:s31] =	ssyncset.done $0x0  }
0xd0: {  	s0 =	sadd.s32 $0x13880, s19;
	[sflag:s31] =	ssyncadd.s32 $0xFFFFD800  }
0xd1: {  	[tilespmem:s14], [sflag:$0x1] =	stream.indirect.gather [hbm4b:s7+s13], $0x80, s0, s13, $0xb8;
	[tilespmem:$0x1E080] =	vst v63  }
0xd2: {  	_ =	swait.ge [sflag:s15], $0x2800  }
0xd3: {  	[sflag:s15] =	ssyncset.done $0x0  }
0xd4: {  	s30 =	sadd.s32 $0x17880, s19;
	[sflag:s15] =	ssyncadd.s32 $0xFFFFD800  }
0xd5: {  	[spmem:s1] =	stream.indirect.scatter.add.f32 [tilespmem:s14], [sflag:$0x2], $0x80, s30, s13, $0xb8;
	[tilespmem:$0x1E080] =	vst v63  }
0xd6: {  	_ =	swait.ge [sflag:s31], $0x2800  }
0xd7: {  	[sflag:s31] =	ssyncset.done $0x0  }
0xd8: {  	[sflag:s31] =	ssyncadd.s32 $0xFFFFD800  }
0xd9: {  	[bflag:$0x0] =	sbarrier.arrive $0xFFFF  }
0xda: {  	[hbm:s26], [sflag:s17] =	dma.local [spmem:s18], $0x2700  }
.Ltmp9:
0xdb: {  	_ = 	snop;
	(pc) =	sbr.rel @p1 .LBB2_13-.Ltmp9, $4  }
.Ltmp10:
0xdc: {  	_ = 	snop;
	(pc) =	sbr.rel @!p1 .LBB2_12-.Ltmp10, $4  }
0xdd: {  	_ =	swait.ge [sflag:s31], $0x2700  }
0xde: {  	[sflag:s31] =	ssyncset.done $0x0  }
0xdf: {  	s18 =	smov.u32 s9;
	[sflag:s31] =	ssyncadd.s32 $0xFFFFD900  }
0xe0: {  	_ = 	snop  }
.LBB2_14:
0xe1: {  	_ =	sfence.sel $0x180000  }
0xe2: {  	[bflag:$0x0] =	sbarrier.arrive $0xFFFF  }
0xe3: {  	_ =	strace $0x90000050  }
0xe4: {  	[bflag:$0x2] =	sbarrier.arrive $0xFFFF  }
0xe5: {  	s0 =	rddreg [dreg:$0x2]  }
0xe6: {  	s0 =	sadd.s32 @!p1 $0x100000, s0  }
0xe7: {  	[sflag:s0] =	ssyncadd.tile.s32 @!p1 $0x1;
	_ =	shalt  }
.Lfunc_end2:
_tile_overlayer_lowered:
.L_overlay_start_2:
0xe8: {  	(tag) =	ssettag $0x2  }
0xe9: {  	s0 =	rddreg [dreg:$0x0];
	s2 =	stileid.u32  }
0xea: {  	s1 =	rddreg [dreg:$0x1];
	p0 =	sne.s32 s2, $0x0  }
0xeb: {  	s3 =	rddreg [dreg:$0x2];
	[bflag:$0x3] =	sbarrier.arrive $0xFFFF;
	s2 =	simm.s32 @!p0 $0x1C02  }
0xec: {  	[timem:s3], [sflag:s2] =	dma.local @!p0 [hbm:s0], s1  }
0xed: {  	s0 =	simm.s32 @!p0 $0x2  }
0xee: {  	_ =	swait.ge @!p0 [sflag:s0], s1  }
0xef: {  	s1 =	ssub.s32 @!p0 $0x0, s1;
	[sflag:s0] =	ssyncset.done @!p0 $0x0  }
0xf0: {  	[sflag:s0] =	ssyncadd.s32 @!p0 s1  }
0xf1: {  	[bflag:$0x3] =	sbarrier.arrive $0xFFFF  }
0xf2: {  	_ =	shalt  }

// kernel: scatter_offload_async_start
scs
__scs_entry_jumppad:
0x0: {  	(pc) =	sbr.rel $0x88, $3  }
0x1: {  	(tag) =	ssettag $0x0;
	lr =	simm.s32 $0x1  }
0x2: {  	[smem:$0x3F8C] =	sst lr;
	_ =	strace $0xD0000000  }
0x3: {  	_ = 	snop  }
0x4: {  	_ = 	snop  }
0x5: {  	_ = 	snop  }
0x6: {  	_ = 	snop  }
0x7: {  	_ = 	snop  }
__scs_overlays_trampoline_lowered:
0x8: {  	[smem:$0x3F9B] =	sst s0  }
0x9: {  	[smem:$0x3F9C] =	sst s1  }
0xa: {  	[smem:$0x3F9D] =	sst s2  }
0xb: {  	[smem:$0x3F9E] =	sst s3  }
0xc: {  	[smem:$0x3F9F] =	sst s4  }
0xd: {  	[smem:$0x3FA0] =	sst s5  }
0xe: {  	[smem:$0x3FA1] =	sst s6  }
0xf: {  	[smem:$0x3FA2] =	sst s7  }
0x10: {  	[smem:$0x3FA3] =	sst s8  }
0x11: {  	[smem:$0x3FA4] =	sst s9;
	s0 =	simm.s32 @!p0 $0x0  }
0x12: {  	s1 =	sld [smem:$0x3F8A];
	s0 =	simm.s32 @p0 $0x1  }
0x13: {  	[smem:$0x3FA5] =	sst s0;
	s0 =	simm.s32 @!p1 $0x0  }
0x14: {  	s2 =	sld [smem:$0x3F89];
	s0 =	simm.s32 @p1 $0x1  }
0x15: {  	[smem:$0x3FA6] =	sst s0;
	s0 =	simm.s32 @!p2 $0x0  }
0x16: {  	s3 =	sld [smem:$0x3FDB];
	s0 =	simm.s32 @p2 $0x1  }
0x17: {  	s4 =	simm.s32 $0x1BF5;
	[smem:$0x3FA8] =	sst s0  }
0x18: {  	s0 =	sld [smem:$0x3F8B];
	_ =	swait.ge [sflag:s4], $0x0  }
0x19: {  	s7 =	sld [smem:$0x3F8C]  }
0x1a: {  	s8 =	sadd.s32 $0xFFFFE003, lr  }
0x1b: {  	s9 =	sadd.s32 $0xFFFFFEF7, lr;
	s5 =	simm.s32 $0xFFFFFFFF;
	p2 =	slt.u32 s8, $0xFFFFF086  }
0x1c: {  	p1 =	slt.u32 s9, $0xF7A;
	s5 =	simm.s32 @!p2 $0x0  }
0x1d: {  	s5 =	simm.s32 @p1 $0x1;
	p0 =	seq.s32 s7, s2  }
0x1e: {  	s7 =	smul.u32 @!p0 $0xF7A, s2;
	p2 =	seq.s32 @!p0 s5, $0x0  }
0x1f: {  	s9 =	smul.u32 $0xF7A, s1;
	s8 =	simm.s32 @!p0 $0x1BF5;
	p2 =	por !p2, p0  }
0x20: {  	[sflag:s8] =	ssyncset.s32 @!p0 $0xFFFFF086;
	s6 =	sadd.s32 @!p0 s3, s7;
	s7 =	simm.s32 @!p0 $0x108  }
0x21: {  	s3 =	sadd.s32 s3, s9;
	s6 =	sadd.s32 @!p0 $0x88, s6;
	s7 =	simm.s32 @p2 $0x1082  }
0x22: {  	[simem:s7], [sflag:s8] =	dma.local @!p0 [hbm:s6], $0xF7A  }
0x23: {  	s9 =	sor.u32 $0xD0000000, s2;
	s6 =	simm.s32 $0x108;
	_ =	swait.ge @!p0 [sflag:s8], $0x0  }
0x24: {  	s3 =	sadd.s32 $0x88, s3;
	s6 =	simm.s32 @!p1 $0x1082;
	[sflag:s4] =	ssyncset.s32 $0xFFFFF086  }
0x25: {  	[simem:s6], [sflag:s4] =	dma.local [hbm:s3], $0xF7A  }
0x26: {  	[smem:$0x3F8C] =	sst s1;
	(tag) =	ssettag s2;
	_ =	strace s9  }
0x27: {  	s1 =	sld [smem:$0x3F9C]  }
0x28: {  	s2 =	sld [smem:$0x3F9D]  }
0x29: {  	s4 =	sld [smem:$0x3F9F]  }
0x2a: {  	p0 =	seq.s32 s5, $0x0;
	s5 =	sld [smem:$0x3FA0]  }
0x2b: {  	s6 =	sld [smem:$0x3FA1]  }
0x2c: {  	s7 =	sld [smem:$0x3FA2]  }
0x2d: {  	s3 =	simm.s32 $0x108;
	s8 =	sld [smem:$0x3FA3]  }
0x2e: {  	s3 =	simm.s32 @!p0 $0x1082;
	s9 =	sld [smem:$0x3FA4]  }
0x2f: {  	lr =	sadd.s32 s0, s3;
	s0 =	sld [smem:$0x3F9B]  }
0x30: {  	s3 =	sld [smem:$0x3F9E]  }
0x31: {  	[smem:$0x3FA7] =	sst s10  }
0x32: {  	s10 =	sld [smem:$0x3FA5];
	_ =	sdelay $0x3  }
0x33: {  	p0 =	seq.s32 s10, $0x1;
	s10 =	sld [smem:$0x3FA7];
	_ =	sdelay $0x3  }
0x34: {  	[smem:$0x3FA7] =	sst s10  }
0x35: {  	s10 =	sld [smem:$0x3FA6];
	_ =	sdelay $0x3  }
0x36: {  	p1 =	seq.s32 s10, $0x1;
	s10 =	sld [smem:$0x3FA7];
	_ =	sdelay $0x3  }
0x37: {  	[smem:$0x3FA7] =	sst s10  }
0x38: {  	s10 =	sld [smem:$0x3FA8]  }
0x39: {  	_ = 	snop;
	(pc) =	sbr.ind lr, $3  }
0x3a: {  	_ = 	snop  }
0x3b: {  	_ = 	snop  }
0x3c: {  	p2 =	seq.s32 s10, $0x1;
	s10 =	sld [smem:$0x3FA7]  }
0x3d: {  	_ =	shalt  }
0x3e: {  	_ =	shalt  }
0x3f: {  	_ =	shalt  }
0x40: {  	_ =	shalt  }
0x41: {  	_ =	shalt  }
0x42: {  	_ =	shalt  }
0x43: {  	_ =	shalt  }
0x44: {  	_ =	shalt  }
0x45: {  	_ =	shalt  }
0x46: {  	_ =	shalt  }
0x47: {  	_ =	shalt  }
0x48: {  	_ =	shalt  }
0x49: {  	_ =	shalt  }
0x4a: {  	_ =	shalt  }
0x4b: {  	_ =	shalt  }
0x4c: {  	_ =	shalt  }
0x4d: {  	_ =	shalt  }
0x4e: {  	_ =	shalt  }
0x4f: {  	_ =	shalt  }
0x50: {  	_ =	shalt  }
0x51: {  	_ =	shalt  }
0x52: {  	_ =	shalt  }
0x53: {  	_ =	shalt  }
0x54: {  	_ =	shalt  }
0x55: {  	_ =	shalt  }
0x56: {  	_ =	shalt  }
0x57: {  	_ =	shalt  }
0x58: {  	_ =	shalt  }
0x59: {  	_ =	shalt  }
0x5a: {  	_ =	shalt  }
0x5b: {  	_ =	shalt  }
0x5c: {  	_ =	shalt  }
0x5d: {  	_ =	shalt  }
0x5e: {  	_ =	shalt  }
0x5f: {  	_ =	shalt  }
0x60: {  	_ =	shalt  }
0x61: {  	_ =	shalt  }
0x62: {  	_ =	shalt  }
0x63: {  	_ =	shalt  }
0x64: {  	_ =	shalt  }
0x65: {  	_ =	shalt  }
0x66: {  	_ =	shalt  }
0x67: {  	_ =	shalt  }
0x68: {  	_ =	shalt  }
0x69: {  	_ =	shalt  }
0x6a: {  	_ =	shalt  }
0x6b: {  	_ =	shalt  }
0x6c: {  	_ =	shalt  }
0x6d: {  	_ =	shalt  }
0x6e: {  	_ =	shalt  }
0x6f: {  	_ =	shalt  }
0x70: {  	_ =	shalt  }
0x71: {  	_ =	shalt  }
0x72: {  	_ =	shalt  }
0x73: {  	_ =	shalt  }
0x74: {  	_ =	shalt  }
0x75: {  	_ =	shalt  }
0x76: {  	_ =	shalt  }
0x77: {  	_ =	shalt  }
0x78: {  	_ =	shalt  }
0x79: {  	_ =	shalt  }
0x7a: {  	_ =	shalt  }
0x7b: {  	_ =	shalt  }
0x7c: {  	_ =	shalt  }
0x7d: {  	_ =	shalt  }
0x7e: {  	_ =	shalt  }
0x7f: {  	_ =	shalt  }
0x80: {  	_ =	shalt  }
0x81: {  	_ =	shalt  }
0x82: {  	_ =	shalt  }
0x83: {  	_ =	shalt  }
0x84: {  	_ =	shalt  }
0x85: {  	_ =	shalt  }
0x86: {  	_ =	shalt  }
0x87: {  	_ =	shalt  }
.Lfunc_end0:
.L_simem_size_0:
called_computation_lowered:
.L_overlay_start_0:
0x88: {  	s0 =	sld [smem:$0x3FD9]  }
0x89: {  	s1 =	sld [smem:$0x3FFE];
	_ =	sdelay $0x3  }
0x8a: {  	s0 =	sadd.s32 s1, s0  }
0x8b: {  	[smem:$0x3FB3] =	sst s0  }
0x8c: {  	_ = 	snop  }
0x8d: {  	(tm) =	ssettm $0x1  }
0x8e: {  	s15 =	sld [smem:$0x3FFB];
	_ =	sdelay $0x3  }
0x8f: {  	_ =	strace s15  }
0x90: {  	s0 =	sld [smem:$0x3FFC];
	_ =	sdelay $0x3  }
0x91: {  	_ =	strace s0  }
0x92: {  	s0 =	sld [smem:$0x3FFD];
	_ =	sdelay $0x3  }
0x93: {  	_ =	strace s0  }
0x94: {  	_ =	strace $0x8FFFFFFF  }
0x95: {  	s16 =	sld [smem:$0x3FDB];
	_ =	sdelay $0x1  }
0x96: {  	s17 =	simm.s32 $_scs_section_size  }
0x97: {  	s2 =	simm.s32 $_size__tile_overlayer_lowered;
	s3 =	simm.s32 $_tile_overlayer_lowered  }
0x98: {  	s20 =	simm.s32 $0x1BFF;
	s19 =	sshll.u32 s3, $0x1;
	s0 =	sadd.s32 s17, s16  }
0x99: {  	s4 =	simm.s32 $0x0;
	s18 =	sshll.u32 s2, $0x1;
	s2 =	sadd.s32 s19, s0  }
0x9a: {  	[timem:s4], [sflag:s20] =	dma.local [hbm:s2], s18  }
0x9b: {  	_ =	swait.ge [sflag:s20], s18  }
0x9c: {  	s1 =	ssub.s32 $0x0, s18;
	[sflag:s20] =	ssyncset.done $0x0  }
0x9d: {  	[sflag:s20] =	ssyncadd.s32 s1;
	_ =	sdelay $0x1  }
0x9e: {  	s21 =	simm.s32 $0x1B8B  }
0x9f: {  	_ =	swait.ge [sflag:s21], $0x1  }
0xa0: {  	[sflag:s21] =	ssyncset.done $0x0  }
0xa1: {  	s23 =	simm.s32 $0x1B8E;
	s22 =	sld [smem:$0x3FFE];
	[sflag:s21] =	ssyncadd.s32 $0xFFFFFFFF  }
0xa2: {  	s24 =	simm.s32 $execute0_lowered;
	[smem:$0x3FD2] =	sst s23  }
0xa3: {  	s2 =	sshll.u32 s24, $0x1;
	_ =	strace $0x80000046;
	[dreg:$0x1] =	wrdreg $0xFFFFFFFF  }
0xa4: {  	s25 =	simm.s32 $_size_execute0_lowered;
	s0 =	sadd.s32 s0, s2;
	[dreg:$0x0] =	wrdreg $0x0  }
0xa5: {  	s2 =	sshll.u32 s25, $0x1;
	[dreg:$0x2] =	wrdreg s0  }
0xa6: {  	[dreg:$0x3] =	wrdreg s2  }
0xa7: {  	[dreg:$0x4] =	wrdreg $0xC0  }
0xa8: {  	_ =	task [dreg:s4], $0x5FFFF  }
0xa9: {  	[dreg:$0x1] =	wrdreg $0xFFFFFFFF  }
0xaa: {  	[dreg:$0x0] =	wrdreg $0x60  }
0xab: {  	[dreg:$0x2] =	wrdreg s22  }
0xac: {  	[dreg:$0x3] =	wrdreg $0x9  }
0xad: {  	_ =	task.clear_ibuf [dreg:s4], $0x4FFFF;
	_ =	strace $0x90000046  }
0xae: {  	s26 =	simm.s32 $0x9;
	_ =	strace $0x80000048  }
0xaf: {  	_ =	swait.ge [sflag:s26], $0x1  }
0xb0: {  	[sflag:s26] =	ssyncadd.s32 $0xFFFFFFFF  }
0xb1: {  	_ =	strace $0x90000048  }
0xb2: {  	_ =	sfence  }
0xb3: {  	s28 =	sld [smem:$0x0];
	_ =	sdelay $0x1  }
0xb4: {  	s29 =	srdreg.scid  }
0xb5: {  	s30 =	sshll.u32 s29, $0xD;
	s31 =	sshrl.u32 s29, $0x2  }
0xb6: {  	s1 =	sand.u32 $0x1, s29;
	s2 =	sand.u32 $0x4000, s30;
	s0 =	sadd.s32 s31, s28  }
0xb7: {  	s1 =	sor.u32 s2, s1;
	s0 =	sshll.u32 s0, $0x11  }
0xb8: {  	s0 =	sor.u32 s0, s1  }
0xb9: {  	s0 =	sadd.s32 $0x8F2B, s0  }
0xba: {  	[sflag:s0] =	ssyncadd.remote.s32 $0x1  }
0xbb: {  	_ =	sfence.sel $0xFFFF  }
0xbc: {  	[dreg:$0x0] =	wrdreg $0xFFFFFFFF;
	(pc) =	sbr.abs _section_cstart, $3  }
0xbd: {  	[dreg:$0x1] =	wrdreg $0xFFFFFFFF  }
0xbe: {  	_ =	task.clear_ibuf [dreg:s4], $0x2FFFF;
	_ =	strace $0x9FFFFFFF  }
0xbf: {  	(tm) =	ssettm $0x7FFFFFFF  }
tec
execute0_lowered:
.L_overlay_start_1:
0x0: {  	(tag) =	ssettag $0x1  }
0x1: {  	s0 =	rddreg [dreg:$0x0]  }
0x2: {  	s14 =	stileid.u32;
	_ =	strace $0x80000047;
	s2 =	simm.s32 $0x1  }
0x3: {  	v1 =	vimm.s32 $0xFFFFFFFF;
	s1 =	smin.u32 s14, $0x4;
	[sflag:s2] =	ssyncpa.u1 $0x0  }
0x4: {  	s1 =	sadd.s32 s14, s1;
	[tilespmem:$0x10] =	vst v1  }
0x5: {  	v0 =	vimm.f32 $0.0e+00;
	p0 =	slt.u32 s14, $0x4;
	[tilespmem:$0x20] =	vst v1;
	s3 =	smul.u32 $0x1F40, s1;
	s1 =	simm.s32 $0x3E80  }
0x6: {  	[tilespmem:$0x30] =	vst v0;
	s1 =	simm.s32 @!p0 $0x1F40  }
0x7: {  	[tilespmem:$0x40] =	vst v0;
	s1 =	sadd.s32 s1, s3  }
0x8: {  	[tilespmem:$0x50] =	vst v0;
	s4 =	smin.u32 s1, $0x27100  }
0x9: {  	[tilespmem:$0x60] =	vst v1;
	s9 =	ssub.s32 s4, s3  }
0xa: {  	s7 =	simm.s32 $0x2;
	s8 =	simm.s32 $0x8;
	[tilespmem:$0x70] =	vst v1;
	p0 =	sgt.s32 s9, $0x0  }
0xb: {  	s31 =	simm.s32 $0x9;
	s16 =	simm.s32 $0x0;
	[tilespmem:$0x80] =	vst v1;
	s9 =	simm.s32 @!p0 $0x0  }
0xc: {  	s17 =	simm.s32 $0xF0;
	s18 =	simm.s32 $0xFFFFFFFF;
	v1 =	vimm.s32 $0x0;
	[tilespmem:$0xB0] =	vst v0;
	s5 =	smulhi.u32 $0x10624DD3, s9  }
0xd: {  	s19 =	simm.s32 $0xFFFFC280;
	s20 =	simm.s32 $0xFFFFFFFE;
	s21 =	simm.s32 $0xF;
	[tilespmem:$0x90] =	vst v1  }
0xe: {  	[tilespmem:$0xA0] =	vst v1;
	[sflag:s7] =	ssyncpa.u1 $0x0;
	s7 =	simm.s32 $0x7;
	s10 =	sshrl.u32 s5, $0x9  }
0xf: {  	s25 =	simm.s32 $0x0;
	[sflag:s7] =	ssyncpa.u1 $0x0;
	s11 =	smul.u32 $0x1F40, s10  }
0x10: {  	s24 =	simm.s32 $0x0;
	s6 =	sadd.s32 $0x12A00, s0;
	[sflag:s8] =	ssyncpa.u1 $0x0  }
.Ltmp0:
0x11: {  	s23 =	smov.u32 s3;
	p0 =	sne.s32 s9, s11;
	(pc) =	sbr.rel .LBB2_1-.Ltmp0, $4  }
0x12: {  	s1 =	sadd.s32 $0x46C00, s0;
	[sflag:s31] =	ssyncpa.u1 $0x0;
	s2 =	simm.s32 @!p0 $0x0  }
0x13: {  	s5 =	sadd.s32 $0xDA00, s0;
	p0 =	por $0x0, $0x0;
	s9 =	sadd.s32 s2, s10  }
0x14: {  	vm0 =	vmmov $0xffff;
	v2 =	vlaneseq.u32;
	s10 =	sshll.u32 s14, $0x1;
	s14 =	sshllo.u32 s14, $0x1;
	s11 =	sadd.s32 $0x1, s9  }
0x15: {  	vm1 =	vmxor vm1, vm1;
	vm2 =	vmmov $0x1;
	vm3 =	vcmask $0x3F3C;
	s12 =	sadd.s32 $0x2, s9;
	s13 =	sor.u32 $0x81, s10;
	s15 =	sor.u32 $0x80, s10  }
.LBB2_9:
0x16: {  	p1 =	slt.u32 s24, $0x3  }
0x17: {  	s0 =	simm.s32 @!p1 $0x2  }
0x18: {  	_ =	swait.ge @!p1 [sflag:s0], $0x1F40  }
0x19: {  	[sflag:s0] =	ssyncset.done @!p1 $0x0  }
0x1a: {  	[sflag:s0] =	ssyncadd.s32 @!p1 $0xFFFFE0C0;
	s0 =	simm.s32 @!p1 $0x9  }
0x1b: {  	_ =	swait.ge @!p1 [sflag:s0], $0x10  }
0x1c: {  	[sflag:s0] =	ssyncset.done @!p1 $0x0  }
0x1d: {  	[sflag:s0] =	ssyncadd.s32 @!p1 $0xFFFFFFF0;
	p1 =	sne.s32 s24, s12  }
.Ltmp1:
0x1e: {  	s2 =	sadd.s32 $0x1F40, s23;
	(pc) =	sbr.rel @!p1 .LBB2_10-.Ltmp1, $4  }
0x1f: {  	s22 =	smov.u32 s3;
	s31 =	sadd.s32 $0x1, s24;
	s17 =	sadd.s32 $0x1F40, s17  }
0x20: {  	s18 =	sadd.s32 $0x1, s18;
	s25 =	smov.u32 s23;
	p2 =	slt.s32 s2, s4  }
0x21: {  	p0 =	por !p0, !p0;
	s19 =	sadd.s32 $0x1F40, s19;
	s22 =	smov.u32 @p2 s2  }
0x22: {  	s20 =	sadd.s32 $0x1, s20;
	s23 =	smov.u32 s22;
	s24 =	smov.u32 s31  }
.LBB2_1:
0x23: {  	p1 =	sge.u32 s24, s9  }
0x24: {  	s0 =	smulhi.u32 @!p1 $0xAAAAAAAB, s24;
	_ =	sdelay $0x1  }
0x25: {  	s0 =	sshrl.u32 @!p1 s0, $0x1  }
0x26: {  	s0 =	smul.u32 @!p1 $0x3, s0;
	_ =	sdelay $0x1  }
0x27: {  	s0 =	ssub.s32 @!p1 s24, s0  }
0x28: {  	s0 =	smul.u32 @!p1 $0x7D00, s0;
	_ =	sdelay $0x1  }
0x29: {  	s2 =	sshrl.u32 @!p1 s23, $0x3;
	s0 =	sshrl.u32 @!p1 s0, $0x2  }
0x2a: {  	s22 =	sand.u32 @!p1 $0x7, s23;
	s2 =	sadd.s32 @!p1 s5, s2;
	s0 =	sadd.s32 @!p1 $0x100, s0  }
0x2b: {  	[tilespmem:s0], [sflag:$0x7] =	stream.linear.gather @!p1 [hbm4b:s2+s22], $0x1F40, $0x38;
	[tilespmem:$0x11A60] =	vst v63  }
0x2c: {  	s0 =	sadd.s32 $0xFFFFFFFF, s24  }
0x2d: {  	p1 =	sge.u32 s0, s9  }
.Ltmp2:
0x2e: {  	_ = 	snop;
	(pc) =	sbr.rel @p1 .LBB2_5-.Ltmp2, $1  }
0x2f: {  	_ =	sdelay $0x3  }
0x30: {  	s2 =	smulhi.u32 $0xAAAAAAAB, s0;
	_ =	sdelay $0x1  }
0x31: {  	s2 =	sshrl.u32 s2, $0x1  }
0x32: {  	s2 =	smul.u32 $0x3, s2;
	_ =	sdelay $0x1  }
0x33: {  	s2 =	ssub.s32 s0, s2  }
0x34: {  	s2 =	smul.u32 $0x7D00, s2  }
0x35: {  	_ =	swait.ge [sflag:s7], $0x1F40  }
0x36: {  	[sflag:s7] =	ssyncset.done $0x0;
	s2 =	sshrl.u32 s2, $0x2  }
0x37: {  	[sflag:s7] =	ssyncadd.s32 $0xFFFFE0C0;
	(ifvalue) =	ssetifvalue $0xFFFFFFFF;
	v3 =	vld.msk [tilespmem:s2+$0x100 ss:$0x1], $0xffff;
	_ =	sdelay $0x2  }
0x38: {  	s30 =	smulhi.u32 $0xAAAAAAAB, s18;
	p1 =	sne.s32 s24, $0x1  }
0x39: {  	v4 =	vimm.s32 @!p1 $0x0  }
0x3a: {  	s2 =	sshrl.u32 s30, $0x1;
	v4 =	vperm.xlane @!p1 v3, v4  }
0x3b: {  	s22 =	sshll.u32 s24, $0x4;
	s2 =	smul.u32 $0xFFFE8900, s2;
	vm4 =	vlt.u32 v3, $0x2800  }
0x3c: {  	s22 =	sand.u32 $0x10, s22;
	v3 =	vnsel vm4, $0xFFFFFFFE, v3;
	vm4 =	vlt.u32 @!p1 v4, $0x2800  }
0x3d: {  	s2 =	sshra.s32 s2, $0x2;
	[tilespmem:s22+$0x60] =	vst v3;
	v3 =	vnsel @!p1 vm4, $0xFFFFFFFE, v4  }
0x3e: {  	s28 =	sadd.s32 s2, s17;
	[tilespmem:$0x80] =	vst @!p1 v3  }
0x3f: {  	v3 =	vld.msk [tilespmem:s28+$0x0 ss:$0x1], $0xffff;
	_ =	sdelay $0x4  }
0x40: {  	(xrf1) =	vunique.msk.u32 $0xffff, v3;
	_ =	sdelay $0xd  }
0x41: {  	v4 =	vimm.s32 $0xFFFFFFFF;
	v5, _, _ =	vpop (xrf1)  }
0x42: {  	vm5 =	vne.s32 v3, v4;
	vm4 =	veq.s32 v5, v2  }
0x43: {  	vm6 =	vlt.u32 v3, $0x2800;
	vm4 =	vmand vm5, vm4  }
0x44: {  	vm4 =	vmand vm6, vm4  }
0x45: {  	v4 =	vnsel vm4, $0xFFFFFFFF, v3  }
0x46: {  	s31 =	sand.u32 $0x1, s0  }
0x47: {  	s0 =	simm.s32 $0x1F40;
	p1 =	seq.s32 s31, $0x1  }
0x48: {  	s0 =	simm.s32 @!p1 $0x0  }
0x49: {  	s26 =	sadd.s32 $0x7DF0, s0;
	(ifvalue) =	ssetifvalue $0xFFFFFFFF  }
0x4a: {  	v3 =	vperm.xlane v3, v1;
	[tilespmem:s26], [sflag:$0x8] =	stream.indirect_vreg.gather [hbm4b:s1+s16], $0x1, v4, vm0, $0x4038;
	v4 =	vnsel vm6, $0xFFFFFFFE, v4;
	[tilespmem:$0x11A60] =	vst v63  }
0x4b: {  	s2 =	simm.s32 $0x0;
	s22 =	sadd.s32 $0xFFFFFFF0, s28;
	[tilespmem:s28+$0x0] =	vst v4  }
.LBB2_3:
0x4c: {  	v4 =	vld.msk [tilespmem:s22+$0x0 ss:$0x1], $0xffff;
	s2 =	sadd.s32 $0x10, s2;
	v5 =	vmov v3;
	s28 =	smov.u32 s22  }
0x4d: {  	p1 =	slt.u32 s2, $0x1F30;
	_ =	sdelay $0x4  }
0x4e: {  	v3 =	vperm.xlane v4, v1;
	(xrf1) =	vunique.msk.u32 $0xffff, v4;
	_ =	sdelay $0xd  }
0x4f: {  	v6, _, _ =	vpop (xrf1)  }
0x50: {  	vm5 =	vne.s32 v4, v5;
	vm4 =	veq.s32 v6, v2  }
0x51: {  	vm6 =	vlt.u32 v4, $0x2800;
	vm4 =	vmand vm5, vm4  }
0x52: {  	vm4 =	vmand vm6, vm4  }
0x53: {  	v4 =	vnsel vm4, $0xFFFFFFFF, v4  }
.Ltmp3:
0x54: {  	v5 =	vnsel vm6, $0xFFFFFFFE, v4;
	(pc) =	sbr.rel @p1 .LBB2_3-.Ltmp3, $3  }
0x55: {  	_ =	sdelay $0x1  }
0x56: {  	s22 =	sadd.s32 $0xFFFFFFF0, s22;
	s26 =	sadd.s32 $0xFFFFFFF0, s26;
	(ifvalue) =	ssetifvalue $0xFFFFFFFF  }
0x57: {  	[tilespmem:s26], [sflag:$0x8] =	stream.indirect_vreg.gather [hbm4b:s1+s16], $0x1, v4, vm0, $0x4038;
	[tilespmem:s28+$0x0] =	vst v5  }
0x58: {  	s2 =	sshrl.u32 s25, $0x3  }
0x59: {  	s0 =	sadd.s32 $0x9D40, s0;
	s2 =	sadd.s32 s6, s2  }
0x5a: {  	[tilespmem:s0], [sflag:$0x8] =	stream.linear.gather [hbm:s2], $0x1F40, $0x38;
	[tilespmem:$0x11A60] =	vst v63  }
.LBB2_5:
0x5b: {  	p1 =	slt.u32 s24, $0x2  }
0x5c: {  	p2 =	sge.u32 @!p1 s24, s12  }
0x5d: {  	p1 =	por p1, p2  }
.Ltmp4:
0x5e: {  	_ = 	snop;
	(pc) =	sbr.rel @p1 .LBB2_9-.Ltmp4, $1  }
0x5f: {  	_ =	sdelay $0x3  }
0x60: {  	s0 =	sadd.s32 $0xFFFFFFFE, s24  }
0x61: {  	s2 =	smulhi.u32 $0xAAAAAAAB, s0;
	_ =	sdelay $0x1  }
0x62: {  	s2 =	sshrl.u32 s2, $0x1  }
0x63: {  	s2 =	smul.u32 $0x3, s2;
	_ =	sdelay $0x1  }
0x64: {  	s0 =	ssub.s32 s0, s2  }
0x65: {  	_ =	swait.ge [sflag:s8], $0x3E80;
	s0 =	smul.u32 $0x1F40, s0  }
0x66: {  	p1 =	sne.s32 s24, s11;
	[sflag:s8] =	ssyncset.done $0x0  }
0x67: {  	[sflag:s8] =	ssyncadd.s32 $0xFFFFC180;
	s2 =	sadd.s32 @!p1 $0x203F, s0  }
0x68: {  	[spmem:s13] =	stream.linear.scatter @!p1 [tilespmem:s2], [sflag:$0x1], $0x1, $0x38;
	[tilespmem:$0x11A60] =	vst v63  }
0x69: {  	s2 =	simm.s32 @!p1 $0x1  }
0x6a: {  	_ =	swait.ge @!p1 [sflag:s2], $0x1  }
0x6b: {  	s22 =	sshll.u32 s24, $0x4;
	[sflag:s2] =	ssyncset.done @!p1 $0x0  }
0x6c: {  	s25 =	sand.u32 $0x10, s22;
	[sflag:s2] =	ssyncadd.s32 @!p1 $0xFFFFFFFF  }
0x6d: {  	s2 =	sxor.u32 $0x10, s25;
	v4 =	vld [tilespmem:s25+$0x10]  }
0x6e: {  	v5 =	vld [tilespmem:s2+$0x60]  }
0x6f: {  	v3 =	vld [tilespmem:$0x80];
	_ =	sdelay $0x2  }
0x70: {  	(v2sf) =	vpush v4, $0x0  }
0x71: {  	(v2sf) =	vpush v5, $0x0  }
0x72: {  	(v2sf) =	vpush v3, $0x0;
	_ =	sdelay $0xc  }
0x73: {  	s22 =	spop (v2sf)  }
0x74: {  	s26 =	spop (v2sf)  }
0x75: {  	s28 =	spop (v2sf)  }
0x76: {  	p2 =	seq.s32 s22, s26;
	p3 =	seq.s32 s28, s22  }
0x77: {  	p3 =	por p2, p3  }
0x78: {  	s26 =	sand.u32 $0x1, s24;
	v4 =	vpsel p3, $0xFFFFFFFF, v4  }
0x79: {  	s29 =	smul.u32 $0x1F40, s26;
	[tilespmem:s25+$0x10] =	vst.msk $0x1, v4  }
0x7a: {  	v4 =	vld [tilespmem:$0x30]  }
0x7b: {  	v5 =	vld [tilespmem:s29+$0x9D40]  }
0x7c: {  	v6 =	vld [tilespmem:s25+$0x40];
	_ =	sdelay $0x3  }
0x7d: {  	vm4 =	vmmov vm1;
	v5 =	vadd.f32 v5, v4  }
0x7e: {  	vm5 =	vmmov vm2;
	vm4 =	vmmov @p2 vm2;
	s22 =	sshll.u32 s26, $0x4;
	v4 =	vadd.f32 v6, v4  }
0x7f: {  	s26 =	sor.u32 $0x11A40, s22;
	vm5 =	vmmov @p3 vm1;
	[tilespmem:s29+$0x9D40] =	vst.msk vm4, v5  }
0x80: {  	[tilespmem:s26+$0x0] =	vst.msk vm5, v4  }
0x81: {  	v4 =	vld [tilespmem:s29+$0x7DF0];
	_ =	sdelay $0x3  }
0x82: {  	v5 =	vimm.f32 $0.0e+00  }
0x83: {  	v4 =	vshift.insert v4, v5, s21  }
0x84: {  	s22 =	sor.u32 $0x40, s2  }
0x85: {  	[tilespmem:s22+$0x0] =	vst.msk $0x1, v4  }
0x86: {  	[tilespmem:s29+$0x7DFF] =	vst.msk $0x1, v5  }
0x87: {  	v4 =	vld [tilespmem:s0+$0x2030];
	_ =	sdelay $0x1  }
0x88: {  	s22 =	smulhi.u32 $0xAAAAAAAB, s20;
	s0 =	simm.s32 $0x1  }
0x89: {  	s0 =	simm.s32 @!p0 $0x0  }
0x8a: {  	s22 =	sshrl.u32 s22, $0x1;
	s0 =	smul.u32 $0x7D00, s0  }
0x8b: {  	s22 =	smul.u32 $0xFFFE8900, s22;
	v4 =	vshift.insert v4, v1, s21  }
0x8c: {  	s0 =	sshrl.u32 s0, $0x2  }
0x8d: {  	s22 =	sshra.s32 s22, $0x2;
	s30 =	sadd.s32 $0x9D40, s0;
	[tilespmem:s2+$0x10] =	vst.msk $0x1, v4  }
0x8e: {  	s22 =	sadd.s32 s22, s19;
	v6 =	vld [tilespmem:s30+$0x0]  }
0x8f: {  	v7 =	vld [tilespmem:s22+$0x0];
	_ =	sdelay $0x3  }
0x90: {  	v5 =	vadd.f32 v6, v5  }
0x91: {  	vm4 =	vne.s32 v7, $0xFFFFFFFF  }
0x92: {  	(xrf2) =	vadd.seg.scan.f32 vm4, v5;
	_ =	sdelay $0x3  }
0x93: {  	s31 =	sadd.s32 $0x5EC0, s0;
	v5 =	vperm.xlane v4, v1  }
0x94: {  	v6 =	vld [tilespmem:s31+$0x0]  }
0x95: {  	vm5 =	veq.s32 v7, v3;
	vm6 =	veq.s32 v7, v5  }
0x96: {  	vm7 =	vgt.u32 v7, $0xFFFFFFFD;
	vm6 =	vmor vm6, vm5  }
0x97: {  	vm6 =	vmor vm6, vm7  }
0x98: {  	v9 =	vld [tilespmem:$0xA0];
	v7 =	vsel vm6, $0xFFFFFFFF, v7  }
0x99: {  	v10 =	vld [tilespmem:$0x90];
	v6 =	vsel vm5, $0x0, v6;
	v8, _, _ =	vpop (xrf2)  }
0x9a: {  	v6 =	vadd.f32 v8, v6  }
0x9b: {  	s0 =	sadd.s32 $0xDBC0, s0  }
0x9c: {  	vm4 =	vmand vm4, vm3;
	[tilespmem:s0+$0x0] =	vst v6;
	(ifvalue) =	ssetifvalue $0xFFFFFFFF  }
0x9d: {  	vm6 =	veq.s32 v9, $0x1;
	[hbm4b:s1+s16] =	stream.indirect_vreg.scatter [tilespmem:s0], [sflag:$0x2], $0x1, v7, vm0, $0x4038;
	v7 =	vsel vm4, $0x0, v8;
	[tilespmem:$0x11A60] =	vst v63  }
0x9e: {  	s2 =	simm.s32 $0x0;
	s22 =	sadd.s32 $0x10, s22;
	vm4 =	vmor vm6, vm5;
	v6 =	vsel vm5, v8, v10;
	v7 =	vshift.insert v7, v0, s21  }
.LBB2_7:
0x9f: {  	v8 =	vld [tilespmem:s22+$0x0];
	s30 =	sadd.s32 $0x10, s30  }
0xa0: {  	s31 =	sadd.s32 $0x10, s31;
	v9 =	vld [tilespmem:s30+$0x0]  }
0xa1: {  	s2 =	sadd.s32 $0x10, s2;
	v10 =	vld [tilespmem:s31+$0x0]  }
0xa2: {  	p2 =	slt.u32 s2, $0x1F30;
	_ =	sdelay $0x2  }
0xa3: {  	v7 =	vadd.f32 v9, v7  }
0xa4: {  	vm5 =	vne.s32 v8, $0xFFFFFFFF  }
0xa5: {  	vm6 =	vmand vm5, vm3;
	(xrf2) =	vadd.seg.scan.f32 vm5, v7;
	_ =	sdelay $0x5  }
0xa6: {  	vm7 =	veq.s32 v8, v5;
	vm5 =	veq.s32 v8, v3  }
0xa7: {  	vm8 =	vgt.u32 v8, $0xFFFFFFFD;
	vm4 =	vmor vm4, vm5;
	vm7 =	vmor vm7, vm5  }
0xa8: {  	vm7 =	vmor vm7, vm8  }
0xa9: {  	v8 =	vsel vm7, $0xFFFFFFFF, v8  }
.Ltmp5:
0xaa: {  	v7 =	vsel vm5, $0x0, v10;
	v9, _, _ =	vpop (xrf2);
	(pc) =	sbr.rel @p2 .LBB2_7-.Ltmp5, $4  }
0xab: {  	v6 =	vsel vm5, v9, v6;
	v10 =	vadd.f32 v9, v7;
	v7 =	vsel vm6, $0x0, v9  }
0xac: {  	s0 =	sadd.s32 $0x10, s0;
	v7 =	vshift.insert v7, v0, s21  }
0xad: {  	s22 =	sadd.s32 $0x10, s22;
	[tilespmem:s0+$0x0] =	vst v10;
	(ifvalue) =	ssetifvalue $0xFFFFFFFF  }
0xae: {  	[hbm4b:s1+s16] =	stream.indirect_vreg.scatter [tilespmem:s0], [sflag:$0x2], $0x1, v8, vm0, $0x4038;
	[tilespmem:$0x11A60] =	vst v63  }
0xaf: {  	v3 =	vld [tilespmem:s29+$0xFAF0];
	_ =	sdelay $0x4  }
0xb0: {  	v3 =	vshift.insert v3, v0, s21  }
0xb1: {  	s0 =	simm.s32 $0x30  }
0xb2: {  	[tilespmem:s0+$0x0] =	vst.msk $0x1, v3  }
0xb3: {  	v3 =	vsel vm4, $0x1, v1;
	[tilespmem:$0x90] =	vst v6  }
0xb4: {  	s0 =	sadd.s32 @!p1 $0xFAFF, s29;
	[tilespmem:$0xA0] =	vst v3  }
0xb5: {  	[spmem:s14] =	stream.linear.scatter @!p1 [tilespmem:s0], [sflag:$0x1], $0x1, $0x38;
	[tilespmem:$0x11A60] =	vst v63  }
0xb6: {  	s0 =	simm.s32 @!p1 $0x1  }
0xb7: {  	v3 =	vmctz.xlane @!p1 vm4;
	_ =	swait.ge @!p1 [sflag:s0], $0x1  }
0xb8: {  	(v2sf) =	vpush @!p1 v4, $0x0  }
0xb9: {  	(v2sf) =	vpush @!p1 v3, $0x0;
	_ =	sdelay $0xd  }
0xba: {  	s2 =	spop @!p1 (v2sf)  }
0xbb: {  	s22 =	spop @!p1 (v2sf)  }
0xbc: {  	p2 =	sne.s32 @!p1 s28, s2;
	p3 =	slt.s32 @!p1 s22, $0xF  }
0xbd: {  	[sflag:s0] =	ssyncset.done @!p1 $0x0;
	p2 =	por p2, p1;
	p3 =	por !p3, p1  }
0xbe: {  	[sflag:s0] =	ssyncadd.s32 @!p1 $0xFFFFFFFF;
	v3 =	vimm.s32 @!p2 $0xFFFFFFFF;
	s22 =	simm.s32 @p3 $0xF  }
0xbf: {  	[tilespmem:$0x80] =	vst @!p2 v3;
	s2 =	sadd.s32 @!p1 $0x90, s22  }
0xc0: {  	[spmem:s10] =	stream.linear.scatter @!p1 [tilespmem:s2], [sflag:$0x1], $0x1, $0x38;
	[tilespmem:$0x11A60] =	vst v63  }
0xc1: {  	_ =	swait.ge @!p1 [sflag:s0], $0x1  }
0xc2: {  	[sflag:s0] =	ssyncset.done @!p1 $0x0  }
0xc3: {  	s2 =	simm.s32 @!p1 $0x80;
	[sflag:s0] =	ssyncadd.s32 @!p1 $0xFFFFFFFF  }
0xc4: {  	[spmem:s15] =	stream.linear.scatter @!p1 [tilespmem:s2], [sflag:$0x1], $0x1, $0x38;
	[tilespmem:$0x11A60] =	vst v63  }
0xc5: {  	_ =	swait.ge @!p1 [sflag:s0], $0x1  }
0xc6: {  	[sflag:s0] =	ssyncset.done @!p1 $0x0  }
0xc7: {  	[sflag:s0] =	ssyncadd.s32 @!p1 $0xFFFFFFFF;
	(ifvalue) =	ssetifvalue $0xFFFFFFFF;
	v3 =	vld [tilespmem:s25+$0x10];
	_ =	sdelay $0x3  }
.Ltmp6:
0xc8: {  	_ = 	snop;
	(pc) =	sbr.rel .LBB2_9-.Ltmp6, $3  }
0xc9: {  	_ =	sdelay $0x1  }
0xca: {  	(ifvalue) =	ssetifvalue $0xFFFFFFFF  }
0xcb: {  	[hbm4b:s1+s16] =	stream.indirect_vreg.scatter [tilespmem:s26], [sflag:$0x9], $0x1, v3, vm0, $0x4038;
	[tilespmem:$0x11A60] =	vst v63  }
.LBB2_10:
0xcc: {  	_ =	sfence.sel $0x180000  }
0xcd: {  	s0 =	simm.s32 $0x7;
	[bflag:$0x0] =	sbarrier.arrive $0xFFFF  }
0xce: {  	s26 =	simm.s32 $0x8;
	[sflag:s0] =	ssyncpa.u1 $0x1  }
0xcf: {  	s28 =	simm.s32 $0x9;
	[sflag:s26] =	ssyncpa.u1 $0x1  }
0xd0: {  	[sflag:s28] =	ssyncpa.u1 $0x1  }
0xd1: {  	_ =	sfence.stream.spmem  }
0xd2: {  	s29 =	simm.s32 $0x3;
	[bflag:$0x0] =	sbarrier.arrive $0xFFFF  }
0xd3: {  	s30 =	simm.s32 $0x4;
	[sflag:s29] =	ssyncpa.u1 $0x1  }
0xd4: {  	s31 =	simm.s32 $0x3C;
	s2 =	stileid.u32;
	[sflag:s30] =	ssyncpa.u1 $0x1  }
0xd5: {  	p0 =	sne.s32 s2, $0x0;
	[sflag:s31] =	ssyncpa.u1 $0x1  }
0xd6: {  	s0 =	simm.s32 @p0 $0x1;
	_ =	sfence @p0  }
0xd7: {  	[sflag:s0] =	ssyncpa.u1 @p0 $0x1;
	s0 =	simm.s32 @p0 $0x2  }
0xd8: {  	[sflag:s0] =	ssyncpa.u1 @p0 $0x1  }
0xd9: {  	_ =	strace @p0 $0x90000047  }
0xda: {  	[bflag:$0x2] =	sbarrier.arrive @p0 $0xFFFF  }
0xdb: {  	_ =	shalt @p0  }
.LBB2_11:
0xdc: {  	_ =	sfence.stream.spmem;
	s0 =	simm.s32 $0x5  }
0xdd: {  	s2 =	simm.s32 $0x80;
	s3 =	simm.s32 $0xC0;
	[sflag:s0] =	ssyncpa.u1 $0x0  }
0xde: {  	[tilespmem:s3], [sflag:$0x5] =	stream.linear.gather [spmem:s2], $0x20, $0x38;
	[tilespmem:$0x11A60] =	vst v63  }
0xdf: {  	s2 =	simm.s32 $0x0;
	s3 =	simm.s32 $0xE0  }
0xe0: {  	[tilespmem:s3], [sflag:$0x5] =	stream.linear.gather [spmem:s2], $0x20, $0x38;
	[tilespmem:$0x11A60] =	vst v63  }
.Ltmp7:
0xe1: {  	_ = 	snop;
	(pc) =	sbr.rel .LBB2_12-.Ltmp7, $4  }
0xe2: {  	_ =	swait.ge [sflag:s0], $0x40  }
0xe3: {  	[sflag:s0] =	ssyncset.done $0x0  }
0xe4: {  	s31 =	simm.s32 $0x6;
	[sflag:s0] =	ssyncadd.s32 $0xFFFFFFC0  }
0xe5: {  	s4 =	simm.s32 $0x0;
	[sflag:s31] =	ssyncpa.u1 $0x0  }
.LBB2_17:
0xe6: {  	p0 =	sgt.u32 s5, $0x27FF  }
0xe7: {  	s0 =	sshrl.u32 @!p0 s5, $0x3  }
0xe8: {  	s5 =	sand.u32 @!p0 $0x7, s5;
	s6 =	simm.s32 @!p0 $0xB0;
	s0 =	sadd.s32 @!p0 s1, s0  }
0xe9: {  	[tilespmem:s6], [sflag:$0x6] =	stream.linear.gather @!p0 [hbm4b:s0+s5], $0x1, $0x38;
	[tilespmem:$0x11A60] =	vst v63  }
0xea: {  	s0 =	simm.s32 @!p0 $0x6  }
0xeb: {  	_ =	swait.ge @!p0 [sflag:s0], $0x1  }
0xec: {  	[sflag:s0] =	ssyncset.done @!p0 $0x0  }
0xed: {  	[sflag:s0] =	ssyncadd.s32 @!p0 $0xFFFFFFFF  }
0xee: {  	v2 =	vmov @!p0 s4;
	v1 =	vld.msk @!p0 [tilespmem:$0xB0], $0x1;
	_ =	sdelay $0x3  }
0xef: {  	s0 =	simm.s32 @!p0 $0xE0  }
0xf0: {  	[tilespmem:v2+s0+$0x0], v1 =	vst.idx.ret.add.f32.msk @!p0 $0x1, v1  }
0xf1: {  	[tilespmem:s2+$0xC0] =	vst.msk $0x1, v0  }
0xf2: {  	v0 =	vld.msk [tilespmem:s4+$0xE0], $0x1;
	_ =	sdelay $0x4  }
0xf3: {  	[tilespmem:s2+$0xE0] =	vst.msk $0x1, v0;
	s2 =	sadd.s32 $0x1, s2  }
.LBB2_19:
0xf4: {  	s4 =	sadd.s32 $0x1, s4  }
0xf5: {  	p0 =	sne.s32 s4, $0x20  }
.Ltmp8:
0xf6: {  	_ = 	snop;
	(pc) =	sbr.rel @!p0 .LBB2_20-.Ltmp8, $1  }
0xf7: {  	_ =	sdelay $0x3  }
.LBB2_12:
0xf8: {  	v0 =	vld.msk [tilespmem:s4+$0xC0], $0x1;
	_ =	sdelay $0x4  }
0xf9: {  	(v2sf) =	vpush v0, $0x0;
	_ =	sdelay $0xe  }
0xfa: {  	s5 =	spop (v2sf)  }
0xfb: {  	p0 =	seq.s32 s5, $0xFFFFFFFF  }
.Ltmp9:
0xfc: {  	_ = 	snop;
	(pc) =	sbr.rel @p0 .LBB2_19-.Ltmp9, $1  }
0xfd: {  	_ =	sdelay $0x3  }
0xfe: {  	p0 =	slt.s32 s2, $0x1  }
.Ltmp10:
0xff: {  	_ = 	snop;
	(pc) =	sbr.rel @p0 .LBB2_17-.Ltmp10, $1  }
0x100: {  	_ =	sdelay $0x3  }
0x101: {  	s0 =	simm.s32 $0xC0;
	p0 =	por $0x0, $0x0  }
0x102: {  	v1 =	vld.msk @!p0 [tilespmem:s0+$0x0], $0x1;
	_ =	sdelay $0x4  }
0x103: {  	(v2sf) =	vpush @!p0 v1, $0x0;
	_ =	sdelay $0xd  }
0x104: {  	p2 =	sne.s32 s2, $0x1  }
.Ltmp11:
0x105: {  	s6 =	spop @!p0 (v2sf);
	(pc) =	sbr.rel @!p2 .LBB2_16-.Ltmp11, $4  }
0x106: {  	p1 =	seq.s32 @!p0 s5, s6  }
0x107: {  	s6 =	simm.s32 $0x0;
	p1 =	por !p1, p0  }
0x108: {  	s8 =	simm.s32 $0xFFFFFFFF;
	s6 =	simm.s32 @p1 $0xFFFFFFFF  }
0x109: {  	s7 =	simm.s32 $0x1;
	s6 =	smov.u32 @p0 s8  }
.LBB2_15:
0x10a: {  	s8 =	smov.u32 s6;
	p0 =	sne.s32 s6, $0xFFFFFFFF  }
0x10b: {  	s0 =	sadd.s32 $0x1, s0;
	s6 =	smov.u32 s7;
	s7 =	sadd.s32 $0x1, s7  }
0x10c: {  	p1 =	sne.s32 s2, s7;
	v1 =	vld.msk @!p0 [tilespmem:s0+$0x0], $0x1;
	_ =	sdelay $0x4  }
0x10d: {  	(v2sf) =	vpush @!p0 v1, $0x0;
	_ =	sdelay $0xe  }
.Ltmp12:
0x10e: {  	s9 =	spop @!p0 (v2sf);
	(pc) =	sbr.rel @p1 .LBB2_15-.Ltmp12, $4  }
0x10f: {  	p2 =	seq.s32 @!p0 s5, s9  }
0x110: {  	p2 =	por !p2, p0  }
0x111: {  	s6 =	simm.s32 @p2 $0xFFFFFFFF  }
0x112: {  	s6 =	smov.u32 @p0 s8  }
.LBB2_16:
0x113: {  	p0 =	sne.s32 s6, $0xFFFFFFFF  }
.Ltmp13:
0x114: {  	_ = 	snop;
	(pc) =	sbr.rel @!p0 .LBB2_17-.Ltmp13, $1  }
0x115: {  	_ =	sdelay $0x3  }
0x116: {  	v0 =	vld.msk [tilespmem:s4+$0xE0], $0x1;
	v1 =	vmov s6  }
.Ltmp14:
0x117: {  	_ = 	snop;
	(pc) =	sbr.rel .LBB2_19-.Ltmp14, $2  }
0x118: {  	_ =	sdelay $0x2  }
0x119: {  	[tilespmem:v1+s3+$0x0], v0 =	vst.idx.ret.add.f32.msk $0x1, v0  }
.LBB2_20:
0x11a: {  	p0 =	slt.s32 s2, $0x1  }
.Ltmp15:
0x11b: {  	_ = 	snop;
	(pc) =	sbr.rel @p0 .LBB2_24-.Ltmp15, $3  }
0x11c: {  	_ =	sdelay $0x1  }
0x11d: {  	s0 =	simm.s32 $0x6  }
0x11e: {  	s3 =	simm.s32 $0x0;
	[sflag:s0] =	ssyncpa.u1 $0x1  }
0x11f: {  	s0 =	simm.s32 $0xC0  }
0x120: {  	v0 =	vld.msk [tilespmem:s0+$0x0], $0x1;
	_ =	sdelay $0x4  }
0x121: {  	(v2sf) =	vpush v0, $0x0;
	_ =	sdelay $0xe  }
0x122: {  	s2 =	sadd.s32 $0xFFFFFFFF, s2;
	s4 =	spop (v2sf)  }
0x123: {  	p1 =	sne.s32 s2, $0x0;
	p0 =	sgt.u32 s4, $0x27FF  }
.Ltmp16:
0x124: {  	s5 =	sshrl.u32 @!p0 s4, $0x3;
	(pc) =	sbr.rel @!p1 .LBB2_23-.Ltmp16, $4  }
0x125: {  	s0 =	simm.s32 $0xE0;
	s4 =	sand.u32 @!p0 $0x7, s4;
	s5 =	sadd.s32 @!p0 s1, s5  }
0x126: {  	[hbm4b:s5+s4] =	stream.linear.scatter @!p0 [tilespmem:s0], [sflag:$0x5], $0x1, $0x38;
	[tilespmem:$0x11A60] =	vst v63  }
0x127: {  	s5 =	simm.s32 $0x0  }
0x128: {  	s4 =	simm.s32 $0xC1;
	s5 =	simm.s32 @!p0 $0x4  }
.LBB2_22:
0x129: {  	v0 =	vld.msk [tilespmem:s4+$0x0], $0x1;
	s2 =	sadd.s32 $0xFFFFFFFF, s2;
	s3 =	sadd.s32 s3, s5  }
0x12a: {  	p0 =	sne.s32 s2, $0x0;
	_ =	sdelay $0x3  }
0x12b: {  	(v2sf) =	vpush v0, $0x0;
	_ =	sdelay $0xe  }
.Ltmp17:
0x12c: {  	s6 =	spop (v2sf);
	(pc) =	sbr.rel @p0 .LBB2_22-.Ltmp17, $4  }
0x12d: {  	s5 =	simm.s32 $0x0;
	p1 =	sgt.u32 s6, $0x27FF  }
0x12e: {  	s0 =	sadd.s32 $0x1, s0;
	s5 =	simm.s32 @!p1 $0x4;
	s7 =	sshrl.u32 @!p1 s6, $0x3  }
0x12f: {  	s4 =	sadd.s32 $0x1, s4;
	s6 =	sand.u32 @!p1 $0x7, s6;
	s7 =	sadd.s32 @!p1 s1, s7  }
0x130: {  	[hbm4b:s7+s6] =	stream.linear.scatter @!p1 [tilespmem:s0], [sflag:$0x5], $0x1, $0x38;
	[tilespmem:$0x11A60] =	vst v63  }
.LBB2_23:
0x131: {  	s0 =	sadd.s32 s3, s5  }
0x132: {  	s3 =	sshrl.u32 s0, $0x2  }
.LBB2_24:
0x133: {  	s0 =	simm.s32 $0x5  }
0x134: {  	_ =	swait.ge [sflag:s0], s3  }
0x135: {  	s1 =	ssub.s32 $0x0, s3;
	[sflag:s0] =	ssyncset.done $0x0  }
0x136: {  	[sflag:s0] =	ssyncadd.s32 s1  }
0x137: {  	[sflag:s0] =	ssyncpa.u1 $0x1  }
0x138: {  	s29 =	simm.s32 $0x1;
	_ =	sfence  }
0x139: {  	s30 =	simm.s32 $0x2;
	[sflag:s29] =	ssyncpa.u1 $0x1  }
0x13a: {  	[sflag:s30] =	ssyncpa.u1 $0x1  }
0x13b: {  	_ =	strace $0x90000047  }
0x13c: {  	[bflag:$0x2] =	sbarrier.arrive $0xFFFF  }
0x13d: {  	s31 =	rddreg [dreg:$0x1]  }
0x13e: {  	s0 =	sadd.s32 $0x100000, s31  }
0x13f: {  	[sflag:s0] =	ssyncadd.tile.s32 $0x1;
	_ =	shalt  }
.Lfunc_end2:
_tile_overlayer_lowered:
.L_overlay_start_2:
0x140: {  	(tag) =	ssettag $0x2  }
0x141: {  	s0 =	rddreg [dreg:$0x0];
	s2 =	stileid.u32  }
0x142: {  	s1 =	rddreg [dreg:$0x1];
	p0 =	sne.s32 s2, $0x0  }
0x143: {  	s3 =	rddreg [dreg:$0x2];
	[bflag:$0x3] =	sbarrier.arrive $0xFFFF;
	s2 =	simm.s32 @!p0 $0x1C01  }
0x144: {  	[timem:s3], [sflag:s2] =	dma.local @!p0 [hbm:s0], s1  }
0x145: {  	s0 =	simm.s32 @!p0 $0x1  }
0x146: {  	_ =	swait.ge @!p0 [sflag:s0], s1  }
0x147: {  	s1 =	ssub.s32 @!p0 $0x0, s1;
	[sflag:s0] =	ssyncset.done @!p0 $0x0  }
0x148: {  	[sflag:s0] =	ssyncadd.s32 @!p0 s1  }
0x149: {  	[bflag:$0x3] =	sbarrier.arrive $0xFFFF  }
0x14a: {  	_ =	shalt  }

</sc_bundles>
